<compile_context>
chip_gen: v7x
topology: tpu7x:2x2x1
jax: 0.10.2.dev20260603
libtpu: 0.0.44.dev20260713+nightly
codegen_flags: <defaults>
</compile_context>

<pallas_src>
import functools

import numpy as np
import jax
import jax.numpy as jnp
from jax import lax
from jax.experimental import pallas as pl
from jax.experimental.pallas import tpu as pltpu
from jax.experimental.pallas import tpu_sc as plsc

_G = 128
_W = 32000


def _chunk_table(batch_size: int, time_steps: int):
    rng = np.random.RandomState(0)
    drop_times = rng.randint(1, 10 + 1, size=batch_size)
    chunks = []
    for i in range(batch_size):
        n = int(drop_times[i])
        lengths = rng.randint(100, 1000 + 1, size=n)
        start_max = time_steps - int(lengths.max())
        ss = rng.randint(0, start_max + 1, size=n)
        merged = []
        for s, l in sorted((int(s), int(l)) for s, l in zip(ss, lengths)):
            if merged and s <= merged[-1][1]:
                merged[-1][1] = max(merged[-1][1], s + l)
            else:
                merged.append([s, s + l])
        chunks.append(merged)
    return chunks


def _granule_tables(b, t, nw):
    chunks = _chunk_table(b, t)
    rows_per_w = b // nw
    interiors = [[] for _ in range(nw)]
    edges = [dict() for _ in range(nw)]
    for r, row_chunks in enumerate(chunks):
        w = r // rows_per_w
        for s, e in row_chunks:
            lo, hi = r * t + s, r * t + e
            g0, g1 = -(-lo // _G), hi // _G
            interiors[w].extend(range(g0, g1))
            for g in {lo // _G, (hi - 1) // _G} - set(range(g0, g1)):
                m = edges[w].setdefault(g, np.ones(_G, np.float32))
                pos = g * _G + np.arange(_G)
                m[(pos >= lo) & (pos < hi)] = 0.0
    for w in range(nw):
        assert interiors[w], "worker with no interior granule"
    ki = max(1, -(-max(len(x) for x in interiors) // 128))
    ke = max(1, -(-max(len(x) for x in edges) // 128))
    int_idx = np.zeros((nw, ki, 128), np.int32)
    edge_idx = np.zeros((nw, ke, 128), np.int32)
    edge_mask = np.zeros((nw, ke, 128, _G), np.float32)
    for w in range(nw):
        pad = interiors[w][0]
        int_idx[w] = np.array(
            interiors[w] + [pad] * (ki * 128 - len(interiors[w])),
            np.int32).reshape(ki, 128)
        eg = sorted(edges[w].items())
        idxs = [g for g, _ in eg] + [pad] * (ke * 128 - len(eg))
        masks = [m for _, m in eg] + [np.zeros(_G, np.float32)] * (ke * 128 - len(eg))
        edge_idx[w] = np.array(idxs, np.int32).reshape(ke, 128)
        edge_mask[w] = np.stack(masks).reshape(ke, 128, _G)
    return int_idx, edge_idx, edge_mask, ki, ke


def _copy_body(x_ref, o_ref):
    o_ref[...] = x_ref[...]


def _tc_copy(x):
    b, t = x.shape
    return pl.pallas_call(
        _copy_body,
        grid=(t // _W,),
        in_specs=[pl.BlockSpec((b, _W), lambda j: (0, j))],
        out_specs=pl.BlockSpec((b, _W), lambda j: (0, j)),
        out_shape=jax.ShapeDtypeStruct((b, t), x.dtype),
        compiler_params=pltpu.CompilerParams(
            dimension_semantics=("arbitrary",),
        ),
    )(x)


def kernel(clean_waveform, clean_len):
    del clean_len
    b, t = clean_waveform.shape
    info = plsc.get_sparse_core_info()
    nc, ns = info.num_cores, info.num_subcores
    nw = nc * ns
    assert b % nw == 0 and t % _G == 0 and t % _W == 0
    nr = b * t // _G
    int_idx, edge_idx, edge_mask, ki, ke = _granule_tables(b, t, nw)

    zeros128 = jnp.zeros((128, _G), jnp.float32)
    mesh = plsc.VectorSubcoreMesh(core_axis_name="c", subcore_axis_name="s")

    @functools.partial(
        pl.kernel, mesh=mesh,
        out_type=(),
        scratch_types=[
            pltpu.VMEM((128,), jnp.int32),
            pltpu.VMEM((128, _G), jnp.float32),
            pltpu.VMEM((128, _G), jnp.float32),
            pltpu.VMEM((128, _G), jnp.float32),
        ],
    )
    def sc_zero(o_hbm, z_hbm, ii_hbm, ei_hbm, em_hbm,
                idx_v, zeros_v, edge_v, mask_v):
        wid = lax.axis_index("s") * nc + lax.axis_index("c")
        pltpu.sync_copy(z_hbm, zeros_v)
        for j in range(ki):
            pltpu.sync_copy(ii_hbm.at[wid, j], idx_v)
            pltpu.sync_copy(zeros_v, o_hbm.at[idx_v])
        for j in range(ke):
            pltpu.sync_copy(ei_hbm.at[wid, j], idx_v)
            pltpu.sync_copy(o_hbm.at[idx_v], edge_v)
            pltpu.sync_copy(em_hbm.at[wid, j], mask_v)
            edge_v[...] = edge_v[...] * mask_v[...]
            pltpu.sync_copy(edge_v, o_hbm.at[idx_v])

    buf = jax.new_ref(_tc_copy(clean_waveform).reshape(nr, _G))
    sc_zero(buf, zeros128, jnp.asarray(int_idx),
            jnp.asarray(edge_idx), jnp.asarray(edge_mask))
    return buf[...].reshape(b, t)

# --- scband reference (transcript-rebuilt; emitter-appended) ---
"""Pipeline reference for scband-drop-chunk-77584289235589 (READ-ONLY COPY).

The authoritative reference and input builder live on the scoring server;
editing this copy changes nothing except your own understanding.
"""

import jax, jax.numpy as jnp
import numpy as np

B, T = 64, 320000
DROP_LENGTH_LOW = 100
DROP_LENGTH_HIGH = 1000
DROP_COUNT_LOW = 1
DROP_COUNT_HIGH = 10
DROP_START = 0
DROP_END = None
DROP_PROB = 1.0


def setup_inputs(seed: int = 0) -> dict:
    key = jax.random.key(seed)
    k1, k2 = jax.random.split(key)
    clean_waveform = jax.random.normal(k1, (B, T), dtype=jnp.float32)
    clean_len = jnp.ones((B,), dtype=jnp.float32)
    return {"clean_waveform": clean_waveform, "clean_len": clean_len}


def _drop_indices(clean_len_np, time_steps):
    # Deterministic RNG standing in for torch's global RNG.
    rng = np.random.RandomState(0)
    clean_length = (clean_len_np * time_steps).astype(np.int64)
    batch_size = clean_length.shape[0]
    # drop_prob = 1 so the early-return branch (rand > drop_prob) never triggers.
    drop_times = rng.randint(DROP_COUNT_LOW, DROP_COUNT_HIGH + 1, size=batch_size)
    rows, cols = [], []
    for i in range(batch_size):
        n = int(drop_times[i])
        lengths = rng.randint(DROP_LENGTH_LOW, DROP_LENGTH_HIGH + 1, size=n)
        start_min = DROP_START
        if start_min < 0:
            start_min += int(clean_length[i])
        start_max = DROP_END
        if start_max is None:
            start_max = int(clean_length[i])
        if start_max < 0:
            start_max += int(clean_length[i])
        start_max -= int(lengths.max())
        starts = rng.randint(start_min, start_max + 1, size=n)
        for j in range(n):
            s = int(starts[j]); l = int(lengths[j])
            cols.append(np.arange(s, s + l, dtype=np.int32))
            rows.append(np.full(l, i, dtype=np.int32))
    return np.concatenate(rows), np.concatenate(cols)


def reference(clean_waveform, clean_len):
    batch_size = clean_len.shape[0]
    rows, cols = _drop_indices(
        np.ones((batch_size,), dtype=np.float32), clean_waveform.shape[-1]
    )
    rows_j = jnp.asarray(rows)
    cols_j = jnp.asarray(cols)
    # scatter-overwrite: zero out the selected chunks (clone + in-place set in torch)
    dropped_waveform = clean_waveform.at[rows_j, cols_j].set(0.0 * clean_len[rows_j])
    return dropped_waveform

if __name__ == "__main__":
    import jax
    _d = setup_inputs()
    print(jax.jit(kernel)(*tuple(_d.values())))

</pallas_src>

<mosaic_0001>
#map = affine_map<(d0, d1) -> (0, 0)>
#map1 = affine_map<(d0, d1) -> (0, 0, 0)>
#map2 = affine_map<(d0, d1) -> (0, 0, 0, 0)>
module attributes {stable_mosaic.version = 14 : i64} {
  func.func @new_body(%arg0: i32, %arg1: i32, %arg2: memref<160000x128xf32, #tpu.memory_space<hbm>>, %arg3: memref<128x128xf32, #tpu.memory_space<hbm>>, %arg4: memref<32x1x128xi32, #tpu.memory_space<hbm>>, %arg5: memref<32x1x128xi32, #tpu.memory_space<hbm>>, %arg6: memref<32x1x128x128xf32, #tpu.memory_space<hbm>>, %arg7: memref<160000x128xf32, #tpu.memory_space<hbm>>, %arg8: memref<128xi32, #tpu.memory_space<vmem>>, %arg9: memref<128x128xf32, #tpu.memory_space<vmem>>, %arg10: memref<128x128xf32, #tpu.memory_space<vmem>>, %arg11: memref<128x128xf32, #tpu.memory_space<vmem>>) attributes {dimension_semantics = [#tpu.dimension_semantics<core_parallel>, #tpu.dimension_semantics<subcore_parallel>], iteration_bounds = array<i64: 2, 16>, scalar_prefetch = 0 : i64, scratch_operands = 4 : i64, tpu.core_type = #tpu.core_type<sc_vector_subcore>, window_params = [{transform_indices = #map}, {transform_indices = #map}, {transform_indices = #map1}, {transform_indices = #map1}, {transform_indices = #map2}, {transform_indices = #map}]} {
    %mul3A = arith.constant 2 : i32
    %mul3A_0 = arith.muli %arg1, %mul3A : i32
    %add3A = arith.addi %mul3A_0, %arg0 : i32
    "tpu.region"() ({
      %run_scoped3A_15 = tpu.sem_alloc : memref<!tpu.dma_semaphore, #tpu.memory_space<semaphore_mem>>
      tpu.enqueue_dma source(%arg3 : memref<128x128xf32, #tpu.memory_space<hbm>>) target(%arg9 : memref<128x128xf32, #tpu.memory_space<vmem>>) target_semaphore(%run_scoped3A_15 : memref<!tpu.dma_semaphore, #tpu.memory_space<semaphore_mem>>)
      tpu.wait_dma2 semaphore(%run_scoped3A_15 : memref<!tpu.dma_semaphore, #tpu.memory_space<semaphore_mem>>) src(%arg3 : memref<128x128xf32, #tpu.memory_space<hbm>>) dst(%arg9 : memref<128x128xf32, #tpu.memory_space<vmem>>)
      tpu.yield
    }) : () -> ()
    %run_scoped3A = arith.constant 0 : i32
    "tpu.region"() ({
      %run_scoped3A_15 = tpu.sem_alloc : memref<!tpu.dma_semaphore, #tpu.memory_space<semaphore_mem>>
      %dma_start3A = arith.constant 0 : i32
      %dma_start3A_16 = tpu.memref_slice %arg4[%add3A, %run_scoped3A, %dma_start3A] : memref<32x1x128xi32, #tpu.memory_space<hbm>> -> memref<1x1x128xi32, #tpu.memory_space<hbm>>
      %dma_start3A_17 = tpu.memref_squeeze %dma_start3A_16 : memref<1x1x128xi32, #tpu.memory_space<hbm>> -> memref<128xi32, #tpu.memory_space<hbm>>
      %dma_start3A_18 = arith.constant 0 : i32
      %dma_start3A_19 = tpu.memref_slice %arg4[%add3A, %run_scoped3A, %dma_start3A_18] : memref<32x1x128xi32, #tpu.memory_space<hbm>> -> memref<1x1x128xi32, #tpu.memory_space<hbm>>
      %dma_start3A_20 = tpu.memref_squeeze %dma_start3A_19 : memref<1x1x128xi32, #tpu.memory_space<hbm>> -> memref<128xi32, #tpu.memory_space<hbm>>
      tpu.enqueue_dma source(%dma_start3A_20 : memref<128xi32, #tpu.memory_space<hbm>>) target(%arg8 : memref<128xi32, #tpu.memory_space<vmem>>) target_semaphore(%run_scoped3A_15 : memref<!tpu.dma_semaphore, #tpu.memory_space<semaphore_mem>>)
      %dma_wait3A = arith.constant 0 : i32
      %dma_wait3A_21 = tpu.memref_slice %arg4[%add3A, %run_scoped3A, %dma_wait3A] : memref<32x1x128xi32, #tpu.memory_space<hbm>> -> memref<1x1x128xi32, #tpu.memory_space<hbm>>
      %dma_wait3A_22 = tpu.memref_squeeze %dma_wait3A_21 : memref<1x1x128xi32, #tpu.memory_space<hbm>> -> memref<128xi32, #tpu.memory_space<hbm>>
      %dma_wait3A_23 = arith.constant 0 : i32
      %dma_wait3A_24 = tpu.memref_slice %arg4[%add3A, %run_scoped3A, %dma_wait3A_23] : memref<32x1x128xi32, #tpu.memory_space<hbm>> -> memref<1x1x128xi32, #tpu.memory_space<hbm>>
      %dma_wait3A_25 = tpu.memref_squeeze %dma_wait3A_24 : memref<1x1x128xi32, #tpu.memory_space<hbm>> -> memref<128xi32, #tpu.memory_space<hbm>>
      tpu.wait_dma2 semaphore(%run_scoped3A_15 : memref<!tpu.dma_semaphore, #tpu.memory_space<semaphore_mem>>) src(%dma_wait3A_25 : memref<128xi32, #tpu.memory_space<hbm>>) dst(%arg8 : memref<128xi32, #tpu.memory_space<vmem>>)
      tpu.yield
    }) : () -> ()
    "tpu.region"() ({
      %run_scoped3A_15 = tpu.sem_alloc : memref<!tpu.dma_semaphore, #tpu.memory_space<semaphore_mem>>
      %dma_start3A = arith.constant 0 : i32
      %dma_start3A_16 = arith.constant 0 : i32
      %dma_start3A_17 = tpu.memref_slice %arg2[%dma_start3A, %dma_start3A_16] : memref<160000x128xf32, #tpu.memory_space<hbm>> -> memref<160000x128xf32, #tpu.memory_space<hbm>>
      tpu.enqueue_indirect_dma source(%arg9 : memref<128x128xf32, #tpu.memory_space<vmem>>) target(%dma_start3A_17 : memref<160000x128xf32, #tpu.memory_space<hbm>>) offsets(%arg8 : memref<128xi32, #tpu.memory_space<vmem>>) semaphore(%run_scoped3A_15 : memref<!tpu.dma_semaphore, #tpu.memory_space<semaphore_mem>>)
      %dma_wait3A = arith.constant 0 : i32
      %dma_wait3A_18 = arith.constant 0 : i32
      %dma_wait3A_19 = tpu.memref_slice %arg2[%dma_wait3A, %dma_wait3A_18] : memref<160000x128xf32, #tpu.memory_space<hbm>> -> memref<160000x128xf32, #tpu.memory_space<hbm>>
      tpu.wait_indirect_dma semaphore(%run_scoped3A_15 : memref<!tpu.dma_semaphore, #tpu.memory_space<semaphore_mem>>) src(%arg9 : memref<128x128xf32, #tpu.memory_space<vmem>>) dst(%dma_wait3A_19 : memref<160000x128xf32, #tpu.memory_space<hbm>>)
      tpu.yield
    }) : () -> ()
    %run_scoped3A_1 = arith.constant 0 : i32
    "tpu.region"() ({
      %run_scoped3A_15 = tpu.sem_alloc : memref<!tpu.dma_semaphore, #tpu.memory_space<semaphore_mem>>
      %dma_start3A = arith.constant 0 : i32
      %dma_start3A_16 = tpu.memref_slice %arg5[%add3A, %run_scoped3A_1, %dma_start3A] : memref<32x1x128xi32, #tpu.memory_space<hbm>> -> memref<1x1x128xi32, #tpu.memory_space<hbm>>
      %dma_start3A_17 = tpu.memref_squeeze %dma_start3A_16 : memref<1x1x128xi32, #tpu.memory_space<hbm>> -> memref<128xi32, #tpu.memory_space<hbm>>
      %dma_start3A_18 = arith.constant 0 : i32
      %dma_start3A_19 = tpu.memref_slice %arg5[%add3A, %run_scoped3A_1, %dma_start3A_18] : memref<32x1x128xi32, #tpu.memory_space<hbm>> -> memref<1x1x128xi32, #tpu.memory_space<hbm>>
      %dma_start3A_20 = tpu.memref_squeeze %dma_start3A_19 : memref<1x1x128xi32, #tpu.memory_space<hbm>> -> memref<128xi32, #tpu.memory_space<hbm>>
      tpu.enqueue_dma source(%dma_start3A_20 : memref<128xi32, #tpu.memory_space<hbm>>) target(%arg8 : memref<128xi32, #tpu.memory_space<vmem>>) target_semaphore(%run_scoped3A_15 : memref<!tpu.dma_semaphore, #tpu.memory_space<semaphore_mem>>)
      %dma_wait3A = arith.constant 0 : i32
      %dma_wait3A_21 = tpu.memref_slice %arg5[%add3A, %run_scoped3A_1, %dma_wait3A] : memref<32x1x128xi32, #tpu.memory_space<hbm>> -> memref<1x1x128xi32, #tpu.memory_space<hbm>>
      %dma_wait3A_22 = tpu.memref_squeeze %dma_wait3A_21 : memref<1x1x128xi32, #tpu.memory_space<hbm>> -> memref<128xi32, #tpu.memory_space<hbm>>
      %dma_wait3A_23 = arith.constant 0 : i32
      %dma_wait3A_24 = tpu.memref_slice %arg5[%add3A, %run_scoped3A_1, %dma_wait3A_23] : memref<32x1x128xi32, #tpu.memory_space<hbm>> -> memref<1x1x128xi32, #tpu.memory_space<hbm>>
      %dma_wait3A_25 = tpu.memref_squeeze %dma_wait3A_24 : memref<1x1x128xi32, #tpu.memory_space<hbm>> -> memref<128xi32, #tpu.memory_space<hbm>>
      tpu.wait_dma2 semaphore(%run_scoped3A_15 : memref<!tpu.dma_semaphore, #tpu.memory_space<semaphore_mem>>) src(%dma_wait3A_25 : memref<128xi32, #tpu.memory_space<hbm>>) dst(%arg8 : memref<128xi32, #tpu.memory_space<vmem>>)
      tpu.yield
    }) : () -> ()
    "tpu.region"() ({
      %run_scoped3A_15 = tpu.sem_alloc : memref<!tpu.dma_semaphore, #tpu.memory_space<semaphore_mem>>
      %dma_start3A = arith.constant 0 : i32
      %dma_start3A_16 = arith.constant 0 : i32
      %dma_start3A_17 = tpu.memref_slice %arg2[%dma_start3A, %dma_start3A_16] : memref<160000x128xf32, #tpu.memory_space<hbm>> -> memref<160000x128xf32, #tpu.memory_space<hbm>>
      tpu.enqueue_indirect_dma source(%dma_start3A_17 : memref<160000x128xf32, #tpu.memory_space<hbm>>) target(%arg10 : memref<128x128xf32, #tpu.memory_space<vmem>>) offsets(%arg8 : memref<128xi32, #tpu.memory_space<vmem>>) semaphore(%run_scoped3A_15 : memref<!tpu.dma_semaphore, #tpu.memory_space<semaphore_mem>>)
      %dma_wait3A = arith.constant 0 : i32
      %dma_wait3A_18 = arith.constant 0 : i32
      %dma_wait3A_19 = tpu.memref_slice %arg2[%dma_wait3A, %dma_wait3A_18] : memref<160000x128xf32, #tpu.memory_space<hbm>> -> memref<160000x128xf32, #tpu.memory_space<hbm>>
      tpu.wait_indirect_dma semaphore(%run_scoped3A_15 : memref<!tpu.dma_semaphore, #tpu.memory_space<semaphore_mem>>) src(%dma_wait3A_19 : memref<160000x128xf32, #tpu.memory_space<hbm>>) dst(%arg10 : memref<128x128xf32, #tpu.memory_space<vmem>>)
      tpu.yield
    }) : () -> ()
    %run_scoped3A_2 = arith.constant 0 : i32
    "tpu.region"() ({
      %run_scoped3A_15 = tpu.sem_alloc : memref<!tpu.dma_semaphore, #tpu.memory_space<semaphore_mem>>
      %dma_start3A = arith.constant 0 : i32
      %dma_start3A_16 = arith.constant 0 : i32
      %dma_start3A_17 = tpu.memref_slice %arg6[%add3A, %run_scoped3A_2, %dma_start3A, %dma_start3A_16] : memref<32x1x128x128xf32, #tpu.memory_space<hbm>> -> memref<1x1x128x128xf32, #tpu.memory_space<hbm>>
      %dma_start3A_18 = tpu.memref_squeeze %dma_start3A_17 : memref<1x1x128x128xf32, #tpu.memory_space<hbm>> -> memref<128x128xf32, #tpu.memory_space<hbm>>
      %dma_start3A_19 = arith.constant 0 : i32
      %dma_start3A_20 = arith.constant 0 : i32
      %dma_start3A_21 = tpu.memref_slice %arg6[%add3A, %run_scoped3A_2, %dma_start3A_19, %dma_start3A_20] : memref<32x1x128x128xf32, #tpu.memory_space<hbm>> -> memref<1x1x128x128xf32, #tpu.memory_space<hbm>>
      %dma_start3A_22 = tpu.memref_squeeze %dma_start3A_21 : memref<1x1x128x128xf32, #tpu.memory_space<hbm>> -> memref<128x128xf32, #tpu.memory_space<hbm>>
      tpu.enqueue_dma source(%dma_start3A_22 : memref<128x128xf32, #tpu.memory_space<hbm>>) target(%arg11 : memref<128x128xf32, #tpu.memory_space<vmem>>) target_semaphore(%run_scoped3A_15 : memref<!tpu.dma_semaphore, #tpu.memory_space<semaphore_mem>>)
      %dma_wait3A = arith.constant 0 : i32
      %dma_wait3A_23 = arith.constant 0 : i32
      %dma_wait3A_24 = tpu.memref_slice %arg6[%add3A, %run_scoped3A_2, %dma_wait3A, %dma_wait3A_23] : memref<32x1x128x128xf32, #tpu.memory_space<hbm>> -> memref<1x1x128x128xf32, #tpu.memory_space<hbm>>
      %dma_wait3A_25 = tpu.memref_squeeze %dma_wait3A_24 : memref<1x1x128x128xf32, #tpu.memory_space<hbm>> -> memref<128x128xf32, #tpu.memory_space<hbm>>
      %dma_wait3A_26 = arith.constant 0 : i32
      %dma_wait3A_27 = arith.constant 0 : i32
      %dma_wait3A_28 = tpu.memref_slice %arg6[%add3A, %run_scoped3A_2, %dma_wait3A_26, %dma_wait3A_27] : memref<32x1x128x128xf32, #tpu.memory_space<hbm>> -> memref<1x1x128x128xf32, #tpu.memory_space<hbm>>
      %dma_wait3A_29 = tpu.memref_squeeze %dma_wait3A_28 : memref<1x1x128x128xf32, #tpu.memory_space<hbm>> -> memref<128x128xf32, #tpu.memory_space<hbm>>
      tpu.wait_dma2 semaphore(%run_scoped3A_15 : memref<!tpu.dma_semaphore, #tpu.memory_space<semaphore_mem>>) src(%dma_wait3A_29 : memref<128x128xf32, #tpu.memory_space<hbm>>) dst(%arg11 : memref<128x128xf32, #tpu.memory_space<vmem>>)
      tpu.yield
    }) : () -> ()
    %get3A = arith.constant 0 : index
    %get3A_3 = arith.constant 0 : index
    %get3A_4 = tpu.vector_load %arg10[%get3A, %get3A_3] {strides = array<i32>} : memref<128x128xf32, #tpu.memory_space<vmem>>, vector<128x128xf32>,
    %get3A_5 = vector.shape_cast %get3A_4 : vector<128x128xf32> to vector<128x128xf32>
    %get3A_6 = arith.constant 0 : index
    %get3A_7 = arith.constant 0 : index
    %get3A_8 = tpu.vector_load %arg11[%get3A_6, %get3A_7] {strides = array<i32>} : memref<128x128xf32, #tpu.memory_space<vmem>>, vector<128x128xf32>,
    %get3A_9 = vector.shape_cast %get3A_8 : vector<128x128xf32> to vector<128x128xf32>
    %mul3A_10 = arith.mulf %get3A_5, %get3A_9 : vector<128x128xf32>
    %swap3A = arith.constant 0 : index
    %swap3A_11 = arith.constant 0 : index
    %swap3A_12 = tpu.vector_load %arg10[%swap3A, %swap3A_11] {strides = array<i32>} : memref<128x128xf32, #tpu.memory_space<vmem>>, vector<128x128xf32>,
    %swap3A_13 = vector.shape_cast %swap3A_12 : vector<128x128xf32> to vector<128x128xf32>
    %swap3A_14 = vector.shape_cast %mul3A_10 : vector<128x128xf32> to vector<128x128xf32>
    tpu.vector_store %arg10[%swap3A, %swap3A_11], %swap3A_14 {strides = array<i32>} : memref<128x128xf32, #tpu.memory_space<vmem>>, vector<128x128xf32>,
    "tpu.region"() ({
      %run_scoped3A_15 = tpu.sem_alloc : memref<!tpu.dma_semaphore, #tpu.memory_space<semaphore_mem>>
      %dma_start3A = arith.constant 0 : i32
      %dma_start3A_16 = arith.constant 0 : i32
      %dma_start3A_17 = tpu.memref_slice %arg2[%dma_start3A, %dma_start3A_16] : memref<160000x128xf32, #tpu.memory_space<hbm>> -> memref<160000x128xf32, #tpu.memory_space<hbm>>
      tpu.enqueue_indirect_dma source(%arg10 : memref<128x128xf32, #tpu.memory_space<vmem>>) target(%dma_start3A_17 : memref<160000x128xf32, #tpu.memory_space<hbm>>) offsets(%arg8 : memref<128xi32, #tpu.memory_space<vmem>>) semaphore(%run_scoped3A_15 : memref<!tpu.dma_semaphore, #tpu.memory_space<semaphore_mem>>)
      %dma_wait3A = arith.constant 0 : i32
      %dma_wait3A_18 = arith.constant 0 : i32
      %dma_wait3A_19 = tpu.memref_slice %arg2[%dma_wait3A, %dma_wait3A_18] : memref<160000x128xf32, #tpu.memory_space<hbm>> -> memref<160000x128xf32, #tpu.memory_space<hbm>>
      tpu.wait_indirect_dma semaphore(%run_scoped3A_15 : memref<!tpu.dma_semaphore, #tpu.memory_space<semaphore_mem>>) src(%arg10 : memref<128x128xf32, #tpu.memory_space<vmem>>) dst(%dma_wait3A_19 : memref<160000x128xf32, #tpu.memory_space<hbm>>)
      tpu.yield
    }) : () -> ()
    return
  }
}

module attributes {stable_mosaic.version = 14 : i64} {
  func.func @_copy_body(%arg0: i32, %arg1: memref<64x32000xf32, #tpu.memory_space<vmem>>, %arg2: memref<64x32000xf32, #tpu.memory_space<vmem>>) attributes {dimension_semantics = [#tpu.dimension_semantics<arbitrary>], iteration_bounds = array<i64: 10>, scalar_prefetch = 0 : i64, scratch_operands = 0 : i64, tpu.core_type = #tpu.core_type<tc>, window_params = [{transform_indices = @transform_0, window_bounds = array<i64: 64, 32000>}, {transform_indices = @transform_1, window_bounds = array<i64: 64, 32000>}]} {
    %get3A = arith.constant 0 : index
    %get3A_0 = arith.constant 0 : index
    %get3A_1 = vector.load %arg1[%get3A, %get3A_0] : memref<64x32000xf32, #tpu.memory_space<vmem>>, vector<64x32000xf32>
    %swap3A = arith.constant 0 : index
    %swap3A_2 = arith.constant 0 : index
    %swap3A_3 = vector.load %arg2[%swap3A, %swap3A_2] : memref<64x32000xf32, #tpu.memory_space<vmem>>, vector<64x32000xf32>
    tpu.vector_store %arg2[%swap3A, %swap3A_2], %get3A_1 {strides = array<i32>} : memref<64x32000xf32, #tpu.memory_space<vmem>>, vector<64x32000xf32>,
    return
  }
  func.func @transform_0(%arg0: i32) -> (i32, i32) {
    %c0_i32 = arith.constant 0 : i32
    %c0_i32_0 = arith.constant 0 : i32
    return %c0_i32, %arg0 : i32, i32
  }
  func.func @transform_1(%arg0: i32) -> (i32, i32) {
    %c0_i32 = arith.constant 0 : i32
    %c0_i32_0 = arith.constant 0 : i32
    return %c0_i32, %arg0 : i32, i32
  }
}

</mosaic_0001>

<sc_bundles>
// kernel: kernel.4.cloned.1.call-start
scs
__scs_entry_jumppad:
0x0: {  	(pc) =	sbr.rel $0x88, $3  }
0x1: {  	(tag) =	ssettag $0x0;
	lr =	simm.s32 $0x1  }
0x2: {  	[smem:$0x3FA0] =	sst lr;
	_ =	strace $0xD0000000  }
0x3: {  	_ = 	snop  }
0x4: {  	_ = 	snop  }
0x5: {  	_ = 	snop  }
0x6: {  	_ = 	snop  }
0x7: {  	_ = 	snop  }
__scs_overlays_trampoline_lowered:
0x8: {  	[smem:$0x3FAF] =	sst s0  }
0x9: {  	[smem:$0x3FB0] =	sst s1  }
0xa: {  	[smem:$0x3FB1] =	sst s2  }
0xb: {  	[smem:$0x3FB2] =	sst s3  }
0xc: {  	[smem:$0x3FB3] =	sst s4  }
0xd: {  	[smem:$0x3FB4] =	sst s5  }
0xe: {  	[smem:$0x3FB5] =	sst s6  }
0xf: {  	[smem:$0x3FB6] =	sst s7  }
0x10: {  	[smem:$0x3FB7] =	sst s8  }
0x11: {  	[smem:$0x3FB8] =	sst s9;
	s0 =	simm.s32 @!p0 $0x0  }
0x12: {  	s1 =	sld [smem:$0x3F9E];
	s0 =	simm.s32 @p0 $0x1  }
0x13: {  	[smem:$0x3FB9] =	sst s0;
	s0 =	simm.s32 @!p1 $0x0  }
0x14: {  	s2 =	sld [smem:$0x3F9D];
	s0 =	simm.s32 @p1 $0x1  }
0x15: {  	[smem:$0x3FBA] =	sst s0;
	s0 =	simm.s32 @!p2 $0x0  }
0x16: {  	s3 =	sld [smem:$0x3FDB];
	s0 =	simm.s32 @p2 $0x1  }
0x17: {  	s4 =	simm.s32 $0x1BF5;
	[smem:$0x3FBC] =	sst s0  }
0x18: {  	s0 =	sld [smem:$0x3F9F];
	_ =	swait.ge [sflag:s4], $0x0  }
0x19: {  	s7 =	sld [smem:$0x3FA0]  }
0x1a: {  	s8 =	sadd.s32 $0xFFFFE003, lr  }
0x1b: {  	s9 =	sadd.s32 $0xFFFFFEF7, lr;
	s5 =	simm.s32 $0xFFFFFFFF;
	p2 =	slt.u32 s8, $0xFFFFF086  }
0x1c: {  	p1 =	slt.u32 s9, $0xF7A;
	s5 =	simm.s32 @!p2 $0x0  }
0x1d: {  	s5 =	simm.s32 @p1 $0x1;
	p0 =	seq.s32 s7, s2  }
0x1e: {  	s7 =	smul.u32 @!p0 $0xF7A, s2;
	p2 =	seq.s32 @!p0 s5, $0x0  }
0x1f: {  	s9 =	smul.u32 $0xF7A, s1;
	s8 =	simm.s32 @!p0 $0x1BF5;
	p2 =	por !p2, p0  }
0x20: {  	[sflag:s8] =	ssyncset.s32 @!p0 $0xFFFFF086;
	s6 =	sadd.s32 @!p0 s3, s7;
	s7 =	simm.s32 @!p0 $0x108  }
0x21: {  	s3 =	sadd.s32 s3, s9;
	s6 =	sadd.s32 @!p0 $0x88, s6;
	s7 =	simm.s32 @p2 $0x1082  }
0x22: {  	[simem:s7], [sflag:s8] =	dma.local @!p0 [hbm:s6], $0xF7A  }
0x23: {  	s9 =	sor.u32 $0xD0000000, s2;
	s6 =	simm.s32 $0x108;
	_ =	swait.ge @!p0 [sflag:s8], $0x0  }
0x24: {  	s3 =	sadd.s32 $0x88, s3;
	s6 =	simm.s32 @!p1 $0x1082;
	[sflag:s4] =	ssyncset.s32 $0xFFFFF086  }
0x25: {  	[simem:s6], [sflag:s4] =	dma.local [hbm:s3], $0xF7A  }
0x26: {  	[smem:$0x3FA0] =	sst s1;
	(tag) =	ssettag s2;
	_ =	strace s9  }
0x27: {  	s1 =	sld [smem:$0x3FB0]  }
0x28: {  	s2 =	sld [smem:$0x3FB1]  }
0x29: {  	s4 =	sld [smem:$0x3FB3]  }
0x2a: {  	p0 =	seq.s32 s5, $0x0;
	s5 =	sld [smem:$0x3FB4]  }
0x2b: {  	s6 =	sld [smem:$0x3FB5]  }
0x2c: {  	s7 =	sld [smem:$0x3FB6]  }
0x2d: {  	s3 =	simm.s32 $0x108;
	s8 =	sld [smem:$0x3FB7]  }
0x2e: {  	s3 =	simm.s32 @!p0 $0x1082;
	s9 =	sld [smem:$0x3FB8]  }
0x2f: {  	lr =	sadd.s32 s0, s3;
	s0 =	sld [smem:$0x3FAF]  }
0x30: {  	s3 =	sld [smem:$0x3FB2]  }
0x31: {  	[smem:$0x3FBB] =	sst s10  }
0x32: {  	s10 =	sld [smem:$0x3FB9];
	_ =	sdelay $0x3  }
0x33: {  	p0 =	seq.s32 s10, $0x1;
	s10 =	sld [smem:$0x3FBB];
	_ =	sdelay $0x3  }
0x34: {  	[smem:$0x3FBB] =	sst s10  }
0x35: {  	s10 =	sld [smem:$0x3FBA];
	_ =	sdelay $0x3  }
0x36: {  	p1 =	seq.s32 s10, $0x1;
	s10 =	sld [smem:$0x3FBB];
	_ =	sdelay $0x3  }
0x37: {  	[smem:$0x3FBB] =	sst s10  }
0x38: {  	s10 =	sld [smem:$0x3FBC]  }
0x39: {  	_ = 	snop;
	(pc) =	sbr.ind lr, $3  }
0x3a: {  	_ = 	snop  }
0x3b: {  	_ = 	snop  }
0x3c: {  	p2 =	seq.s32 s10, $0x1;
	s10 =	sld [smem:$0x3FBB]  }
0x3d: {  	_ =	shalt  }
0x3e: {  	_ =	shalt  }
0x3f: {  	_ =	shalt  }
0x40: {  	_ =	shalt  }
0x41: {  	_ =	shalt  }
0x42: {  	_ =	shalt  }
0x43: {  	_ =	shalt  }
0x44: {  	_ =	shalt  }
0x45: {  	_ =	shalt  }
0x46: {  	_ =	shalt  }
0x47: {  	_ =	shalt  }
0x48: {  	_ =	shalt  }
0x49: {  	_ =	shalt  }
0x4a: {  	_ =	shalt  }
0x4b: {  	_ =	shalt  }
0x4c: {  	_ =	shalt  }
0x4d: {  	_ =	shalt  }
0x4e: {  	_ =	shalt  }
0x4f: {  	_ =	shalt  }
0x50: {  	_ =	shalt  }
0x51: {  	_ =	shalt  }
0x52: {  	_ =	shalt  }
0x53: {  	_ =	shalt  }
0x54: {  	_ =	shalt  }
0x55: {  	_ =	shalt  }
0x56: {  	_ =	shalt  }
0x57: {  	_ =	shalt  }
0x58: {  	_ =	shalt  }
0x59: {  	_ =	shalt  }
0x5a: {  	_ =	shalt  }
0x5b: {  	_ =	shalt  }
0x5c: {  	_ =	shalt  }
0x5d: {  	_ =	shalt  }
0x5e: {  	_ =	shalt  }
0x5f: {  	_ =	shalt  }
0x60: {  	_ =	shalt  }
0x61: {  	_ =	shalt  }
0x62: {  	_ =	shalt  }
0x63: {  	_ =	shalt  }
0x64: {  	_ =	shalt  }
0x65: {  	_ =	shalt  }
0x66: {  	_ =	shalt  }
0x67: {  	_ =	shalt  }
0x68: {  	_ =	shalt  }
0x69: {  	_ =	shalt  }
0x6a: {  	_ =	shalt  }
0x6b: {  	_ =	shalt  }
0x6c: {  	_ =	shalt  }
0x6d: {  	_ =	shalt  }
0x6e: {  	_ =	shalt  }
0x6f: {  	_ =	shalt  }
0x70: {  	_ =	shalt  }
0x71: {  	_ =	shalt  }
0x72: {  	_ =	shalt  }
0x73: {  	_ =	shalt  }
0x74: {  	_ =	shalt  }
0x75: {  	_ =	shalt  }
0x76: {  	_ =	shalt  }
0x77: {  	_ =	shalt  }
0x78: {  	_ =	shalt  }
0x79: {  	_ =	shalt  }
0x7a: {  	_ =	shalt  }
0x7b: {  	_ =	shalt  }
0x7c: {  	_ =	shalt  }
0x7d: {  	_ =	shalt  }
0x7e: {  	_ =	shalt  }
0x7f: {  	_ =	shalt  }
0x80: {  	_ =	shalt  }
0x81: {  	_ =	shalt  }
0x82: {  	_ =	shalt  }
0x83: {  	_ =	shalt  }
0x84: {  	_ =	shalt  }
0x85: {  	_ =	shalt  }
0x86: {  	_ =	shalt  }
0x87: {  	_ =	shalt  }
.Lfunc_end0:
.L_simem_size_0:
called_computation_lowered:
.L_overlay_start_0:
0x88: {  	s2 =	sld [smem:$0x3FD9]  }
0x89: {  	s3 =	sld [smem:$0x3FFE];
	_ =	sdelay $0x1  }
0x8a: {  	s1 =	srdreg.scid  }
0x8b: {  	s0 =	sand.u32 $0x1, s1  }
0x8c: {  	s17 =	sshll.u32 s0, $0xA;
	s2 =	sadd.s32 s3, s2  }
0x8d: {  	s2 =	sadd.s32 s2, s17  }
0x8e: {  	[smem:$0x3FC7] =	sst s2  }
0x8f: {  	_ = 	snop  }
0x90: {  	s2 =	sld [smem:$0x3FD0];
	(tm) =	ssettm $0x1  }
0x91: {  	s18 =	sld [smem:$0x3FFB];
	_ =	sdelay $0x3  }
0x92: {  	_ =	strace s18  }
0x93: {  	s3 =	sld [smem:$0x3FFC];
	_ =	sdelay $0x3  }
0x94: {  	_ =	strace s3  }
0x95: {  	s3 =	sld [smem:$0x3FFD];
	_ =	sdelay $0x3  }
0x96: {  	_ =	strace s3  }
0x97: {  	_ =	strace $0x8FFFFFFF  }
0x98: {  	s19 =	sld [smem:$0x3FDB];
	_ =	sdelay $0x1  }
0x99: {  	s4 =	simm.s32 $_scs_section_size  }
0x9a: {  	s5 =	simm.s32 $_size__tile_overlayer_lowered;
	s6 =	simm.s32 $_tile_overlayer_lowered  }
0x9b: {  	s22 =	simm.s32 $0x1BFF;
	s21 =	sshll.u32 s6, $0x1;
	s3 =	sadd.s32 s4, s19  }
0x9c: {  	s7 =	simm.s32 $0x0;
	s20 =	sshll.u32 s5, $0x1;
	s5 =	sadd.s32 s21, s3  }
0x9d: {  	[timem:s7], [sflag:s22] =	dma.local [hbm:s5], s20  }
0x9e: {  	_ =	swait.ge [sflag:s22], s20  }
0x9f: {  	s4 =	ssub.s32 $0x0, s20;
	[sflag:s22] =	ssyncset.done $0x0  }
0xa0: {  	[sflag:s22] =	ssyncadd.s32 s4;
	_ =	sdelay $0x1  }
0xa1: {  	s23 =	simm.s32 $0x1B8B  }
0xa2: {  	_ =	swait.ge [sflag:s23], $0x1  }
0xa3: {  	[sflag:s23] =	ssyncset.done $0x0  }
0xa4: {  	s25 =	simm.s32 $0x1B8E;
	s24 =	sld [smem:$0x3FFE];
	[sflag:s23] =	ssyncadd.s32 $0xFFFFFFFF  }
0xa5: {  	s26 =	simm.s32 $execute0_lowered;
	[smem:$0x3FD2] =	sst s25  }
0xa6: {  	s5 =	sshll.u32 s26, $0x1;
	_ =	strace $0x80000046;
	[dreg:$0x1] =	wrdreg $0xFFFFFFFF  }
0xa7: {  	s28 =	simm.s32 $_size_execute0_lowered;
	s3 =	sadd.s32 s3, s5;
	[dreg:$0x0] =	wrdreg $0x0  }
0xa8: {  	s5 =	sshll.u32 s28, $0x1;
	[dreg:$0x2] =	wrdreg s3  }
0xa9: {  	[dreg:$0x3] =	wrdreg s5  }
0xaa: {  	[dreg:$0x4] =	wrdreg $0xC0  }
0xab: {  	_ =	task [dreg:s7], $0x5FFFF  }
0xac: {  	[dreg:$0x1] =	wrdreg $0xFFFFFFFF  }
0xad: {  	[dreg:$0x0] =	wrdreg $0x60  }
0xae: {  	[dreg:$0x2] =	wrdreg s24  }
0xaf: {  	[dreg:$0x3] =	wrdreg s2  }
0xb0: {  	[dreg:$0x4] =	wrdreg $0x9  }
0xb1: {  	_ =	task.clear_ibuf [dreg:s7], $0x5FFFF;
	_ =	strace $0x90000046  }
0xb2: {  	s29 =	simm.s32 $0x9;
	_ =	strace $0x80000048  }
0xb3: {  	_ =	swait.ge [sflag:s29], $0x1  }
0xb4: {  	[sflag:s29] =	ssyncadd.s32 $0xFFFFFFFF  }
0xb5: {  	_ =	strace $0x90000048  }
0xb6: {  	_ =	sfence  }
0xb7: {  	s30 =	sld [smem:$0x0];
	_ =	sdelay $0x2  }
0xb8: {  	s31 =	sshll.u32 s1, $0xD;
	s1 =	sshrl.u32 s1, $0x2  }
0xb9: {  	s3 =	sand.u32 $0x4000, s31;
	s1 =	sadd.s32 s1, s30  }
0xba: {  	s0 =	sor.u32 s3, s0;
	s1 =	sshll.u32 s1, $0x11  }
0xbb: {  	s0 =	sor.u32 s1, s0  }
0xbc: {  	s0 =	sadd.s32 $0x8F2B, s0  }
0xbd: {  	[sflag:s0] =	ssyncadd.remote.s32 $0x1  }
0xbe: {  	_ =	sfence.sel $0xFFFF  }
0xbf: {  	[dreg:$0x0] =	wrdreg $0xFFFFFFFF;
	(pc) =	sbr.abs _section_cstart, $3  }
0xc0: {  	[dreg:$0x1] =	wrdreg $0xFFFFFFFF  }
0xc1: {  	_ =	task.clear_ibuf [dreg:s7], $0x2FFFF;
	_ =	strace $0x9FFFFFFF  }
0xc2: {  	(tm) =	ssettm $0x7FFFFFFF  }
0xc3: {  	_ =	shalt  }
tec
execute0_lowered:
.L_overlay_start_1:
0x0: {  	(tag) =	ssettag $0x1  }
0x1: {  	s4 =	rddreg [dreg:$0x0]  }
0x2: {  	s7 =	rddreg [dreg:$0x1]  }
0x3: {  	s0 =	rddreg [dreg:$0x2]  }
0x4: {  	s3 =	srdreg.scid;
	s1 =	stileid.u32;
	s2 =	simm.s32 $0x0  }
0x5: {  	s11 =	simm.s32 $0x4080;
	s12 =	simm.s32 $0x8080;
	s5 =	sand.u32 $0x1, s3  }
0x6: {  	s31 =	sshll.u32 s1, $0x1;
	[smem:$0x7FF] =	sst s2;
	s3 =	sadd.s32 $0xA00, s4  }
0x7: {  	s8 =	sor.u32 s5, s31;
	_ =	strace $0x80000047;
	s9 =	ssub.s32 $0x2, s5  }
0x8: {  	s6 =	sshll.u32 s8, $0x4;
	s10 =	sshrl.u32 s9, $0x1;
	s8 =	sshll.u32 s8, $0xB  }
0x9: {  	s6 =	sadd.s32 s6, s4;
	s4 =	sadd.s32 $0x271E00, s4;
	s9 =	ssub.s32 s9, s10  }
0xa: {  	s7 =	sadd.s32 s7, s8;
	s10 =	simm.s32 $0x1;
	s5 =	sadd.s32 $0x271C00, s6  }
0xb: {  	s6 =	sadd.s32 $0x271A00, s6;
	s8 =	smax.u32 s9, $0x1;
	s9 =	simm.s32 $0x80  }
.LBB2_1:
0xc: {  	[tilespmem:s9], [sflag:$0x1] =	stream.linear.gather [hbm4b:s4+s2], $0x4000, $0x38;
	[tilespmem:$0xC080] =	vst v63  }
0xd: {  	_ =	swait.ge [sflag:s10], $0x4000  }
0xe: {  	[sflag:s10] =	ssyncset.done $0x0  }
0xf: {  	[sflag:s10] =	ssyncadd.s32 $0xFFFFC000  }
0x10: {  	[tilespmem:s2], [sflag:$0x1] =	stream.linear.gather [hbm4b:s5+s2], $0x80, $0x38;
	[tilespmem:$0xC080] =	vst v63  }
0x11: {  	_ =	swait.ge [sflag:s10], $0x80  }
0x12: {  	[sflag:s10] =	ssyncset.done $0x0  }
0x13: {  	[sflag:s10] =	ssyncadd.s32 $0xFFFFFF80  }
0x14: {  	[hbm4b:s3+s9] =	stream.indirect.scatter [tilespmem:s9], [sflag:$0x1], $0x80, s2, s9, $0xb8;
	[tilespmem:$0xC080] =	vst v63  }
0x15: {  	_ =	swait.ge [sflag:s10], $0x4000  }
0x16: {  	[sflag:s10] =	ssyncset.done $0x0  }
0x17: {  	[sflag:s10] =	ssyncadd.s32 $0xFFFFC000  }
0x18: {  	[tilespmem:s2], [sflag:$0x1] =	stream.linear.gather [hbm4b:s6+s2], $0x80, $0x38;
	[tilespmem:$0xC080] =	vst v63  }
0x19: {  	_ =	swait.ge [sflag:s10], $0x80  }
0x1a: {  	[sflag:s10] =	ssyncset.done $0x0  }
0x1b: {  	[sflag:s10] =	ssyncadd.s32 $0xFFFFFF80  }
0x1c: {  	[tilespmem:s11], [sflag:$0x1] =	stream.indirect.gather [hbm4b:s3+s9], $0x80, s2, s9, $0xb8;
	[tilespmem:$0xC080] =	vst v63  }
0x1d: {  	_ =	swait.ge [sflag:s10], $0x4000  }
0x1e: {  	[sflag:s10] =	ssyncset.done $0x0  }
0x1f: {  	[sflag:s10] =	ssyncadd.s32 $0xFFFFC000  }
0x20: {  	[tilespmem:s12], [sflag:$0x1] =	stream.linear.gather [hbm4b:s7+s2], $0x4000, $0x38;
	[tilespmem:$0xC080] =	vst v63  }
0x21: {  	_ =	swait.ge [sflag:s10], $0x4000  }
0x22: {  	[sflag:s10] =	ssyncset.done $0x0  }
0x23: {  	[sflag:s10] =	ssyncadd.s32 $0xFFFFC000  }
0x24: {  	v0 =	vld [tilespmem:$0x4080]  }
0x25: {  	v15 =	vld [tilespmem:$0x40A0]  }
0x26: {  	v16 =	vld [tilespmem:$0x40B0]  }
0x27: {  	v17 =	vld [tilespmem:$0x40C0]  }
0x28: {  	v18 =	vld [tilespmem:$0x40D0]  }
0x29: {  	v19 =	vld [tilespmem:$0x40E0];
	[tilespmem:$0x18400] =	vst v0  }
0x2a: {  	v20 =	vld [tilespmem:$0x40F0];
	[tilespmem:$0x18420] =	vst v15  }
0x2b: {  	v21 =	vld [tilespmem:$0x4100];
	[tilespmem:$0x18430] =	vst v16  }
0x2c: {  	v22 =	vld [tilespmem:$0x4110];
	[tilespmem:$0x18450] =	vst v17  }
0x2d: {  	v23 =	vld [tilespmem:$0x4120];
	[tilespmem:$0x18470] =	vst v18  }
0x2e: {  	v24 =	vld [tilespmem:$0x4130];
	[tilespmem:$0x18490] =	vst v19  }
0x2f: {  	v25 =	vld [tilespmem:$0x4140];
	[tilespmem:$0x184B0] =	vst v20  }
0x30: {  	v26 =	vld [tilespmem:$0x4150];
	[tilespmem:$0x184D0] =	vst v21  }
0x31: {  	v27 =	vld [tilespmem:$0x4160];
	[tilespmem:$0x184F0] =	vst v22  }
0x32: {  	v28 =	vld [tilespmem:$0x4170];
	[tilespmem:$0x18510] =	vst v23  }
0x33: {  	v29 =	vld [tilespmem:$0x4180];
	[tilespmem:$0x18530] =	vst v24  }
0x34: {  	v30 =	vld [tilespmem:$0x4190];
	[tilespmem:$0x18550] =	vst v25  }
0x35: {  	v31 =	vld [tilespmem:$0x41A0];
	[tilespmem:$0x18570] =	vst v26  }
0x36: {  	v32 =	vld [tilespmem:$0x41B0];
	[tilespmem:$0x18590] =	vst v27  }
0x37: {  	v33 =	vld [tilespmem:$0x41C0];
	[tilespmem:$0x185B0] =	vst v28  }
0x38: {  	v34 =	vld [tilespmem:$0x41D0];
	[tilespmem:$0x185D0] =	vst v29  }
0x39: {  	[tilespmem:$0x185F0] =	vst v30  }
0x3a: {  	[tilespmem:$0x18610] =	vst v31  }
0x3b: {  	[tilespmem:$0x18630] =	vst v32  }
0x3c: {  	[tilespmem:$0x18650] =	vst v33  }
0x3d: {  	v1 =	vld [tilespmem:$0x4090];
	[tilespmem:$0x18670] =	vst v34  }
0x3e: {  	v0 =	vld [tilespmem:$0x41E0]  }
0x3f: {  	v35 =	vld [tilespmem:$0x41F0]  }
0x40: {  	v36 =	vld [tilespmem:$0x4200]  }
0x41: {  	v37 =	vld [tilespmem:$0x4210]  }
0x42: {  	v38 =	vld [tilespmem:$0x4220]  }
0x43: {  	v39 =	vld [tilespmem:$0x4230];
	[tilespmem:$0x18690] =	vst v0  }
0x44: {  	v40 =	vld [tilespmem:$0x4240];
	[tilespmem:$0x186B0] =	vst v35  }
0x45: {  	v41 =	vld [tilespmem:$0x4250];
	[tilespmem:$0x186D0] =	vst v36  }
0x46: {  	v42 =	vld [tilespmem:$0x4260];
	[tilespmem:$0x186F0] =	vst v37  }
0x47: {  	v43 =	vld [tilespmem:$0x4270];
	[tilespmem:$0x18710] =	vst v38  }
0x48: {  	v44 =	vld [tilespmem:$0x4280];
	[tilespmem:$0x18720] =	vst v39  }
0x49: {  	v45 =	vld [tilespmem:$0x4290];
	[tilespmem:$0x18730] =	vst v40  }
0x4a: {  	v46 =	vld [tilespmem:$0x42A0];
	[tilespmem:$0x18740] =	vst v41  }
0x4b: {  	v47 =	vld [tilespmem:$0x42B0];
	[tilespmem:$0x18750] =	vst v42  }
0x4c: {  	v48 =	vld [tilespmem:$0x42C0];
	[tilespmem:$0x18760] =	vst v43  }
0x4d: {  	v49 =	vld [tilespmem:$0x42D0];
	[tilespmem:$0x18770] =	vst v44  }
0x4e: {  	v50 =	vld [tilespmem:$0x42E0];
	[tilespmem:$0x18780] =	vst v45  }
0x4f: {  	v51 =	vld [tilespmem:$0x42F0];
	[tilespmem:$0x18790] =	vst v46  }
0x50: {  	v52 =	vld [tilespmem:$0x4300];
	[tilespmem:$0x187A0] =	vst v47  }
0x51: {  	v53 =	vld [tilespmem:$0x4310];
	[tilespmem:$0x187B0] =	vst v48  }
0x52: {  	v54 =	vld [tilespmem:$0x4320];
	[tilespmem:$0x187C0] =	vst v49  }
0x53: {  	v55 =	vld [tilespmem:$0x4330];
	[tilespmem:$0x187D0] =	vst v50  }
0x54: {  	v56 =	vld [tilespmem:$0x4340];
	[tilespmem:$0x187E0] =	vst v51  }
0x55: {  	v57 =	vld [tilespmem:$0x4350];
	[tilespmem:$0x187F0] =	vst v52  }
0x56: {  	v58 =	vld [tilespmem:$0x4360];
	[tilespmem:$0x18800] =	vst v53  }
0x57: {  	v59 =	vld [tilespmem:$0x4370];
	[tilespmem:$0x18810] =	vst v54  }
0x58: {  	v60 =	vld [tilespmem:$0x4380];
	[tilespmem:$0x18820] =	vst v55  }
0x59: {  	v61 =	vld [tilespmem:$0x4390];
	[tilespmem:$0x18830] =	vst v56  }
0x5a: {  	v62 =	vld [tilespmem:$0x43A0];
	[tilespmem:$0x18840] =	vst v57  }
0x5b: {  	v63 =	vld [tilespmem:$0x43B0];
	[tilespmem:$0x18850] =	vst v58  }
0x5c: {  	v4 =	vld [tilespmem:$0x43C0];
	[tilespmem:$0x18860] =	vst v59  }
0x5d: {  	v5 =	vld [tilespmem:$0x43D0];
	[tilespmem:$0x18870] =	vst v60  }
0x5e: {  	v6 =	vld [tilespmem:$0x43E0];
	[tilespmem:$0x18880] =	vst v61  }
0x5f: {  	v7 =	vld [tilespmem:$0x43F0];
	[tilespmem:$0x18890] =	vst v62  }
0x60: {  	v8 =	vld [tilespmem:$0x4400];
	[tilespmem:$0x188A0] =	vst v63  }
0x61: {  	v9 =	vld [tilespmem:$0x4410];
	[tilespmem:$0x188B0] =	vst v4  }
0x62: {  	v10 =	vld [tilespmem:$0x4420];
	[tilespmem:$0x188C0] =	vst v5  }
0x63: {  	v11 =	vld [tilespmem:$0x4430];
	[tilespmem:$0x188D0] =	vst v6  }
0x64: {  	v12 =	vld [tilespmem:$0x4440];
	[tilespmem:$0x188E0] =	vst v7  }
0x65: {  	v13 =	vld [tilespmem:$0x4450];
	[tilespmem:$0x188F0] =	vst v8  }
0x66: {  	v14 =	vld [tilespmem:$0x4460];
	[tilespmem:$0x18900] =	vst v9  }
0x67: {  	v15 =	vld [tilespmem:$0x4470];
	[tilespmem:$0x18910] =	vst v10  }
0x68: {  	v16 =	vld [tilespmem:$0x4480];
	[tilespmem:$0x18920] =	vst v11  }
0x69: {  	v17 =	vld [tilespmem:$0x4490];
	[tilespmem:$0x18930] =	vst v12  }
0x6a: {  	v18 =	vld [tilespmem:$0x44A0];
	[tilespmem:$0x18940] =	vst v13  }
0x6b: {  	v19 =	vld [tilespmem:$0x44B0];
	[tilespmem:$0x18950] =	vst v14  }
0x6c: {  	v20 =	vld [tilespmem:$0x44C0];
	[tilespmem:$0x18960] =	vst v15  }
0x6d: {  	v21 =	vld [tilespmem:$0x44D0];
	[tilespmem:$0x18970] =	vst v16  }
0x6e: {  	v22 =	vld [tilespmem:$0x44E0];
	[tilespmem:$0x18980] =	vst v17  }
0x6f: {  	v23 =	vld [tilespmem:$0x44F0];
	[tilespmem:$0x18990] =	vst v18  }
0x70: {  	v24 =	vld [tilespmem:$0x4500];
	[tilespmem:$0x189A0] =	vst v19  }
0x71: {  	v25 =	vld [tilespmem:$0x4510];
	[tilespmem:$0x189B0] =	vst v20  }
0x72: {  	v26 =	vld [tilespmem:$0x4520];
	[tilespmem:$0x189C0] =	vst v21  }
0x73: {  	v27 =	vld [tilespmem:$0x4530];
	[tilespmem:$0x189D0] =	vst v22  }
0x74: {  	v28 =	vld [tilespmem:$0x4540];
	[tilespmem:$0x189E0] =	vst v23  }
0x75: {  	v29 =	vld [tilespmem:$0x4550];
	[tilespmem:$0x189F0] =	vst v24  }
0x76: {  	v30 =	vld [tilespmem:$0x4560];
	[tilespmem:$0x18A00] =	vst v25  }
0x77: {  	v31 =	vld [tilespmem:$0x4570];
	[tilespmem:$0x18A10] =	vst v26  }
0x78: {  	v32 =	vld [tilespmem:$0x4580];
	[tilespmem:$0x18A20] =	vst v27  }
0x79: {  	v33 =	vld [tilespmem:$0x4590];
	[tilespmem:$0x18A30] =	vst v28  }
0x7a: {  	v34 =	vld [tilespmem:$0x45A0];
	[tilespmem:$0x18A40] =	vst v29  }
0x7b: {  	[tilespmem:$0x18A50] =	vst v30;
	v35 =	vld [tilespmem:$0x45B0]  }
0x7c: {  	[tilespmem:$0x18A60] =	vst v31;
	v36 =	vld [tilespmem:$0x45C0]  }
0x7d: {  	[tilespmem:$0x18A70] =	vst v32;
	v37 =	vld [tilespmem:$0x45D0]  }
0x7e: {  	[tilespmem:$0x18A80] =	vst v33;
	v38 =	vld [tilespmem:$0x45E0]  }
0x7f: {  	[tilespmem:$0x18A90] =	vst v34;
	v39 =	vld [tilespmem:$0x45F0]  }
0x80: {  	v40 =	vld [tilespmem:$0x4600];
	[tilespmem:$0x18AA0] =	vst v35  }
0x81: {  	v41 =	vld [tilespmem:$0x4610];
	[tilespmem:$0x18AB0] =	vst v36  }
0x82: {  	v42 =	vld [tilespmem:$0x4620];
	[tilespmem:$0x18AC0] =	vst v37  }
0x83: {  	v43 =	vld [tilespmem:$0x4630];
	[tilespmem:$0x18AD0] =	vst v38  }
0x84: {  	v44 =	vld [tilespmem:$0x4640];
	[tilespmem:$0x18AF0] =	vst v39  }
0x85: {  	v45 =	vld [tilespmem:$0x4650];
	[tilespmem:$0x18B10] =	vst v40  }
0x86: {  	v46 =	vld [tilespmem:$0x4660];
	[tilespmem:$0x18B30] =	vst v41  }
0x87: {  	v47 =	vld [tilespmem:$0x4670];
	[tilespmem:$0x18B50] =	vst v42  }
0x88: {  	v48 =	vld [tilespmem:$0x4680];
	[tilespmem:$0x18B70] =	vst v43  }
0x89: {  	v49 =	vld [tilespmem:$0x4690];
	[tilespmem:$0x18B90] =	vst v44  }
0x8a: {  	v50 =	vld [tilespmem:$0x46A0];
	[tilespmem:$0x18BB0] =	vst v45  }
0x8b: {  	v51 =	vld [tilespmem:$0x46B0];
	[tilespmem:$0x18BD0] =	vst v46  }
0x8c: {  	v52 =	vld [tilespmem:$0x46C0];
	[tilespmem:$0x18BF0] =	vst v47  }
0x8d: {  	v53 =	vld [tilespmem:$0x46D0];
	[tilespmem:$0x18C10] =	vst v48  }
0x8e: {  	v54 =	vld [tilespmem:$0x46E0];
	[tilespmem:$0x18C30] =	vst v49  }
0x8f: {  	v55 =	vld [tilespmem:$0x46F0];
	[tilespmem:$0x18C50] =	vst v50  }
0x90: {  	v56 =	vld [tilespmem:$0x4700];
	[tilespmem:$0x18C70] =	vst v51  }
0x91: {  	v57 =	vld [tilespmem:$0x4710];
	[tilespmem:$0x18C90] =	vst v52  }
0x92: {  	v58 =	vld [tilespmem:$0x4720];
	[tilespmem:$0x18CB0] =	vst v53  }
0x93: {  	v59 =	vld [tilespmem:$0x4730];
	[tilespmem:$0x18CD0] =	vst v54  }
0x94: {  	v60 =	vld [tilespmem:$0x4740];
	[tilespmem:$0x18CF0] =	vst v55  }
0x95: {  	v61 =	vld [tilespmem:$0x4750];
	[tilespmem:$0x18D10] =	vst v56  }
0x96: {  	v62 =	vld [tilespmem:$0x4760];
	[tilespmem:$0x18D30] =	vst v57  }
0x97: {  	v63 =	vld [tilespmem:$0x4770];
	[tilespmem:$0x18D50] =	vst v58  }
0x98: {  	v4 =	vld [tilespmem:$0x4780];
	[tilespmem:$0x18D70] =	vst v59  }
0x99: {  	v5 =	vld [tilespmem:$0x4790];
	[tilespmem:$0x18D90] =	vst v60  }
0x9a: {  	v6 =	vld [tilespmem:$0x47A0];
	[tilespmem:$0x18DB0] =	vst v61  }
0x9b: {  	v7 =	vld [tilespmem:$0x47B0];
	[tilespmem:$0x18DD0] =	vst v62  }
0x9c: {  	v8 =	vld [tilespmem:$0x47C0];
	[tilespmem:$0x18DF0] =	vst v63  }
0x9d: {  	v9 =	vld [tilespmem:$0x47D0];
	[tilespmem:$0x18E10] =	vst v4  }
0x9e: {  	v10 =	vld [tilespmem:$0x47E0];
	[tilespmem:$0x18E30] =	vst v5  }
0x9f: {  	v11 =	vld [tilespmem:$0x47F0];
	[tilespmem:$0x18E50] =	vst v6  }
0xa0: {  	v12 =	vld [tilespmem:$0x4800];
	[tilespmem:$0x18E70] =	vst v7  }
0xa1: {  	v13 =	vld [tilespmem:$0x4810];
	[tilespmem:$0x18E90] =	vst v8  }
0xa2: {  	v14 =	vld [tilespmem:$0x4820];
	[tilespmem:$0x18EB0] =	vst v9  }
0xa3: {  	v15 =	vld [tilespmem:$0x4830];
	[tilespmem:$0x18ED0] =	vst v10  }
0xa4: {  	v16 =	vld [tilespmem:$0x4840];
	[tilespmem:$0x18EF0] =	vst v11  }
0xa5: {  	v17 =	vld [tilespmem:$0x4850];
	[tilespmem:$0x18F10] =	vst v12  }
0xa6: {  	v18 =	vld [tilespmem:$0x4860];
	[tilespmem:$0x18F30] =	vst v13  }
0xa7: {  	v19 =	vld [tilespmem:$0x4870];
	[tilespmem:$0x18F50] =	vst v14  }
0xa8: {  	v20 =	vld [tilespmem:$0x4880];
	[tilespmem:$0x18F70] =	vst v15  }
0xa9: {  	v21 =	vld [tilespmem:$0x4890];
	[tilespmem:$0x18F90] =	vst v16  }
0xaa: {  	v22 =	vld [tilespmem:$0x48A0];
	[tilespmem:$0x18FB0] =	vst v17  }
0xab: {  	v23 =	vld [tilespmem:$0x48B0];
	[tilespmem:$0x18FD0] =	vst v18  }
0xac: {  	v24 =	vld [tilespmem:$0x48C0];
	[tilespmem:$0x18FF0] =	vst v19  }
0xad: {  	v25 =	vld [tilespmem:$0x48D0];
	[tilespmem:$0x19010] =	vst v20  }
0xae: {  	v26 =	vld [tilespmem:$0x48E0];
	[tilespmem:$0x19030] =	vst v21  }
0xaf: {  	v27 =	vld [tilespmem:$0x48F0];
	[tilespmem:$0x19050] =	vst v22  }
0xb0: {  	v28 =	vld [tilespmem:$0x4900];
	[tilespmem:$0x19070] =	vst v23  }
0xb1: {  	v29 =	vld [tilespmem:$0x4910];
	[tilespmem:$0x19090] =	vst v24  }
0xb2: {  	v30 =	vld [tilespmem:$0x4920];
	[tilespmem:$0x190B0] =	vst v25  }
0xb3: {  	v31 =	vld [tilespmem:$0x4930];
	[tilespmem:$0x190D0] =	vst v26  }
0xb4: {  	v32 =	vld [tilespmem:$0x4940];
	[tilespmem:$0x190F0] =	vst v27  }
0xb5: {  	v33 =	vld [tilespmem:$0x4950];
	[tilespmem:$0x19110] =	vst v28  }
0xb6: {  	v34 =	vld [tilespmem:$0x4960];
	[tilespmem:$0x19130] =	vst v29  }
0xb7: {  	[tilespmem:$0x19150] =	vst v30;
	v35 =	vld [tilespmem:$0x4970]  }
0xb8: {  	[tilespmem:$0x19170] =	vst v31;
	v36 =	vld [tilespmem:$0x4980]  }
0xb9: {  	[tilespmem:$0x19190] =	vst v32;
	v37 =	vld [tilespmem:$0x4990]  }
0xba: {  	[tilespmem:$0x191B0] =	vst v33;
	v38 =	vld [tilespmem:$0x49A0]  }
0xbb: {  	[tilespmem:$0x191D0] =	vst v34;
	v39 =	vld [tilespmem:$0x49B0]  }
0xbc: {  	v40 =	vld [tilespmem:$0x49C0];
	[tilespmem:$0x191F0] =	vst v35  }
0xbd: {  	v41 =	vld [tilespmem:$0x49D0];
	[tilespmem:$0x19210] =	vst v36  }
0xbe: {  	v42 =	vld [tilespmem:$0x49E0];
	[tilespmem:$0x19230] =	vst v37  }
0xbf: {  	v43 =	vld [tilespmem:$0x49F0];
	[tilespmem:$0x19250] =	vst v38  }
0xc0: {  	v44 =	vld [tilespmem:$0x4A00];
	[tilespmem:$0x19270] =	vst v39  }
0xc1: {  	v45 =	vld [tilespmem:$0x4A10];
	[tilespmem:$0x19290] =	vst v40  }
0xc2: {  	v46 =	vld [tilespmem:$0x4A20];
	[tilespmem:$0x192B0] =	vst v41  }
0xc3: {  	v47 =	vld [tilespmem:$0x4A30];
	[tilespmem:$0x192D0] =	vst v42  }
0xc4: {  	v48 =	vld [tilespmem:$0x4A40];
	[tilespmem:$0x192F0] =	vst v43  }
0xc5: {  	v49 =	vld [tilespmem:$0x4A50];
	[tilespmem:$0x19310] =	vst v44  }
0xc6: {  	v50 =	vld [tilespmem:$0x4A60];
	[tilespmem:$0x19330] =	vst v45  }
0xc7: {  	v51 =	vld [tilespmem:$0x4A70];
	[tilespmem:$0x19350] =	vst v46  }
0xc8: {  	v52 =	vld [tilespmem:$0x4A80];
	[tilespmem:$0x19370] =	vst v47  }
0xc9: {  	v53 =	vld [tilespmem:$0x4A90];
	[tilespmem:$0x19390] =	vst v48  }
0xca: {  	v54 =	vld [tilespmem:$0x4AA0];
	[tilespmem:$0x193B0] =	vst v49  }
0xcb: {  	v55 =	vld [tilespmem:$0x4AB0];
	[tilespmem:$0x193D0] =	vst v50  }
0xcc: {  	v56 =	vld [tilespmem:$0x4AC0];
	[tilespmem:$0x193F0] =	vst v51  }
0xcd: {  	v57 =	vld [tilespmem:$0x4AD0];
	[tilespmem:$0x19410] =	vst v52  }
0xce: {  	v58 =	vld [tilespmem:$0x4AE0];
	[tilespmem:$0x19430] =	vst v53  }
0xcf: {  	v59 =	vld [tilespmem:$0x4AF0];
	[tilespmem:$0x19450] =	vst v54  }
0xd0: {  	v60 =	vld [tilespmem:$0x4B00];
	[tilespmem:$0x19470] =	vst v55  }
0xd1: {  	v61 =	vld [tilespmem:$0x4B10];
	[tilespmem:$0x19490] =	vst v56  }
0xd2: {  	v62 =	vld [tilespmem:$0x4B20];
	[tilespmem:$0x194B0] =	vst v57  }
0xd3: {  	v63 =	vld [tilespmem:$0x4B30];
	[tilespmem:$0x194D0] =	vst v58  }
0xd4: {  	v4 =	vld [tilespmem:$0x4B40];
	[tilespmem:$0x194F0] =	vst v59  }
0xd5: {  	v5 =	vld [tilespmem:$0x4B50];
	[tilespmem:$0x19510] =	vst v60  }
0xd6: {  	v6 =	vld [tilespmem:$0x4B60];
	[tilespmem:$0x19530] =	vst v61  }
0xd7: {  	v7 =	vld [tilespmem:$0x4B70];
	[tilespmem:$0x19550] =	vst v62  }
0xd8: {  	v8 =	vld [tilespmem:$0x4B80];
	[tilespmem:$0x19570] =	vst v63  }
0xd9: {  	v9 =	vld [tilespmem:$0x4B90];
	[tilespmem:$0x19590] =	vst v4  }
0xda: {  	v10 =	vld [tilespmem:$0x4BA0];
	[tilespmem:$0x195B0] =	vst v5  }
0xdb: {  	v11 =	vld [tilespmem:$0x4BB0];
	[tilespmem:$0x195D0] =	vst v6  }
0xdc: {  	v12 =	vld [tilespmem:$0x4BC0];
	[tilespmem:$0x195F0] =	vst v7  }
0xdd: {  	v13 =	vld [tilespmem:$0x4BD0];
	[tilespmem:$0x19610] =	vst v8  }
0xde: {  	v14 =	vld [tilespmem:$0x4BE0];
	[tilespmem:$0x19630] =	vst v9  }
0xdf: {  	v15 =	vld [tilespmem:$0x4BF0];
	[tilespmem:$0x19650] =	vst v10  }
0xe0: {  	v16 =	vld [tilespmem:$0x4C00];
	[tilespmem:$0x19670] =	vst v11  }
0xe1: {  	v17 =	vld [tilespmem:$0x4C10];
	[tilespmem:$0x19690] =	vst v12  }
0xe2: {  	v18 =	vld [tilespmem:$0x4C20];
	[tilespmem:$0x196B0] =	vst v13  }
0xe3: {  	v19 =	vld [tilespmem:$0x4C30];
	[tilespmem:$0x196D0] =	vst v14  }
0xe4: {  	v20 =	vld [tilespmem:$0x4C40];
	[tilespmem:$0x196F0] =	vst v15  }
0xe5: {  	v21 =	vld [tilespmem:$0x4C50];
	[tilespmem:$0x19710] =	vst v16  }
0xe6: {  	v22 =	vld [tilespmem:$0x4C60];
	[tilespmem:$0x19730] =	vst v17  }
0xe7: {  	v23 =	vld [tilespmem:$0x4C70];
	[tilespmem:$0x19750] =	vst v18  }
0xe8: {  	v24 =	vld [tilespmem:$0x4C80];
	[tilespmem:$0x19770] =	vst v19  }
0xe9: {  	v25 =	vld [tilespmem:$0x4C90];
	[tilespmem:$0x19790] =	vst v20  }
0xea: {  	v26 =	vld [tilespmem:$0x4CA0];
	[tilespmem:$0x197B0] =	vst v21  }
0xeb: {  	v27 =	vld [tilespmem:$0x4CB0];
	[tilespmem:$0x197D0] =	vst v22  }
0xec: {  	v28 =	vld [tilespmem:$0x4CC0];
	[tilespmem:$0x197F0] =	vst v23  }
0xed: {  	v29 =	vld [tilespmem:$0x4CD0];
	[tilespmem:$0x19810] =	vst v24  }
0xee: {  	v30 =	vld [tilespmem:$0x4CE0];
	[tilespmem:$0x19830] =	vst v25  }
0xef: {  	v31 =	vld [tilespmem:$0x4CF0];
	[tilespmem:$0x19850] =	vst v26  }
0xf0: {  	v32 =	vld [tilespmem:$0x4D00];
	[tilespmem:$0x19870] =	vst v27  }
0xf1: {  	v33 =	vld [tilespmem:$0x4D10];
	[tilespmem:$0x19890] =	vst v28  }
0xf2: {  	v34 =	vld [tilespmem:$0x4D20];
	[tilespmem:$0x198B0] =	vst v29  }
0xf3: {  	[tilespmem:$0x198D0] =	vst v30;
	v35 =	vld [tilespmem:$0x4D30]  }
0xf4: {  	[tilespmem:$0x198F0] =	vst v31;
	v36 =	vld [tilespmem:$0x4D40]  }
0xf5: {  	[tilespmem:$0x19910] =	vst v32;
	v37 =	vld [tilespmem:$0x4D50]  }
0xf6: {  	[tilespmem:$0x19930] =	vst v33;
	v38 =	vld [tilespmem:$0x4D60]  }
0xf7: {  	[tilespmem:$0x19950] =	vst v34;
	v39 =	vld [tilespmem:$0x4D70]  }
0xf8: {  	v40 =	vld [tilespmem:$0x4D80];
	[tilespmem:$0x19970] =	vst v35  }
0xf9: {  	v41 =	vld [tilespmem:$0x4D90];
	[tilespmem:$0x19990] =	vst v36  }
0xfa: {  	v42 =	vld [tilespmem:$0x4DA0];
	[tilespmem:$0x199B0] =	vst v37  }
0xfb: {  	v43 =	vld [tilespmem:$0x4DB0];
	[tilespmem:$0x199D0] =	vst v38  }
0xfc: {  	v44 =	vld [tilespmem:$0x4DC0];
	[tilespmem:$0x199F0] =	vst v39  }
0xfd: {  	v45 =	vld [tilespmem:$0x4DD0];
	[tilespmem:$0x19A10] =	vst v40  }
0xfe: {  	v46 =	vld [tilespmem:$0x4DE0];
	[tilespmem:$0x19A30] =	vst v41  }
0xff: {  	v47 =	vld [tilespmem:$0x4DF0];
	[tilespmem:$0x19A50] =	vst v42  }
0x100: {  	v48 =	vld [tilespmem:$0x4E00];
	[tilespmem:$0x19A70] =	vst v43  }
0x101: {  	v49 =	vld [tilespmem:$0x4E10];
	[tilespmem:$0x19A90] =	vst v44  }
0x102: {  	v50 =	vld [tilespmem:$0x4E20];
	[tilespmem:$0x19AB0] =	vst v45  }
0x103: {  	v51 =	vld [tilespmem:$0x4E30];
	[tilespmem:$0x19AD0] =	vst v46  }
0x104: {  	v52 =	vld [tilespmem:$0x4E40];
	[tilespmem:$0x19AF0] =	vst v47  }
0x105: {  	v53 =	vld [tilespmem:$0x4E50];
	[tilespmem:$0x19B10] =	vst v48  }
0x106: {  	v54 =	vld [tilespmem:$0x4E60];
	[tilespmem:$0x19B30] =	vst v49  }
0x107: {  	v55 =	vld [tilespmem:$0x4E70];
	[tilespmem:$0x19B50] =	vst v50  }
0x108: {  	v56 =	vld [tilespmem:$0x4E80];
	[tilespmem:$0x19B70] =	vst v51  }
0x109: {  	v57 =	vld [tilespmem:$0x4E90];
	[tilespmem:$0x19B90] =	vst v52  }
0x10a: {  	v58 =	vld [tilespmem:$0x4EA0];
	[tilespmem:$0x19BB0] =	vst v53  }
0x10b: {  	v59 =	vld [tilespmem:$0x4EB0];
	[tilespmem:$0x19BD0] =	vst v54  }
0x10c: {  	v60 =	vld [tilespmem:$0x4EC0];
	[tilespmem:$0x19BF0] =	vst v55  }
0x10d: {  	v61 =	vld [tilespmem:$0x4ED0];
	[tilespmem:$0x19C10] =	vst v56  }
0x10e: {  	v62 =	vld [tilespmem:$0x4EE0];
	[tilespmem:$0x19C30] =	vst v57  }
0x10f: {  	v63 =	vld [tilespmem:$0x4EF0];
	[tilespmem:$0x19C50] =	vst v58  }
0x110: {  	v4 =	vld [tilespmem:$0x4F00];
	[tilespmem:$0x19C70] =	vst v59  }
0x111: {  	v5 =	vld [tilespmem:$0x4F10];
	[tilespmem:$0x19C90] =	vst v60  }
0x112: {  	v6 =	vld [tilespmem:$0x4F20];
	[tilespmem:$0x19CB0] =	vst v61  }
0x113: {  	v7 =	vld [tilespmem:$0x4F30];
	[tilespmem:$0x19CD0] =	vst v62  }
0x114: {  	v8 =	vld [tilespmem:$0x4F40];
	[tilespmem:$0x19CF0] =	vst v63  }
0x115: {  	v9 =	vld [tilespmem:$0x4F50];
	[tilespmem:$0x19D10] =	vst v4  }
0x116: {  	v10 =	vld [tilespmem:$0x4F60];
	[tilespmem:$0x19D30] =	vst v5  }
0x117: {  	v11 =	vld [tilespmem:$0x4F70];
	[tilespmem:$0x19D50] =	vst v6  }
0x118: {  	v12 =	vld [tilespmem:$0x4F80];
	[tilespmem:$0x19D70] =	vst v7  }
0x119: {  	v13 =	vld [tilespmem:$0x4F90];
	[tilespmem:$0x19D90] =	vst v8  }
0x11a: {  	v14 =	vld [tilespmem:$0x4FA0];
	[tilespmem:$0x19DB0] =	vst v9  }
0x11b: {  	v15 =	vld [tilespmem:$0x4FB0];
	[tilespmem:$0x19DD0] =	vst v10  }
0x11c: {  	v16 =	vld [tilespmem:$0x4FC0];
	[tilespmem:$0x19DF0] =	vst v11  }
0x11d: {  	v17 =	vld [tilespmem:$0x4FD0];
	[tilespmem:$0x19E10] =	vst v12  }
0x11e: {  	v18 =	vld [tilespmem:$0x4FE0];
	[tilespmem:$0x19E30] =	vst v13  }
0x11f: {  	v19 =	vld [tilespmem:$0x4FF0];
	[tilespmem:$0x19E50] =	vst v14  }
0x120: {  	v20 =	vld [tilespmem:$0x5000];
	[tilespmem:$0x19E70] =	vst v15  }
0x121: {  	v21 =	vld [tilespmem:$0x5010];
	[tilespmem:$0x19E90] =	vst v16  }
0x122: {  	v22 =	vld [tilespmem:$0x5020];
	[tilespmem:$0x19EB0] =	vst v17  }
0x123: {  	v23 =	vld [tilespmem:$0x5030];
	[tilespmem:$0x19ED0] =	vst v18  }
0x124: {  	v24 =	vld [tilespmem:$0x5040];
	[tilespmem:$0x19EF0] =	vst v19  }
0x125: {  	v25 =	vld [tilespmem:$0x5050];
	[tilespmem:$0x19F10] =	vst v20  }
0x126: {  	v26 =	vld [tilespmem:$0x5060];
	[tilespmem:$0x19F30] =	vst v21  }
0x127: {  	v27 =	vld [tilespmem:$0x5070];
	[tilespmem:$0x19F50] =	vst v22  }
0x128: {  	v28 =	vld [tilespmem:$0x5080];
	[tilespmem:$0x19F70] =	vst v23  }
0x129: {  	v29 =	vld [tilespmem:$0x5090];
	[tilespmem:$0x19F90] =	vst v24  }
0x12a: {  	v30 =	vld [tilespmem:$0x50A0];
	[tilespmem:$0x19FB0] =	vst v25  }
0x12b: {  	v31 =	vld [tilespmem:$0x50B0];
	[tilespmem:$0x19FD0] =	vst v26  }
0x12c: {  	v32 =	vld [tilespmem:$0x50C0];
	[tilespmem:$0x19FF0] =	vst v27  }
0x12d: {  	v33 =	vld [tilespmem:$0x50D0];
	[tilespmem:$0x1A010] =	vst v28  }
0x12e: {  	v34 =	vld [tilespmem:$0x50E0];
	[tilespmem:$0x1A030] =	vst v29  }
0x12f: {  	[tilespmem:$0x1A050] =	vst v30;
	v35 =	vld [tilespmem:$0x50F0]  }
0x130: {  	[tilespmem:$0x1A070] =	vst v31;
	v36 =	vld [tilespmem:$0x5100]  }
0x131: {  	[tilespmem:$0x1A090] =	vst v32;
	v37 =	vld [tilespmem:$0x5110]  }
0x132: {  	[tilespmem:$0x1A0B0] =	vst v33;
	v38 =	vld [tilespmem:$0x5120]  }
0x133: {  	[tilespmem:$0x1A0D0] =	vst v34;
	v39 =	vld [tilespmem:$0x5130]  }
0x134: {  	v40 =	vld [tilespmem:$0x5140];
	[tilespmem:$0x1A0F0] =	vst v35  }
0x135: {  	v41 =	vld [tilespmem:$0x5150];
	[tilespmem:$0x1A110] =	vst v36  }
0x136: {  	v42 =	vld [tilespmem:$0x5160];
	[tilespmem:$0x1A130] =	vst v37  }
0x137: {  	v43 =	vld [tilespmem:$0x5170];
	[tilespmem:$0x1A150] =	vst v38  }
0x138: {  	[tilespmem:$0x1A170] =	vst v39  }
0x139: {  	[tilespmem:$0x1A190] =	vst v40  }
0x13a: {  	[tilespmem:$0x1A1B0] =	vst v41  }
0x13b: {  	[tilespmem:$0x1A1D0] =	vst v42  }
0x13c: {  	[tilespmem:$0x1A1F0] =	vst v43  }
0x13d: {  	v0 =	vld [tilespmem:$0x5180]  }
0x13e: {  	v44 =	vld [tilespmem:$0x5190]  }
0x13f: {  	v45 =	vld [tilespmem:$0x51A0]  }
0x140: {  	v46 =	vld [tilespmem:$0x51B0]  }
0x141: {  	v47 =	vld [tilespmem:$0x51C0]  }
0x142: {  	v48 =	vld [tilespmem:$0x51D0];
	[tilespmem:$0x1A210] =	vst v0  }
0x143: {  	v49 =	vld [tilespmem:$0x51E0];
	[tilespmem:$0x1A230] =	vst v44  }
0x144: {  	v50 =	vld [tilespmem:$0x51F0];
	[tilespmem:$0x1A250] =	vst v45  }
0x145: {  	v51 =	vld [tilespmem:$0x5200];
	[tilespmem:$0x1A270] =	vst v46  }
0x146: {  	v52 =	vld [tilespmem:$0x5210];
	[tilespmem:$0x1A290] =	vst v47  }
0x147: {  	v53 =	vld [tilespmem:$0x5220];
	[tilespmem:$0x1A2B0] =	vst v48  }
0x148: {  	v54 =	vld [tilespmem:$0x5230];
	[tilespmem:$0x1A2D0] =	vst v49  }
0x149: {  	v55 =	vld [tilespmem:$0x5240];
	[tilespmem:$0x1A2F0] =	vst v50  }
0x14a: {  	v56 =	vld [tilespmem:$0x5250];
	[tilespmem:$0x1A310] =	vst v51  }
0x14b: {  	v57 =	vld [tilespmem:$0x5260];
	[tilespmem:$0x1A330] =	vst v52  }
0x14c: {  	v58 =	vld [tilespmem:$0x5270];
	[tilespmem:$0x1C1B0] =	vst v53  }
0x14d: {  	v59 =	vld [tilespmem:$0x5280];
	[tilespmem:$0x1C190] =	vst v54  }
0x14e: {  	v60 =	vld [tilespmem:$0x5290];
	[tilespmem:$0x1C170] =	vst v55  }
0x14f: {  	v61 =	vld [tilespmem:$0x52A0];
	[tilespmem:$0x1C150] =	vst v56  }
0x150: {  	v62 =	vld [tilespmem:$0x52B0];
	[tilespmem:$0x1C130] =	vst v57  }
0x151: {  	v63 =	vld [tilespmem:$0x52C0];
	[tilespmem:$0x1C110] =	vst v58  }
0x152: {  	v4 =	vld [tilespmem:$0x52D0];
	[tilespmem:$0x1C0F0] =	vst v59  }
0x153: {  	v5 =	vld [tilespmem:$0x52E0];
	[tilespmem:$0x1C0D0] =	vst v60  }
0x154: {  	v6 =	vld [tilespmem:$0x52F0];
	[tilespmem:$0x1C0B0] =	vst v61  }
0x155: {  	v7 =	vld [tilespmem:$0x5300];
	[tilespmem:$0x1C090] =	vst v62  }
0x156: {  	v8 =	vld [tilespmem:$0x5310];
	[tilespmem:$0x1C070] =	vst v63  }
0x157: {  	v9 =	vld [tilespmem:$0x5320];
	[tilespmem:$0x1C050] =	vst v4  }
0x158: {  	v10 =	vld [tilespmem:$0x5330];
	[tilespmem:$0x1C030] =	vst v5  }
0x159: {  	v11 =	vld [tilespmem:$0x5340];
	[tilespmem:$0x1C010] =	vst v6  }
0x15a: {  	v12 =	vld [tilespmem:$0x5350];
	[tilespmem:$0x1BFF0] =	vst v7  }
0x15b: {  	v13 =	vld [tilespmem:$0x5360];
	[tilespmem:$0x1BFD0] =	vst v8  }
0x15c: {  	v14 =	vld [tilespmem:$0x5370];
	[tilespmem:$0x1BFB0] =	vst v9  }
0x15d: {  	v15 =	vld [tilespmem:$0x5380];
	[tilespmem:$0x1BF90] =	vst v10  }
0x15e: {  	v16 =	vld [tilespmem:$0x5390];
	[tilespmem:$0x1BF70] =	vst v11  }
0x15f: {  	v17 =	vld [tilespmem:$0x53A0];
	[tilespmem:$0x1BF50] =	vst v12  }
0x160: {  	v18 =	vld [tilespmem:$0x53B0];
	[tilespmem:$0x1BF30] =	vst v13  }
0x161: {  	v19 =	vld [tilespmem:$0x53C0];
	[tilespmem:$0x1BF10] =	vst v14  }
0x162: {  	v20 =	vld [tilespmem:$0x53D0];
	[tilespmem:$0x1BEF0] =	vst v15  }
0x163: {  	v21 =	vld [tilespmem:$0x53E0];
	[tilespmem:$0x1BED0] =	vst v16  }
0x164: {  	v22 =	vld [tilespmem:$0x53F0];
	[tilespmem:$0x1BEB0] =	vst v17  }
0x165: {  	v23 =	vld [tilespmem:$0x5400];
	[tilespmem:$0x1BE90] =	vst v18  }
0x166: {  	v24 =	vld [tilespmem:$0x5410];
	[tilespmem:$0x1BE70] =	vst v19  }
0x167: {  	v25 =	vld [tilespmem:$0x5420];
	[tilespmem:$0x1BE50] =	vst v20  }
0x168: {  	v26 =	vld [tilespmem:$0x5430];
	[tilespmem:$0x1BE30] =	vst v21  }
0x169: {  	v27 =	vld [tilespmem:$0x5440];
	[tilespmem:$0x1BE10] =	vst v22  }
0x16a: {  	v28 =	vld [tilespmem:$0x5450];
	[tilespmem:$0x1BDF0] =	vst v23  }
0x16b: {  	v29 =	vld [tilespmem:$0x5460];
	[tilespmem:$0x1BDD0] =	vst v24  }
0x16c: {  	v30 =	vld [tilespmem:$0x5470];
	[tilespmem:$0x1BDB0] =	vst v25  }
0x16d: {  	v31 =	vld [tilespmem:$0x5480];
	[tilespmem:$0x1BD90] =	vst v26  }
0x16e: {  	v32 =	vld [tilespmem:$0x5490];
	[tilespmem:$0x1BD70] =	vst v27  }
0x16f: {  	v33 =	vld [tilespmem:$0x54A0];
	[tilespmem:$0x1BD50] =	vst v28  }
0x170: {  	v34 =	vld [tilespmem:$0x54B0];
	[tilespmem:$0x1BD30] =	vst v29  }
0x171: {  	v35 =	vld [tilespmem:$0x54C0];
	[tilespmem:$0x1BD10] =	vst v30  }
0x172: {  	v36 =	vld [tilespmem:$0x54D0];
	[tilespmem:$0x1BCF0] =	vst v31  }
0x173: {  	v37 =	vld [tilespmem:$0x54E0];
	[tilespmem:$0x1BCD0] =	vst v32  }
0x174: {  	v38 =	vld [tilespmem:$0x54F0];
	[tilespmem:$0x1BCB0] =	vst v33  }
0x175: {  	v39 =	vld [tilespmem:$0x5500];
	[tilespmem:$0x1BC90] =	vst v34  }
0x176: {  	v40 =	vld [tilespmem:$0x5510];
	[tilespmem:$0x1BC70] =	vst v35  }
0x177: {  	v41 =	vld [tilespmem:$0x5520];
	[tilespmem:$0x1BC50] =	vst v36  }
0x178: {  	v42 =	vld [tilespmem:$0x6450];
	[tilespmem:$0x1BC30] =	vst v37  }
0x179: {  	v43 =	vld [tilespmem:$0x6440];
	[tilespmem:$0x1BC10] =	vst v38  }
0x17a: {  	[tilespmem:$0x1BBF0] =	vst v39;
	v44 =	vld [tilespmem:$0x6430]  }
0x17b: {  	[tilespmem:$0x1BBD0] =	vst v40;
	v45 =	vld [tilespmem:$0x6420]  }
0x17c: {  	[tilespmem:$0x1BBB0] =	vst v41;
	v46 =	vld [tilespmem:$0x6410]  }
0x17d: {  	[tilespmem:$0x1C7B0] =	vst v42;
	v47 =	vld [tilespmem:$0x6400]  }
0x17e: {  	[tilespmem:$0x1C790] =	vst v43;
	v48 =	vld [tilespmem:$0x63F0]  }
0x17f: {  	v49 =	vld [tilespmem:$0x63E0];
	[tilespmem:$0x1C770] =	vst v44  }
0x180: {  	v50 =	vld [tilespmem:$0x63D0];
	[tilespmem:$0x1C750] =	vst v45  }
0x181: {  	v51 =	vld [tilespmem:$0x63C0];
	[tilespmem:$0x1C730] =	vst v46  }
0x182: {  	v52 =	vld [tilespmem:$0x63B0];
	[tilespmem:$0x1C710] =	vst v47  }
0x183: {  	v53 =	vld [tilespmem:$0x63A0];
	[tilespmem:$0x1C6F0] =	vst v48  }
0x184: {  	v54 =	vld [tilespmem:$0x6390];
	[tilespmem:$0x1C6D0] =	vst v49  }
0x185: {  	v55 =	vld [tilespmem:$0x6380];
	[tilespmem:$0x1C6B0] =	vst v50  }
0x186: {  	v56 =	vld [tilespmem:$0x6370];
	[tilespmem:$0x1C690] =	vst v51  }
0x187: {  	v57 =	vld [tilespmem:$0x6360];
	[tilespmem:$0x1C670] =	vst v52  }
0x188: {  	v58 =	vld [tilespmem:$0x6350];
	[tilespmem:$0x1C650] =	vst v53  }
0x189: {  	v59 =	vld [tilespmem:$0x6340];
	[tilespmem:$0x1C630] =	vst v54  }
0x18a: {  	v60 =	vld [tilespmem:$0x6330];
	[tilespmem:$0x1C610] =	vst v55  }
0x18b: {  	v61 =	vld [tilespmem:$0x6320];
	[tilespmem:$0x1C5F0] =	vst v56  }
0x18c: {  	v62 =	vld [tilespmem:$0x6310];
	[tilespmem:$0x1C5D0] =	vst v57  }
0x18d: {  	v63 =	vld [tilespmem:$0x6300];
	[tilespmem:$0x1C5B0] =	vst v58  }
0x18e: {  	v4 =	vld [tilespmem:$0x62F0];
	[tilespmem:$0x1C590] =	vst v59  }
0x18f: {  	v5 =	vld [tilespmem:$0x62E0];
	[tilespmem:$0x1C570] =	vst v60  }
0x190: {  	v6 =	vld [tilespmem:$0x62D0];
	[tilespmem:$0x1C550] =	vst v61  }
0x191: {  	v7 =	vld [tilespmem:$0x62C0];
	[tilespmem:$0x1C530] =	vst v62  }
0x192: {  	v8 =	vld [tilespmem:$0x62B0];
	[tilespmem:$0x1C510] =	vst v63  }
0x193: {  	v9 =	vld [tilespmem:$0x62A0];
	[tilespmem:$0x1C4F0] =	vst v4  }
0x194: {  	v10 =	vld [tilespmem:$0x6290];
	[tilespmem:$0x1C4D0] =	vst v5  }
0x195: {  	v11 =	vld [tilespmem:$0x6280];
	[tilespmem:$0x1C4B0] =	vst v6  }
0x196: {  	v12 =	vld [tilespmem:$0x6270];
	[tilespmem:$0x1C490] =	vst v7  }
0x197: {  	v13 =	vld [tilespmem:$0x6260];
	[tilespmem:$0x1C470] =	vst v8  }
0x198: {  	v14 =	vld [tilespmem:$0x6250];
	[tilespmem:$0x1C450] =	vst v9  }
0x199: {  	v15 =	vld [tilespmem:$0x6240];
	[tilespmem:$0x1C430] =	vst v10  }
0x19a: {  	v16 =	vld [tilespmem:$0x6230];
	[tilespmem:$0x1C410] =	vst v11  }
0x19b: {  	v17 =	vld [tilespmem:$0x6220];
	[tilespmem:$0x1C3F0] =	vst v12  }
0x19c: {  	v18 =	vld [tilespmem:$0x6210];
	[tilespmem:$0x1C3D0] =	vst v13  }
0x19d: {  	v19 =	vld [tilespmem:$0x6200];
	[tilespmem:$0x1C3B0] =	vst v14  }
0x19e: {  	v20 =	vld [tilespmem:$0x61F0];
	[tilespmem:$0x1C390] =	vst v15  }
0x19f: {  	v21 =	vld [tilespmem:$0x61E0];
	[tilespmem:$0x1C370] =	vst v16  }
0x1a0: {  	v22 =	vld [tilespmem:$0x61D0];
	[tilespmem:$0x1C350] =	vst v17  }
0x1a1: {  	v23 =	vld [tilespmem:$0x61C0];
	[tilespmem:$0x1C330] =	vst v18  }
0x1a2: {  	v24 =	vld [tilespmem:$0x61B0];
	[tilespmem:$0x1C310] =	vst v19  }
0x1a3: {  	v25 =	vld [tilespmem:$0x61A0];
	[tilespmem:$0x1C2F0] =	vst v20  }
0x1a4: {  	v26 =	vld [tilespmem:$0x6190];
	[tilespmem:$0x1C2D0] =	vst v21  }
0x1a5: {  	v27 =	vld [tilespmem:$0x6180];
	[tilespmem:$0x1C2B0] =	vst v22  }
0x1a6: {  	v28 =	vld [tilespmem:$0x6170];
	[tilespmem:$0x1C290] =	vst v23  }
0x1a7: {  	v29 =	vld [tilespmem:$0x6160];
	[tilespmem:$0x1C270] =	vst v24  }
0x1a8: {  	v30 =	vld [tilespmem:$0x6150];
	[tilespmem:$0x1C250] =	vst v25  }
0x1a9: {  	v31 =	vld [tilespmem:$0x6140];
	[tilespmem:$0x1C230] =	vst v26  }
0x1aa: {  	v32 =	vld [tilespmem:$0x6130];
	[tilespmem:$0x1C210] =	vst v27  }
0x1ab: {  	v33 =	vld [tilespmem:$0x6120];
	[tilespmem:$0x1C1F0] =	vst v28  }
0x1ac: {  	v34 =	vld [tilespmem:$0x6110];
	[tilespmem:$0x1C1D0] =	vst v29  }
0x1ad: {  	v35 =	vld [tilespmem:$0x6100];
	[tilespmem:$0x1A350] =	vst v30  }
0x1ae: {  	v36 =	vld [tilespmem:$0x60F0];
	[tilespmem:$0x1A370] =	vst v31  }
0x1af: {  	v37 =	vld [tilespmem:$0x60E0];
	[tilespmem:$0x1A390] =	vst v32  }
0x1b0: {  	v38 =	vld [tilespmem:$0x60D0];
	[tilespmem:$0x1A3B0] =	vst v33  }
0x1b1: {  	v39 =	vld [tilespmem:$0x60C0];
	[tilespmem:$0x1A3D0] =	vst v34  }
0x1b2: {  	v40 =	vld [tilespmem:$0x60B0];
	[tilespmem:$0x1A3F0] =	vst v35  }
0x1b3: {  	v41 =	vld [tilespmem:$0x60A0];
	[tilespmem:$0x1A410] =	vst v36  }
0x1b4: {  	v42 =	vld [tilespmem:$0x6090];
	[tilespmem:$0x1A430] =	vst v37  }
0x1b5: {  	v43 =	vld [tilespmem:$0x6080];
	[tilespmem:$0x1A450] =	vst v38  }
0x1b6: {  	[tilespmem:$0x1A470] =	vst v39;
	v44 =	vld [tilespmem:$0x6070]  }
0x1b7: {  	[tilespmem:$0x1A490] =	vst v40;
	v45 =	vld [tilespmem:$0x6060]  }
0x1b8: {  	[tilespmem:$0x1A4B0] =	vst v41;
	v46 =	vld [tilespmem:$0x6050]  }
0x1b9: {  	[tilespmem:$0x1A4D0] =	vst v42;
	v47 =	vld [tilespmem:$0x6040]  }
0x1ba: {  	[tilespmem:$0x1A4F0] =	vst v43;
	v48 =	vld [tilespmem:$0x6030]  }
0x1bb: {  	v49 =	vld [tilespmem:$0x6020];
	[tilespmem:$0x1A510] =	vst v44  }
0x1bc: {  	v50 =	vld [tilespmem:$0x6010];
	[tilespmem:$0x1A530] =	vst v45  }
0x1bd: {  	v51 =	vld [tilespmem:$0x6000];
	[tilespmem:$0x1A550] =	vst v46  }
0x1be: {  	v52 =	vld [tilespmem:$0x5FF0];
	[tilespmem:$0x1A570] =	vst v47  }
0x1bf: {  	v53 =	vld [tilespmem:$0x5FE0];
	[tilespmem:$0x1A590] =	vst v48  }
0x1c0: {  	v54 =	vld [tilespmem:$0x5FD0];
	[tilespmem:$0x1A5B0] =	vst v49  }
0x1c1: {  	v55 =	vld [tilespmem:$0x5FC0];
	[tilespmem:$0x1A5D0] =	vst v50  }
0x1c2: {  	v56 =	vld [tilespmem:$0x5FB0];
	[tilespmem:$0x1A5F0] =	vst v51  }
0x1c3: {  	v57 =	vld [tilespmem:$0x5FA0];
	[tilespmem:$0x1A610] =	vst v52  }
0x1c4: {  	v58 =	vld [tilespmem:$0x5F90];
	[tilespmem:$0x1A630] =	vst v53  }
0x1c5: {  	v59 =	vld [tilespmem:$0x5F80];
	[tilespmem:$0x1A650] =	vst v54  }
0x1c6: {  	v60 =	vld [tilespmem:$0x5F70];
	[tilespmem:$0x1A670] =	vst v55  }
0x1c7: {  	v61 =	vld [tilespmem:$0x5F60];
	[tilespmem:$0x1A690] =	vst v56  }
0x1c8: {  	v62 =	vld [tilespmem:$0x5F50];
	[tilespmem:$0x1A6B0] =	vst v57  }
0x1c9: {  	v63 =	vld [tilespmem:$0x5F40];
	[tilespmem:$0x1A6D0] =	vst v58  }
0x1ca: {  	v4 =	vld [tilespmem:$0x5F30];
	[tilespmem:$0x1A6F0] =	vst v59  }
0x1cb: {  	v5 =	vld [tilespmem:$0x5F20];
	[tilespmem:$0x1A710] =	vst v60  }
0x1cc: {  	v6 =	vld [tilespmem:$0x5F10];
	[tilespmem:$0x1A730] =	vst v61  }
0x1cd: {  	v7 =	vld [tilespmem:$0x5F00];
	[tilespmem:$0x1A750] =	vst v62  }
0x1ce: {  	v8 =	vld [tilespmem:$0x5EF0];
	[tilespmem:$0x1A770] =	vst v63  }
0x1cf: {  	v9 =	vld [tilespmem:$0x5EE0];
	[tilespmem:$0x1A790] =	vst v4  }
0x1d0: {  	v10 =	vld [tilespmem:$0x5ED0];
	[tilespmem:$0x1A7B0] =	vst v5  }
0x1d1: {  	v11 =	vld [tilespmem:$0x5EC0];
	[tilespmem:$0x1A7D0] =	vst v6  }
0x1d2: {  	v12 =	vld [tilespmem:$0x5EB0];
	[tilespmem:$0x1A7F0] =	vst v7  }
0x1d3: {  	v13 =	vld [tilespmem:$0x5EA0];
	[tilespmem:$0x1A810] =	vst v8  }
0x1d4: {  	v14 =	vld [tilespmem:$0x5E90];
	[tilespmem:$0x1A830] =	vst v9  }
0x1d5: {  	v15 =	vld [tilespmem:$0x5E80];
	[tilespmem:$0x1A850] =	vst v10  }
0x1d6: {  	v16 =	vld [tilespmem:$0x5E70];
	[tilespmem:$0x1A870] =	vst v11  }
0x1d7: {  	v17 =	vld [tilespmem:$0x5E60];
	[tilespmem:$0x1A890] =	vst v12  }
0x1d8: {  	v18 =	vld [tilespmem:$0x5E50];
	[tilespmem:$0x1A8B0] =	vst v13  }
0x1d9: {  	v19 =	vld [tilespmem:$0x5E40];
	[tilespmem:$0x1A8D0] =	vst v14  }
0x1da: {  	v20 =	vld [tilespmem:$0x5E30];
	[tilespmem:$0x1A8F0] =	vst v15  }
0x1db: {  	v21 =	vld [tilespmem:$0x5E20];
	[tilespmem:$0x1A910] =	vst v16  }
0x1dc: {  	v22 =	vld [tilespmem:$0x5E10];
	[tilespmem:$0x1A930] =	vst v17  }
0x1dd: {  	v23 =	vld [tilespmem:$0x5E00];
	[tilespmem:$0x1A950] =	vst v18  }
0x1de: {  	v24 =	vld [tilespmem:$0x5DF0];
	[tilespmem:$0x1A970] =	vst v19  }
0x1df: {  	v25 =	vld [tilespmem:$0x5DE0];
	[tilespmem:$0x1A990] =	vst v20  }
0x1e0: {  	v26 =	vld [tilespmem:$0x5DD0];
	[tilespmem:$0x1A9B0] =	vst v21  }
0x1e1: {  	v27 =	vld [tilespmem:$0x5DC0];
	[tilespmem:$0x1A9D0] =	vst v22  }
0x1e2: {  	v28 =	vld [tilespmem:$0x5DB0];
	[tilespmem:$0x1A9F0] =	vst v23  }
0x1e3: {  	v29 =	vld [tilespmem:$0x5DA0];
	[tilespmem:$0x1AA10] =	vst v24  }
0x1e4: {  	v30 =	vld [tilespmem:$0x5D90];
	[tilespmem:$0x1AA30] =	vst v25  }
0x1e5: {  	v31 =	vld [tilespmem:$0x5D80];
	[tilespmem:$0x1AA50] =	vst v26  }
0x1e6: {  	v32 =	vld [tilespmem:$0x5D70];
	[tilespmem:$0x1AA70] =	vst v27  }
0x1e7: {  	v33 =	vld [tilespmem:$0x5D60];
	[tilespmem:$0x1AA90] =	vst v28  }
0x1e8: {  	v34 =	vld [tilespmem:$0x5D50];
	[tilespmem:$0x1AAB0] =	vst v29  }
0x1e9: {  	v35 =	vld [tilespmem:$0x5D40];
	[tilespmem:$0x1AAD0] =	vst v30  }
0x1ea: {  	v36 =	vld [tilespmem:$0x5D30];
	[tilespmem:$0x1AAF0] =	vst v31  }
0x1eb: {  	v37 =	vld [tilespmem:$0x5D20];
	[tilespmem:$0x1AB10] =	vst v32  }
0x1ec: {  	v38 =	vld [tilespmem:$0x5D10];
	[tilespmem:$0x1AB30] =	vst v33  }
0x1ed: {  	v39 =	vld [tilespmem:$0x5D00];
	[tilespmem:$0x1AB50] =	vst v34  }
0x1ee: {  	v40 =	vld [tilespmem:$0x5CF0];
	[tilespmem:$0x1AB70] =	vst v35  }
0x1ef: {  	v41 =	vld [tilespmem:$0x5CE0];
	[tilespmem:$0x1AB90] =	vst v36  }
0x1f0: {  	v42 =	vld [tilespmem:$0x5CD0];
	[tilespmem:$0x1ABB0] =	vst v37  }
0x1f1: {  	v43 =	vld [tilespmem:$0x5CC0];
	[tilespmem:$0x1ABD0] =	vst v38  }
0x1f2: {  	[tilespmem:$0x1ABF0] =	vst v39;
	v44 =	vld [tilespmem:$0x5CB0]  }
0x1f3: {  	[tilespmem:$0x1AC10] =	vst v40;
	v45 =	vld [tilespmem:$0x5CA0]  }
0x1f4: {  	[tilespmem:$0x1AC30] =	vst v41;
	v46 =	vld [tilespmem:$0x5C90]  }
0x1f5: {  	[tilespmem:$0x1AC50] =	vst v42;
	v47 =	vld [tilespmem:$0x5C80]  }
0x1f6: {  	[tilespmem:$0x1AC70] =	vst v43;
	v48 =	vld [tilespmem:$0x5C70]  }
0x1f7: {  	v49 =	vld [tilespmem:$0x5C60];
	[tilespmem:$0x1AC90] =	vst v44  }
0x1f8: {  	v50 =	vld [tilespmem:$0x5C50];
	[tilespmem:$0x1ACB0] =	vst v45  }
0x1f9: {  	v51 =	vld [tilespmem:$0x5C40];
	[tilespmem:$0x1ACD0] =	vst v46  }
0x1fa: {  	v52 =	vld [tilespmem:$0x5C30];
	[tilespmem:$0x1ACF0] =	vst v47  }
0x1fb: {  	v53 =	vld [tilespmem:$0x5C20];
	[tilespmem:$0x1AD10] =	vst v48  }
0x1fc: {  	v54 =	vld [tilespmem:$0x5C10];
	[tilespmem:$0x1AD30] =	vst v49  }
0x1fd: {  	v55 =	vld [tilespmem:$0x5C00];
	[tilespmem:$0x1AD50] =	vst v50  }
0x1fe: {  	v56 =	vld [tilespmem:$0x5BF0];
	[tilespmem:$0x1AD70] =	vst v51  }
0x1ff: {  	v57 =	vld [tilespmem:$0x5BE0];
	[tilespmem:$0x1AD90] =	vst v52  }
0x200: {  	v58 =	vld [tilespmem:$0x5BD0];
	[tilespmem:$0x1ADB0] =	vst v53  }
0x201: {  	v59 =	vld [tilespmem:$0x5BC0];
	[tilespmem:$0x1ADD0] =	vst v54  }
0x202: {  	v60 =	vld [tilespmem:$0x5BB0];
	[tilespmem:$0x1ADF0] =	vst v55  }
0x203: {  	v61 =	vld [tilespmem:$0x5BA0];
	[tilespmem:$0x1AE10] =	vst v56  }
0x204: {  	v62 =	vld [tilespmem:$0x5B90];
	[tilespmem:$0x1AE30] =	vst v57  }
0x205: {  	v63 =	vld [tilespmem:$0x5B80];
	[tilespmem:$0x1AE50] =	vst v58  }
0x206: {  	v4 =	vld [tilespmem:$0x5B70];
	[tilespmem:$0x1AE70] =	vst v59  }
0x207: {  	v5 =	vld [tilespmem:$0x5B60];
	[tilespmem:$0x1AE90] =	vst v60  }
0x208: {  	v6 =	vld [tilespmem:$0x5B50];
	[tilespmem:$0x1AEB0] =	vst v61  }
0x209: {  	v7 =	vld [tilespmem:$0x5B40];
	[tilespmem:$0x1AED0] =	vst v62  }
0x20a: {  	v8 =	vld [tilespmem:$0x5B30];
	[tilespmem:$0x1AEF0] =	vst v63  }
0x20b: {  	v9 =	vld [tilespmem:$0x5B20];
	[tilespmem:$0x1AF10] =	vst v4  }
0x20c: {  	v10 =	vld [tilespmem:$0x5B10];
	[tilespmem:$0x1AF30] =	vst v5  }
0x20d: {  	v11 =	vld [tilespmem:$0x5B00];
	[tilespmem:$0x1AF50] =	vst v6  }
0x20e: {  	v12 =	vld [tilespmem:$0x5AF0];
	[tilespmem:$0x1AF70] =	vst v7  }
0x20f: {  	v13 =	vld [tilespmem:$0x5AE0];
	[tilespmem:$0x1AF90] =	vst v8  }
0x210: {  	v14 =	vld [tilespmem:$0x5AD0];
	[tilespmem:$0x1AFB0] =	vst v9  }
0x211: {  	v15 =	vld [tilespmem:$0x5AC0];
	[tilespmem:$0x1AFD0] =	vst v10  }
0x212: {  	v16 =	vld [tilespmem:$0x5AB0];
	[tilespmem:$0x1AFF0] =	vst v11  }
0x213: {  	v17 =	vld [tilespmem:$0x5AA0];
	[tilespmem:$0x1B010] =	vst v12  }
0x214: {  	v18 =	vld [tilespmem:$0x5A90];
	[tilespmem:$0x1B030] =	vst v13  }
0x215: {  	v19 =	vld [tilespmem:$0x5A80];
	[tilespmem:$0x1B050] =	vst v14  }
0x216: {  	v20 =	vld [tilespmem:$0x5A70];
	[tilespmem:$0x1B070] =	vst v15  }
0x217: {  	v21 =	vld [tilespmem:$0x5A60];
	[tilespmem:$0x1B090] =	vst v16  }
0x218: {  	v22 =	vld [tilespmem:$0x5A50];
	[tilespmem:$0x1B0B0] =	vst v17  }
0x219: {  	v23 =	vld [tilespmem:$0x5A40];
	[tilespmem:$0x1B0D0] =	vst v18  }
0x21a: {  	v24 =	vld [tilespmem:$0x5A30];
	[tilespmem:$0x1B0F0] =	vst v19  }
0x21b: {  	v25 =	vld [tilespmem:$0x5A20];
	[tilespmem:$0x1B110] =	vst v20  }
0x21c: {  	v26 =	vld [tilespmem:$0x5A10];
	[tilespmem:$0x1B130] =	vst v21  }
0x21d: {  	v27 =	vld [tilespmem:$0x5A00];
	[tilespmem:$0x1B150] =	vst v22  }
0x21e: {  	v28 =	vld [tilespmem:$0x59F0];
	[tilespmem:$0x1B170] =	vst v23  }
0x21f: {  	v29 =	vld [tilespmem:$0x59E0];
	[tilespmem:$0x1B190] =	vst v24  }
0x220: {  	v30 =	vld [tilespmem:$0x59D0];
	[tilespmem:$0x1B1B0] =	vst v25  }
0x221: {  	v31 =	vld [tilespmem:$0x59C0];
	[tilespmem:$0x1B1D0] =	vst v26  }
0x222: {  	v32 =	vld [tilespmem:$0x59B0];
	[tilespmem:$0x1B1F0] =	vst v27  }
0x223: {  	v33 =	vld [tilespmem:$0x59A0];
	[tilespmem:$0x1B210] =	vst v28  }
0x224: {  	v34 =	vld [tilespmem:$0x5990];
	[tilespmem:$0x1B230] =	vst v29  }
0x225: {  	v35 =	vld [tilespmem:$0x5980];
	[tilespmem:$0x1B250] =	vst v30  }
0x226: {  	v36 =	vld [tilespmem:$0x5970];
	[tilespmem:$0x1B270] =	vst v31  }
0x227: {  	v37 =	vld [tilespmem:$0x5960];
	[tilespmem:$0x1B290] =	vst v32  }
0x228: {  	v38 =	vld [tilespmem:$0x5950];
	[tilespmem:$0x1B2B0] =	vst v33  }
0x229: {  	v39 =	vld [tilespmem:$0x5940];
	[tilespmem:$0x1B2D0] =	vst v34  }
0x22a: {  	v40 =	vld [tilespmem:$0x5930];
	[tilespmem:$0x1B2F0] =	vst v35  }
0x22b: {  	v41 =	vld [tilespmem:$0x5920];
	[tilespmem:$0x1B310] =	vst v36  }
0x22c: {  	v42 =	vld [tilespmem:$0x5910];
	[tilespmem:$0x1B330] =	vst v37  }
0x22d: {  	v43 =	vld [tilespmem:$0x5900];
	[tilespmem:$0x1B350] =	vst v38  }
0x22e: {  	[tilespmem:$0x1B370] =	vst v39;
	v44 =	vld [tilespmem:$0x58F0]  }
0x22f: {  	[tilespmem:$0x1B390] =	vst v40;
	v45 =	vld [tilespmem:$0x58E0]  }
0x230: {  	[tilespmem:$0x1B3B0] =	vst v41;
	v46 =	vld [tilespmem:$0x58D0]  }
0x231: {  	[tilespmem:$0x1B3D0] =	vst v42;
	v47 =	vld [tilespmem:$0x58C0]  }
0x232: {  	[tilespmem:$0x1B3F0] =	vst v43;
	v48 =	vld [tilespmem:$0x58B0]  }
0x233: {  	v49 =	vld [tilespmem:$0x58A0];
	[tilespmem:$0x1B410] =	vst v44  }
0x234: {  	v50 =	vld [tilespmem:$0x5890];
	[tilespmem:$0x1B430] =	vst v45  }
0x235: {  	v51 =	vld [tilespmem:$0x5880];
	[tilespmem:$0x1B450] =	vst v46  }
0x236: {  	v52 =	vld [tilespmem:$0x5870];
	[tilespmem:$0x1B470] =	vst v47  }
0x237: {  	[tilespmem:$0x1B490] =	vst v48  }
0x238: {  	[tilespmem:$0x1B4B0] =	vst v49  }
0x239: {  	[tilespmem:$0x1B4D0] =	vst v50  }
0x23a: {  	[tilespmem:$0x1B4F0] =	vst v51  }
0x23b: {  	[tilespmem:$0x1B510] =	vst v52  }
0x23c: {  	v0 =	vld [tilespmem:$0x5860]  }
0x23d: {  	v53 =	vld [tilespmem:$0x5850]  }
0x23e: {  	v54 =	vld [tilespmem:$0x5840]  }
0x23f: {  	v55 =	vld [tilespmem:$0x5830]  }
0x240: {  	v56 =	vld [tilespmem:$0x5820]  }
0x241: {  	v57 =	vld [tilespmem:$0x5810];
	[tilespmem:$0x1B530] =	vst v0  }
0x242: {  	v58 =	vld [tilespmem:$0x5800];
	[tilespmem:$0x1B550] =	vst v53  }
0x243: {  	v59 =	vld [tilespmem:$0x57F0];
	[tilespmem:$0x1B570] =	vst v54  }
0x244: {  	v60 =	vld [tilespmem:$0x57E0];
	[tilespmem:$0x1B590] =	vst v55  }
0x245: {  	v61 =	vld [tilespmem:$0x57D0];
	[tilespmem:$0x1B5B0] =	vst v56  }
0x246: {  	v62 =	vld [tilespmem:$0x57C0];
	[tilespmem:$0x1B5D0] =	vst v57  }
0x247: {  	v63 =	vld [tilespmem:$0x57B0];
	[tilespmem:$0x1B5F0] =	vst v58  }
0x248: {  	v4 =	vld [tilespmem:$0x57A0];
	[tilespmem:$0x1B610] =	vst v59  }
0x249: {  	v5 =	vld [tilespmem:$0x5790];
	[tilespmem:$0x1B630] =	vst v60  }
0x24a: {  	v6 =	vld [tilespmem:$0x5780];
	[tilespmem:$0x1B650] =	vst v61  }
0x24b: {  	v7 =	vld [tilespmem:$0x5770];
	[tilespmem:$0x1B670] =	vst v62  }
0x24c: {  	v8 =	vld [tilespmem:$0x5760];
	[tilespmem:$0x1B690] =	vst v63  }
0x24d: {  	v9 =	vld [tilespmem:$0x5750];
	[tilespmem:$0x1B6B0] =	vst v4  }
0x24e: {  	v10 =	vld [tilespmem:$0x5740];
	[tilespmem:$0x1B6D0] =	vst v5  }
0x24f: {  	v11 =	vld [tilespmem:$0x5730];
	[tilespmem:$0x1B6F0] =	vst v6  }
0x250: {  	v12 =	vld [tilespmem:$0x5720];
	[tilespmem:$0x1B710] =	vst v7  }
0x251: {  	v13 =	vld [tilespmem:$0x5710];
	[tilespmem:$0x1B730] =	vst v8  }
0x252: {  	v14 =	vld [tilespmem:$0x5700];
	[tilespmem:$0x1B750] =	vst v9  }
0x253: {  	v15 =	vld [tilespmem:$0x56F0];
	[tilespmem:$0x1B770] =	vst v10  }
0x254: {  	v16 =	vld [tilespmem:$0x56E0];
	[tilespmem:$0x1B790] =	vst v11  }
0x255: {  	v17 =	vld [tilespmem:$0x56D0];
	[tilespmem:$0x1B7B0] =	vst v12  }
0x256: {  	v18 =	vld [tilespmem:$0x56C0];
	[tilespmem:$0x1B7D0] =	vst v13  }
0x257: {  	v19 =	vld [tilespmem:$0x56B0];
	[tilespmem:$0x1B7F0] =	vst v14  }
0x258: {  	v20 =	vld [tilespmem:$0x56A0];
	[tilespmem:$0x1B810] =	vst v15  }
0x259: {  	v21 =	vld [tilespmem:$0x5690];
	[tilespmem:$0x1B830] =	vst v16  }
0x25a: {  	v22 =	vld [tilespmem:$0x5680];
	[tilespmem:$0x1B850] =	vst v17  }
0x25b: {  	v23 =	vld [tilespmem:$0x5670];
	[tilespmem:$0x1B870] =	vst v18  }
0x25c: {  	v24 =	vld [tilespmem:$0x5660];
	[tilespmem:$0x1B890] =	vst v19  }
0x25d: {  	v25 =	vld [tilespmem:$0x5650];
	[tilespmem:$0x1B8B0] =	vst v20  }
0x25e: {  	v26 =	vld [tilespmem:$0x5640];
	[tilespmem:$0x1B8D0] =	vst v21  }
0x25f: {  	v27 =	vld [tilespmem:$0x5630];
	[tilespmem:$0x1B8F0] =	vst v22  }
0x260: {  	v28 =	vld [tilespmem:$0x5620];
	[tilespmem:$0x1B910] =	vst v23  }
0x261: {  	v29 =	vld [tilespmem:$0x5610];
	[tilespmem:$0x1B930] =	vst v24  }
0x262: {  	v30 =	vld [tilespmem:$0x5600];
	[tilespmem:$0x1B950] =	vst v25  }
0x263: {  	v31 =	vld [tilespmem:$0x55F0];
	[tilespmem:$0x1B970] =	vst v26  }
0x264: {  	v32 =	vld [tilespmem:$0x55E0];
	[tilespmem:$0x1B990] =	vst v27  }
0x265: {  	v33 =	vld [tilespmem:$0x55D0];
	[tilespmem:$0x1B9B0] =	vst v28  }
0x266: {  	v34 =	vld [tilespmem:$0x55C0];
	[tilespmem:$0x1B9D0] =	vst v29  }
0x267: {  	v35 =	vld [tilespmem:$0x55B0];
	[tilespmem:$0x1B9F0] =	vst v30  }
0x268: {  	v36 =	vld [tilespmem:$0x55A0];
	[tilespmem:$0x1BA10] =	vst v31  }
0x269: {  	v37 =	vld [tilespmem:$0x5590];
	[tilespmem:$0x1BA30] =	vst v32  }
0x26a: {  	v38 =	vld [tilespmem:$0x5580];
	[tilespmem:$0x1BA50] =	vst v33  }
0x26b: {  	v39 =	vld [tilespmem:$0x5570];
	[tilespmem:$0x1BA70] =	vst v34  }
0x26c: {  	v40 =	vld [tilespmem:$0x5560];
	[tilespmem:$0x1BA90] =	vst v35  }
0x26d: {  	v41 =	vld [tilespmem:$0x5550];
	[tilespmem:$0x1BAB0] =	vst v36  }
0x26e: {  	v42 =	vld [tilespmem:$0x5540];
	[tilespmem:$0x1BAD0] =	vst v37  }
0x26f: {  	v43 =	vld [tilespmem:$0x5530];
	[tilespmem:$0x1BAF0] =	vst v38  }
0x270: {  	v44 =	vld [tilespmem:$0x6460];
	[tilespmem:$0x1BB10] =	vst v39  }
0x271: {  	v45 =	vld [tilespmem:$0x6470];
	[tilespmem:$0x1BB30] =	vst v40  }
0x272: {  	v46 =	vld [tilespmem:$0x6480];
	[tilespmem:$0x1BB50] =	vst v41  }
0x273: {  	v47 =	vld [tilespmem:$0x6490];
	[tilespmem:$0x1BB70] =	vst v42  }
0x274: {  	v48 =	vld [tilespmem:$0x64A0];
	[tilespmem:$0x1BB90] =	vst v43  }
0x275: {  	v49 =	vld [tilespmem:$0x64B0];
	[tilespmem:$0x1C7D0] =	vst v44  }
0x276: {  	v50 =	vld [tilespmem:$0x64C0];
	[tilespmem:$0x1C7F0] =	vst v45  }
0x277: {  	v51 =	vld [tilespmem:$0x64D0];
	[tilespmem:$0x1C810] =	vst v46  }
0x278: {  	v52 =	vld [tilespmem:$0x64E0];
	[tilespmem:$0x1C830] =	vst v47  }
0x279: {  	[tilespmem:$0x1C850] =	vst v48;
	v53 =	vld [tilespmem:$0x64F0]  }
0x27a: {  	[tilespmem:$0x1C870] =	vst v49;
	v54 =	vld [tilespmem:$0x6500]  }
0x27b: {  	[tilespmem:$0x1C890] =	vst v50;
	v55 =	vld [tilespmem:$0x6510]  }
0x27c: {  	[tilespmem:$0x1C8B0] =	vst v51;
	v56 =	vld [tilespmem:$0x6520]  }
0x27d: {  	[tilespmem:$0x1C8D0] =	vst v52;
	v57 =	vld [tilespmem:$0x6530]  }
0x27e: {  	v58 =	vld [tilespmem:$0x6540];
	[tilespmem:$0x1C8F0] =	vst v53  }
0x27f: {  	v59 =	vld [tilespmem:$0x6550];
	[tilespmem:$0x1C910] =	vst v54  }
0x280: {  	v60 =	vld [tilespmem:$0x6560];
	[tilespmem:$0x1C930] =	vst v55  }
0x281: {  	v61 =	vld [tilespmem:$0x6570];
	[tilespmem:$0x1C950] =	vst v56  }
0x282: {  	v62 =	vld [tilespmem:$0x6580];
	[tilespmem:$0x1C970] =	vst v57  }
0x283: {  	v63 =	vld [tilespmem:$0x6590];
	[tilespmem:$0x1C990] =	vst v58  }
0x284: {  	v4 =	vld [tilespmem:$0x65A0];
	[tilespmem:$0x1C9B0] =	vst v59  }
0x285: {  	v5 =	vld [tilespmem:$0x65B0];
	[tilespmem:$0x1C9D0] =	vst v60  }
0x286: {  	v6 =	vld [tilespmem:$0x65C0];
	[tilespmem:$0x1C9F0] =	vst v61  }
0x287: {  	v7 =	vld [tilespmem:$0x65D0];
	[tilespmem:$0x1CA10] =	vst v62  }
0x288: {  	v8 =	vld [tilespmem:$0x65E0];
	[tilespmem:$0x1CA30] =	vst v63  }
0x289: {  	v9 =	vld [tilespmem:$0x65F0];
	[tilespmem:$0x1CA50] =	vst v4  }
0x28a: {  	v10 =	vld [tilespmem:$0x6600];
	[tilespmem:$0x1CA70] =	vst v5  }
0x28b: {  	v11 =	vld [tilespmem:$0x6610];
	[tilespmem:$0x1CA90] =	vst v6  }
0x28c: {  	v12 =	vld [tilespmem:$0x6620];
	[tilespmem:$0x1CAB0] =	vst v7  }
0x28d: {  	v13 =	vld [tilespmem:$0x6630];
	[tilespmem:$0x1CAD0] =	vst v8  }
0x28e: {  	v14 =	vld [tilespmem:$0x6640];
	[tilespmem:$0x1CAF0] =	vst v9  }
0x28f: {  	v15 =	vld [tilespmem:$0x6650];
	[tilespmem:$0x1CB10] =	vst v10  }
0x290: {  	v16 =	vld [tilespmem:$0x6660];
	[tilespmem:$0x1CB30] =	vst v11  }
0x291: {  	v17 =	vld [tilespmem:$0x6670];
	[tilespmem:$0x1CB50] =	vst v12  }
0x292: {  	v18 =	vld [tilespmem:$0x6680];
	[tilespmem:$0x1CB70] =	vst v13  }
0x293: {  	v19 =	vld [tilespmem:$0x6690];
	[tilespmem:$0x1CB90] =	vst v14  }
0x294: {  	v20 =	vld [tilespmem:$0x66A0];
	[tilespmem:$0x1CBB0] =	vst v15  }
0x295: {  	v21 =	vld [tilespmem:$0x66B0];
	[tilespmem:$0x1CBD0] =	vst v16  }
0x296: {  	v22 =	vld [tilespmem:$0x66C0];
	[tilespmem:$0x1CBF0] =	vst v17  }
0x297: {  	v23 =	vld [tilespmem:$0x66D0];
	[tilespmem:$0x1CC10] =	vst v18  }
0x298: {  	v24 =	vld [tilespmem:$0x66E0];
	[tilespmem:$0x1CC30] =	vst v19  }
0x299: {  	v25 =	vld [tilespmem:$0x66F0];
	[tilespmem:$0x1CC50] =	vst v20  }
0x29a: {  	v26 =	vld [tilespmem:$0x6700];
	[tilespmem:$0x1CC70] =	vst v21  }
0x29b: {  	v27 =	vld [tilespmem:$0x6710];
	[tilespmem:$0x1CC90] =	vst v22  }
0x29c: {  	v28 =	vld [tilespmem:$0x6720];
	[tilespmem:$0x1CCB0] =	vst v23  }
0x29d: {  	v29 =	vld [tilespmem:$0x6730];
	[tilespmem:$0x1CCD0] =	vst v24  }
0x29e: {  	v30 =	vld [tilespmem:$0x6740];
	[tilespmem:$0x1CCF0] =	vst v25  }
0x29f: {  	v31 =	vld [tilespmem:$0x6750];
	[tilespmem:$0x1CD10] =	vst v26  }
0x2a0: {  	v32 =	vld [tilespmem:$0x6760];
	[tilespmem:$0x1CD30] =	vst v27  }
0x2a1: {  	v33 =	vld [tilespmem:$0x6770];
	[tilespmem:$0x1CD50] =	vst v28  }
0x2a2: {  	v34 =	vld [tilespmem:$0x6780];
	[tilespmem:$0x1CD70] =	vst v29  }
0x2a3: {  	v35 =	vld [tilespmem:$0x6790];
	[tilespmem:$0x1CD90] =	vst v30  }
0x2a4: {  	v36 =	vld [tilespmem:$0x67A0];
	[tilespmem:$0x1CDB0] =	vst v31  }
0x2a5: {  	v37 =	vld [tilespmem:$0x67B0];
	[tilespmem:$0x1CDD0] =	vst v32  }
0x2a6: {  	v38 =	vld [tilespmem:$0x67C0];
	[tilespmem:$0x1CDF0] =	vst v33  }
0x2a7: {  	v39 =	vld [tilespmem:$0x67D0];
	[tilespmem:$0x1CE10] =	vst v34  }
0x2a8: {  	v40 =	vld [tilespmem:$0x67E0];
	[tilespmem:$0x1CE30] =	vst v35  }
0x2a9: {  	v41 =	vld [tilespmem:$0x67F0];
	[tilespmem:$0x1CE50] =	vst v36  }
0x2aa: {  	v42 =	vld [tilespmem:$0x6800];
	[tilespmem:$0x1CE70] =	vst v37  }
0x2ab: {  	v43 =	vld [tilespmem:$0x6810];
	[tilespmem:$0x1CE90] =	vst v38  }
0x2ac: {  	v44 =	vld [tilespmem:$0x6820];
	[tilespmem:$0x1CEB0] =	vst v39  }
0x2ad: {  	v45 =	vld [tilespmem:$0x6830];
	[tilespmem:$0x1CED0] =	vst v40  }
0x2ae: {  	v46 =	vld [tilespmem:$0x6840];
	[tilespmem:$0x1CEF0] =	vst v41  }
0x2af: {  	v47 =	vld [tilespmem:$0x6850];
	[tilespmem:$0x1CF10] =	vst v42  }
0x2b0: {  	v48 =	vld [tilespmem:$0x6860];
	[tilespmem:$0x1CF30] =	vst v43  }
0x2b1: {  	v49 =	vld [tilespmem:$0x6870];
	[tilespmem:$0x1CF50] =	vst v44  }
0x2b2: {  	v50 =	vld [tilespmem:$0x6880];
	[tilespmem:$0x1CF70] =	vst v45  }
0x2b3: {  	v51 =	vld [tilespmem:$0x6890];
	[tilespmem:$0x1CF90] =	vst v46  }
0x2b4: {  	v52 =	vld [tilespmem:$0x68A0];
	[tilespmem:$0x1CFB0] =	vst v47  }
0x2b5: {  	[tilespmem:$0x1CFD0] =	vst v48;
	v53 =	vld [tilespmem:$0x68B0]  }
0x2b6: {  	[tilespmem:$0x1CFF0] =	vst v49;
	v54 =	vld [tilespmem:$0x68C0]  }
0x2b7: {  	[tilespmem:$0x1D010] =	vst v50;
	v55 =	vld [tilespmem:$0x68D0]  }
0x2b8: {  	[tilespmem:$0x1D030] =	vst v51;
	v56 =	vld [tilespmem:$0x68E0]  }
0x2b9: {  	[tilespmem:$0x1D050] =	vst v52;
	v57 =	vld [tilespmem:$0x68F0]  }
0x2ba: {  	v58 =	vld [tilespmem:$0x6900];
	[tilespmem:$0x1D070] =	vst v53  }
0x2bb: {  	v59 =	vld [tilespmem:$0x6910];
	[tilespmem:$0x1D090] =	vst v54  }
0x2bc: {  	v60 =	vld [tilespmem:$0x6920];
	[tilespmem:$0x1D0B0] =	vst v55  }
0x2bd: {  	v61 =	vld [tilespmem:$0x6930];
	[tilespmem:$0x1D0D0] =	vst v56  }
0x2be: {  	v62 =	vld [tilespmem:$0x6940];
	[tilespmem:$0x1D0F0] =	vst v57  }
0x2bf: {  	v63 =	vld [tilespmem:$0x6950];
	[tilespmem:$0x1D110] =	vst v58  }
0x2c0: {  	v4 =	vld [tilespmem:$0x6960];
	[tilespmem:$0x1D130] =	vst v59  }
0x2c1: {  	v5 =	vld [tilespmem:$0x6970];
	[tilespmem:$0x1D150] =	vst v60  }
0x2c2: {  	v6 =	vld [tilespmem:$0x6980];
	[tilespmem:$0x1D170] =	vst v61  }
0x2c3: {  	v7 =	vld [tilespmem:$0x6990];
	[tilespmem:$0x1D190] =	vst v62  }
0x2c4: {  	v8 =	vld [tilespmem:$0x69A0];
	[tilespmem:$0x1D1B0] =	vst v63  }
0x2c5: {  	v9 =	vld [tilespmem:$0x69B0];
	[tilespmem:$0x1D1D0] =	vst v4  }
0x2c6: {  	v10 =	vld [tilespmem:$0x69C0];
	[tilespmem:$0x1D1F0] =	vst v5  }
0x2c7: {  	v11 =	vld [tilespmem:$0x69D0];
	[tilespmem:$0x1D210] =	vst v6  }
0x2c8: {  	v12 =	vld [tilespmem:$0x69E0];
	[tilespmem:$0x1D230] =	vst v7  }
0x2c9: {  	v13 =	vld [tilespmem:$0x69F0];
	[tilespmem:$0x1D250] =	vst v8  }
0x2ca: {  	v14 =	vld [tilespmem:$0x6A00];
	[tilespmem:$0x1D270] =	vst v9  }
0x2cb: {  	v15 =	vld [tilespmem:$0x6A10];
	[tilespmem:$0x1D290] =	vst v10  }
0x2cc: {  	v16 =	vld [tilespmem:$0x6A20];
	[tilespmem:$0x1D2B0] =	vst v11  }
0x2cd: {  	v17 =	vld [tilespmem:$0x6A30];
	[tilespmem:$0x1D2D0] =	vst v12  }
0x2ce: {  	v18 =	vld [tilespmem:$0x6A40];
	[tilespmem:$0x1D2F0] =	vst v13  }
0x2cf: {  	v19 =	vld [tilespmem:$0x6A50];
	[tilespmem:$0x1D310] =	vst v14  }
0x2d0: {  	v20 =	vld [tilespmem:$0x6A60];
	[tilespmem:$0x1D330] =	vst v15  }
0x2d1: {  	v21 =	vld [tilespmem:$0x6A70];
	[tilespmem:$0x1D350] =	vst v16  }
0x2d2: {  	v22 =	vld [tilespmem:$0x6A80];
	[tilespmem:$0x1D370] =	vst v17  }
0x2d3: {  	v23 =	vld [tilespmem:$0x6A90];
	[tilespmem:$0x1D390] =	vst v18  }
0x2d4: {  	v24 =	vld [tilespmem:$0x6AA0];
	[tilespmem:$0x1D3B0] =	vst v19  }
0x2d5: {  	v25 =	vld [tilespmem:$0x6AB0];
	[tilespmem:$0x1D3D0] =	vst v20  }
0x2d6: {  	v26 =	vld [tilespmem:$0x6AC0];
	[tilespmem:$0x1D3F0] =	vst v21  }
0x2d7: {  	v27 =	vld [tilespmem:$0x6AD0];
	[tilespmem:$0x1D410] =	vst v22  }
0x2d8: {  	v28 =	vld [tilespmem:$0x6AE0];
	[tilespmem:$0x1D430] =	vst v23  }
0x2d9: {  	v29 =	vld [tilespmem:$0x6AF0];
	[tilespmem:$0x1D450] =	vst v24  }
0x2da: {  	v30 =	vld [tilespmem:$0x6B00];
	[tilespmem:$0x1D470] =	vst v25  }
0x2db: {  	v31 =	vld [tilespmem:$0x6B10];
	[tilespmem:$0x1D490] =	vst v26  }
0x2dc: {  	v32 =	vld [tilespmem:$0x6B20];
	[tilespmem:$0x1D4B0] =	vst v27  }
0x2dd: {  	v33 =	vld [tilespmem:$0x6B30];
	[tilespmem:$0x1D4D0] =	vst v28  }
0x2de: {  	v34 =	vld [tilespmem:$0x6B40];
	[tilespmem:$0x1D4F0] =	vst v29  }
0x2df: {  	v35 =	vld [tilespmem:$0x6B50];
	[tilespmem:$0x1D510] =	vst v30  }
0x2e0: {  	v36 =	vld [tilespmem:$0x6B60];
	[tilespmem:$0x1D530] =	vst v31  }
0x2e1: {  	v37 =	vld [tilespmem:$0x6B70];
	[tilespmem:$0x1D550] =	vst v32  }
0x2e2: {  	v38 =	vld [tilespmem:$0x6B80];
	[tilespmem:$0x1D570] =	vst v33  }
0x2e3: {  	v39 =	vld [tilespmem:$0x6B90];
	[tilespmem:$0x1D590] =	vst v34  }
0x2e4: {  	v40 =	vld [tilespmem:$0x6BA0];
	[tilespmem:$0x1D5B0] =	vst v35  }
0x2e5: {  	v41 =	vld [tilespmem:$0x6BB0];
	[tilespmem:$0x1D5D0] =	vst v36  }
0x2e6: {  	v42 =	vld [tilespmem:$0x6BC0];
	[tilespmem:$0x1D5F0] =	vst v37  }
0x2e7: {  	v43 =	vld [tilespmem:$0x6BD0];
	[tilespmem:$0x1D610] =	vst v38  }
0x2e8: {  	v44 =	vld [tilespmem:$0x6BE0];
	[tilespmem:$0x1D630] =	vst v39  }
0x2e9: {  	v45 =	vld [tilespmem:$0x6BF0];
	[tilespmem:$0x1D650] =	vst v40  }
0x2ea: {  	v46 =	vld [tilespmem:$0x6C00];
	[tilespmem:$0x1D670] =	vst v41  }
0x2eb: {  	v47 =	vld [tilespmem:$0x6C10];
	[tilespmem:$0x1D690] =	vst v42  }
0x2ec: {  	v48 =	vld [tilespmem:$0x6C20];
	[tilespmem:$0x1D6B0] =	vst v43  }
0x2ed: {  	v49 =	vld [tilespmem:$0x6C30];
	[tilespmem:$0x1D6D0] =	vst v44  }
0x2ee: {  	v50 =	vld [tilespmem:$0x6C40];
	[tilespmem:$0x1D6F0] =	vst v45  }
0x2ef: {  	v51 =	vld [tilespmem:$0x6C50];
	[tilespmem:$0x1D710] =	vst v46  }
0x2f0: {  	v52 =	vld [tilespmem:$0x6C60];
	[tilespmem:$0x1D730] =	vst v47  }
0x2f1: {  	[tilespmem:$0x1D750] =	vst v48;
	v53 =	vld [tilespmem:$0x6C70]  }
0x2f2: {  	[tilespmem:$0x1D770] =	vst v49;
	v54 =	vld [tilespmem:$0x6C80]  }
0x2f3: {  	[tilespmem:$0x1D790] =	vst v50;
	v55 =	vld [tilespmem:$0x6C90]  }
0x2f4: {  	[tilespmem:$0x1D7B0] =	vst v51;
	v56 =	vld [tilespmem:$0x6CA0]  }
0x2f5: {  	[tilespmem:$0x1D7D0] =	vst v52;
	v57 =	vld [tilespmem:$0x6CB0]  }
0x2f6: {  	v58 =	vld [tilespmem:$0x6CC0];
	[tilespmem:$0x1D7F0] =	vst v53  }
0x2f7: {  	v59 =	vld [tilespmem:$0x6CD0];
	[tilespmem:$0x1D810] =	vst v54  }
0x2f8: {  	v60 =	vld [tilespmem:$0x6CE0];
	[tilespmem:$0x1D830] =	vst v55  }
0x2f9: {  	v61 =	vld [tilespmem:$0x6CF0];
	[tilespmem:$0x1D850] =	vst v56  }
0x2fa: {  	v62 =	vld [tilespmem:$0x6D00];
	[tilespmem:$0x1D870] =	vst v57  }
0x2fb: {  	v63 =	vld [tilespmem:$0x6D10];
	[tilespmem:$0x1D890] =	vst v58  }
0x2fc: {  	v4 =	vld [tilespmem:$0x6D20];
	[tilespmem:$0x1D8B0] =	vst v59  }
0x2fd: {  	v5 =	vld [tilespmem:$0x6D30];
	[tilespmem:$0x1D8D0] =	vst v60  }
0x2fe: {  	v6 =	vld [tilespmem:$0x6D40];
	[tilespmem:$0x1D8F0] =	vst v61  }
0x2ff: {  	v7 =	vld [tilespmem:$0x6D50];
	[tilespmem:$0x1D910] =	vst v62  }
0x300: {  	v8 =	vld [tilespmem:$0x6D60];
	[tilespmem:$0x1D930] =	vst v63  }
0x301: {  	v9 =	vld [tilespmem:$0x6D70];
	[tilespmem:$0x1D950] =	vst v4  }
0x302: {  	v10 =	vld [tilespmem:$0x6D80];
	[tilespmem:$0x1D970] =	vst v5  }
0x303: {  	v11 =	vld [tilespmem:$0x6D90];
	[tilespmem:$0x1D990] =	vst v6  }
0x304: {  	v12 =	vld [tilespmem:$0x6DA0];
	[tilespmem:$0x1D9B0] =	vst v7  }
0x305: {  	v13 =	vld [tilespmem:$0x6DB0];
	[tilespmem:$0x1D9D0] =	vst v8  }
0x306: {  	v14 =	vld [tilespmem:$0x6DC0];
	[tilespmem:$0x1D9F0] =	vst v9  }
0x307: {  	v15 =	vld [tilespmem:$0x6DD0];
	[tilespmem:$0x1DA10] =	vst v10  }
0x308: {  	v16 =	vld [tilespmem:$0x6DE0];
	[tilespmem:$0x1DA30] =	vst v11  }
0x309: {  	v17 =	vld [tilespmem:$0x6DF0];
	[tilespmem:$0x1DA50] =	vst v12  }
0x30a: {  	v18 =	vld [tilespmem:$0x6E00];
	[tilespmem:$0x1DA70] =	vst v13  }
0x30b: {  	v19 =	vld [tilespmem:$0x6E10];
	[tilespmem:$0x1DA90] =	vst v14  }
0x30c: {  	v20 =	vld [tilespmem:$0x6E20];
	[tilespmem:$0x1DAB0] =	vst v15  }
0x30d: {  	v21 =	vld [tilespmem:$0x6E30];
	[tilespmem:$0x1DAD0] =	vst v16  }
0x30e: {  	v22 =	vld [tilespmem:$0x6E40];
	[tilespmem:$0x1DAF0] =	vst v17  }
0x30f: {  	v23 =	vld [tilespmem:$0x6E50];
	[tilespmem:$0x1DB10] =	vst v18  }
0x310: {  	v24 =	vld [tilespmem:$0x6E60];
	[tilespmem:$0x1DB30] =	vst v19  }
0x311: {  	v25 =	vld [tilespmem:$0x6E70];
	[tilespmem:$0x1DB50] =	vst v20  }
0x312: {  	v26 =	vld [tilespmem:$0x6E80];
	[tilespmem:$0x1DB70] =	vst v21  }
0x313: {  	v27 =	vld [tilespmem:$0x6E90];
	[tilespmem:$0x1DB90] =	vst v22  }
0x314: {  	v28 =	vld [tilespmem:$0x6EA0];
	[tilespmem:$0x1DBB0] =	vst v23  }
0x315: {  	v29 =	vld [tilespmem:$0x6EB0];
	[tilespmem:$0x1DBD0] =	vst v24  }
0x316: {  	v30 =	vld [tilespmem:$0x6EC0];
	[tilespmem:$0x1DBF0] =	vst v25  }
0x317: {  	v31 =	vld [tilespmem:$0x6ED0];
	[tilespmem:$0x1DC10] =	vst v26  }
0x318: {  	v32 =	vld [tilespmem:$0x6EE0];
	[tilespmem:$0x1DC30] =	vst v27  }
0x319: {  	v33 =	vld [tilespmem:$0x6EF0];
	[tilespmem:$0x1DC50] =	vst v28  }
0x31a: {  	v34 =	vld [tilespmem:$0x6F00];
	[tilespmem:$0x1DC70] =	vst v29  }
0x31b: {  	v35 =	vld [tilespmem:$0x6F10];
	[tilespmem:$0x1DC90] =	vst v30  }
0x31c: {  	v36 =	vld [tilespmem:$0x6F20];
	[tilespmem:$0x1DCB0] =	vst v31  }
0x31d: {  	v37 =	vld [tilespmem:$0x6F30];
	[tilespmem:$0x1DCD0] =	vst v32  }
0x31e: {  	v38 =	vld [tilespmem:$0x6F40];
	[tilespmem:$0x1DCF0] =	vst v33  }
0x31f: {  	v39 =	vld [tilespmem:$0x6F50];
	[tilespmem:$0x1DD10] =	vst v34  }
0x320: {  	v40 =	vld [tilespmem:$0x6F60];
	[tilespmem:$0x1DD30] =	vst v35  }
0x321: {  	v41 =	vld [tilespmem:$0x6F70];
	[tilespmem:$0x1DD50] =	vst v36  }
0x322: {  	v42 =	vld [tilespmem:$0x6F80];
	[tilespmem:$0x1DD70] =	vst v37  }
0x323: {  	v43 =	vld [tilespmem:$0x6F90];
	[tilespmem:$0x1DD90] =	vst v38  }
0x324: {  	v44 =	vld [tilespmem:$0x6FA0];
	[tilespmem:$0x1DDB0] =	vst v39  }
0x325: {  	v45 =	vld [tilespmem:$0x6FB0];
	[tilespmem:$0x1DDD0] =	vst v40  }
0x326: {  	v46 =	vld [tilespmem:$0x6FC0];
	[tilespmem:$0x1DDF0] =	vst v41  }
0x327: {  	v47 =	vld [tilespmem:$0x6FD0];
	[tilespmem:$0x1DE10] =	vst v42  }
0x328: {  	v48 =	vld [tilespmem:$0x6FE0];
	[tilespmem:$0x1DE30] =	vst v43  }
0x329: {  	v49 =	vld [tilespmem:$0x6FF0];
	[tilespmem:$0x1DE50] =	vst v44  }
0x32a: {  	v50 =	vld [tilespmem:$0x7000];
	[tilespmem:$0x1DE70] =	vst v45  }
0x32b: {  	v51 =	vld [tilespmem:$0x7010];
	[tilespmem:$0x1DE90] =	vst v46  }
0x32c: {  	v52 =	vld [tilespmem:$0x7020];
	[tilespmem:$0x1DEB0] =	vst v47  }
0x32d: {  	[tilespmem:$0x1DED0] =	vst v48;
	v53 =	vld [tilespmem:$0x7030]  }
0x32e: {  	[tilespmem:$0x1DEF0] =	vst v49;
	v54 =	vld [tilespmem:$0x7040]  }
0x32f: {  	[tilespmem:$0x1DF10] =	vst v50;
	v55 =	vld [tilespmem:$0x7050]  }
0x330: {  	[tilespmem:$0x1DF30] =	vst v51;
	v56 =	vld [tilespmem:$0x7060]  }
0x331: {  	[tilespmem:$0x1DF50] =	vst v52;
	v57 =	vld [tilespmem:$0x7070]  }
0x332: {  	v58 =	vld [tilespmem:$0x7080];
	[tilespmem:$0x1DF70] =	vst v53  }
0x333: {  	v59 =	vld [tilespmem:$0x7090];
	[tilespmem:$0x1DF90] =	vst v54  }
0x334: {  	v60 =	vld [tilespmem:$0x70A0];
	[tilespmem:$0x1DFB0] =	vst v55  }
0x335: {  	v61 =	vld [tilespmem:$0x70B0];
	[tilespmem:$0x1DFD0] =	vst v56  }
0x336: {  	[tilespmem:$0x1DFF0] =	vst v57  }
0x337: {  	[tilespmem:$0x1E010] =	vst v58  }
0x338: {  	[tilespmem:$0x1E030] =	vst v59  }
0x339: {  	[tilespmem:$0x1E050] =	vst v60  }
0x33a: {  	[tilespmem:$0x1E070] =	vst v61  }
0x33b: {  	v0 =	vld [tilespmem:$0x70C0]  }
0x33c: {  	v62 =	vld [tilespmem:$0x70D0]  }
0x33d: {  	v63 =	vld [tilespmem:$0x70E0]  }
0x33e: {  	v4 =	vld [tilespmem:$0x70F0]  }
0x33f: {  	v5 =	vld [tilespmem:$0x7100]  }
0x340: {  	v6 =	vld [tilespmem:$0x7110];
	[tilespmem:$0x1E090] =	vst v0  }
0x341: {  	v7 =	vld [tilespmem:$0x7120];
	[tilespmem:$0x1E0B0] =	vst v62  }
0x342: {  	v8 =	vld [tilespmem:$0x7130];
	[tilespmem:$0x1E0D0] =	vst v63  }
0x343: {  	v9 =	vld [tilespmem:$0x7140];
	[tilespmem:$0x1E0F0] =	vst v4  }
0x344: {  	v10 =	vld [tilespmem:$0x7150];
	[tilespmem:$0x1E110] =	vst v5  }
0x345: {  	v11 =	vld [tilespmem:$0x7160];
	[tilespmem:$0x1E130] =	vst v6  }
0x346: {  	v12 =	vld [tilespmem:$0x7170];
	[tilespmem:$0x1E150] =	vst v7  }
0x347: {  	v13 =	vld [tilespmem:$0x7180];
	[tilespmem:$0x1E170] =	vst v8  }
0x348: {  	v14 =	vld [tilespmem:$0x7190];
	[tilespmem:$0x1E190] =	vst v9  }
0x349: {  	v15 =	vld [tilespmem:$0x71A0];
	[tilespmem:$0x1E1B0] =	vst v10  }
0x34a: {  	v16 =	vld [tilespmem:$0x71B0];
	[tilespmem:$0x1FFB0] =	vst v11  }
0x34b: {  	v17 =	vld [tilespmem:$0x71C0];
	[tilespmem:$0x1FFC0] =	vst v12  }
0x34c: {  	v18 =	vld [tilespmem:$0x71D0];
	[tilespmem:$0x1FF70] =	vst v13  }
0x34d: {  	v19 =	vld [tilespmem:$0x71E0];
	[tilespmem:$0x1FF50] =	vst v14  }
0x34e: {  	v20 =	vld [tilespmem:$0x71F0];
	[tilespmem:$0x1FF30] =	vst v15  }
0x34f: {  	v21 =	vld [tilespmem:$0x7200];
	[tilespmem:$0x1FF10] =	vst v16  }
0x350: {  	v22 =	vld [tilespmem:$0x7210];
	[tilespmem:$0x1FEF0] =	vst v17  }
0x351: {  	v23 =	vld [tilespmem:$0x7220];
	[tilespmem:$0x1FED0] =	vst v18  }
0x352: {  	v24 =	vld [tilespmem:$0x7230];
	[tilespmem:$0x1FEB0] =	vst v19  }
0x353: {  	v25 =	vld [tilespmem:$0x7240];
	[tilespmem:$0x1FE90] =	vst v20  }
0x354: {  	v26 =	vld [tilespmem:$0x7250];
	[tilespmem:$0x1FE70] =	vst v21  }
0x355: {  	v27 =	vld [tilespmem:$0x7260];
	[tilespmem:$0x1FE50] =	vst v22  }
0x356: {  	v28 =	vld [tilespmem:$0x7270];
	[tilespmem:$0x1FE30] =	vst v23  }
0x357: {  	v29 =	vld [tilespmem:$0x7280];
	[tilespmem:$0x1FE10] =	vst v24  }
0x358: {  	v30 =	vld [tilespmem:$0x7290];
	[tilespmem:$0x1FDF0] =	vst v25  }
0x359: {  	v31 =	vld [tilespmem:$0x72A0];
	[tilespmem:$0x1FDD0] =	vst v26  }
0x35a: {  	v32 =	vld [tilespmem:$0x72B0];
	[tilespmem:$0x1FDB0] =	vst v27  }
0x35b: {  	v33 =	vld [tilespmem:$0x72C0];
	[tilespmem:$0x1FD90] =	vst v28  }
0x35c: {  	v34 =	vld [tilespmem:$0x72D0];
	[tilespmem:$0x1FD70] =	vst v29  }
0x35d: {  	v35 =	vld [tilespmem:$0x72E0];
	[tilespmem:$0x1FD50] =	vst v30  }
0x35e: {  	v36 =	vld [tilespmem:$0x72F0];
	[tilespmem:$0x1FD30] =	vst v31  }
0x35f: {  	v37 =	vld [tilespmem:$0x7300];
	[tilespmem:$0x1FD10] =	vst v32  }
0x360: {  	v38 =	vld [tilespmem:$0x7310];
	[tilespmem:$0x1FCF0] =	vst v33  }
0x361: {  	v39 =	vld [tilespmem:$0x7320];
	[tilespmem:$0x1FCD0] =	vst v34  }
0x362: {  	v40 =	vld [tilespmem:$0x7330];
	[tilespmem:$0x1FCB0] =	vst v35  }
0x363: {  	v41 =	vld [tilespmem:$0x7340];
	[tilespmem:$0x1FC90] =	vst v36  }
0x364: {  	v42 =	vld [tilespmem:$0x7350];
	[tilespmem:$0x1FC70] =	vst v37  }
0x365: {  	v43 =	vld [tilespmem:$0x7360];
	[tilespmem:$0x1FC50] =	vst v38  }
0x366: {  	v44 =	vld [tilespmem:$0x7370];
	[tilespmem:$0x1FC30] =	vst v39  }
0x367: {  	v45 =	vld [tilespmem:$0x7380];
	[tilespmem:$0x1FC10] =	vst v40  }
0x368: {  	v46 =	vld [tilespmem:$0x7390];
	[tilespmem:$0x1FBF0] =	vst v41  }
0x369: {  	v47 =	vld [tilespmem:$0x73A0];
	[tilespmem:$0x1FBD0] =	vst v42  }
0x36a: {  	v48 =	vld [tilespmem:$0x73B0];
	[tilespmem:$0x1FBB0] =	vst v43  }
0x36b: {  	v49 =	vld [tilespmem:$0x73C0];
	[tilespmem:$0x1FB90] =	vst v44  }
0x36c: {  	v50 =	vld [tilespmem:$0x73D0];
	[tilespmem:$0x1FB70] =	vst v45  }
0x36d: {  	v51 =	vld [tilespmem:$0x73E0];
	[tilespmem:$0x1FB50] =	vst v46  }
0x36e: {  	v52 =	vld [tilespmem:$0x73F0];
	[tilespmem:$0x1FB30] =	vst v47  }
0x36f: {  	v53 =	vld [tilespmem:$0x7400];
	[tilespmem:$0x1FB10] =	vst v48  }
0x370: {  	v54 =	vld [tilespmem:$0x7410];
	[tilespmem:$0x1FAF0] =	vst v49  }
0x371: {  	v55 =	vld [tilespmem:$0x7420];
	[tilespmem:$0x1FAD0] =	vst v50  }
0x372: {  	v56 =	vld [tilespmem:$0x7430];
	[tilespmem:$0x1FAB0] =	vst v51  }
0x373: {  	v57 =	vld [tilespmem:$0x7440];
	[tilespmem:$0x1FA90] =	vst v52  }
0x374: {  	v58 =	vld [tilespmem:$0x7450];
	[tilespmem:$0x1FA70] =	vst v53  }
0x375: {  	v59 =	vld [tilespmem:$0x7460];
	[tilespmem:$0x1FA50] =	vst v54  }
0x376: {  	v60 =	vld [tilespmem:$0x8210];
	[tilespmem:$0x1FA30] =	vst v55  }
0x377: {  	v61 =	vld [tilespmem:$0x8200];
	[tilespmem:$0x1FA10] =	vst v56  }
0x378: {  	[tilespmem:$0x1F9F0] =	vst v57;
	v62 =	vld [tilespmem:$0x81F0]  }
0x379: {  	[tilespmem:$0x1F9D0] =	vst v58;
	v63 =	vld [tilespmem:$0x81E0]  }
0x37a: {  	[tilespmem:$0x1F9B0] =	vst v59;
	v4 =	vld [tilespmem:$0x81D0]  }
0x37b: {  	[tilespmem:$0x18700] =	vst v60;
	v5 =	vld [tilespmem:$0x81C0]  }
0x37c: {  	[tilespmem:$0x186E0] =	vst v61;
	v6 =	vld [tilespmem:$0x81B0]  }
0x37d: {  	v7 =	vld [tilespmem:$0x81A0];
	[tilespmem:$0x186C0] =	vst v62  }
0x37e: {  	v8 =	vld [tilespmem:$0x8190];
	[tilespmem:$0x186A0] =	vst v63  }
0x37f: {  	v9 =	vld [tilespmem:$0x8180];
	[tilespmem:$0x18680] =	vst v4  }
0x380: {  	v10 =	vld [tilespmem:$0x8170];
	[tilespmem:$0x18660] =	vst v5  }
0x381: {  	v11 =	vld [tilespmem:$0x8160];
	[tilespmem:$0x18640] =	vst v6  }
0x382: {  	v12 =	vld [tilespmem:$0x8150];
	[tilespmem:$0x18620] =	vst v7  }
0x383: {  	v13 =	vld [tilespmem:$0x8140];
	[tilespmem:$0x18600] =	vst v8  }
0x384: {  	v14 =	vld [tilespmem:$0x8130];
	[tilespmem:$0x185E0] =	vst v9  }
0x385: {  	v15 =	vld [tilespmem:$0x8120];
	[tilespmem:$0x185C0] =	vst v10  }
0x386: {  	v16 =	vld [tilespmem:$0x8110];
	[tilespmem:$0x185A0] =	vst v11  }
0x387: {  	v17 =	vld [tilespmem:$0x8100];
	[tilespmem:$0x18580] =	vst v12  }
0x388: {  	v18 =	vld [tilespmem:$0x80F0];
	[tilespmem:$0x18560] =	vst v13  }
0x389: {  	v19 =	vld [tilespmem:$0x80E0];
	[tilespmem:$0x18540] =	vst v14  }
0x38a: {  	v20 =	vld [tilespmem:$0x80D0];
	[tilespmem:$0x18520] =	vst v15  }
0x38b: {  	v21 =	vld [tilespmem:$0x80C0];
	[tilespmem:$0x18500] =	vst v16  }
0x38c: {  	v22 =	vld [tilespmem:$0x80B0];
	[tilespmem:$0x184E0] =	vst v17  }
0x38d: {  	v23 =	vld [tilespmem:$0x8090];
	[tilespmem:$0x184C0] =	vst v18  }
0x38e: {  	v24 =	vld [tilespmem:$0x7EF0];
	[tilespmem:$0x184A0] =	vst v19  }
0x38f: {  	v25 =	vld [tilespmem:$0xC060];
	[tilespmem:$0x18480] =	vst v20  }
0x390: {  	v26 =	vld [tilespmem:$0xC050];
	[tilespmem:$0x18460] =	vst v21  }
0x391: {  	v27 =	vld [tilespmem:$0xC040];
	[tilespmem:$0x18440] =	vst v22  }
0x392: {  	v28 =	vld [tilespmem:$0xC030];
	[tilespmem:$0x18410] =	vst v23  }
0x393: {  	v29 =	vld [tilespmem:$0xC020];
	[tilespmem:$0x1E490] =	vst v24  }
0x394: {  	v30 =	vld [tilespmem:$0xC010];
	[tilespmem:$0x1FF90] =	vst v25  }
0x395: {  	v31 =	vld [tilespmem:$0xC000];
	[tilespmem:$0x1E1D0] =	vst v26  }
0x396: {  	v32 =	vld [tilespmem:$0xBFF0];
	[tilespmem:$0x1E1F0] =	vst v27  }
0x397: {  	v33 =	vld [tilespmem:$0xBFE0];
	[tilespmem:$0x1E210] =	vst v28  }
0x398: {  	v34 =	vld [tilespmem:$0xBFD0];
	[tilespmem:$0x1E230] =	vst v29  }
0x399: {  	v35 =	vld [tilespmem:$0xBFC0];
	[tilespmem:$0x1E250] =	vst v30  }
0x39a: {  	v36 =	vld [tilespmem:$0xBFB0];
	[tilespmem:$0x1E270] =	vst v31  }
0x39b: {  	v37 =	vld [tilespmem:$0xBFA0];
	[tilespmem:$0x1E290] =	vst v32  }
0x39c: {  	v38 =	vld [tilespmem:$0xBF90];
	[tilespmem:$0x1E2B0] =	vst v33  }
0x39d: {  	v39 =	vld [tilespmem:$0xBF80];
	[tilespmem:$0x1E2D0] =	vst v34  }
0x39e: {  	v40 =	vld [tilespmem:$0xBF70];
	[tilespmem:$0x1E2F0] =	vst v35  }
0x39f: {  	v41 =	vld [tilespmem:$0xBF60];
	[tilespmem:$0x1E310] =	vst v36  }
0x3a0: {  	v42 =	vld [tilespmem:$0xBF50];
	[tilespmem:$0x1E330] =	vst v37  }
0x3a1: {  	v43 =	vld [tilespmem:$0xBF40];
	[tilespmem:$0x1E350] =	vst v38  }
0x3a2: {  	v44 =	vld [tilespmem:$0xBF30];
	[tilespmem:$0x1E370] =	vst v39  }
0x3a3: {  	v45 =	vld [tilespmem:$0xBF20];
	[tilespmem:$0x1E390] =	vst v40  }
0x3a4: {  	v46 =	vld [tilespmem:$0xBF10];
	[tilespmem:$0x1E3B0] =	vst v41  }
0x3a5: {  	v47 =	vld [tilespmem:$0xBF00];
	[tilespmem:$0x1E3D0] =	vst v42  }
0x3a6: {  	v48 =	vld [tilespmem:$0xBEF0];
	[tilespmem:$0x1E3F0] =	vst v43  }
0x3a7: {  	v49 =	vld [tilespmem:$0x8070];
	[tilespmem:$0x1E410] =	vst v44  }
0x3a8: {  	v50 =	vld [tilespmem:$0x8060];
	[tilespmem:$0x1E430] =	vst v45  }
0x3a9: {  	v51 =	vld [tilespmem:$0x8050];
	[tilespmem:$0x1E450] =	vst v46  }
0x3aa: {  	v52 =	vld [tilespmem:$0x8040];
	[tilespmem:$0x1E470] =	vst v47  }
0x3ab: {  	v53 =	vld [tilespmem:$0x8030];
	[tilespmem:$0x1E4A0] =	vst v48  }
0x3ac: {  	v54 =	vld [tilespmem:$0x8020];
	[tilespmem:$0x1FFE0] =	vst v49  }
0x3ad: {  	v55 =	vld [tilespmem:$0x8010];
	[tilespmem:$0x1FFA0] =	vst v50  }
0x3ae: {  	v56 =	vld [tilespmem:$0x8000];
	[tilespmem:$0x1E1E0] =	vst v51  }
0x3af: {  	v57 =	vld [tilespmem:$0x7FF0];
	[tilespmem:$0x1E200] =	vst v52  }
0x3b0: {  	v58 =	vld [tilespmem:$0x7FE0];
	[tilespmem:$0x1E220] =	vst v53  }
0x3b1: {  	v59 =	vld [tilespmem:$0x7FD0];
	[tilespmem:$0x1E240] =	vst v54  }
0x3b2: {  	v60 =	vld [tilespmem:$0x7FC0];
	[tilespmem:$0x1E260] =	vst v55  }
0x3b3: {  	v61 =	vld [tilespmem:$0x7FB0];
	[tilespmem:$0x1E280] =	vst v56  }
0x3b4: {  	[tilespmem:$0x1E2A0] =	vst v57;
	v62 =	vld [tilespmem:$0x7FA0]  }
0x3b5: {  	[tilespmem:$0x1E2C0] =	vst v58;
	v4 =	vld [tilespmem:$0x7F90]  }
0x3b6: {  	[tilespmem:$0x1E2E0] =	vst v59;
	v5 =	vld [tilespmem:$0x7F80]  }
0x3b7: {  	[tilespmem:$0x1E300] =	vst v60;
	v6 =	vld [tilespmem:$0x7F70]  }
0x3b8: {  	[tilespmem:$0x1E320] =	vst v61;
	v7 =	vld [tilespmem:$0x7F60]  }
0x3b9: {  	v8 =	vld [tilespmem:$0x7F50];
	[tilespmem:$0x1E340] =	vst v62  }
0x3ba: {  	v9 =	vld [tilespmem:$0x7F40];
	[tilespmem:$0x1E360] =	vst v4  }
0x3bb: {  	v10 =	vld [tilespmem:$0x7F30];
	[tilespmem:$0x1E380] =	vst v5  }
0x3bc: {  	v11 =	vld [tilespmem:$0x7F20];
	[tilespmem:$0x1E3A0] =	vst v6  }
0x3bd: {  	v12 =	vld [tilespmem:$0x7F10];
	[tilespmem:$0x1E3C0] =	vst v7  }
0x3be: {  	v13 =	vld [tilespmem:$0x7F00];
	[tilespmem:$0x1E3E0] =	vst v8  }
0x3bf: {  	v14 =	vld [tilespmem:$0x7EE0];
	[tilespmem:$0x1E400] =	vst v9  }
0x3c0: {  	v15 =	vld [tilespmem:$0x7ED0];
	[tilespmem:$0x1E420] =	vst v10  }
0x3c1: {  	v16 =	vld [tilespmem:$0x7EC0];
	[tilespmem:$0x1E440] =	vst v11  }
0x3c2: {  	v17 =	vld [tilespmem:$0x7EB0];
	[tilespmem:$0x1E460] =	vst v12  }
0x3c3: {  	v18 =	vld [tilespmem:$0x7EA0];
	[tilespmem:$0x1E480] =	vst v13  }
0x3c4: {  	v19 =	vld [tilespmem:$0x7E90];
	[tilespmem:$0x1E4B0] =	vst v14  }
0x3c5: {  	v20 =	vld [tilespmem:$0x7E80];
	[tilespmem:$0x1E4D0] =	vst v15  }
0x3c6: {  	v21 =	vld [tilespmem:$0x7E70];
	[tilespmem:$0x1E4F0] =	vst v16  }
0x3c7: {  	v22 =	vld [tilespmem:$0x7E60];
	[tilespmem:$0x1E510] =	vst v17  }
0x3c8: {  	v23 =	vld [tilespmem:$0x7E50];
	[tilespmem:$0x1E530] =	vst v18  }
0x3c9: {  	v24 =	vld [tilespmem:$0x7E40];
	[tilespmem:$0x1E550] =	vst v19  }
0x3ca: {  	v25 =	vld [tilespmem:$0x7E30];
	[tilespmem:$0x1E570] =	vst v20  }
0x3cb: {  	v26 =	vld [tilespmem:$0x7E20];
	[tilespmem:$0x1E590] =	vst v21  }
0x3cc: {  	v27 =	vld [tilespmem:$0x7E10];
	[tilespmem:$0x1E5B0] =	vst v22  }
0x3cd: {  	v28 =	vld [tilespmem:$0x7E00];
	[tilespmem:$0x1E5D0] =	vst v23  }
0x3ce: {  	v29 =	vld [tilespmem:$0x7DF0];
	[tilespmem:$0x1E5F0] =	vst v24  }
0x3cf: {  	v30 =	vld [tilespmem:$0x7DE0];
	[tilespmem:$0x1E610] =	vst v25  }
0x3d0: {  	v31 =	vld [tilespmem:$0x7DD0];
	[tilespmem:$0x1E630] =	vst v26  }
0x3d1: {  	v32 =	vld [tilespmem:$0x7DC0];
	[tilespmem:$0x1E650] =	vst v27  }
0x3d2: {  	v33 =	vld [tilespmem:$0x7DB0];
	[tilespmem:$0x1E670] =	vst v28  }
0x3d3: {  	v34 =	vld [tilespmem:$0x7DA0];
	[tilespmem:$0x1E690] =	vst v29  }
0x3d4: {  	v35 =	vld [tilespmem:$0x7D90];
	[tilespmem:$0x1E6B0] =	vst v30  }
0x3d5: {  	v36 =	vld [tilespmem:$0x7D80];
	[tilespmem:$0x1E6D0] =	vst v31  }
0x3d6: {  	v37 =	vld [tilespmem:$0x7D70];
	[tilespmem:$0x1E6F0] =	vst v32  }
0x3d7: {  	v38 =	vld [tilespmem:$0x7D60];
	[tilespmem:$0x1E710] =	vst v33  }
0x3d8: {  	v39 =	vld [tilespmem:$0x7D50];
	[tilespmem:$0x1E730] =	vst v34  }
0x3d9: {  	v40 =	vld [tilespmem:$0x7D40];
	[tilespmem:$0x1E750] =	vst v35  }
0x3da: {  	v41 =	vld [tilespmem:$0x7D30];
	[tilespmem:$0x1E770] =	vst v36  }
0x3db: {  	v42 =	vld [tilespmem:$0x7D20];
	[tilespmem:$0x1E790] =	vst v37  }
0x3dc: {  	v43 =	vld [tilespmem:$0x7D10];
	[tilespmem:$0x1E7B0] =	vst v38  }
0x3dd: {  	v44 =	vld [tilespmem:$0x7D00];
	[tilespmem:$0x1E7D0] =	vst v39  }
0x3de: {  	v45 =	vld [tilespmem:$0x7CF0];
	[tilespmem:$0x1E7F0] =	vst v40  }
0x3df: {  	v46 =	vld [tilespmem:$0x7CE0];
	[tilespmem:$0x1E810] =	vst v41  }
0x3e0: {  	v47 =	vld [tilespmem:$0x7CD0];
	[tilespmem:$0x1E830] =	vst v42  }
0x3e1: {  	v48 =	vld [tilespmem:$0x7CC0];
	[tilespmem:$0x1E850] =	vst v43  }
0x3e2: {  	v49 =	vld [tilespmem:$0x7CB0];
	[tilespmem:$0x1E870] =	vst v44  }
0x3e3: {  	v50 =	vld [tilespmem:$0x7CA0];
	[tilespmem:$0x1E890] =	vst v45  }
0x3e4: {  	v51 =	vld [tilespmem:$0x7C90];
	[tilespmem:$0x1E8B0] =	vst v46  }
0x3e5: {  	v52 =	vld [tilespmem:$0x7C80];
	[tilespmem:$0x1E8D0] =	vst v47  }
0x3e6: {  	v53 =	vld [tilespmem:$0x7C70];
	[tilespmem:$0x1E8F0] =	vst v48  }
0x3e7: {  	v54 =	vld [tilespmem:$0x7C60];
	[tilespmem:$0x1E910] =	vst v49  }
0x3e8: {  	v55 =	vld [tilespmem:$0x7C50];
	[tilespmem:$0x1E930] =	vst v50  }
0x3e9: {  	v56 =	vld [tilespmem:$0x7C40];
	[tilespmem:$0x1E950] =	vst v51  }
0x3ea: {  	v57 =	vld [tilespmem:$0x7C30];
	[tilespmem:$0x1E970] =	vst v52  }
0x3eb: {  	v58 =	vld [tilespmem:$0x7C20];
	[tilespmem:$0x1E990] =	vst v53  }
0x3ec: {  	v59 =	vld [tilespmem:$0x7C10];
	[tilespmem:$0x1E9B0] =	vst v54  }
0x3ed: {  	v60 =	vld [tilespmem:$0x7C00];
	[tilespmem:$0x1E9D0] =	vst v55  }
0x3ee: {  	v61 =	vld [tilespmem:$0x7BF0];
	[tilespmem:$0x1E9F0] =	vst v56  }
0x3ef: {  	[tilespmem:$0x1EA10] =	vst v57;
	v62 =	vld [tilespmem:$0x7BE0]  }
0x3f0: {  	[tilespmem:$0x1EA30] =	vst v58;
	v4 =	vld [tilespmem:$0x7BD0]  }
0x3f1: {  	[tilespmem:$0x1EA50] =	vst v59;
	v5 =	vld [tilespmem:$0x7BC0]  }
0x3f2: {  	[tilespmem:$0x1EA70] =	vst v60;
	v6 =	vld [tilespmem:$0x7BB0]  }
0x3f3: {  	[tilespmem:$0x1EA90] =	vst v61;
	v7 =	vld [tilespmem:$0x7BA0]  }
0x3f4: {  	v8 =	vld [tilespmem:$0x7B90];
	[tilespmem:$0x1EAB0] =	vst v62  }
0x3f5: {  	v9 =	vld [tilespmem:$0x7B80];
	[tilespmem:$0x1EAD0] =	vst v4  }
0x3f6: {  	v10 =	vld [tilespmem:$0x7B70];
	[tilespmem:$0x1EAF0] =	vst v5  }
0x3f7: {  	v11 =	vld [tilespmem:$0x7B60];
	[tilespmem:$0x1EB10] =	vst v6  }
0x3f8: {  	v12 =	vld [tilespmem:$0x7B50];
	[tilespmem:$0x1EB30] =	vst v7  }
0x3f9: {  	v13 =	vld [tilespmem:$0x7B40];
	[tilespmem:$0x1EB50] =	vst v8  }
0x3fa: {  	v14 =	vld [tilespmem:$0x7B30];
	[tilespmem:$0x1EB70] =	vst v9  }
0x3fb: {  	v15 =	vld [tilespmem:$0x7B20];
	[tilespmem:$0x1EB90] =	vst v10  }
0x3fc: {  	v16 =	vld [tilespmem:$0x7B10];
	[tilespmem:$0x1EBB0] =	vst v11  }
0x3fd: {  	v17 =	vld [tilespmem:$0x7B00];
	[tilespmem:$0x1EBD0] =	vst v12  }
0x3fe: {  	v18 =	vld [tilespmem:$0x7AF0];
	[tilespmem:$0x1EBF0] =	vst v13  }
0x3ff: {  	v19 =	vld [tilespmem:$0x7AE0];
	[tilespmem:$0x1EC10] =	vst v14  }
0x400: {  	v20 =	vld [tilespmem:$0x7AD0];
	[tilespmem:$0x1EC30] =	vst v15  }
0x401: {  	v21 =	vld [tilespmem:$0x7AC0];
	[tilespmem:$0x1EC50] =	vst v16  }
0x402: {  	v22 =	vld [tilespmem:$0x7AB0];
	[tilespmem:$0x1EC70] =	vst v17  }
0x403: {  	v23 =	vld [tilespmem:$0x7AA0];
	[tilespmem:$0x1EC90] =	vst v18  }
0x404: {  	v24 =	vld [tilespmem:$0x7A90];
	[tilespmem:$0x1ECB0] =	vst v19  }
0x405: {  	v25 =	vld [tilespmem:$0x7A80];
	[tilespmem:$0x1ECD0] =	vst v20  }
0x406: {  	v26 =	vld [tilespmem:$0x7A70];
	[tilespmem:$0x1ECF0] =	vst v21  }
0x407: {  	v27 =	vld [tilespmem:$0x7A60];
	[tilespmem:$0x1ED10] =	vst v22  }
0x408: {  	v28 =	vld [tilespmem:$0x7A50];
	[tilespmem:$0x1ED30] =	vst v23  }
0x409: {  	v29 =	vld [tilespmem:$0x7A40];
	[tilespmem:$0x1ED50] =	vst v24  }
0x40a: {  	v30 =	vld [tilespmem:$0x7A30];
	[tilespmem:$0x1ED70] =	vst v25  }
0x40b: {  	v31 =	vld [tilespmem:$0x7A20];
	[tilespmem:$0x1ED90] =	vst v26  }
0x40c: {  	v32 =	vld [tilespmem:$0x7A10];
	[tilespmem:$0x1EDB0] =	vst v27  }
0x40d: {  	v33 =	vld [tilespmem:$0x7A00];
	[tilespmem:$0x1EDD0] =	vst v28  }
0x40e: {  	v34 =	vld [tilespmem:$0x79F0];
	[tilespmem:$0x1EDF0] =	vst v29  }
0x40f: {  	v35 =	vld [tilespmem:$0x79E0];
	[tilespmem:$0x1EE10] =	vst v30  }
0x410: {  	v36 =	vld [tilespmem:$0x79D0];
	[tilespmem:$0x1EE30] =	vst v31  }
0x411: {  	v37 =	vld [tilespmem:$0x79C0];
	[tilespmem:$0x1EE50] =	vst v32  }
0x412: {  	v38 =	vld [tilespmem:$0x79B0];
	[tilespmem:$0x1EE70] =	vst v33  }
0x413: {  	v39 =	vld [tilespmem:$0x79A0];
	[tilespmem:$0x1EE90] =	vst v34  }
0x414: {  	v40 =	vld [tilespmem:$0x7990];
	[tilespmem:$0x1EEB0] =	vst v35  }
0x415: {  	v41 =	vld [tilespmem:$0x7980];
	[tilespmem:$0x1EED0] =	vst v36  }
0x416: {  	v42 =	vld [tilespmem:$0x7970];
	[tilespmem:$0x1EEF0] =	vst v37  }
0x417: {  	v43 =	vld [tilespmem:$0x7960];
	[tilespmem:$0x1EF10] =	vst v38  }
0x418: {  	v44 =	vld [tilespmem:$0x7950];
	[tilespmem:$0x1EF30] =	vst v39  }
0x419: {  	v45 =	vld [tilespmem:$0x7940];
	[tilespmem:$0x1EF50] =	vst v40  }
0x41a: {  	v46 =	vld [tilespmem:$0x7930];
	[tilespmem:$0x1EF70] =	vst v41  }
0x41b: {  	v47 =	vld [tilespmem:$0x7920];
	[tilespmem:$0x1EF90] =	vst v42  }
0x41c: {  	v48 =	vld [tilespmem:$0x7910];
	[tilespmem:$0x1EFB0] =	vst v43  }
0x41d: {  	v49 =	vld [tilespmem:$0x7900];
	[tilespmem:$0x1EFD0] =	vst v44  }
0x41e: {  	v50 =	vld [tilespmem:$0x78F0];
	[tilespmem:$0x1EFF0] =	vst v45  }
0x41f: {  	v51 =	vld [tilespmem:$0x78E0];
	[tilespmem:$0x1F010] =	vst v46  }
0x420: {  	v52 =	vld [tilespmem:$0x78D0];
	[tilespmem:$0x1F030] =	vst v47  }
0x421: {  	v53 =	vld [tilespmem:$0x78C0];
	[tilespmem:$0x1F050] =	vst v48  }
0x422: {  	v54 =	vld [tilespmem:$0x78B0];
	[tilespmem:$0x1F070] =	vst v49  }
0x423: {  	v55 =	vld [tilespmem:$0x78A0];
	[tilespmem:$0x1F090] =	vst v50  }
0x424: {  	v56 =	vld [tilespmem:$0x7890];
	[tilespmem:$0x1F0B0] =	vst v51  }
0x425: {  	v57 =	vld [tilespmem:$0x7880];
	[tilespmem:$0x1F0D0] =	vst v52  }
0x426: {  	v58 =	vld [tilespmem:$0x7870];
	[tilespmem:$0x1F0F0] =	vst v53  }
0x427: {  	v59 =	vld [tilespmem:$0x7860];
	[tilespmem:$0x1F110] =	vst v54  }
0x428: {  	v60 =	vld [tilespmem:$0x7850];
	[tilespmem:$0x1F130] =	vst v55  }
0x429: {  	v61 =	vld [tilespmem:$0x7840];
	[tilespmem:$0x1F150] =	vst v56  }
0x42a: {  	[tilespmem:$0x1F170] =	vst v57;
	v62 =	vld [tilespmem:$0x7830]  }
0x42b: {  	[tilespmem:$0x1F190] =	vst v58;
	v4 =	vld [tilespmem:$0x7820]  }
0x42c: {  	[tilespmem:$0x1F1B0] =	vst v59;
	v5 =	vld [tilespmem:$0x7810]  }
0x42d: {  	[tilespmem:$0x1F1D0] =	vst v60;
	v6 =	vld [tilespmem:$0x7800]  }
0x42e: {  	[tilespmem:$0x1F1F0] =	vst v61;
	v7 =	vld [tilespmem:$0x77F0]  }
0x42f: {  	v8 =	vld [tilespmem:$0x77E0];
	[tilespmem:$0x1F210] =	vst v62  }
0x430: {  	v9 =	vld [tilespmem:$0x77D0];
	[tilespmem:$0x1F230] =	vst v4  }
0x431: {  	v10 =	vld [tilespmem:$0x77C0];
	[tilespmem:$0x1F250] =	vst v5  }
0x432: {  	v11 =	vld [tilespmem:$0x77B0];
	[tilespmem:$0x1F270] =	vst v6  }
0x433: {  	v12 =	vld [tilespmem:$0x77A0];
	[tilespmem:$0x1F290] =	vst v7  }
0x434: {  	[tilespmem:$0x1F2B0] =	vst v8  }
0x435: {  	[tilespmem:$0x1F2D0] =	vst v9  }
0x436: {  	[tilespmem:$0x1F2F0] =	vst v10  }
0x437: {  	v2 =	vld [tilespmem:$0x8080];
	[tilespmem:$0x1F310] =	vst v11  }
0x438: {  	v63 =	vld [tilespmem:$0x80A0];
	[tilespmem:$0x1F330] =	vst v12  }
0x439: {  	v0 =	vld [tilespmem:$0x7790];
	_ =	sdelay $0x4  }
0x43a: {  	[tilespmem:$0x1F350] =	vst v0;
	v0 =	vld [tilespmem:$0x85E0];
	_ =	sdelay $0x4  }
0x43b: {  	[tilespmem:$0x18AE0] =	vst v0;
	v0 =	vld [tilespmem:$0x85F0];
	_ =	sdelay $0x4  }
0x43c: {  	[tilespmem:$0x18B00] =	vst v0;
	v0 =	vld [tilespmem:$0x8600];
	_ =	sdelay $0x4  }
0x43d: {  	[tilespmem:$0x18B20] =	vst v0;
	v0 =	vld [tilespmem:$0x8610];
	_ =	sdelay $0x4  }
0x43e: {  	[tilespmem:$0x18B40] =	vst v0;
	v0 =	vld [tilespmem:$0x8620];
	_ =	sdelay $0x4  }
0x43f: {  	[tilespmem:$0x18B60] =	vst v0;
	v0 =	vld [tilespmem:$0x8630];
	_ =	sdelay $0x4  }
0x440: {  	[tilespmem:$0x18B80] =	vst v0;
	v0 =	vld [tilespmem:$0x8640];
	_ =	sdelay $0x4  }
0x441: {  	[tilespmem:$0x18BA0] =	vst v0;
	v0 =	vld [tilespmem:$0x8650];
	_ =	sdelay $0x4  }
0x442: {  	[tilespmem:$0x18BC0] =	vst v0;
	v0 =	vld [tilespmem:$0x8660];
	_ =	sdelay $0x4  }
0x443: {  	[tilespmem:$0x18BE0] =	vst v0;
	v0 =	vld [tilespmem:$0x8670];
	_ =	sdelay $0x4  }
0x444: {  	[tilespmem:$0x18C00] =	vst v0;
	v0 =	vld [tilespmem:$0x8680];
	_ =	sdelay $0x4  }
0x445: {  	[tilespmem:$0x18C20] =	vst v0;
	v0 =	vld [tilespmem:$0x8690];
	_ =	sdelay $0x4  }
0x446: {  	[tilespmem:$0x18C40] =	vst v0;
	v0 =	vld [tilespmem:$0x86A0];
	_ =	sdelay $0x4  }
0x447: {  	[tilespmem:$0x18C60] =	vst v0;
	v0 =	vld [tilespmem:$0x86B0];
	_ =	sdelay $0x4  }
0x448: {  	[tilespmem:$0x18C80] =	vst v0;
	v0 =	vld [tilespmem:$0x86C0];
	_ =	sdelay $0x4  }
0x449: {  	[tilespmem:$0x18CA0] =	vst v0;
	v0 =	vld [tilespmem:$0x86D0];
	_ =	sdelay $0x4  }
0x44a: {  	[tilespmem:$0x18CC0] =	vst v0;
	v0 =	vld [tilespmem:$0x86E0];
	_ =	sdelay $0x4  }
0x44b: {  	[tilespmem:$0x18CE0] =	vst v0;
	v0 =	vld [tilespmem:$0x86F0];
	_ =	sdelay $0x4  }
0x44c: {  	[tilespmem:$0x18D00] =	vst v0;
	v0 =	vld [tilespmem:$0x8700];
	_ =	sdelay $0x4  }
0x44d: {  	[tilespmem:$0x18D20] =	vst v0;
	v0 =	vld [tilespmem:$0x8710];
	_ =	sdelay $0x4  }
0x44e: {  	[tilespmem:$0x18D40] =	vst v0;
	v0 =	vld [tilespmem:$0x8720];
	_ =	sdelay $0x4  }
0x44f: {  	[tilespmem:$0x18D60] =	vst v0;
	v0 =	vld [tilespmem:$0x8730];
	_ =	sdelay $0x4  }
0x450: {  	[tilespmem:$0x18D80] =	vst v0;
	v0 =	vld [tilespmem:$0x8740];
	_ =	sdelay $0x4  }
0x451: {  	[tilespmem:$0x18DA0] =	vst v0;
	v0 =	vld [tilespmem:$0x8750];
	_ =	sdelay $0x4  }
0x452: {  	[tilespmem:$0x18DC0] =	vst v0;
	v0 =	vld [tilespmem:$0x8760];
	_ =	sdelay $0x4  }
0x453: {  	[tilespmem:$0x18DE0] =	vst v0;
	v0 =	vld [tilespmem:$0x8770];
	_ =	sdelay $0x4  }
0x454: {  	[tilespmem:$0x18E00] =	vst v0;
	v0 =	vld [tilespmem:$0x8780];
	_ =	sdelay $0x4  }
0x455: {  	[tilespmem:$0x18E20] =	vst v0;
	v0 =	vld [tilespmem:$0x8790];
	_ =	sdelay $0x4  }
0x456: {  	[tilespmem:$0x18E40] =	vst v0;
	v0 =	vld [tilespmem:$0x87A0];
	_ =	sdelay $0x4  }
0x457: {  	[tilespmem:$0x18E60] =	vst v0;
	v0 =	vld [tilespmem:$0x87B0];
	_ =	sdelay $0x4  }
0x458: {  	[tilespmem:$0x18E80] =	vst v0;
	v0 =	vld [tilespmem:$0x87C0];
	_ =	sdelay $0x4  }
0x459: {  	[tilespmem:$0x18EA0] =	vst v0;
	v0 =	vld [tilespmem:$0x87D0];
	_ =	sdelay $0x4  }
0x45a: {  	[tilespmem:$0x18EC0] =	vst v0;
	v0 =	vld [tilespmem:$0x87E0];
	_ =	sdelay $0x4  }
0x45b: {  	[tilespmem:$0x18EE0] =	vst v0;
	v0 =	vld [tilespmem:$0x87F0];
	_ =	sdelay $0x4  }
0x45c: {  	[tilespmem:$0x18F00] =	vst v0;
	v0 =	vld [tilespmem:$0x8800];
	_ =	sdelay $0x4  }
0x45d: {  	[tilespmem:$0x18F20] =	vst v0;
	v0 =	vld [tilespmem:$0x8810];
	_ =	sdelay $0x4  }
0x45e: {  	[tilespmem:$0x18F40] =	vst v0;
	v0 =	vld [tilespmem:$0x8820];
	_ =	sdelay $0x4  }
0x45f: {  	[tilespmem:$0x18F60] =	vst v0;
	v0 =	vld [tilespmem:$0x8830];
	_ =	sdelay $0x4  }
0x460: {  	[tilespmem:$0x18F80] =	vst v0;
	v0 =	vld [tilespmem:$0x8840];
	_ =	sdelay $0x4  }
0x461: {  	[tilespmem:$0x18FA0] =	vst v0;
	v0 =	vld [tilespmem:$0x8850];
	_ =	sdelay $0x4  }
0x462: {  	[tilespmem:$0x18FC0] =	vst v0;
	v0 =	vld [tilespmem:$0x8860];
	_ =	sdelay $0x4  }
0x463: {  	[tilespmem:$0x18FE0] =	vst v0;
	v0 =	vld [tilespmem:$0x8870];
	_ =	sdelay $0x4  }
0x464: {  	[tilespmem:$0x19000] =	vst v0;
	v0 =	vld [tilespmem:$0x8880];
	_ =	sdelay $0x4  }
0x465: {  	[tilespmem:$0x19020] =	vst v0;
	v0 =	vld [tilespmem:$0x8890];
	_ =	sdelay $0x4  }
0x466: {  	[tilespmem:$0x19040] =	vst v0;
	v0 =	vld [tilespmem:$0x88A0];
	_ =	sdelay $0x4  }
0x467: {  	[tilespmem:$0x19060] =	vst v0;
	v0 =	vld [tilespmem:$0x88B0];
	_ =	sdelay $0x4  }
0x468: {  	[tilespmem:$0x19080] =	vst v0;
	v0 =	vld [tilespmem:$0x88C0];
	_ =	sdelay $0x4  }
0x469: {  	[tilespmem:$0x190A0] =	vst v0;
	v0 =	vld [tilespmem:$0x88D0];
	_ =	sdelay $0x4  }
0x46a: {  	[tilespmem:$0x190C0] =	vst v0;
	v0 =	vld [tilespmem:$0x88E0];
	_ =	sdelay $0x4  }
0x46b: {  	[tilespmem:$0x190E0] =	vst v0;
	v0 =	vld [tilespmem:$0x88F0];
	_ =	sdelay $0x4  }
0x46c: {  	[tilespmem:$0x19100] =	vst v0;
	v0 =	vld [tilespmem:$0x8900];
	_ =	sdelay $0x4  }
0x46d: {  	[tilespmem:$0x19120] =	vst v0;
	v0 =	vld [tilespmem:$0x8910];
	_ =	sdelay $0x4  }
0x46e: {  	[tilespmem:$0x19140] =	vst v0;
	v0 =	vld [tilespmem:$0x8920];
	_ =	sdelay $0x4  }
0x46f: {  	[tilespmem:$0x19160] =	vst v0;
	v0 =	vld [tilespmem:$0x8930];
	_ =	sdelay $0x4  }
0x470: {  	[tilespmem:$0x19180] =	vst v0;
	v0 =	vld [tilespmem:$0x8940];
	_ =	sdelay $0x4  }
0x471: {  	[tilespmem:$0x191A0] =	vst v0;
	v0 =	vld [tilespmem:$0x8950];
	_ =	sdelay $0x4  }
0x472: {  	[tilespmem:$0x191C0] =	vst v0;
	v0 =	vld [tilespmem:$0x8960];
	_ =	sdelay $0x4  }
0x473: {  	[tilespmem:$0x191E0] =	vst v0;
	v0 =	vld [tilespmem:$0x8970];
	_ =	sdelay $0x4  }
0x474: {  	[tilespmem:$0x19200] =	vst v0;
	v0 =	vld [tilespmem:$0x8980];
	_ =	sdelay $0x4  }
0x475: {  	[tilespmem:$0x19220] =	vst v0;
	v0 =	vld [tilespmem:$0x8990];
	_ =	sdelay $0x4  }
0x476: {  	[tilespmem:$0x19240] =	vst v0;
	v0 =	vld [tilespmem:$0x89A0];
	_ =	sdelay $0x4  }
0x477: {  	[tilespmem:$0x19260] =	vst v0;
	v0 =	vld [tilespmem:$0x89B0];
	_ =	sdelay $0x4  }
0x478: {  	[tilespmem:$0x19280] =	vst v0;
	v0 =	vld [tilespmem:$0x89C0];
	_ =	sdelay $0x4  }
0x479: {  	[tilespmem:$0x192A0] =	vst v0;
	v0 =	vld [tilespmem:$0x89D0];
	_ =	sdelay $0x4  }
0x47a: {  	[tilespmem:$0x192C0] =	vst v0;
	v0 =	vld [tilespmem:$0x89E0];
	_ =	sdelay $0x4  }
0x47b: {  	[tilespmem:$0x192E0] =	vst v0;
	v0 =	vld [tilespmem:$0x89F0];
	_ =	sdelay $0x4  }
0x47c: {  	[tilespmem:$0x19300] =	vst v0;
	v0 =	vld [tilespmem:$0x8A00];
	_ =	sdelay $0x4  }
0x47d: {  	[tilespmem:$0x19320] =	vst v0;
	v0 =	vld [tilespmem:$0x8A10];
	_ =	sdelay $0x4  }
0x47e: {  	[tilespmem:$0x19340] =	vst v0;
	v0 =	vld [tilespmem:$0x8A20];
	_ =	sdelay $0x4  }
0x47f: {  	[tilespmem:$0x19360] =	vst v0;
	v0 =	vld [tilespmem:$0x8A30];
	_ =	sdelay $0x4  }
0x480: {  	[tilespmem:$0x19380] =	vst v0;
	v0 =	vld [tilespmem:$0x8A40];
	_ =	sdelay $0x4  }
0x481: {  	[tilespmem:$0x193A0] =	vst v0;
	v0 =	vld [tilespmem:$0x8A50];
	_ =	sdelay $0x4  }
0x482: {  	[tilespmem:$0x193C0] =	vst v0;
	v0 =	vld [tilespmem:$0x8A60];
	_ =	sdelay $0x4  }
0x483: {  	[tilespmem:$0x193E0] =	vst v0;
	v0 =	vld [tilespmem:$0x8A70];
	_ =	sdelay $0x4  }
0x484: {  	[tilespmem:$0x19400] =	vst v0;
	v0 =	vld [tilespmem:$0x8A80];
	_ =	sdelay $0x4  }
0x485: {  	[tilespmem:$0x19420] =	vst v0;
	v0 =	vld [tilespmem:$0x8A90];
	_ =	sdelay $0x4  }
0x486: {  	[tilespmem:$0x19440] =	vst v0;
	v0 =	vld [tilespmem:$0x8AA0];
	_ =	sdelay $0x4  }
0x487: {  	[tilespmem:$0x19460] =	vst v0;
	v0 =	vld [tilespmem:$0x8AB0];
	_ =	sdelay $0x4  }
0x488: {  	[tilespmem:$0x19480] =	vst v0;
	v0 =	vld [tilespmem:$0x8AC0];
	_ =	sdelay $0x4  }
0x489: {  	[tilespmem:$0x194A0] =	vst v0;
	v0 =	vld [tilespmem:$0x8AD0];
	_ =	sdelay $0x4  }
0x48a: {  	[tilespmem:$0x194C0] =	vst v0;
	v0 =	vld [tilespmem:$0x8AE0];
	_ =	sdelay $0x4  }
0x48b: {  	[tilespmem:$0x194E0] =	vst v0;
	v0 =	vld [tilespmem:$0x8AF0];
	_ =	sdelay $0x4  }
0x48c: {  	[tilespmem:$0x19500] =	vst v0;
	v0 =	vld [tilespmem:$0x8B00];
	_ =	sdelay $0x4  }
0x48d: {  	[tilespmem:$0x19520] =	vst v0;
	v0 =	vld [tilespmem:$0x8B10];
	_ =	sdelay $0x4  }
0x48e: {  	[tilespmem:$0x19540] =	vst v0;
	v0 =	vld [tilespmem:$0x8B20];
	_ =	sdelay $0x4  }
0x48f: {  	[tilespmem:$0x19560] =	vst v0;
	v0 =	vld [tilespmem:$0x8B30];
	_ =	sdelay $0x4  }
0x490: {  	[tilespmem:$0x19580] =	vst v0;
	v0 =	vld [tilespmem:$0x8B40];
	_ =	sdelay $0x4  }
0x491: {  	[tilespmem:$0x195A0] =	vst v0;
	v0 =	vld [tilespmem:$0x8B50];
	_ =	sdelay $0x4  }
0x492: {  	[tilespmem:$0x195C0] =	vst v0;
	v0 =	vld [tilespmem:$0x8B60];
	_ =	sdelay $0x4  }
0x493: {  	[tilespmem:$0x195E0] =	vst v0;
	v0 =	vld [tilespmem:$0x8B70];
	_ =	sdelay $0x4  }
0x494: {  	[tilespmem:$0x19600] =	vst v0;
	v0 =	vld [tilespmem:$0x8B80];
	_ =	sdelay $0x4  }
0x495: {  	[tilespmem:$0x19620] =	vst v0;
	v0 =	vld [tilespmem:$0x8B90];
	_ =	sdelay $0x4  }
0x496: {  	[tilespmem:$0x19640] =	vst v0;
	v0 =	vld [tilespmem:$0x8BA0];
	_ =	sdelay $0x4  }
0x497: {  	[tilespmem:$0x19660] =	vst v0;
	v0 =	vld [tilespmem:$0x8BB0];
	_ =	sdelay $0x4  }
0x498: {  	[tilespmem:$0x19680] =	vst v0;
	v0 =	vld [tilespmem:$0x8BC0];
	_ =	sdelay $0x4  }
0x499: {  	[tilespmem:$0x196A0] =	vst v0;
	v0 =	vld [tilespmem:$0x8BD0];
	_ =	sdelay $0x4  }
0x49a: {  	[tilespmem:$0x196C0] =	vst v0;
	v0 =	vld [tilespmem:$0x8BE0];
	_ =	sdelay $0x4  }
0x49b: {  	[tilespmem:$0x196E0] =	vst v0;
	v0 =	vld [tilespmem:$0x8BF0];
	_ =	sdelay $0x4  }
0x49c: {  	[tilespmem:$0x19700] =	vst v0;
	v0 =	vld [tilespmem:$0x8C00];
	_ =	sdelay $0x4  }
0x49d: {  	[tilespmem:$0x19720] =	vst v0;
	v0 =	vld [tilespmem:$0x8C10];
	_ =	sdelay $0x4  }
0x49e: {  	[tilespmem:$0x19740] =	vst v0;
	v0 =	vld [tilespmem:$0x8C20];
	_ =	sdelay $0x4  }
0x49f: {  	[tilespmem:$0x19760] =	vst v0;
	v0 =	vld [tilespmem:$0x8C30];
	_ =	sdelay $0x4  }
0x4a0: {  	[tilespmem:$0x19780] =	vst v0;
	v0 =	vld [tilespmem:$0x8C40];
	_ =	sdelay $0x4  }
0x4a1: {  	[tilespmem:$0x197A0] =	vst v0;
	v0 =	vld [tilespmem:$0x8C50];
	_ =	sdelay $0x4  }
0x4a2: {  	[tilespmem:$0x197C0] =	vst v0;
	v0 =	vld [tilespmem:$0x8C60];
	_ =	sdelay $0x4  }
0x4a3: {  	[tilespmem:$0x197E0] =	vst v0;
	v0 =	vld [tilespmem:$0x8C70];
	_ =	sdelay $0x4  }
0x4a4: {  	[tilespmem:$0x19800] =	vst v0;
	v0 =	vld [tilespmem:$0x8C80];
	_ =	sdelay $0x4  }
0x4a5: {  	[tilespmem:$0x19820] =	vst v0;
	v0 =	vld [tilespmem:$0x8C90];
	_ =	sdelay $0x4  }
0x4a6: {  	[tilespmem:$0x19840] =	vst v0;
	v0 =	vld [tilespmem:$0x8CA0];
	_ =	sdelay $0x4  }
0x4a7: {  	[tilespmem:$0x19860] =	vst v0;
	v0 =	vld [tilespmem:$0x8CB0];
	_ =	sdelay $0x4  }
0x4a8: {  	[tilespmem:$0x19880] =	vst v0;
	v0 =	vld [tilespmem:$0x8CC0];
	_ =	sdelay $0x4  }
0x4a9: {  	[tilespmem:$0x198A0] =	vst v0;
	v0 =	vld [tilespmem:$0x8CD0];
	_ =	sdelay $0x4  }
0x4aa: {  	[tilespmem:$0x198C0] =	vst v0;
	v0 =	vld [tilespmem:$0x8CE0];
	_ =	sdelay $0x4  }
0x4ab: {  	[tilespmem:$0x198E0] =	vst v0;
	v0 =	vld [tilespmem:$0x8CF0];
	_ =	sdelay $0x4  }
0x4ac: {  	[tilespmem:$0x19900] =	vst v0;
	v0 =	vld [tilespmem:$0x8D00];
	_ =	sdelay $0x4  }
0x4ad: {  	[tilespmem:$0x19920] =	vst v0;
	v0 =	vld [tilespmem:$0x8D10];
	_ =	sdelay $0x4  }
0x4ae: {  	[tilespmem:$0x19940] =	vst v0;
	v0 =	vld [tilespmem:$0x8D20];
	_ =	sdelay $0x4  }
0x4af: {  	[tilespmem:$0x19960] =	vst v0;
	v0 =	vld [tilespmem:$0x8D30];
	_ =	sdelay $0x4  }
0x4b0: {  	[tilespmem:$0x19980] =	vst v0;
	v0 =	vld [tilespmem:$0x8D40];
	_ =	sdelay $0x4  }
0x4b1: {  	[tilespmem:$0x199A0] =	vst v0;
	v0 =	vld [tilespmem:$0x8D50];
	_ =	sdelay $0x4  }
0x4b2: {  	[tilespmem:$0x199C0] =	vst v0;
	v0 =	vld [tilespmem:$0x8D60];
	_ =	sdelay $0x4  }
0x4b3: {  	[tilespmem:$0x199E0] =	vst v0;
	v0 =	vld [tilespmem:$0x8D70];
	_ =	sdelay $0x4  }
0x4b4: {  	[tilespmem:$0x19A00] =	vst v0;
	v0 =	vld [tilespmem:$0x8D80];
	_ =	sdelay $0x4  }
0x4b5: {  	[tilespmem:$0x19A20] =	vst v0;
	v0 =	vld [tilespmem:$0x8D90];
	_ =	sdelay $0x4  }
0x4b6: {  	[tilespmem:$0x19A40] =	vst v0;
	v0 =	vld [tilespmem:$0x8DA0];
	_ =	sdelay $0x4  }
0x4b7: {  	[tilespmem:$0x19A60] =	vst v0;
	v0 =	vld [tilespmem:$0x8DB0];
	_ =	sdelay $0x4  }
0x4b8: {  	[tilespmem:$0x19A80] =	vst v0;
	v0 =	vld [tilespmem:$0x8DC0];
	_ =	sdelay $0x4  }
0x4b9: {  	[tilespmem:$0x19AA0] =	vst v0;
	v0 =	vld [tilespmem:$0x8DD0];
	_ =	sdelay $0x4  }
0x4ba: {  	[tilespmem:$0x19AC0] =	vst v0;
	v0 =	vld [tilespmem:$0x8DE0];
	_ =	sdelay $0x4  }
0x4bb: {  	[tilespmem:$0x19AE0] =	vst v0;
	v0 =	vld [tilespmem:$0x8DF0];
	_ =	sdelay $0x4  }
0x4bc: {  	[tilespmem:$0x19B00] =	vst v0;
	v0 =	vld [tilespmem:$0x8E00];
	_ =	sdelay $0x4  }
0x4bd: {  	[tilespmem:$0x19B20] =	vst v0;
	v0 =	vld [tilespmem:$0x8E10];
	_ =	sdelay $0x4  }
0x4be: {  	[tilespmem:$0x19B40] =	vst v0;
	v0 =	vld [tilespmem:$0x8E20];
	_ =	sdelay $0x4  }
0x4bf: {  	[tilespmem:$0x19B60] =	vst v0;
	v0 =	vld [tilespmem:$0x8E30];
	_ =	sdelay $0x4  }
0x4c0: {  	[tilespmem:$0x19B80] =	vst v0;
	v0 =	vld [tilespmem:$0x8E40];
	_ =	sdelay $0x4  }
0x4c1: {  	[tilespmem:$0x19BA0] =	vst v0;
	v0 =	vld [tilespmem:$0x8E50];
	_ =	sdelay $0x4  }
0x4c2: {  	[tilespmem:$0x19BC0] =	vst v0;
	v0 =	vld [tilespmem:$0x8E60];
	_ =	sdelay $0x4  }
0x4c3: {  	[tilespmem:$0x19BE0] =	vst v0;
	v0 =	vld [tilespmem:$0x8E70];
	_ =	sdelay $0x4  }
0x4c4: {  	[tilespmem:$0x19C00] =	vst v0;
	v0 =	vld [tilespmem:$0x8E80];
	_ =	sdelay $0x4  }
0x4c5: {  	[tilespmem:$0x19C20] =	vst v0;
	v0 =	vld [tilespmem:$0x8E90];
	_ =	sdelay $0x4  }
0x4c6: {  	[tilespmem:$0x19C40] =	vst v0;
	v0 =	vld [tilespmem:$0x8EA0];
	_ =	sdelay $0x4  }
0x4c7: {  	[tilespmem:$0x19C60] =	vst v0;
	v0 =	vld [tilespmem:$0x8EB0];
	_ =	sdelay $0x3  }
0x4c8: {  	v13 =	vld [tilespmem:$0x7780]  }
0x4c9: {  	[tilespmem:$0x19C80] =	vst v0;
	v0 =	vld [tilespmem:$0x8EC0]  }
0x4ca: {  	v14 =	vld [tilespmem:$0x7770]  }
0x4cb: {  	v15 =	vld [tilespmem:$0x7760]  }
0x4cc: {  	v16 =	vld [tilespmem:$0x7750]  }
0x4cd: {  	v17 =	vld [tilespmem:$0x7740]  }
0x4ce: {  	[tilespmem:$0x19CA0] =	vst v0;
	v0 =	vld [tilespmem:$0x8ED0]  }
0x4cf: {  	v18 =	vld [tilespmem:$0x7730]  }
0x4d0: {  	v19 =	vld [tilespmem:$0x7720]  }
0x4d1: {  	v20 =	vld [tilespmem:$0x7710]  }
0x4d2: {  	v21 =	vld [tilespmem:$0x7700]  }
0x4d3: {  	[tilespmem:$0x19CC0] =	vst v0;
	v0 =	vld [tilespmem:$0x8EE0]  }
0x4d4: {  	v22 =	vld [tilespmem:$0x76F0]  }
0x4d5: {  	v23 =	vld [tilespmem:$0x76E0]  }
0x4d6: {  	v24 =	vld [tilespmem:$0x76D0]  }
0x4d7: {  	v25 =	vld [tilespmem:$0x76C0]  }
0x4d8: {  	[tilespmem:$0x19CE0] =	vst v0;
	v0 =	vld [tilespmem:$0x8EF0]  }
0x4d9: {  	v26 =	vld [tilespmem:$0x76B0]  }
0x4da: {  	v27 =	vld [tilespmem:$0x76A0]  }
0x4db: {  	v28 =	vld [tilespmem:$0x7690]  }
0x4dc: {  	v29 =	vld [tilespmem:$0x7680]  }
0x4dd: {  	[tilespmem:$0x19D00] =	vst v0;
	v0 =	vld [tilespmem:$0x8F00]  }
0x4de: {  	v30 =	vld [tilespmem:$0x7670]  }
0x4df: {  	v31 =	vld [tilespmem:$0x7660]  }
0x4e0: {  	v32 =	vld [tilespmem:$0x7650]  }
0x4e1: {  	v33 =	vld [tilespmem:$0x7640]  }
0x4e2: {  	[tilespmem:$0x19D20] =	vst v0;
	v0 =	vld [tilespmem:$0x8F10]  }
0x4e3: {  	v34 =	vld [tilespmem:$0x7630]  }
0x4e4: {  	v35 =	vld [tilespmem:$0x7620]  }
0x4e5: {  	v36 =	vld [tilespmem:$0x7610]  }
0x4e6: {  	v37 =	vld [tilespmem:$0x7600]  }
0x4e7: {  	[tilespmem:$0x19D40] =	vst v0;
	v0 =	vld [tilespmem:$0x8F20]  }
0x4e8: {  	v38 =	vld [tilespmem:$0x75F0]  }
0x4e9: {  	v39 =	vld [tilespmem:$0x75E0]  }
0x4ea: {  	v40 =	vld [tilespmem:$0x75D0]  }
0x4eb: {  	v41 =	vld [tilespmem:$0x75C0]  }
0x4ec: {  	[tilespmem:$0x19D60] =	vst v0;
	v0 =	vld [tilespmem:$0x8F30]  }
0x4ed: {  	v42 =	vld [tilespmem:$0x75B0]  }
0x4ee: {  	v43 =	vld [tilespmem:$0x75A0]  }
0x4ef: {  	v44 =	vld [tilespmem:$0x7590]  }
0x4f0: {  	v45 =	vld [tilespmem:$0x7580]  }
0x4f1: {  	[tilespmem:$0x19D80] =	vst v0;
	v0 =	vld [tilespmem:$0x8F40]  }
0x4f2: {  	v46 =	vld [tilespmem:$0x7570]  }
0x4f3: {  	v47 =	vld [tilespmem:$0x7560]  }
0x4f4: {  	v48 =	vld [tilespmem:$0x7550]  }
0x4f5: {  	v49 =	vld [tilespmem:$0x7540]  }
0x4f6: {  	[tilespmem:$0x19DA0] =	vst v0;
	v0 =	vld [tilespmem:$0x8F50]  }
0x4f7: {  	v50 =	vld [tilespmem:$0x7530]  }
0x4f8: {  	v51 =	vld [tilespmem:$0x7520]  }
0x4f9: {  	v52 =	vld [tilespmem:$0x7510]  }
0x4fa: {  	v53 =	vld [tilespmem:$0x7500]  }
0x4fb: {  	[tilespmem:$0x19DC0] =	vst v0;
	v0 =	vld [tilespmem:$0x8F60]  }
0x4fc: {  	v54 =	vld [tilespmem:$0x74F0]  }
0x4fd: {  	v55 =	vld [tilespmem:$0x74E0]  }
0x4fe: {  	v56 =	vld [tilespmem:$0x74D0]  }
0x4ff: {  	v57 =	vld [tilespmem:$0x74C0]  }
0x500: {  	[tilespmem:$0x19DE0] =	vst v0;
	v0 =	vld [tilespmem:$0x8F70]  }
0x501: {  	v58 =	vld [tilespmem:$0x74B0]  }
0x502: {  	v59 =	vld [tilespmem:$0x74A0]  }
0x503: {  	v60 =	vld [tilespmem:$0x7490]  }
0x504: {  	v61 =	vld [tilespmem:$0x7480]  }
0x505: {  	[tilespmem:$0x19E00] =	vst v0;
	v0 =	vld [tilespmem:$0x8F80]  }
0x506: {  	v62 =	vld [tilespmem:$0x7470]  }
0x507: {  	v3 =	vld [tilespmem:$0x8220]  }
0x508: {  	v4 =	vld [tilespmem:$0x8230]  }
0x509: {  	v5 =	vld [tilespmem:$0x8240]  }
0x50a: {  	[tilespmem:$0x19E20] =	vst v0;
	v0 =	vld [tilespmem:$0x8F90]  }
0x50b: {  	v6 =	vld [tilespmem:$0x8250]  }
0x50c: {  	v7 =	vld [tilespmem:$0x8260]  }
0x50d: {  	v8 =	vld [tilespmem:$0x8270]  }
0x50e: {  	v9 =	vld [tilespmem:$0x8280]  }
0x50f: {  	[tilespmem:$0x19E40] =	vst v0;
	v0 =	vld [tilespmem:$0x8FA0]  }
0x510: {  	v10 =	vld [tilespmem:$0x8290]  }
0x511: {  	v11 =	vld [tilespmem:$0x82A0]  }
0x512: {  	v12 =	vld [tilespmem:$0x82B0];
	[tilespmem:$0x1F370] =	vst v13  }
0x513: {  	[tilespmem:$0x1F390] =	vst v14;
	v13 =	vld [tilespmem:$0x82C0]  }
0x514: {  	[tilespmem:$0x19E60] =	vst v0;
	v0 =	vld [tilespmem:$0x8FB0]  }
0x515: {  	[tilespmem:$0x1F3B0] =	vst v15;
	v14 =	vld [tilespmem:$0x82D0]  }
0x516: {  	[tilespmem:$0x1F3D0] =	vst v16;
	v15 =	vld [tilespmem:$0x82E0]  }
0x517: {  	[tilespmem:$0x1F3F0] =	vst v17;
	v16 =	vld [tilespmem:$0x82F0]  }
0x518: {  	[tilespmem:$0x1F410] =	vst v18;
	v17 =	vld [tilespmem:$0x8300]  }
0x519: {  	[tilespmem:$0x19E80] =	vst v0;
	v0 =	vld [tilespmem:$0x8FC0]  }
0x51a: {  	[tilespmem:$0x1F430] =	vst v19;
	v18 =	vld [tilespmem:$0x8310]  }
0x51b: {  	[tilespmem:$0x1F450] =	vst v20;
	v19 =	vld [tilespmem:$0x8320]  }
0x51c: {  	[tilespmem:$0x1F470] =	vst v21;
	v20 =	vld [tilespmem:$0x8330]  }
0x51d: {  	[tilespmem:$0x1F490] =	vst v22;
	v21 =	vld [tilespmem:$0x8340]  }
0x51e: {  	[tilespmem:$0x19EA0] =	vst v0;
	v0 =	vld [tilespmem:$0x8FD0]  }
0x51f: {  	[tilespmem:$0x1F4B0] =	vst v23;
	v22 =	vld [tilespmem:$0x8350]  }
0x520: {  	[tilespmem:$0x1F4D0] =	vst v24;
	v23 =	vld [tilespmem:$0x8360]  }
0x521: {  	[tilespmem:$0x1F4F0] =	vst v25;
	v24 =	vld [tilespmem:$0x8370]  }
0x522: {  	[tilespmem:$0x1F510] =	vst v26;
	v25 =	vld [tilespmem:$0x8380]  }
0x523: {  	[tilespmem:$0x19EC0] =	vst v0;
	v0 =	vld [tilespmem:$0x8FE0]  }
0x524: {  	[tilespmem:$0x1F530] =	vst v27;
	v26 =	vld [tilespmem:$0x8390]  }
0x525: {  	[tilespmem:$0x1F550] =	vst v28;
	v27 =	vld [tilespmem:$0x83A0]  }
0x526: {  	[tilespmem:$0x1F570] =	vst v29;
	v28 =	vld [tilespmem:$0x83B0]  }
0x527: {  	[tilespmem:$0x1F590] =	vst v30;
	v29 =	vld [tilespmem:$0x83C0]  }
0x528: {  	[tilespmem:$0x19EE0] =	vst v0;
	v0 =	vld [tilespmem:$0x8FF0]  }
0x529: {  	[tilespmem:$0x1F5B0] =	vst v31;
	v30 =	vld [tilespmem:$0x83D0]  }
0x52a: {  	[tilespmem:$0x1F5D0] =	vst v32;
	v31 =	vld [tilespmem:$0x83E0]  }
0x52b: {  	[tilespmem:$0x1F5F0] =	vst v33;
	v32 =	vld [tilespmem:$0x83F0]  }
0x52c: {  	[tilespmem:$0x1F610] =	vst v34;
	v33 =	vld [tilespmem:$0x8400]  }
0x52d: {  	[tilespmem:$0x19F00] =	vst v0;
	v0 =	vld [tilespmem:$0x9000]  }
0x52e: {  	[tilespmem:$0x1F630] =	vst v35;
	v34 =	vld [tilespmem:$0x8410]  }
0x52f: {  	[tilespmem:$0x1F650] =	vst v36;
	v35 =	vld [tilespmem:$0x8420]  }
0x530: {  	[tilespmem:$0x1F670] =	vst v37;
	v36 =	vld [tilespmem:$0x8430]  }
0x531: {  	[tilespmem:$0x1F690] =	vst v38;
	v37 =	vld [tilespmem:$0x8440]  }
0x532: {  	[tilespmem:$0x19F20] =	vst v0;
	v0 =	vld [tilespmem:$0x9010]  }
0x533: {  	[tilespmem:$0x1F6B0] =	vst v39;
	v38 =	vld [tilespmem:$0x8450]  }
0x534: {  	[tilespmem:$0x1F6D0] =	vst v40;
	v39 =	vld [tilespmem:$0x8460]  }
0x535: {  	[tilespmem:$0x1F6F0] =	vst v41;
	v40 =	vld [tilespmem:$0x8470]  }
0x536: {  	[tilespmem:$0x1F710] =	vst v42;
	v41 =	vld [tilespmem:$0x8480]  }
0x537: {  	[tilespmem:$0x19F40] =	vst v0;
	v0 =	vld [tilespmem:$0x9020]  }
0x538: {  	[tilespmem:$0x1F730] =	vst v43;
	v42 =	vld [tilespmem:$0x8490]  }
0x539: {  	[tilespmem:$0x1F750] =	vst v44;
	v43 =	vld [tilespmem:$0x84A0]  }
0x53a: {  	[tilespmem:$0x1F770] =	vst v45;
	v44 =	vld [tilespmem:$0x84B0]  }
0x53b: {  	[tilespmem:$0x1F790] =	vst v46;
	v45 =	vld [tilespmem:$0x84C0]  }
0x53c: {  	[tilespmem:$0x19F60] =	vst v0;
	v0 =	vld [tilespmem:$0x9030]  }
0x53d: {  	[tilespmem:$0x1F7B0] =	vst v47;
	v46 =	vld [tilespmem:$0x84D0]  }
0x53e: {  	[tilespmem:$0x1F7D0] =	vst v48;
	v47 =	vld [tilespmem:$0x84E0]  }
0x53f: {  	[tilespmem:$0x1F7F0] =	vst v49;
	v48 =	vld [tilespmem:$0x84F0]  }
0x540: {  	[tilespmem:$0x1F810] =	vst v50;
	v49 =	vld [tilespmem:$0x8500]  }
0x541: {  	[tilespmem:$0x19F80] =	vst v0;
	v0 =	vld [tilespmem:$0x9040]  }
0x542: {  	[tilespmem:$0x1F830] =	vst v51;
	v50 =	vld [tilespmem:$0x8510]  }
0x543: {  	[tilespmem:$0x1F850] =	vst v52;
	v51 =	vld [tilespmem:$0x8520]  }
0x544: {  	[tilespmem:$0x1F870] =	vst v53;
	v52 =	vld [tilespmem:$0x8530]  }
0x545: {  	[tilespmem:$0x1F890] =	vst v54;
	v53 =	vld [tilespmem:$0x8540]  }
0x546: {  	[tilespmem:$0x19FA0] =	vst v0;
	v0 =	vld [tilespmem:$0x9050]  }
0x547: {  	[tilespmem:$0x1F8B0] =	vst v55;
	v54 =	vld [tilespmem:$0x8550]  }
0x548: {  	[tilespmem:$0x1F8D0] =	vst v56;
	v55 =	vld [tilespmem:$0x8560]  }
0x549: {  	[tilespmem:$0x1F8F0] =	vst v57;
	v56 =	vld [tilespmem:$0x8570]  }
0x54a: {  	[tilespmem:$0x1F910] =	vst v58;
	v57 =	vld [tilespmem:$0x8580]  }
0x54b: {  	[tilespmem:$0x19FC0] =	vst v0;
	v0 =	vld [tilespmem:$0x9060]  }
0x54c: {  	[tilespmem:$0x1F930] =	vst v59;
	v58 =	vld [tilespmem:$0x8590]  }
0x54d: {  	[tilespmem:$0x1F950] =	vst v60;
	v59 =	vld [tilespmem:$0x85A0]  }
0x54e: {  	[tilespmem:$0x1F970] =	vst v61;
	v60 =	vld [tilespmem:$0x85B0]  }
0x54f: {  	[tilespmem:$0x1F990] =	vst v62;
	v61 =	vld [tilespmem:$0x85C0]  }
0x550: {  	v62 =	vld [tilespmem:$0x85D0];
	[tilespmem:$0x19FE0] =	vst v0  }
0x551: {  	v0 =	vld [tilespmem:$0x9070];
	_ =	sdelay $0x4  }
0x552: {  	[tilespmem:$0x1A000] =	vst v0;
	v0 =	vld [tilespmem:$0x9080];
	_ =	sdelay $0x4  }
0x553: {  	[tilespmem:$0x1A020] =	vst v0;
	v0 =	vld [tilespmem:$0x9090];
	_ =	sdelay $0x4  }
0x554: {  	[tilespmem:$0x1A040] =	vst v0;
	v0 =	vld [tilespmem:$0x90A0];
	_ =	sdelay $0x4  }
0x555: {  	[tilespmem:$0x1A060] =	vst v0;
	v0 =	vld [tilespmem:$0x90B0];
	_ =	sdelay $0x4  }
0x556: {  	[tilespmem:$0x1A080] =	vst v0;
	v0 =	vld [tilespmem:$0x90C0];
	_ =	sdelay $0x4  }
0x557: {  	[tilespmem:$0x1A0A0] =	vst v0;
	v0 =	vld [tilespmem:$0x90D0];
	_ =	sdelay $0x4  }
0x558: {  	[tilespmem:$0x1A0C0] =	vst v0;
	v0 =	vld [tilespmem:$0x90E0];
	_ =	sdelay $0x4  }
0x559: {  	[tilespmem:$0x1A0E0] =	vst v0;
	v0 =	vld [tilespmem:$0x90F0];
	_ =	sdelay $0x4  }
0x55a: {  	[tilespmem:$0x1A100] =	vst v0;
	v0 =	vld [tilespmem:$0x9100];
	_ =	sdelay $0x4  }
0x55b: {  	[tilespmem:$0x1A120] =	vst v0;
	v0 =	vld [tilespmem:$0x9110];
	_ =	sdelay $0x4  }
0x55c: {  	[tilespmem:$0x1A140] =	vst v0;
	v0 =	vld [tilespmem:$0x9120];
	_ =	sdelay $0x4  }
0x55d: {  	[tilespmem:$0x1A160] =	vst v0;
	v0 =	vld [tilespmem:$0x9130];
	_ =	sdelay $0x4  }
0x55e: {  	[tilespmem:$0x1A180] =	vst v0;
	v0 =	vld [tilespmem:$0x9140];
	_ =	sdelay $0x4  }
0x55f: {  	[tilespmem:$0x1A1A0] =	vst v0;
	v0 =	vld [tilespmem:$0x9150];
	_ =	sdelay $0x4  }
0x560: {  	[tilespmem:$0x1A1C0] =	vst v0;
	v0 =	vld [tilespmem:$0x9160];
	_ =	sdelay $0x4  }
0x561: {  	[tilespmem:$0x1A1E0] =	vst v0;
	v0 =	vld [tilespmem:$0x9170];
	_ =	sdelay $0x4  }
0x562: {  	[tilespmem:$0x1A200] =	vst v0;
	v0 =	vld [tilespmem:$0x9180];
	_ =	sdelay $0x4  }
0x563: {  	[tilespmem:$0x1A220] =	vst v0;
	v0 =	vld [tilespmem:$0x9190];
	_ =	sdelay $0x4  }
0x564: {  	[tilespmem:$0x1A240] =	vst v0;
	v0 =	vld [tilespmem:$0x91A0];
	_ =	sdelay $0x4  }
0x565: {  	[tilespmem:$0x1A260] =	vst v0;
	v0 =	vld [tilespmem:$0x91B0];
	_ =	sdelay $0x4  }
0x566: {  	[tilespmem:$0x1A280] =	vst v0;
	v0 =	vld [tilespmem:$0x91C0];
	_ =	sdelay $0x4  }
0x567: {  	[tilespmem:$0x1A2A0] =	vst v0;
	v0 =	vld [tilespmem:$0x91D0];
	_ =	sdelay $0x4  }
0x568: {  	[tilespmem:$0x1A2C0] =	vst v0;
	v0 =	vld [tilespmem:$0x91E0];
	_ =	sdelay $0x4  }
0x569: {  	[tilespmem:$0x1A2E0] =	vst v0;
	v0 =	vld [tilespmem:$0x91F0];
	_ =	sdelay $0x4  }
0x56a: {  	[tilespmem:$0x1A300] =	vst v0;
	v0 =	vld [tilespmem:$0x9200];
	_ =	sdelay $0x4  }
0x56b: {  	[tilespmem:$0x1A320] =	vst v0;
	v0 =	vld [tilespmem:$0x9210];
	_ =	sdelay $0x4  }
0x56c: {  	[tilespmem:$0x1A340] =	vst v0;
	v0 =	vld [tilespmem:$0x9220];
	_ =	sdelay $0x4  }
0x56d: {  	[tilespmem:$0x1C1C0] =	vst v0;
	v0 =	vld [tilespmem:$0xA150];
	_ =	sdelay $0x4  }
0x56e: {  	[tilespmem:$0x1A360] =	vst v0;
	v0 =	vld [tilespmem:$0xA140];
	_ =	sdelay $0x4  }
0x56f: {  	[tilespmem:$0x1A380] =	vst v0;
	v0 =	vld [tilespmem:$0xA130];
	_ =	sdelay $0x4  }
0x570: {  	[tilespmem:$0x1A3A0] =	vst v0;
	v0 =	vld [tilespmem:$0xA120];
	_ =	sdelay $0x4  }
0x571: {  	[tilespmem:$0x1A3C0] =	vst v0;
	v0 =	vld [tilespmem:$0xA110];
	_ =	sdelay $0x4  }
0x572: {  	[tilespmem:$0x1A3E0] =	vst v0;
	v0 =	vld [tilespmem:$0xA100];
	_ =	sdelay $0x4  }
0x573: {  	[tilespmem:$0x1A400] =	vst v0;
	v0 =	vld [tilespmem:$0xA0F0];
	_ =	sdelay $0x4  }
0x574: {  	[tilespmem:$0x1A420] =	vst v0;
	v0 =	vld [tilespmem:$0xA0E0];
	_ =	sdelay $0x4  }
0x575: {  	[tilespmem:$0x1A440] =	vst v0;
	v0 =	vld [tilespmem:$0xA0D0];
	_ =	sdelay $0x4  }
0x576: {  	[tilespmem:$0x1A460] =	vst v0;
	v0 =	vld [tilespmem:$0xA0C0];
	_ =	sdelay $0x4  }
0x577: {  	[tilespmem:$0x1A480] =	vst v0;
	v0 =	vld [tilespmem:$0xA0B0];
	_ =	sdelay $0x4  }
0x578: {  	[tilespmem:$0x1A4A0] =	vst v0;
	v0 =	vld [tilespmem:$0xA0A0];
	_ =	sdelay $0x4  }
0x579: {  	[tilespmem:$0x1A4C0] =	vst v0;
	v0 =	vld [tilespmem:$0xA090];
	_ =	sdelay $0x4  }
0x57a: {  	[tilespmem:$0x1A4E0] =	vst v0;
	v0 =	vld [tilespmem:$0xA080];
	_ =	sdelay $0x4  }
0x57b: {  	[tilespmem:$0x1A500] =	vst v0;
	v0 =	vld [tilespmem:$0xA070];
	_ =	sdelay $0x4  }
0x57c: {  	[tilespmem:$0x1A520] =	vst v0;
	v0 =	vld [tilespmem:$0xA060];
	_ =	sdelay $0x4  }
0x57d: {  	[tilespmem:$0x1A540] =	vst v0;
	v0 =	vld [tilespmem:$0xA050];
	_ =	sdelay $0x4  }
0x57e: {  	[tilespmem:$0x1A560] =	vst v0;
	v0 =	vld [tilespmem:$0xA040];
	_ =	sdelay $0x4  }
0x57f: {  	[tilespmem:$0x1A580] =	vst v0;
	v0 =	vld [tilespmem:$0xA030];
	_ =	sdelay $0x4  }
0x580: {  	[tilespmem:$0x1A5A0] =	vst v0;
	v0 =	vld [tilespmem:$0xA020];
	_ =	sdelay $0x4  }
0x581: {  	[tilespmem:$0x1A5C0] =	vst v0;
	v0 =	vld [tilespmem:$0xA010];
	_ =	sdelay $0x4  }
0x582: {  	[tilespmem:$0x1A5E0] =	vst v0;
	v0 =	vld [tilespmem:$0xA000];
	_ =	sdelay $0x4  }
0x583: {  	[tilespmem:$0x1A600] =	vst v0;
	v0 =	vld [tilespmem:$0x9FF0];
	_ =	sdelay $0x4  }
0x584: {  	[tilespmem:$0x1A620] =	vst v0;
	v0 =	vld [tilespmem:$0x9FE0];
	_ =	sdelay $0x4  }
0x585: {  	[tilespmem:$0x1A640] =	vst v0;
	v0 =	vld [tilespmem:$0x9FD0];
	_ =	sdelay $0x4  }
0x586: {  	[tilespmem:$0x1A660] =	vst v0;
	v0 =	vld [tilespmem:$0x9FC0];
	_ =	sdelay $0x4  }
0x587: {  	[tilespmem:$0x1A680] =	vst v0;
	v0 =	vld [tilespmem:$0x9FB0];
	_ =	sdelay $0x4  }
0x588: {  	[tilespmem:$0x1A6A0] =	vst v0;
	v0 =	vld [tilespmem:$0x9FA0];
	_ =	sdelay $0x4  }
0x589: {  	[tilespmem:$0x1A6C0] =	vst v0;
	v0 =	vld [tilespmem:$0x9F90];
	_ =	sdelay $0x4  }
0x58a: {  	[tilespmem:$0x1A6E0] =	vst v0;
	v0 =	vld [tilespmem:$0x9F80];
	_ =	sdelay $0x4  }
0x58b: {  	[tilespmem:$0x1A700] =	vst v0;
	v0 =	vld [tilespmem:$0x9F70];
	_ =	sdelay $0x4  }
0x58c: {  	[tilespmem:$0x1A720] =	vst v0;
	v0 =	vld [tilespmem:$0x9F60];
	_ =	sdelay $0x4  }
0x58d: {  	[tilespmem:$0x1A740] =	vst v0;
	v0 =	vld [tilespmem:$0x9F50];
	_ =	sdelay $0x4  }
0x58e: {  	[tilespmem:$0x1A760] =	vst v0;
	v0 =	vld [tilespmem:$0x9F40];
	_ =	sdelay $0x4  }
0x58f: {  	[tilespmem:$0x1A780] =	vst v0;
	v0 =	vld [tilespmem:$0x9F30];
	_ =	sdelay $0x4  }
0x590: {  	[tilespmem:$0x1A7A0] =	vst v0;
	v0 =	vld [tilespmem:$0x9F20];
	_ =	sdelay $0x4  }
0x591: {  	[tilespmem:$0x1A7C0] =	vst v0;
	v0 =	vld [tilespmem:$0x9F10];
	_ =	sdelay $0x4  }
0x592: {  	[tilespmem:$0x1A7E0] =	vst v0;
	v0 =	vld [tilespmem:$0x9F00];
	_ =	sdelay $0x4  }
0x593: {  	[tilespmem:$0x1A800] =	vst v0;
	v0 =	vld [tilespmem:$0x9EF0];
	_ =	sdelay $0x4  }
0x594: {  	[tilespmem:$0x1A820] =	vst v0;
	v0 =	vld [tilespmem:$0x9EE0];
	_ =	sdelay $0x4  }
0x595: {  	[tilespmem:$0x1A840] =	vst v0;
	v0 =	vld [tilespmem:$0x9ED0];
	_ =	sdelay $0x4  }
0x596: {  	[tilespmem:$0x1A860] =	vst v0;
	v0 =	vld [tilespmem:$0x9EC0];
	_ =	sdelay $0x4  }
0x597: {  	[tilespmem:$0x1A880] =	vst v0;
	v0 =	vld [tilespmem:$0x9EB0];
	_ =	sdelay $0x4  }
0x598: {  	[tilespmem:$0x1A8A0] =	vst v0;
	v0 =	vld [tilespmem:$0x9EA0];
	_ =	sdelay $0x4  }
0x599: {  	[tilespmem:$0x1A8C0] =	vst v0;
	v0 =	vld [tilespmem:$0x9E90];
	_ =	sdelay $0x4  }
0x59a: {  	[tilespmem:$0x1A8E0] =	vst v0;
	v0 =	vld [tilespmem:$0x9E80];
	_ =	sdelay $0x4  }
0x59b: {  	[tilespmem:$0x1A900] =	vst v0;
	v0 =	vld [tilespmem:$0x9E70];
	_ =	sdelay $0x4  }
0x59c: {  	[tilespmem:$0x1A920] =	vst v0;
	v0 =	vld [tilespmem:$0x9E60];
	_ =	sdelay $0x4  }
0x59d: {  	[tilespmem:$0x1A940] =	vst v0;
	v0 =	vld [tilespmem:$0x9E50];
	_ =	sdelay $0x4  }
0x59e: {  	[tilespmem:$0x1A960] =	vst v0;
	v0 =	vld [tilespmem:$0x9E40];
	_ =	sdelay $0x4  }
0x59f: {  	[tilespmem:$0x1A980] =	vst v0;
	v0 =	vld [tilespmem:$0x9E30];
	_ =	sdelay $0x4  }
0x5a0: {  	[tilespmem:$0x1A9A0] =	vst v0;
	v0 =	vld [tilespmem:$0x9E20];
	_ =	sdelay $0x4  }
0x5a1: {  	[tilespmem:$0x1A9C0] =	vst v0;
	v0 =	vld [tilespmem:$0x9E10];
	_ =	sdelay $0x4  }
0x5a2: {  	[tilespmem:$0x1A9E0] =	vst v0;
	v0 =	vld [tilespmem:$0x9E00];
	_ =	sdelay $0x4  }
0x5a3: {  	[tilespmem:$0x1AA00] =	vst v0;
	v0 =	vld [tilespmem:$0x9DF0];
	_ =	sdelay $0x4  }
0x5a4: {  	[tilespmem:$0x1AA20] =	vst v0;
	v0 =	vld [tilespmem:$0x9DE0];
	_ =	sdelay $0x4  }
0x5a5: {  	[tilespmem:$0x1AA40] =	vst v0;
	v0 =	vld [tilespmem:$0x9DD0];
	_ =	sdelay $0x4  }
0x5a6: {  	[tilespmem:$0x1AA60] =	vst v0;
	v0 =	vld [tilespmem:$0x9DC0];
	_ =	sdelay $0x4  }
0x5a7: {  	[tilespmem:$0x1AA80] =	vst v0;
	v0 =	vld [tilespmem:$0x9DB0];
	_ =	sdelay $0x4  }
0x5a8: {  	[tilespmem:$0x1AAA0] =	vst v0;
	v0 =	vld [tilespmem:$0x9DA0];
	_ =	sdelay $0x4  }
0x5a9: {  	[tilespmem:$0x1AAC0] =	vst v0;
	v0 =	vld [tilespmem:$0x9D90];
	_ =	sdelay $0x4  }
0x5aa: {  	[tilespmem:$0x1AAE0] =	vst v0;
	v0 =	vld [tilespmem:$0x9D80];
	_ =	sdelay $0x4  }
0x5ab: {  	[tilespmem:$0x1AB00] =	vst v0;
	v0 =	vld [tilespmem:$0x9D70];
	_ =	sdelay $0x4  }
0x5ac: {  	[tilespmem:$0x1AB20] =	vst v0;
	v0 =	vld [tilespmem:$0x9D60];
	_ =	sdelay $0x4  }
0x5ad: {  	[tilespmem:$0x1AB40] =	vst v0;
	v0 =	vld [tilespmem:$0x9D50];
	_ =	sdelay $0x4  }
0x5ae: {  	[tilespmem:$0x1AB60] =	vst v0;
	v0 =	vld [tilespmem:$0x9D40];
	_ =	sdelay $0x4  }
0x5af: {  	[tilespmem:$0x1AB80] =	vst v0;
	v0 =	vld [tilespmem:$0x9D30];
	_ =	sdelay $0x4  }
0x5b0: {  	[tilespmem:$0x1ABA0] =	vst v0;
	v0 =	vld [tilespmem:$0x9D20];
	_ =	sdelay $0x4  }
0x5b1: {  	[tilespmem:$0x1ABC0] =	vst v0;
	v0 =	vld [tilespmem:$0x9D10];
	_ =	sdelay $0x4  }
0x5b2: {  	[tilespmem:$0x1ABE0] =	vst v0;
	v0 =	vld [tilespmem:$0x9D00];
	_ =	sdelay $0x4  }
0x5b3: {  	[tilespmem:$0x1AC00] =	vst v0;
	v0 =	vld [tilespmem:$0x9CF0];
	_ =	sdelay $0x4  }
0x5b4: {  	[tilespmem:$0x1AC20] =	vst v0;
	v0 =	vld [tilespmem:$0x9CE0];
	_ =	sdelay $0x4  }
0x5b5: {  	[tilespmem:$0x1AC40] =	vst v0;
	v0 =	vld [tilespmem:$0x9CD0];
	_ =	sdelay $0x4  }
0x5b6: {  	[tilespmem:$0x1AC60] =	vst v0;
	v0 =	vld [tilespmem:$0x9CC0];
	_ =	sdelay $0x4  }
0x5b7: {  	[tilespmem:$0x1AC80] =	vst v0;
	v0 =	vld [tilespmem:$0x9CB0];
	_ =	sdelay $0x4  }
0x5b8: {  	[tilespmem:$0x1ACA0] =	vst v0;
	v0 =	vld [tilespmem:$0x9CA0];
	_ =	sdelay $0x4  }
0x5b9: {  	[tilespmem:$0x1ACC0] =	vst v0;
	v0 =	vld [tilespmem:$0x9C90];
	_ =	sdelay $0x4  }
0x5ba: {  	[tilespmem:$0x1ACE0] =	vst v0;
	v0 =	vld [tilespmem:$0x9C80];
	_ =	sdelay $0x4  }
0x5bb: {  	[tilespmem:$0x1AD00] =	vst v0;
	v0 =	vld [tilespmem:$0x9C70];
	_ =	sdelay $0x4  }
0x5bc: {  	[tilespmem:$0x1AD20] =	vst v0;
	v0 =	vld [tilespmem:$0x9C60];
	_ =	sdelay $0x4  }
0x5bd: {  	[tilespmem:$0x1AD40] =	vst v0;
	v0 =	vld [tilespmem:$0x9C50];
	_ =	sdelay $0x4  }
0x5be: {  	[tilespmem:$0x1AD60] =	vst v0;
	v0 =	vld [tilespmem:$0x9C40];
	_ =	sdelay $0x4  }
0x5bf: {  	[tilespmem:$0x1AD80] =	vst v0;
	v0 =	vld [tilespmem:$0x9C30];
	_ =	sdelay $0x4  }
0x5c0: {  	[tilespmem:$0x1ADA0] =	vst v0;
	v0 =	vld [tilespmem:$0x9C20];
	_ =	sdelay $0x4  }
0x5c1: {  	[tilespmem:$0x1ADC0] =	vst v0;
	v0 =	vld [tilespmem:$0x9C10];
	_ =	sdelay $0x4  }
0x5c2: {  	[tilespmem:$0x1ADE0] =	vst v0;
	v0 =	vld [tilespmem:$0x9C00];
	_ =	sdelay $0x4  }
0x5c3: {  	[tilespmem:$0x1AE00] =	vst v0;
	v0 =	vld [tilespmem:$0x9BF0];
	_ =	sdelay $0x4  }
0x5c4: {  	[tilespmem:$0x1AE20] =	vst v0;
	v0 =	vld [tilespmem:$0x9BE0];
	_ =	sdelay $0x4  }
0x5c5: {  	[tilespmem:$0x1AE40] =	vst v0;
	v0 =	vld [tilespmem:$0x9BD0];
	_ =	sdelay $0x4  }
0x5c6: {  	[tilespmem:$0x1AE60] =	vst v0;
	v0 =	vld [tilespmem:$0x9BC0];
	_ =	sdelay $0x4  }
0x5c7: {  	[tilespmem:$0x1AE80] =	vst v0;
	v0 =	vld [tilespmem:$0x9BB0];
	_ =	sdelay $0x4  }
0x5c8: {  	[tilespmem:$0x1AEA0] =	vst v0;
	v0 =	vld [tilespmem:$0x9BA0];
	_ =	sdelay $0x4  }
0x5c9: {  	[tilespmem:$0x1AEC0] =	vst v0;
	v0 =	vld [tilespmem:$0x9B90];
	_ =	sdelay $0x4  }
0x5ca: {  	[tilespmem:$0x1AEE0] =	vst v0;
	v0 =	vld [tilespmem:$0x9B80];
	_ =	sdelay $0x4  }
0x5cb: {  	[tilespmem:$0x1AF00] =	vst v0;
	v0 =	vld [tilespmem:$0x9B70];
	_ =	sdelay $0x4  }
0x5cc: {  	[tilespmem:$0x1AF20] =	vst v0;
	v0 =	vld [tilespmem:$0x9B60];
	_ =	sdelay $0x4  }
0x5cd: {  	[tilespmem:$0x1AF40] =	vst v0;
	v0 =	vld [tilespmem:$0x9B50];
	_ =	sdelay $0x4  }
0x5ce: {  	[tilespmem:$0x1AF60] =	vst v0;
	v0 =	vld [tilespmem:$0x9B40];
	_ =	sdelay $0x4  }
0x5cf: {  	[tilespmem:$0x1AF80] =	vst v0;
	v0 =	vld [tilespmem:$0x9B30];
	_ =	sdelay $0x4  }
0x5d0: {  	[tilespmem:$0x1AFA0] =	vst v0;
	v0 =	vld [tilespmem:$0x9B20];
	_ =	sdelay $0x4  }
0x5d1: {  	[tilespmem:$0x1AFC0] =	vst v0;
	v0 =	vld [tilespmem:$0x9B10];
	_ =	sdelay $0x4  }
0x5d2: {  	[tilespmem:$0x1AFE0] =	vst v0;
	v0 =	vld [tilespmem:$0x9B00];
	_ =	sdelay $0x4  }
0x5d3: {  	[tilespmem:$0x1B000] =	vst v0;
	v0 =	vld [tilespmem:$0x9AF0];
	_ =	sdelay $0x4  }
0x5d4: {  	[tilespmem:$0x1B020] =	vst v0;
	v0 =	vld [tilespmem:$0x9AE0];
	_ =	sdelay $0x4  }
0x5d5: {  	[tilespmem:$0x1B040] =	vst v0;
	v0 =	vld [tilespmem:$0x9AD0];
	_ =	sdelay $0x4  }
0x5d6: {  	[tilespmem:$0x1B060] =	vst v0;
	v0 =	vld [tilespmem:$0x9AC0];
	_ =	sdelay $0x4  }
0x5d7: {  	[tilespmem:$0x1B080] =	vst v0;
	v0 =	vld [tilespmem:$0x9AB0];
	_ =	sdelay $0x4  }
0x5d8: {  	[tilespmem:$0x1B0A0] =	vst v0;
	v0 =	vld [tilespmem:$0x9AA0];
	_ =	sdelay $0x4  }
0x5d9: {  	[tilespmem:$0x1B0C0] =	vst v0;
	v0 =	vld [tilespmem:$0x9A90];
	_ =	sdelay $0x4  }
0x5da: {  	[tilespmem:$0x1B0E0] =	vst v0;
	v0 =	vld [tilespmem:$0x9A80];
	_ =	sdelay $0x4  }
0x5db: {  	[tilespmem:$0x1B100] =	vst v0;
	v0 =	vld [tilespmem:$0x9A70];
	_ =	sdelay $0x4  }
0x5dc: {  	[tilespmem:$0x1B120] =	vst v0;
	v0 =	vld [tilespmem:$0x9A60];
	_ =	sdelay $0x4  }
0x5dd: {  	[tilespmem:$0x1B140] =	vst v0;
	v0 =	vld [tilespmem:$0x9A50];
	_ =	sdelay $0x4  }
0x5de: {  	[tilespmem:$0x1B160] =	vst v0;
	v0 =	vld [tilespmem:$0x9A40];
	_ =	sdelay $0x4  }
0x5df: {  	[tilespmem:$0x1B180] =	vst v0;
	v0 =	vld [tilespmem:$0x9A30];
	_ =	sdelay $0x4  }
0x5e0: {  	[tilespmem:$0x1B1A0] =	vst v0;
	v0 =	vld [tilespmem:$0x9A20];
	_ =	sdelay $0x4  }
0x5e1: {  	[tilespmem:$0x1B1C0] =	vst v0;
	v0 =	vld [tilespmem:$0x9A10];
	_ =	sdelay $0x4  }
0x5e2: {  	[tilespmem:$0x1B1E0] =	vst v0;
	v0 =	vld [tilespmem:$0x9A00];
	_ =	sdelay $0x4  }
0x5e3: {  	[tilespmem:$0x1B200] =	vst v0;
	v0 =	vld [tilespmem:$0x99F0];
	_ =	sdelay $0x4  }
0x5e4: {  	[tilespmem:$0x1B220] =	vst v0;
	v0 =	vld [tilespmem:$0x99E0];
	_ =	sdelay $0x4  }
0x5e5: {  	[tilespmem:$0x1B240] =	vst v0;
	v0 =	vld [tilespmem:$0x99D0];
	_ =	sdelay $0x4  }
0x5e6: {  	[tilespmem:$0x1B260] =	vst v0;
	v0 =	vld [tilespmem:$0x99C0];
	_ =	sdelay $0x4  }
0x5e7: {  	[tilespmem:$0x1B280] =	vst v0;
	v0 =	vld [tilespmem:$0x99B0];
	_ =	sdelay $0x4  }
0x5e8: {  	[tilespmem:$0x1B2A0] =	vst v0;
	v0 =	vld [tilespmem:$0x99A0];
	_ =	sdelay $0x4  }
0x5e9: {  	[tilespmem:$0x1B2C0] =	vst v0;
	v0 =	vld [tilespmem:$0x9990];
	_ =	sdelay $0x4  }
0x5ea: {  	[tilespmem:$0x1B2E0] =	vst v0;
	v0 =	vld [tilespmem:$0x9980];
	_ =	sdelay $0x4  }
0x5eb: {  	[tilespmem:$0x1B300] =	vst v0;
	v0 =	vld [tilespmem:$0x9970];
	_ =	sdelay $0x4  }
0x5ec: {  	[tilespmem:$0x1B320] =	vst v0;
	v0 =	vld [tilespmem:$0x9960];
	_ =	sdelay $0x4  }
0x5ed: {  	[tilespmem:$0x1B340] =	vst v0;
	v0 =	vld [tilespmem:$0x9950];
	_ =	sdelay $0x4  }
0x5ee: {  	[tilespmem:$0x1B360] =	vst v0;
	v0 =	vld [tilespmem:$0x9940];
	_ =	sdelay $0x4  }
0x5ef: {  	[tilespmem:$0x1B380] =	vst v0;
	v0 =	vld [tilespmem:$0x9930];
	_ =	sdelay $0x4  }
0x5f0: {  	[tilespmem:$0x1B3A0] =	vst v0;
	v0 =	vld [tilespmem:$0x9920];
	_ =	sdelay $0x4  }
0x5f1: {  	[tilespmem:$0x1B3C0] =	vst v0;
	v0 =	vld [tilespmem:$0x9910];
	_ =	sdelay $0x4  }
0x5f2: {  	[tilespmem:$0x1B3E0] =	vst v0;
	v0 =	vld [tilespmem:$0x9900];
	_ =	sdelay $0x4  }
0x5f3: {  	[tilespmem:$0x1B400] =	vst v0;
	v0 =	vld [tilespmem:$0x98F0];
	_ =	sdelay $0x4  }
0x5f4: {  	[tilespmem:$0x1B420] =	vst v0;
	v0 =	vld [tilespmem:$0x98E0];
	_ =	sdelay $0x4  }
0x5f5: {  	[tilespmem:$0x1B440] =	vst v0;
	v0 =	vld [tilespmem:$0x98D0];
	_ =	sdelay $0x4  }
0x5f6: {  	[tilespmem:$0x1B460] =	vst v0;
	v0 =	vld [tilespmem:$0x98C0];
	_ =	sdelay $0x4  }
0x5f7: {  	[tilespmem:$0x1B480] =	vst v0;
	v0 =	vld [tilespmem:$0x98B0];
	_ =	sdelay $0x4  }
0x5f8: {  	[tilespmem:$0x1B4A0] =	vst v0;
	v0 =	vld [tilespmem:$0x98A0];
	_ =	sdelay $0x4  }
0x5f9: {  	[tilespmem:$0x1B4C0] =	vst v0;
	v0 =	vld [tilespmem:$0x9890];
	_ =	sdelay $0x4  }
0x5fa: {  	[tilespmem:$0x1B4E0] =	vst v0;
	v0 =	vld [tilespmem:$0x9880];
	_ =	sdelay $0x4  }
0x5fb: {  	[tilespmem:$0x1B500] =	vst v0;
	v0 =	vld [tilespmem:$0x9870];
	_ =	sdelay $0x4  }
0x5fc: {  	[tilespmem:$0x1B520] =	vst v0;
	v0 =	vld [tilespmem:$0x9860];
	_ =	sdelay $0x4  }
0x5fd: {  	[tilespmem:$0x1B540] =	vst v0;
	v0 =	vld [tilespmem:$0x9850];
	_ =	sdelay $0x4  }
0x5fe: {  	[tilespmem:$0x1B560] =	vst v0;
	v0 =	vld [tilespmem:$0x9840];
	_ =	sdelay $0x4  }
0x5ff: {  	[tilespmem:$0x1B580] =	vst v0;
	v0 =	vld [tilespmem:$0x9830];
	_ =	sdelay $0x4  }
0x600: {  	[tilespmem:$0x1B5A0] =	vst v0;
	v0 =	vld [tilespmem:$0x9820];
	_ =	sdelay $0x4  }
0x601: {  	[tilespmem:$0x1B5C0] =	vst v0;
	v0 =	vld [tilespmem:$0x9810];
	_ =	sdelay $0x4  }
0x602: {  	[tilespmem:$0x1B5E0] =	vst v0;
	v0 =	vld [tilespmem:$0x9800];
	_ =	sdelay $0x4  }
0x603: {  	[tilespmem:$0x1B600] =	vst v0;
	v0 =	vld [tilespmem:$0x97F0];
	_ =	sdelay $0x4  }
0x604: {  	[tilespmem:$0x1B620] =	vst v0;
	v0 =	vld [tilespmem:$0x97E0];
	_ =	sdelay $0x4  }
0x605: {  	[tilespmem:$0x1B640] =	vst v0;
	v0 =	vld [tilespmem:$0x97D0];
	_ =	sdelay $0x4  }
0x606: {  	[tilespmem:$0x1B660] =	vst v0;
	v0 =	vld [tilespmem:$0x97C0];
	_ =	sdelay $0x4  }
0x607: {  	[tilespmem:$0x1B680] =	vst v0;
	v0 =	vld [tilespmem:$0x97B0];
	_ =	sdelay $0x4  }
0x608: {  	[tilespmem:$0x1B6A0] =	vst v0;
	v0 =	vld [tilespmem:$0x97A0];
	_ =	sdelay $0x4  }
0x609: {  	[tilespmem:$0x1B6C0] =	vst v0;
	v0 =	vld [tilespmem:$0x9790];
	_ =	sdelay $0x4  }
0x60a: {  	[tilespmem:$0x1B6E0] =	vst v0;
	v0 =	vld [tilespmem:$0x9780];
	_ =	sdelay $0x4  }
0x60b: {  	[tilespmem:$0x1B700] =	vst v0;
	v0 =	vld [tilespmem:$0x9770];
	_ =	sdelay $0x4  }
0x60c: {  	[tilespmem:$0x1B720] =	vst v0;
	v0 =	vld [tilespmem:$0x9760];
	_ =	sdelay $0x4  }
0x60d: {  	[tilespmem:$0x1B740] =	vst v0;
	v0 =	vld [tilespmem:$0x9750];
	_ =	sdelay $0x4  }
0x60e: {  	[tilespmem:$0x1B760] =	vst v0;
	v0 =	vld [tilespmem:$0x9740];
	_ =	sdelay $0x4  }
0x60f: {  	[tilespmem:$0x1B780] =	vst v0;
	v0 =	vld [tilespmem:$0x9730];
	_ =	sdelay $0x4  }
0x610: {  	[tilespmem:$0x1B7A0] =	vst v0;
	v0 =	vld [tilespmem:$0x9720];
	_ =	sdelay $0x4  }
0x611: {  	[tilespmem:$0x1B7C0] =	vst v0;
	v0 =	vld [tilespmem:$0x9710];
	_ =	sdelay $0x4  }
0x612: {  	[tilespmem:$0x1B7E0] =	vst v0;
	v0 =	vld [tilespmem:$0x9700];
	_ =	sdelay $0x4  }
0x613: {  	[tilespmem:$0x1B800] =	vst v0;
	v0 =	vld [tilespmem:$0x96F0];
	_ =	sdelay $0x4  }
0x614: {  	[tilespmem:$0x1B820] =	vst v0;
	v0 =	vld [tilespmem:$0x96E0];
	_ =	sdelay $0x4  }
0x615: {  	[tilespmem:$0x1B840] =	vst v0;
	v0 =	vld [tilespmem:$0x96D0];
	_ =	sdelay $0x4  }
0x616: {  	[tilespmem:$0x1B860] =	vst v0;
	v0 =	vld [tilespmem:$0x96C0];
	_ =	sdelay $0x4  }
0x617: {  	[tilespmem:$0x1B880] =	vst v0;
	v0 =	vld [tilespmem:$0x96B0];
	_ =	sdelay $0x4  }
0x618: {  	[tilespmem:$0x1B8A0] =	vst v0;
	v0 =	vld [tilespmem:$0x96A0];
	_ =	sdelay $0x4  }
0x619: {  	[tilespmem:$0x1B8C0] =	vst v0;
	v0 =	vld [tilespmem:$0x9690];
	_ =	sdelay $0x4  }
0x61a: {  	[tilespmem:$0x1B8E0] =	vst v0;
	v0 =	vld [tilespmem:$0x9680];
	_ =	sdelay $0x4  }
0x61b: {  	[tilespmem:$0x1B900] =	vst v0;
	v0 =	vld [tilespmem:$0x9670];
	_ =	sdelay $0x4  }
0x61c: {  	[tilespmem:$0x1B920] =	vst v0;
	v0 =	vld [tilespmem:$0x9660];
	_ =	sdelay $0x4  }
0x61d: {  	[tilespmem:$0x1B940] =	vst v0;
	v0 =	vld [tilespmem:$0x9650];
	_ =	sdelay $0x4  }
0x61e: {  	[tilespmem:$0x1B960] =	vst v0;
	v0 =	vld [tilespmem:$0x9640];
	_ =	sdelay $0x4  }
0x61f: {  	[tilespmem:$0x1B980] =	vst v0;
	v0 =	vld [tilespmem:$0x9630];
	_ =	sdelay $0x4  }
0x620: {  	[tilespmem:$0x1B9A0] =	vst v0;
	v0 =	vld [tilespmem:$0x9620];
	_ =	sdelay $0x4  }
0x621: {  	[tilespmem:$0x1B9C0] =	vst v0;
	v0 =	vld [tilespmem:$0x9610];
	_ =	sdelay $0x4  }
0x622: {  	[tilespmem:$0x1B9E0] =	vst v0;
	v0 =	vld [tilespmem:$0x9600];
	_ =	sdelay $0x4  }
0x623: {  	[tilespmem:$0x1BA00] =	vst v0;
	v0 =	vld [tilespmem:$0x95F0];
	_ =	sdelay $0x4  }
0x624: {  	[tilespmem:$0x1BA20] =	vst v0;
	v0 =	vld [tilespmem:$0x95E0];
	_ =	sdelay $0x4  }
0x625: {  	[tilespmem:$0x1BA40] =	vst v0;
	v0 =	vld [tilespmem:$0x95D0];
	_ =	sdelay $0x4  }
0x626: {  	[tilespmem:$0x1BA60] =	vst v0;
	v0 =	vld [tilespmem:$0x95C0];
	_ =	sdelay $0x4  }
0x627: {  	[tilespmem:$0x1BA80] =	vst v0;
	v0 =	vld [tilespmem:$0x95B0];
	_ =	sdelay $0x4  }
0x628: {  	[tilespmem:$0x1BAA0] =	vst v0;
	v0 =	vld [tilespmem:$0x95A0];
	_ =	sdelay $0x4  }
0x629: {  	[tilespmem:$0x1BAC0] =	vst v0;
	v0 =	vld [tilespmem:$0x9590];
	_ =	sdelay $0x4  }
0x62a: {  	[tilespmem:$0x1BAE0] =	vst v0;
	v0 =	vld [tilespmem:$0x9580];
	_ =	sdelay $0x4  }
0x62b: {  	[tilespmem:$0x1BB00] =	vst v0;
	v0 =	vld [tilespmem:$0x9570];
	_ =	sdelay $0x4  }
0x62c: {  	[tilespmem:$0x1BB20] =	vst v0;
	v0 =	vld [tilespmem:$0x9560];
	_ =	sdelay $0x4  }
0x62d: {  	[tilespmem:$0x1BB40] =	vst v0;
	v0 =	vld [tilespmem:$0x9550];
	_ =	sdelay $0x4  }
0x62e: {  	[tilespmem:$0x1BB60] =	vst v0;
	v0 =	vld [tilespmem:$0x9540];
	_ =	sdelay $0x4  }
0x62f: {  	[tilespmem:$0x1BB80] =	vst v0;
	v0 =	vld [tilespmem:$0x9530];
	_ =	sdelay $0x4  }
0x630: {  	[tilespmem:$0x1BBA0] =	vst v0;
	v0 =	vld [tilespmem:$0x9520];
	_ =	sdelay $0x4  }
0x631: {  	[tilespmem:$0x1BBC0] =	vst v0;
	v0 =	vld [tilespmem:$0x9510];
	_ =	sdelay $0x4  }
0x632: {  	[tilespmem:$0x1BBE0] =	vst v0;
	v0 =	vld [tilespmem:$0x9500];
	_ =	sdelay $0x4  }
0x633: {  	[tilespmem:$0x1BC00] =	vst v0;
	v0 =	vld [tilespmem:$0x94F0];
	_ =	sdelay $0x4  }
0x634: {  	[tilespmem:$0x1BC20] =	vst v0;
	v0 =	vld [tilespmem:$0x94E0];
	_ =	sdelay $0x4  }
0x635: {  	[tilespmem:$0x1BC40] =	vst v0;
	v0 =	vld [tilespmem:$0x94D0];
	_ =	sdelay $0x4  }
0x636: {  	[tilespmem:$0x1BC60] =	vst v0;
	v0 =	vld [tilespmem:$0x94C0];
	_ =	sdelay $0x4  }
0x637: {  	[tilespmem:$0x1BC80] =	vst v0;
	v0 =	vld [tilespmem:$0x94B0];
	_ =	sdelay $0x4  }
0x638: {  	[tilespmem:$0x1BCA0] =	vst v0;
	v0 =	vld [tilespmem:$0x94A0];
	_ =	sdelay $0x4  }
0x639: {  	[tilespmem:$0x1BCC0] =	vst v0;
	v0 =	vld [tilespmem:$0x9490];
	_ =	sdelay $0x4  }
0x63a: {  	[tilespmem:$0x1BCE0] =	vst v0;
	v0 =	vld [tilespmem:$0x9480];
	_ =	sdelay $0x4  }
0x63b: {  	[tilespmem:$0x1BD00] =	vst v0;
	v0 =	vld [tilespmem:$0x9470];
	_ =	sdelay $0x4  }
0x63c: {  	[tilespmem:$0x1BD20] =	vst v0;
	v0 =	vld [tilespmem:$0x9460];
	_ =	sdelay $0x4  }
0x63d: {  	[tilespmem:$0x1BD40] =	vst v0;
	v0 =	vld [tilespmem:$0x9450];
	_ =	sdelay $0x4  }
0x63e: {  	[tilespmem:$0x1BD60] =	vst v0;
	v0 =	vld [tilespmem:$0x9440];
	_ =	sdelay $0x4  }
0x63f: {  	[tilespmem:$0x1BD80] =	vst v0;
	v0 =	vld [tilespmem:$0x9430];
	_ =	sdelay $0x4  }
0x640: {  	[tilespmem:$0x1BDA0] =	vst v0;
	v0 =	vld [tilespmem:$0x9420];
	_ =	sdelay $0x4  }
0x641: {  	[tilespmem:$0x1BDC0] =	vst v0;
	v0 =	vld [tilespmem:$0x9410];
	_ =	sdelay $0x4  }
0x642: {  	[tilespmem:$0x1BDE0] =	vst v0;
	v0 =	vld [tilespmem:$0x9400];
	_ =	sdelay $0x4  }
0x643: {  	[tilespmem:$0x1BE00] =	vst v0;
	v0 =	vld [tilespmem:$0x93F0];
	_ =	sdelay $0x4  }
0x644: {  	[tilespmem:$0x1BE20] =	vst v0;
	v0 =	vld [tilespmem:$0x93E0];
	_ =	sdelay $0x4  }
0x645: {  	[tilespmem:$0x1BE40] =	vst v0;
	v0 =	vld [tilespmem:$0x93D0];
	_ =	sdelay $0x4  }
0x646: {  	[tilespmem:$0x1BE60] =	vst v0;
	v0 =	vld [tilespmem:$0x93C0];
	_ =	sdelay $0x4  }
0x647: {  	[tilespmem:$0x1BE80] =	vst v0;
	v0 =	vld [tilespmem:$0x93B0];
	_ =	sdelay $0x4  }
0x648: {  	[tilespmem:$0x1BEA0] =	vst v0;
	v0 =	vld [tilespmem:$0x93A0];
	_ =	sdelay $0x4  }
0x649: {  	[tilespmem:$0x1BEC0] =	vst v0;
	v0 =	vld [tilespmem:$0x9390];
	_ =	sdelay $0x4  }
0x64a: {  	[tilespmem:$0x1BEE0] =	vst v0;
	v0 =	vld [tilespmem:$0x9380];
	_ =	sdelay $0x4  }
0x64b: {  	[tilespmem:$0x1BF00] =	vst v0  }
0x64c: {  	v0 =	vld [tilespmem:$0x9370];
	_ =	sdelay $0x4  }
0x64d: {  	[tilespmem:$0x1BF20] =	vst v0;
	v0 =	vld [tilespmem:$0x9360];
	_ =	sdelay $0x4  }
0x64e: {  	[tilespmem:$0x1BF40] =	vst v0;
	v0 =	vld [tilespmem:$0x9350];
	_ =	sdelay $0x4  }
0x64f: {  	[tilespmem:$0x1BF60] =	vst v0;
	v0 =	vld [tilespmem:$0x9340];
	_ =	sdelay $0x4  }
0x650: {  	[tilespmem:$0x1BF80] =	vst v0;
	v0 =	vld [tilespmem:$0x9330];
	_ =	sdelay $0x4  }
0x651: {  	[tilespmem:$0x1BFA0] =	vst v0;
	v0 =	vld [tilespmem:$0x9320];
	_ =	sdelay $0x4  }
0x652: {  	[tilespmem:$0x1BFC0] =	vst v0;
	v0 =	vld [tilespmem:$0x9310];
	_ =	sdelay $0x4  }
0x653: {  	[tilespmem:$0x1BFE0] =	vst v0;
	v0 =	vld [tilespmem:$0x9300];
	_ =	sdelay $0x4  }
0x654: {  	[tilespmem:$0x1C000] =	vst v0;
	v0 =	vld [tilespmem:$0x92F0];
	_ =	sdelay $0x4  }
0x655: {  	[tilespmem:$0x1C020] =	vst v0;
	v0 =	vld [tilespmem:$0x92E0];
	_ =	sdelay $0x4  }
0x656: {  	[tilespmem:$0x1C040] =	vst v0;
	v0 =	vld [tilespmem:$0x92D0];
	_ =	sdelay $0x4  }
0x657: {  	[tilespmem:$0x1C060] =	vst v0;
	v0 =	vld [tilespmem:$0x92C0];
	_ =	sdelay $0x4  }
0x658: {  	[tilespmem:$0x1C080] =	vst v0;
	v0 =	vld [tilespmem:$0x92B0];
	_ =	sdelay $0x4  }
0x659: {  	[tilespmem:$0x1C0A0] =	vst v0;
	v0 =	vld [tilespmem:$0x92A0];
	_ =	sdelay $0x4  }
0x65a: {  	[tilespmem:$0x1C0C0] =	vst v0;
	v0 =	vld [tilespmem:$0x9290];
	_ =	sdelay $0x4  }
0x65b: {  	[tilespmem:$0x1C0E0] =	vst v0;
	v0 =	vld [tilespmem:$0x9280];
	_ =	sdelay $0x4  }
0x65c: {  	[tilespmem:$0x1C100] =	vst v0;
	v0 =	vld [tilespmem:$0x9270];
	_ =	sdelay $0x4  }
0x65d: {  	[tilespmem:$0x1C120] =	vst v0;
	v0 =	vld [tilespmem:$0x9260];
	_ =	sdelay $0x4  }
0x65e: {  	[tilespmem:$0x1C140] =	vst v0;
	v0 =	vld [tilespmem:$0x9250];
	_ =	sdelay $0x4  }
0x65f: {  	[tilespmem:$0x1C160] =	vst v0;
	v0 =	vld [tilespmem:$0x9240];
	_ =	sdelay $0x4  }
0x660: {  	[tilespmem:$0x1C180] =	vst v0;
	v0 =	vld [tilespmem:$0x9230];
	_ =	sdelay $0x4  }
0x661: {  	[tilespmem:$0x1C1A0] =	vst v0;
	v0 =	vld [tilespmem:$0xA160];
	_ =	sdelay $0x4  }
0x662: {  	[tilespmem:$0x1C1E0] =	vst v0;
	v0 =	vld [tilespmem:$0xA170];
	_ =	sdelay $0x4  }
0x663: {  	[tilespmem:$0x1C200] =	vst v0;
	v0 =	vld [tilespmem:$0xA180];
	_ =	sdelay $0x4  }
0x664: {  	[tilespmem:$0x1C220] =	vst v0;
	v0 =	vld [tilespmem:$0xA190];
	_ =	sdelay $0x4  }
0x665: {  	[tilespmem:$0x1C240] =	vst v0;
	v0 =	vld [tilespmem:$0xA1A0];
	_ =	sdelay $0x4  }
0x666: {  	[tilespmem:$0x1C260] =	vst v0;
	v0 =	vld [tilespmem:$0xA1B0];
	_ =	sdelay $0x4  }
0x667: {  	[tilespmem:$0x1C280] =	vst v0;
	v0 =	vld [tilespmem:$0xA1C0];
	_ =	sdelay $0x4  }
0x668: {  	[tilespmem:$0x1C2A0] =	vst v0;
	v0 =	vld [tilespmem:$0xA1D0];
	_ =	sdelay $0x4  }
0x669: {  	[tilespmem:$0x1C2C0] =	vst v0;
	v0 =	vld [tilespmem:$0xA1E0];
	_ =	sdelay $0x4  }
0x66a: {  	[tilespmem:$0x1C2E0] =	vst v0;
	v0 =	vld [tilespmem:$0xA1F0];
	_ =	sdelay $0x4  }
0x66b: {  	[tilespmem:$0x1C300] =	vst v0;
	v0 =	vld [tilespmem:$0xA200];
	_ =	sdelay $0x4  }
0x66c: {  	[tilespmem:$0x1C320] =	vst v0;
	v0 =	vld [tilespmem:$0xA210];
	_ =	sdelay $0x4  }
0x66d: {  	[tilespmem:$0x1C340] =	vst v0;
	v0 =	vld [tilespmem:$0xA220];
	_ =	sdelay $0x4  }
0x66e: {  	[tilespmem:$0x1C360] =	vst v0;
	v0 =	vld [tilespmem:$0xA230];
	_ =	sdelay $0x4  }
0x66f: {  	[tilespmem:$0x1C380] =	vst v0;
	v0 =	vld [tilespmem:$0xA240];
	_ =	sdelay $0x4  }
0x670: {  	[tilespmem:$0x1C3A0] =	vst v0;
	v0 =	vld [tilespmem:$0xA250];
	_ =	sdelay $0x4  }
0x671: {  	[tilespmem:$0x1C3C0] =	vst v0;
	v0 =	vld [tilespmem:$0xA260];
	_ =	sdelay $0x4  }
0x672: {  	[tilespmem:$0x1C3E0] =	vst v0;
	v0 =	vld [tilespmem:$0xA270];
	_ =	sdelay $0x4  }
0x673: {  	[tilespmem:$0x1C400] =	vst v0;
	v0 =	vld [tilespmem:$0xA280];
	_ =	sdelay $0x4  }
0x674: {  	[tilespmem:$0x1C420] =	vst v0;
	v0 =	vld [tilespmem:$0xA290];
	_ =	sdelay $0x4  }
0x675: {  	[tilespmem:$0x1C440] =	vst v0;
	v0 =	vld [tilespmem:$0xA2A0];
	_ =	sdelay $0x4  }
0x676: {  	[tilespmem:$0x1C460] =	vst v0;
	v0 =	vld [tilespmem:$0xA2B0];
	_ =	sdelay $0x4  }
0x677: {  	[tilespmem:$0x1C480] =	vst v0;
	v0 =	vld [tilespmem:$0xA2C0];
	_ =	sdelay $0x4  }
0x678: {  	[tilespmem:$0x1C4A0] =	vst v0;
	v0 =	vld [tilespmem:$0xA2D0];
	_ =	sdelay $0x4  }
0x679: {  	[tilespmem:$0x1C4C0] =	vst v0;
	v0 =	vld [tilespmem:$0xA2E0];
	_ =	sdelay $0x4  }
0x67a: {  	[tilespmem:$0x1C4E0] =	vst v0;
	v0 =	vld [tilespmem:$0xA2F0];
	_ =	sdelay $0x4  }
0x67b: {  	[tilespmem:$0x1C500] =	vst v0;
	v0 =	vld [tilespmem:$0xA300];
	_ =	sdelay $0x4  }
0x67c: {  	[tilespmem:$0x1C520] =	vst v0;
	v0 =	vld [tilespmem:$0xA310];
	_ =	sdelay $0x4  }
0x67d: {  	[tilespmem:$0x1C540] =	vst v0;
	v0 =	vld [tilespmem:$0xA320];
	_ =	sdelay $0x4  }
0x67e: {  	[tilespmem:$0x1C560] =	vst v0;
	v0 =	vld [tilespmem:$0xA330];
	_ =	sdelay $0x4  }
0x67f: {  	[tilespmem:$0x1C580] =	vst v0;
	v0 =	vld [tilespmem:$0xA340];
	_ =	sdelay $0x4  }
0x680: {  	[tilespmem:$0x1C5A0] =	vst v0;
	v0 =	vld [tilespmem:$0xA350];
	_ =	sdelay $0x4  }
0x681: {  	[tilespmem:$0x1C5C0] =	vst v0;
	v0 =	vld [tilespmem:$0xA360];
	_ =	sdelay $0x4  }
0x682: {  	[tilespmem:$0x1C5E0] =	vst v0;
	v0 =	vld [tilespmem:$0xA370];
	_ =	sdelay $0x4  }
0x683: {  	[tilespmem:$0x1C600] =	vst v0;
	v0 =	vld [tilespmem:$0xA380];
	_ =	sdelay $0x4  }
0x684: {  	[tilespmem:$0x1C620] =	vst v0;
	v0 =	vld [tilespmem:$0xA390];
	_ =	sdelay $0x4  }
0x685: {  	[tilespmem:$0x1C640] =	vst v0;
	v0 =	vld [tilespmem:$0xA3A0];
	_ =	sdelay $0x4  }
0x686: {  	[tilespmem:$0x1C660] =	vst v0;
	v0 =	vld [tilespmem:$0xA3B0];
	_ =	sdelay $0x4  }
0x687: {  	[tilespmem:$0x1C680] =	vst v0;
	v0 =	vld [tilespmem:$0xA3C0];
	_ =	sdelay $0x4  }
0x688: {  	[tilespmem:$0x1C6A0] =	vst v0;
	v0 =	vld [tilespmem:$0xA3D0];
	_ =	sdelay $0x4  }
0x689: {  	[tilespmem:$0x1C6C0] =	vst v0;
	v0 =	vld [tilespmem:$0xA3E0];
	_ =	sdelay $0x4  }
0x68a: {  	[tilespmem:$0x1C6E0] =	vst v0;
	v0 =	vld [tilespmem:$0xA3F0];
	_ =	sdelay $0x4  }
0x68b: {  	[tilespmem:$0x1C700] =	vst v0;
	v0 =	vld [tilespmem:$0xA400];
	_ =	sdelay $0x4  }
0x68c: {  	[tilespmem:$0x1C720] =	vst v0;
	v0 =	vld [tilespmem:$0xA410];
	_ =	sdelay $0x4  }
0x68d: {  	[tilespmem:$0x1C740] =	vst v0;
	v0 =	vld [tilespmem:$0xA420];
	_ =	sdelay $0x4  }
0x68e: {  	[tilespmem:$0x1C760] =	vst v0;
	v0 =	vld [tilespmem:$0xA430];
	_ =	sdelay $0x4  }
0x68f: {  	[tilespmem:$0x1C780] =	vst v0;
	v0 =	vld [tilespmem:$0xA440];
	_ =	sdelay $0x4  }
0x690: {  	[tilespmem:$0x1C7A0] =	vst v0;
	v0 =	vld [tilespmem:$0xA450];
	_ =	sdelay $0x4  }
0x691: {  	[tilespmem:$0x1C7C0] =	vst v0;
	v0 =	vld [tilespmem:$0xA460];
	_ =	sdelay $0x4  }
0x692: {  	[tilespmem:$0x1C7E0] =	vst v0;
	v0 =	vld [tilespmem:$0xA470];
	_ =	sdelay $0x4  }
0x693: {  	[tilespmem:$0x1C800] =	vst v0;
	v0 =	vld [tilespmem:$0xA480];
	_ =	sdelay $0x4  }
0x694: {  	[tilespmem:$0x1C820] =	vst v0;
	v0 =	vld [tilespmem:$0xA490];
	_ =	sdelay $0x4  }
0x695: {  	[tilespmem:$0x1C840] =	vst v0;
	v0 =	vld [tilespmem:$0xA4A0];
	_ =	sdelay $0x4  }
0x696: {  	[tilespmem:$0x1C860] =	vst v0;
	v0 =	vld [tilespmem:$0xA4B0];
	_ =	sdelay $0x4  }
0x697: {  	[tilespmem:$0x1C880] =	vst v0;
	v0 =	vld [tilespmem:$0xA4C0];
	_ =	sdelay $0x4  }
0x698: {  	[tilespmem:$0x1C8A0] =	vst v0;
	v0 =	vld [tilespmem:$0xA4D0];
	_ =	sdelay $0x4  }
0x699: {  	[tilespmem:$0x1C8C0] =	vst v0;
	v0 =	vld [tilespmem:$0xA4E0];
	_ =	sdelay $0x4  }
0x69a: {  	[tilespmem:$0x1C8E0] =	vst v0;
	v0 =	vld [tilespmem:$0xA4F0];
	_ =	sdelay $0x4  }
0x69b: {  	[tilespmem:$0x1C900] =	vst v0;
	v0 =	vld [tilespmem:$0xA500];
	_ =	sdelay $0x4  }
0x69c: {  	[tilespmem:$0x1C920] =	vst v0;
	v0 =	vld [tilespmem:$0xA510];
	_ =	sdelay $0x4  }
0x69d: {  	[tilespmem:$0x1C940] =	vst v0;
	v0 =	vld [tilespmem:$0xA520];
	_ =	sdelay $0x4  }
0x69e: {  	[tilespmem:$0x1C960] =	vst v0;
	v0 =	vld [tilespmem:$0xA530];
	_ =	sdelay $0x4  }
0x69f: {  	[tilespmem:$0x1C980] =	vst v0;
	v0 =	vld [tilespmem:$0xA540];
	_ =	sdelay $0x4  }
0x6a0: {  	[tilespmem:$0x1C9A0] =	vst v0;
	v0 =	vld [tilespmem:$0xA550];
	_ =	sdelay $0x4  }
0x6a1: {  	[tilespmem:$0x1C9C0] =	vst v0;
	v0 =	vld [tilespmem:$0xA560];
	_ =	sdelay $0x4  }
0x6a2: {  	[tilespmem:$0x1C9E0] =	vst v0;
	v0 =	vld [tilespmem:$0xA570];
	_ =	sdelay $0x4  }
0x6a3: {  	[tilespmem:$0x1CA00] =	vst v0;
	v0 =	vld [tilespmem:$0xA580];
	_ =	sdelay $0x4  }
0x6a4: {  	[tilespmem:$0x1CA20] =	vst v0;
	v0 =	vld [tilespmem:$0xA590];
	_ =	sdelay $0x4  }
0x6a5: {  	[tilespmem:$0x1CA40] =	vst v0;
	v0 =	vld [tilespmem:$0xA5A0];
	_ =	sdelay $0x4  }
0x6a6: {  	[tilespmem:$0x1CA60] =	vst v0;
	v0 =	vld [tilespmem:$0xA5B0];
	_ =	sdelay $0x4  }
0x6a7: {  	[tilespmem:$0x1CA80] =	vst v0;
	v0 =	vld [tilespmem:$0xA5C0];
	_ =	sdelay $0x4  }
0x6a8: {  	[tilespmem:$0x1CAA0] =	vst v0;
	v0 =	vld [tilespmem:$0xA5D0];
	_ =	sdelay $0x4  }
0x6a9: {  	[tilespmem:$0x1CAC0] =	vst v0;
	v0 =	vld [tilespmem:$0xA5E0];
	_ =	sdelay $0x4  }
0x6aa: {  	[tilespmem:$0x1CAE0] =	vst v0;
	v0 =	vld [tilespmem:$0xA5F0];
	_ =	sdelay $0x4  }
0x6ab: {  	[tilespmem:$0x1CB00] =	vst v0;
	v0 =	vld [tilespmem:$0xA600];
	_ =	sdelay $0x4  }
0x6ac: {  	[tilespmem:$0x1CB20] =	vst v0;
	v0 =	vld [tilespmem:$0xA610];
	_ =	sdelay $0x4  }
0x6ad: {  	[tilespmem:$0x1CB40] =	vst v0;
	v0 =	vld [tilespmem:$0xA620];
	_ =	sdelay $0x4  }
0x6ae: {  	[tilespmem:$0x1CB60] =	vst v0;
	v0 =	vld [tilespmem:$0xA630];
	_ =	sdelay $0x4  }
0x6af: {  	[tilespmem:$0x1CB80] =	vst v0;
	v0 =	vld [tilespmem:$0xA640];
	_ =	sdelay $0x4  }
0x6b0: {  	[tilespmem:$0x1CBA0] =	vst v0;
	v0 =	vld [tilespmem:$0xA650];
	_ =	sdelay $0x4  }
0x6b1: {  	[tilespmem:$0x1CBC0] =	vst v0;
	v0 =	vld [tilespmem:$0xA660];
	_ =	sdelay $0x4  }
0x6b2: {  	[tilespmem:$0x1CBE0] =	vst v0;
	v0 =	vld [tilespmem:$0xA670];
	_ =	sdelay $0x4  }
0x6b3: {  	[tilespmem:$0x1CC00] =	vst v0;
	v0 =	vld [tilespmem:$0xA680];
	_ =	sdelay $0x4  }
0x6b4: {  	[tilespmem:$0x1CC20] =	vst v0;
	v0 =	vld [tilespmem:$0xA690];
	_ =	sdelay $0x4  }
0x6b5: {  	[tilespmem:$0x1CC40] =	vst v0;
	v0 =	vld [tilespmem:$0xA6A0];
	_ =	sdelay $0x4  }
0x6b6: {  	[tilespmem:$0x1CC60] =	vst v0;
	v0 =	vld [tilespmem:$0xA6B0];
	_ =	sdelay $0x4  }
0x6b7: {  	[tilespmem:$0x1CC80] =	vst v0;
	v0 =	vld [tilespmem:$0xA6C0];
	_ =	sdelay $0x4  }
0x6b8: {  	[tilespmem:$0x1CCA0] =	vst v0;
	v0 =	vld [tilespmem:$0xA6D0];
	_ =	sdelay $0x4  }
0x6b9: {  	[tilespmem:$0x1CCC0] =	vst v0;
	v0 =	vld [tilespmem:$0xA6E0];
	_ =	sdelay $0x4  }
0x6ba: {  	[tilespmem:$0x1CCE0] =	vst v0;
	v0 =	vld [tilespmem:$0xA6F0];
	_ =	sdelay $0x4  }
0x6bb: {  	[tilespmem:$0x1CD00] =	vst v0;
	v0 =	vld [tilespmem:$0xA700];
	_ =	sdelay $0x4  }
0x6bc: {  	[tilespmem:$0x1CD20] =	vst v0;
	v0 =	vld [tilespmem:$0xA710];
	_ =	sdelay $0x4  }
0x6bd: {  	[tilespmem:$0x1CD40] =	vst v0;
	v0 =	vld [tilespmem:$0xA720];
	_ =	sdelay $0x4  }
0x6be: {  	[tilespmem:$0x1CD60] =	vst v0;
	v0 =	vld [tilespmem:$0xA730];
	_ =	sdelay $0x4  }
0x6bf: {  	[tilespmem:$0x1CD80] =	vst v0;
	v0 =	vld [tilespmem:$0xA740];
	_ =	sdelay $0x4  }
0x6c0: {  	[tilespmem:$0x1CDA0] =	vst v0;
	v0 =	vld [tilespmem:$0xA750];
	_ =	sdelay $0x4  }
0x6c1: {  	[tilespmem:$0x1CDC0] =	vst v0;
	v0 =	vld [tilespmem:$0xA760];
	_ =	sdelay $0x4  }
0x6c2: {  	[tilespmem:$0x1CDE0] =	vst v0;
	v0 =	vld [tilespmem:$0xA770];
	_ =	sdelay $0x4  }
0x6c3: {  	[tilespmem:$0x1CE00] =	vst v0;
	v0 =	vld [tilespmem:$0xA780];
	_ =	sdelay $0x4  }
0x6c4: {  	[tilespmem:$0x1CE20] =	vst v0;
	v0 =	vld [tilespmem:$0xA790];
	_ =	sdelay $0x4  }
0x6c5: {  	[tilespmem:$0x1CE40] =	vst v0;
	v0 =	vld [tilespmem:$0xA7A0];
	_ =	sdelay $0x4  }
0x6c6: {  	[tilespmem:$0x1CE60] =	vst v0;
	v0 =	vld [tilespmem:$0xA7B0];
	_ =	sdelay $0x4  }
0x6c7: {  	[tilespmem:$0x1CE80] =	vst v0;
	v0 =	vld [tilespmem:$0xA7C0];
	_ =	sdelay $0x4  }
0x6c8: {  	[tilespmem:$0x1CEA0] =	vst v0;
	v0 =	vld [tilespmem:$0xA7D0];
	_ =	sdelay $0x4  }
0x6c9: {  	[tilespmem:$0x1CEC0] =	vst v0;
	v0 =	vld [tilespmem:$0xA7E0];
	_ =	sdelay $0x4  }
0x6ca: {  	[tilespmem:$0x1CEE0] =	vst v0;
	v0 =	vld [tilespmem:$0xA7F0];
	_ =	sdelay $0x4  }
0x6cb: {  	[tilespmem:$0x1CF00] =	vst v0;
	v0 =	vld [tilespmem:$0xA800];
	_ =	sdelay $0x4  }
0x6cc: {  	[tilespmem:$0x1CF20] =	vst v0;
	v0 =	vld [tilespmem:$0xA810];
	_ =	sdelay $0x4  }
0x6cd: {  	[tilespmem:$0x1CF40] =	vst v0;
	v0 =	vld [tilespmem:$0xA820];
	_ =	sdelay $0x4  }
0x6ce: {  	[tilespmem:$0x1CF60] =	vst v0;
	v0 =	vld [tilespmem:$0xA830];
	_ =	sdelay $0x4  }
0x6cf: {  	[tilespmem:$0x1CF80] =	vst v0;
	v0 =	vld [tilespmem:$0xA840];
	_ =	sdelay $0x4  }
0x6d0: {  	[tilespmem:$0x1CFA0] =	vst v0;
	v0 =	vld [tilespmem:$0xA850];
	_ =	sdelay $0x4  }
0x6d1: {  	[tilespmem:$0x1CFC0] =	vst v0;
	v0 =	vld [tilespmem:$0xA860];
	_ =	sdelay $0x4  }
0x6d2: {  	[tilespmem:$0x1CFE0] =	vst v0;
	v0 =	vld [tilespmem:$0xA870];
	_ =	sdelay $0x4  }
0x6d3: {  	[tilespmem:$0x1D000] =	vst v0;
	v0 =	vld [tilespmem:$0xA880];
	_ =	sdelay $0x4  }
0x6d4: {  	[tilespmem:$0x1D020] =	vst v0;
	v0 =	vld [tilespmem:$0xA890];
	_ =	sdelay $0x4  }
0x6d5: {  	[tilespmem:$0x1D040] =	vst v0;
	v0 =	vld [tilespmem:$0xA8A0];
	_ =	sdelay $0x4  }
0x6d6: {  	[tilespmem:$0x1D060] =	vst v0;
	v0 =	vld [tilespmem:$0xA8B0];
	_ =	sdelay $0x4  }
0x6d7: {  	[tilespmem:$0x1D080] =	vst v0;
	v0 =	vld [tilespmem:$0xA8C0];
	_ =	sdelay $0x4  }
0x6d8: {  	[tilespmem:$0x1D0A0] =	vst v0;
	v0 =	vld [tilespmem:$0xA8D0];
	_ =	sdelay $0x4  }
0x6d9: {  	[tilespmem:$0x1D0C0] =	vst v0;
	v0 =	vld [tilespmem:$0xA8E0];
	_ =	sdelay $0x4  }
0x6da: {  	[tilespmem:$0x1D0E0] =	vst v0;
	v0 =	vld [tilespmem:$0xA8F0];
	_ =	sdelay $0x4  }
0x6db: {  	[tilespmem:$0x1D100] =	vst v0;
	v0 =	vld [tilespmem:$0xA900];
	_ =	sdelay $0x4  }
0x6dc: {  	[tilespmem:$0x1D120] =	vst v0;
	v0 =	vld [tilespmem:$0xA910];
	_ =	sdelay $0x4  }
0x6dd: {  	[tilespmem:$0x1D140] =	vst v0;
	v0 =	vld [tilespmem:$0xA920];
	_ =	sdelay $0x4  }
0x6de: {  	[tilespmem:$0x1D160] =	vst v0;
	v0 =	vld [tilespmem:$0xA930];
	_ =	sdelay $0x4  }
0x6df: {  	[tilespmem:$0x1D180] =	vst v0;
	v0 =	vld [tilespmem:$0xA940];
	_ =	sdelay $0x4  }
0x6e0: {  	[tilespmem:$0x1D1A0] =	vst v0;
	v0 =	vld [tilespmem:$0xA950];
	_ =	sdelay $0x4  }
0x6e1: {  	[tilespmem:$0x1D1C0] =	vst v0;
	v0 =	vld [tilespmem:$0xA960];
	_ =	sdelay $0x4  }
0x6e2: {  	[tilespmem:$0x1D1E0] =	vst v0;
	v0 =	vld [tilespmem:$0xA970];
	_ =	sdelay $0x4  }
0x6e3: {  	[tilespmem:$0x1D200] =	vst v0;
	v0 =	vld [tilespmem:$0xA980];
	_ =	sdelay $0x4  }
0x6e4: {  	[tilespmem:$0x1D220] =	vst v0;
	v0 =	vld [tilespmem:$0xA990];
	_ =	sdelay $0x4  }
0x6e5: {  	[tilespmem:$0x1D240] =	vst v0;
	v0 =	vld [tilespmem:$0xA9A0];
	_ =	sdelay $0x4  }
0x6e6: {  	[tilespmem:$0x1D260] =	vst v0;
	v0 =	vld [tilespmem:$0xA9B0];
	_ =	sdelay $0x4  }
0x6e7: {  	[tilespmem:$0x1D280] =	vst v0;
	v0 =	vld [tilespmem:$0xA9C0];
	_ =	sdelay $0x4  }
0x6e8: {  	[tilespmem:$0x1D2A0] =	vst v0;
	v0 =	vld [tilespmem:$0xA9D0];
	_ =	sdelay $0x4  }
0x6e9: {  	[tilespmem:$0x1D2C0] =	vst v0;
	v0 =	vld [tilespmem:$0xA9E0];
	_ =	sdelay $0x4  }
0x6ea: {  	[tilespmem:$0x1D2E0] =	vst v0;
	v0 =	vld [tilespmem:$0xA9F0];
	_ =	sdelay $0x4  }
0x6eb: {  	[tilespmem:$0x1D300] =	vst v0;
	v0 =	vld [tilespmem:$0xAA00];
	_ =	sdelay $0x4  }
0x6ec: {  	[tilespmem:$0x1D320] =	vst v0;
	v0 =	vld [tilespmem:$0xAA10];
	_ =	sdelay $0x4  }
0x6ed: {  	[tilespmem:$0x1D340] =	vst v0;
	v0 =	vld [tilespmem:$0xAA20];
	_ =	sdelay $0x4  }
0x6ee: {  	[tilespmem:$0x1D360] =	vst v0;
	v0 =	vld [tilespmem:$0xAA30];
	_ =	sdelay $0x4  }
0x6ef: {  	[tilespmem:$0x1D380] =	vst v0;
	v0 =	vld [tilespmem:$0xAA40];
	_ =	sdelay $0x4  }
0x6f0: {  	[tilespmem:$0x1D3A0] =	vst v0;
	v0 =	vld [tilespmem:$0xAA50];
	_ =	sdelay $0x4  }
0x6f1: {  	[tilespmem:$0x1D3C0] =	vst v0;
	v0 =	vld [tilespmem:$0xAA60];
	_ =	sdelay $0x4  }
0x6f2: {  	[tilespmem:$0x1D3E0] =	vst v0;
	v0 =	vld [tilespmem:$0xAA70];
	_ =	sdelay $0x4  }
0x6f3: {  	[tilespmem:$0x1D400] =	vst v0;
	v0 =	vld [tilespmem:$0xAA80];
	_ =	sdelay $0x4  }
0x6f4: {  	[tilespmem:$0x1D420] =	vst v0;
	v0 =	vld [tilespmem:$0xAA90];
	_ =	sdelay $0x4  }
0x6f5: {  	[tilespmem:$0x1D440] =	vst v0;
	v0 =	vld [tilespmem:$0xAAA0];
	_ =	sdelay $0x4  }
0x6f6: {  	[tilespmem:$0x1D460] =	vst v0;
	v0 =	vld [tilespmem:$0xAAB0];
	_ =	sdelay $0x4  }
0x6f7: {  	[tilespmem:$0x1D480] =	vst v0;
	v0 =	vld [tilespmem:$0xAAC0];
	_ =	sdelay $0x4  }
0x6f8: {  	[tilespmem:$0x1D4A0] =	vst v0;
	v0 =	vld [tilespmem:$0xAAD0];
	_ =	sdelay $0x4  }
0x6f9: {  	[tilespmem:$0x1D4C0] =	vst v0;
	v0 =	vld [tilespmem:$0xAAE0];
	_ =	sdelay $0x4  }
0x6fa: {  	[tilespmem:$0x1D4E0] =	vst v0;
	v0 =	vld [tilespmem:$0xAAF0];
	_ =	sdelay $0x4  }
0x6fb: {  	[tilespmem:$0x1D500] =	vst v0;
	v0 =	vld [tilespmem:$0xAB00];
	_ =	sdelay $0x4  }
0x6fc: {  	[tilespmem:$0x1D520] =	vst v0;
	v0 =	vld [tilespmem:$0xAB10];
	_ =	sdelay $0x4  }
0x6fd: {  	[tilespmem:$0x1D540] =	vst v0;
	v0 =	vld [tilespmem:$0xAB20];
	_ =	sdelay $0x4  }
0x6fe: {  	[tilespmem:$0x1D560] =	vst v0;
	v0 =	vld [tilespmem:$0xAB30];
	_ =	sdelay $0x4  }
0x6ff: {  	[tilespmem:$0x1D580] =	vst v0;
	v0 =	vld [tilespmem:$0xAB40];
	_ =	sdelay $0x4  }
0x700: {  	[tilespmem:$0x1D5A0] =	vst v0;
	v0 =	vld [tilespmem:$0xAB50];
	_ =	sdelay $0x4  }
0x701: {  	[tilespmem:$0x1D5C0] =	vst v0;
	v0 =	vld [tilespmem:$0xAB60];
	_ =	sdelay $0x4  }
0x702: {  	[tilespmem:$0x1D5E0] =	vst v0;
	v0 =	vld [tilespmem:$0xAB70];
	_ =	sdelay $0x4  }
0x703: {  	[tilespmem:$0x1D600] =	vst v0;
	v0 =	vld [tilespmem:$0xAB80];
	_ =	sdelay $0x4  }
0x704: {  	[tilespmem:$0x1D620] =	vst v0;
	v0 =	vld [tilespmem:$0xAB90];
	_ =	sdelay $0x4  }
0x705: {  	[tilespmem:$0x1D640] =	vst v0;
	v0 =	vld [tilespmem:$0xABA0];
	_ =	sdelay $0x4  }
0x706: {  	[tilespmem:$0x1D660] =	vst v0;
	v0 =	vld [tilespmem:$0xABB0];
	_ =	sdelay $0x4  }
0x707: {  	[tilespmem:$0x1D680] =	vst v0;
	v0 =	vld [tilespmem:$0xABC0];
	_ =	sdelay $0x4  }
0x708: {  	[tilespmem:$0x1D6A0] =	vst v0;
	v0 =	vld [tilespmem:$0xABD0];
	_ =	sdelay $0x4  }
0x709: {  	[tilespmem:$0x1D6C0] =	vst v0;
	v0 =	vld [tilespmem:$0xABE0];
	_ =	sdelay $0x4  }
0x70a: {  	[tilespmem:$0x1D6E0] =	vst v0;
	v0 =	vld [tilespmem:$0xABF0];
	_ =	sdelay $0x4  }
0x70b: {  	[tilespmem:$0x1D700] =	vst v0;
	v0 =	vld [tilespmem:$0xAC00];
	_ =	sdelay $0x4  }
0x70c: {  	[tilespmem:$0x1D720] =	vst v0;
	v0 =	vld [tilespmem:$0xAC10];
	_ =	sdelay $0x4  }
0x70d: {  	[tilespmem:$0x1D740] =	vst v0;
	v0 =	vld [tilespmem:$0xAC20];
	_ =	sdelay $0x4  }
0x70e: {  	[tilespmem:$0x1D760] =	vst v0;
	v0 =	vld [tilespmem:$0xAC30];
	_ =	sdelay $0x4  }
0x70f: {  	[tilespmem:$0x1D780] =	vst v0;
	v0 =	vld [tilespmem:$0xAC40];
	_ =	sdelay $0x4  }
0x710: {  	[tilespmem:$0x1D7A0] =	vst v0;
	v0 =	vld [tilespmem:$0xAC50];
	_ =	sdelay $0x4  }
0x711: {  	[tilespmem:$0x1D7C0] =	vst v0;
	v0 =	vld [tilespmem:$0xAC60];
	_ =	sdelay $0x4  }
0x712: {  	[tilespmem:$0x1D7E0] =	vst v0;
	v0 =	vld [tilespmem:$0xAC70];
	_ =	sdelay $0x4  }
0x713: {  	[tilespmem:$0x1D800] =	vst v0;
	v0 =	vld [tilespmem:$0xAC80];
	_ =	sdelay $0x4  }
0x714: {  	[tilespmem:$0x1D820] =	vst v0;
	v0 =	vld [tilespmem:$0xAC90];
	_ =	sdelay $0x4  }
0x715: {  	[tilespmem:$0x1D840] =	vst v0;
	v0 =	vld [tilespmem:$0xACA0];
	_ =	sdelay $0x4  }
0x716: {  	[tilespmem:$0x1D860] =	vst v0;
	v0 =	vld [tilespmem:$0xACB0];
	_ =	sdelay $0x4  }
0x717: {  	[tilespmem:$0x1D880] =	vst v0;
	v0 =	vld [tilespmem:$0xACC0];
	_ =	sdelay $0x4  }
0x718: {  	[tilespmem:$0x1D8A0] =	vst v0;
	v0 =	vld [tilespmem:$0xACD0];
	_ =	sdelay $0x4  }
0x719: {  	[tilespmem:$0x1D8C0] =	vst v0;
	v0 =	vld [tilespmem:$0xACE0];
	_ =	sdelay $0x4  }
0x71a: {  	[tilespmem:$0x1D8E0] =	vst v0;
	v0 =	vld [tilespmem:$0xACF0];
	_ =	sdelay $0x4  }
0x71b: {  	[tilespmem:$0x1D900] =	vst v0;
	v0 =	vld [tilespmem:$0xAD00];
	_ =	sdelay $0x4  }
0x71c: {  	[tilespmem:$0x1D920] =	vst v0;
	v0 =	vld [tilespmem:$0xAD10];
	_ =	sdelay $0x4  }
0x71d: {  	[tilespmem:$0x1D940] =	vst v0;
	v0 =	vld [tilespmem:$0xAD20];
	_ =	sdelay $0x4  }
0x71e: {  	[tilespmem:$0x1D960] =	vst v0;
	v0 =	vld [tilespmem:$0xAD30];
	_ =	sdelay $0x4  }
0x71f: {  	[tilespmem:$0x1D980] =	vst v0;
	v0 =	vld [tilespmem:$0xAD40];
	_ =	sdelay $0x4  }
0x720: {  	[tilespmem:$0x1D9A0] =	vst v0;
	v0 =	vld [tilespmem:$0xAD50];
	_ =	sdelay $0x4  }
0x721: {  	[tilespmem:$0x1D9C0] =	vst v0;
	v0 =	vld [tilespmem:$0xAD60];
	_ =	sdelay $0x4  }
0x722: {  	[tilespmem:$0x1D9E0] =	vst v0;
	v0 =	vld [tilespmem:$0xAD70];
	_ =	sdelay $0x4  }
0x723: {  	[tilespmem:$0x1DA00] =	vst v0;
	v0 =	vld [tilespmem:$0xAD80];
	_ =	sdelay $0x4  }
0x724: {  	[tilespmem:$0x1DA20] =	vst v0;
	v0 =	vld [tilespmem:$0xAD90];
	_ =	sdelay $0x4  }
0x725: {  	[tilespmem:$0x1DA40] =	vst v0;
	v0 =	vld [tilespmem:$0xADA0];
	_ =	sdelay $0x4  }
0x726: {  	[tilespmem:$0x1DA60] =	vst v0;
	v0 =	vld [tilespmem:$0xADB0];
	_ =	sdelay $0x4  }
0x727: {  	[tilespmem:$0x1DA80] =	vst v0;
	v0 =	vld [tilespmem:$0xADC0];
	_ =	sdelay $0x4  }
0x728: {  	[tilespmem:$0x1DAA0] =	vst v0;
	v0 =	vld [tilespmem:$0xADD0];
	_ =	sdelay $0x4  }
0x729: {  	[tilespmem:$0x1DAC0] =	vst v0;
	v0 =	vld [tilespmem:$0xADE0];
	_ =	sdelay $0x4  }
0x72a: {  	[tilespmem:$0x1DAE0] =	vst v0;
	v0 =	vld [tilespmem:$0xADF0];
	_ =	sdelay $0x4  }
0x72b: {  	[tilespmem:$0x1DB00] =	vst v0;
	v0 =	vld [tilespmem:$0xAE00];
	_ =	sdelay $0x4  }
0x72c: {  	[tilespmem:$0x1DB20] =	vst v0;
	v0 =	vld [tilespmem:$0xAE10];
	_ =	sdelay $0x4  }
0x72d: {  	[tilespmem:$0x1DB40] =	vst v0;
	v0 =	vld [tilespmem:$0xAE20];
	_ =	sdelay $0x4  }
0x72e: {  	[tilespmem:$0x1DB60] =	vst v0;
	v0 =	vld [tilespmem:$0xAE30];
	_ =	sdelay $0x4  }
0x72f: {  	[tilespmem:$0x1DB80] =	vst v0;
	v0 =	vld [tilespmem:$0xAE40];
	_ =	sdelay $0x4  }
0x730: {  	[tilespmem:$0x1DBA0] =	vst v0;
	v0 =	vld [tilespmem:$0xAE50];
	_ =	sdelay $0x4  }
0x731: {  	[tilespmem:$0x1DBC0] =	vst v0;
	v0 =	vld [tilespmem:$0xAE60];
	_ =	sdelay $0x4  }
0x732: {  	[tilespmem:$0x1DBE0] =	vst v0;
	v0 =	vld [tilespmem:$0xAE70];
	_ =	sdelay $0x4  }
0x733: {  	[tilespmem:$0x1DC00] =	vst v0;
	v0 =	vld [tilespmem:$0xAE80];
	_ =	sdelay $0x4  }
0x734: {  	[tilespmem:$0x1DC20] =	vst v0;
	v0 =	vld [tilespmem:$0xAE90];
	_ =	sdelay $0x4  }
0x735: {  	[tilespmem:$0x1DC40] =	vst v0;
	v0 =	vld [tilespmem:$0xAEA0];
	_ =	sdelay $0x4  }
0x736: {  	[tilespmem:$0x1DC60] =	vst v0;
	v0 =	vld [tilespmem:$0xAEB0];
	_ =	sdelay $0x4  }
0x737: {  	[tilespmem:$0x1DC80] =	vst v0;
	v0 =	vld [tilespmem:$0xAEC0];
	_ =	sdelay $0x4  }
0x738: {  	[tilespmem:$0x1DCA0] =	vst v0;
	v0 =	vld [tilespmem:$0xAED0];
	_ =	sdelay $0x4  }
0x739: {  	[tilespmem:$0x1DCC0] =	vst v0;
	v0 =	vld [tilespmem:$0xAEE0];
	_ =	sdelay $0x4  }
0x73a: {  	[tilespmem:$0x1DCE0] =	vst v0;
	v0 =	vld [tilespmem:$0xAEF0];
	_ =	sdelay $0x4  }
0x73b: {  	[tilespmem:$0x1DD00] =	vst v0;
	v0 =	vld [tilespmem:$0xAF00];
	_ =	sdelay $0x4  }
0x73c: {  	[tilespmem:$0x1DD20] =	vst v0;
	v0 =	vld [tilespmem:$0xAF10];
	_ =	sdelay $0x4  }
0x73d: {  	[tilespmem:$0x1DD40] =	vst v0;
	v0 =	vld [tilespmem:$0xAF20];
	_ =	sdelay $0x4  }
0x73e: {  	[tilespmem:$0x1DD60] =	vst v0;
	v0 =	vld [tilespmem:$0xAF30];
	_ =	sdelay $0x4  }
0x73f: {  	[tilespmem:$0x1DD80] =	vst v0;
	v0 =	vld [tilespmem:$0xAF40];
	_ =	sdelay $0x4  }
0x740: {  	[tilespmem:$0x1DDA0] =	vst v0;
	v0 =	vld [tilespmem:$0xAF50];
	_ =	sdelay $0x4  }
0x741: {  	[tilespmem:$0x1DDC0] =	vst v0;
	v0 =	vld [tilespmem:$0xAF60];
	_ =	sdelay $0x4  }
0x742: {  	[tilespmem:$0x1DDE0] =	vst v0;
	v0 =	vld [tilespmem:$0xAF70];
	_ =	sdelay $0x4  }
0x743: {  	[tilespmem:$0x1DE00] =	vst v0;
	v0 =	vld [tilespmem:$0xAF80];
	_ =	sdelay $0x4  }
0x744: {  	[tilespmem:$0x1DE20] =	vst v0;
	v0 =	vld [tilespmem:$0xAF90];
	_ =	sdelay $0x4  }
0x745: {  	[tilespmem:$0x1DE40] =	vst v0;
	v0 =	vld [tilespmem:$0xAFA0];
	_ =	sdelay $0x4  }
0x746: {  	[tilespmem:$0x1DE60] =	vst v0  }
0x747: {  	v0 =	vld [tilespmem:$0xAFB0];
	_ =	sdelay $0x4  }
0x748: {  	[tilespmem:$0x1DE80] =	vst v0;
	v0 =	vld [tilespmem:$0xAFC0];
	_ =	sdelay $0x4  }
0x749: {  	[tilespmem:$0x1DEA0] =	vst v0;
	v0 =	vld [tilespmem:$0xAFD0];
	_ =	sdelay $0x4  }
0x74a: {  	[tilespmem:$0x1DEC0] =	vst v0;
	v0 =	vld [tilespmem:$0xAFE0];
	_ =	sdelay $0x4  }
0x74b: {  	[tilespmem:$0x1DEE0] =	vst v0;
	v0 =	vld [tilespmem:$0xAFF0];
	_ =	sdelay $0x4  }
0x74c: {  	[tilespmem:$0x1DF00] =	vst v0;
	v0 =	vld [tilespmem:$0xB000];
	_ =	sdelay $0x4  }
0x74d: {  	[tilespmem:$0x1DF20] =	vst v0;
	v0 =	vld [tilespmem:$0xB010];
	_ =	sdelay $0x4  }
0x74e: {  	[tilespmem:$0x1DF40] =	vst v0;
	v0 =	vld [tilespmem:$0xB020];
	_ =	sdelay $0x4  }
0x74f: {  	[tilespmem:$0x1DF60] =	vst v0;
	v0 =	vld [tilespmem:$0xB030];
	_ =	sdelay $0x4  }
0x750: {  	[tilespmem:$0x1DF80] =	vst v0;
	v0 =	vld [tilespmem:$0xB040];
	_ =	sdelay $0x4  }
0x751: {  	[tilespmem:$0x1DFA0] =	vst v0;
	v0 =	vld [tilespmem:$0xB050];
	_ =	sdelay $0x4  }
0x752: {  	[tilespmem:$0x1DFC0] =	vst v0;
	v0 =	vld [tilespmem:$0xB060];
	_ =	sdelay $0x4  }
0x753: {  	[tilespmem:$0x1DFE0] =	vst v0;
	v0 =	vld [tilespmem:$0xB070];
	_ =	sdelay $0x4  }
0x754: {  	[tilespmem:$0x1E000] =	vst v0;
	v0 =	vld [tilespmem:$0xB080];
	_ =	sdelay $0x4  }
0x755: {  	[tilespmem:$0x1E020] =	vst v0;
	v0 =	vld [tilespmem:$0xB090];
	_ =	sdelay $0x4  }
0x756: {  	[tilespmem:$0x1E040] =	vst v0;
	v0 =	vld [tilespmem:$0xB0A0];
	_ =	sdelay $0x4  }
0x757: {  	[tilespmem:$0x1E060] =	vst v0;
	v0 =	vld [tilespmem:$0xB0B0];
	_ =	sdelay $0x4  }
0x758: {  	[tilespmem:$0x1E080] =	vst v0;
	v0 =	vld [tilespmem:$0xB0C0];
	_ =	sdelay $0x4  }
0x759: {  	[tilespmem:$0x1E0A0] =	vst v0;
	v0 =	vld [tilespmem:$0xB0D0];
	_ =	sdelay $0x4  }
0x75a: {  	[tilespmem:$0x1E0C0] =	vst v0;
	v0 =	vld [tilespmem:$0xB0E0];
	_ =	sdelay $0x4  }
0x75b: {  	[tilespmem:$0x1E0E0] =	vst v0;
	v0 =	vld [tilespmem:$0xB0F0];
	_ =	sdelay $0x4  }
0x75c: {  	[tilespmem:$0x1E100] =	vst v0;
	v0 =	vld [tilespmem:$0xB100];
	_ =	sdelay $0x4  }
0x75d: {  	[tilespmem:$0x1E120] =	vst v0;
	v0 =	vld [tilespmem:$0xB110];
	_ =	sdelay $0x4  }
0x75e: {  	[tilespmem:$0x1E140] =	vst v0;
	v0 =	vld [tilespmem:$0xB120];
	_ =	sdelay $0x4  }
0x75f: {  	[tilespmem:$0x1E160] =	vst v0;
	v0 =	vld [tilespmem:$0xB130];
	_ =	sdelay $0x4  }
0x760: {  	[tilespmem:$0x1E180] =	vst v0;
	v0 =	vld [tilespmem:$0xB140];
	_ =	sdelay $0x4  }
0x761: {  	[tilespmem:$0x1E1A0] =	vst v0;
	v0 =	vld [tilespmem:$0xB150];
	_ =	sdelay $0x4  }
0x762: {  	[tilespmem:$0x1E1C0] =	vst v0;
	v0 =	vld [tilespmem:$0xB1A0];
	_ =	sdelay $0x4  }
0x763: {  	[tilespmem:$0x1FF40] =	vst v0;
	v0 =	vld [tilespmem:$0xB4D0];
	_ =	sdelay $0x4  }
0x764: {  	[tilespmem:$0x1F8E0] =	vst v0;
	v0 =	vld [tilespmem:$0xB1C0];
	_ =	sdelay $0x4  }
0x765: {  	[tilespmem:$0x1FF00] =	vst v0;
	v0 =	vld [tilespmem:$0xB1E0];
	_ =	sdelay $0x4  }
0x766: {  	[tilespmem:$0x1FEC0] =	vst v0;
	v0 =	vld [tilespmem:$0xB200];
	_ =	sdelay $0x4  }
0x767: {  	[tilespmem:$0x1FE80] =	vst v0;
	v0 =	vld [tilespmem:$0xB220];
	_ =	sdelay $0x4  }
0x768: {  	[tilespmem:$0x1FE40] =	vst v0;
	v0 =	vld [tilespmem:$0xB240];
	_ =	sdelay $0x4  }
0x769: {  	[tilespmem:$0x1FE00] =	vst v0;
	v0 =	vld [tilespmem:$0xB260];
	_ =	sdelay $0x4  }
0x76a: {  	[tilespmem:$0x1FDC0] =	vst v0;
	v0 =	vld [tilespmem:$0xB280];
	_ =	sdelay $0x4  }
0x76b: {  	[tilespmem:$0x1FD80] =	vst v0;
	v0 =	vld [tilespmem:$0xB2A0];
	_ =	sdelay $0x4  }
0x76c: {  	[tilespmem:$0x1FD40] =	vst v0;
	v0 =	vld [tilespmem:$0xB2C0];
	_ =	sdelay $0x4  }
0x76d: {  	[tilespmem:$0x1FD00] =	vst v0;
	v0 =	vld [tilespmem:$0xB2E0];
	_ =	sdelay $0x4  }
0x76e: {  	[tilespmem:$0x1FCC0] =	vst v0;
	v0 =	vld [tilespmem:$0xB300];
	_ =	sdelay $0x4  }
0x76f: {  	[tilespmem:$0x1FC80] =	vst v0;
	v0 =	vld [tilespmem:$0xB320];
	_ =	sdelay $0x4  }
0x770: {  	[tilespmem:$0x1FC40] =	vst v0;
	v0 =	vld [tilespmem:$0xB340];
	_ =	sdelay $0x4  }
0x771: {  	[tilespmem:$0x1FC00] =	vst v0;
	v0 =	vld [tilespmem:$0xB360];
	_ =	sdelay $0x4  }
0x772: {  	[tilespmem:$0x1FBC0] =	vst v0;
	v0 =	vld [tilespmem:$0xB380];
	_ =	sdelay $0x4  }
0x773: {  	[tilespmem:$0x1FB80] =	vst v0;
	v0 =	vld [tilespmem:$0xB3A0];
	_ =	sdelay $0x4  }
0x774: {  	[tilespmem:$0x1FB40] =	vst v0;
	v0 =	vld [tilespmem:$0xB3C0];
	_ =	sdelay $0x4  }
0x775: {  	[tilespmem:$0x1FB00] =	vst v0;
	v0 =	vld [tilespmem:$0xB3E0];
	_ =	sdelay $0x4  }
0x776: {  	[tilespmem:$0x1FAC0] =	vst v0;
	v0 =	vld [tilespmem:$0xB400];
	_ =	sdelay $0x4  }
0x777: {  	[tilespmem:$0x1FA80] =	vst v0;
	v0 =	vld [tilespmem:$0xB420];
	_ =	sdelay $0x4  }
0x778: {  	[tilespmem:$0x1FA40] =	vst v0;
	v0 =	vld [tilespmem:$0xB440];
	_ =	sdelay $0x4  }
0x779: {  	[tilespmem:$0x1FA00] =	vst v0;
	v0 =	vld [tilespmem:$0xB460];
	_ =	sdelay $0x4  }
0x77a: {  	[tilespmem:$0x1F9C0] =	vst v0;
	v0 =	vld [tilespmem:$0xB480];
	_ =	sdelay $0x4  }
0x77b: {  	[tilespmem:$0x1F980] =	vst v0;
	v0 =	vld [tilespmem:$0xB4A0];
	_ =	sdelay $0x4  }
0x77c: {  	[tilespmem:$0x1F940] =	vst v0;
	v0 =	vld [tilespmem:$0xB4C0];
	_ =	sdelay $0x4  }
0x77d: {  	[tilespmem:$0x1F900] =	vst v0;
	v0 =	vld [tilespmem:$0xB4E0];
	_ =	sdelay $0x4  }
0x77e: {  	[tilespmem:$0x1F8C0] =	vst v0;
	v0 =	vld [tilespmem:$0xB4F0];
	_ =	sdelay $0x4  }
0x77f: {  	[tilespmem:$0x1F8A0] =	vst v0;
	v0 =	vld [tilespmem:$0xC070];
	_ =	sdelay $0x4  }
0x780: {  	[tilespmem:$0x1FFF0] =	vst v0;
	v0 =	vld [tilespmem:$0xBEE0];
	_ =	sdelay $0x4  }
0x781: {  	[tilespmem:$0x1E4C0] =	vst v0;
	v0 =	vld [tilespmem:$0xBED0];
	_ =	sdelay $0x4  }
0x782: {  	[tilespmem:$0x1E4E0] =	vst v0;
	v0 =	vld [tilespmem:$0xBEC0];
	_ =	sdelay $0x4  }
0x783: {  	[tilespmem:$0x1E500] =	vst v0;
	v0 =	vld [tilespmem:$0xBEB0];
	_ =	sdelay $0x4  }
0x784: {  	[tilespmem:$0x1E520] =	vst v0;
	v0 =	vld [tilespmem:$0xBEA0];
	_ =	sdelay $0x4  }
0x785: {  	[tilespmem:$0x1E540] =	vst v0;
	v0 =	vld [tilespmem:$0xBE90];
	_ =	sdelay $0x4  }
0x786: {  	[tilespmem:$0x1E560] =	vst v0;
	v0 =	vld [tilespmem:$0xBE80];
	_ =	sdelay $0x4  }
0x787: {  	[tilespmem:$0x1E580] =	vst v0;
	v0 =	vld [tilespmem:$0xBE70];
	_ =	sdelay $0x4  }
0x788: {  	[tilespmem:$0x1E5A0] =	vst v0;
	v0 =	vld [tilespmem:$0xBE60];
	_ =	sdelay $0x4  }
0x789: {  	[tilespmem:$0x1E5C0] =	vst v0;
	v0 =	vld [tilespmem:$0xBE50];
	_ =	sdelay $0x4  }
0x78a: {  	[tilespmem:$0x1E5E0] =	vst v0;
	v0 =	vld [tilespmem:$0xBE40];
	_ =	sdelay $0x4  }
0x78b: {  	[tilespmem:$0x1E600] =	vst v0;
	v0 =	vld [tilespmem:$0xBE30];
	_ =	sdelay $0x4  }
0x78c: {  	[tilespmem:$0x1E620] =	vst v0;
	v0 =	vld [tilespmem:$0xBE20];
	_ =	sdelay $0x4  }
0x78d: {  	[tilespmem:$0x1E640] =	vst v0;
	v0 =	vld [tilespmem:$0xBE10];
	_ =	sdelay $0x4  }
0x78e: {  	[tilespmem:$0x1E660] =	vst v0;
	v0 =	vld [tilespmem:$0xBE00];
	_ =	sdelay $0x4  }
0x78f: {  	[tilespmem:$0x1E680] =	vst v0;
	v0 =	vld [tilespmem:$0xBDF0];
	_ =	sdelay $0x4  }
0x790: {  	[tilespmem:$0x1E6A0] =	vst v0;
	v0 =	vld [tilespmem:$0xBDE0];
	_ =	sdelay $0x4  }
0x791: {  	[tilespmem:$0x1E6C0] =	vst v0;
	v0 =	vld [tilespmem:$0xBDD0];
	_ =	sdelay $0x4  }
0x792: {  	[tilespmem:$0x1E6E0] =	vst v0;
	v0 =	vld [tilespmem:$0xBDC0];
	_ =	sdelay $0x4  }
0x793: {  	[tilespmem:$0x1E700] =	vst v0;
	v0 =	vld [tilespmem:$0xBDB0];
	_ =	sdelay $0x4  }
0x794: {  	[tilespmem:$0x1E720] =	vst v0;
	v0 =	vld [tilespmem:$0xBDA0];
	_ =	sdelay $0x4  }
0x795: {  	[tilespmem:$0x1E740] =	vst v0;
	v0 =	vld [tilespmem:$0xBD90];
	_ =	sdelay $0x4  }
0x796: {  	[tilespmem:$0x1E760] =	vst v0;
	v0 =	vld [tilespmem:$0xBD80];
	_ =	sdelay $0x4  }
0x797: {  	[tilespmem:$0x1E780] =	vst v0;
	v0 =	vld [tilespmem:$0xBD70];
	_ =	sdelay $0x4  }
0x798: {  	[tilespmem:$0x1E7A0] =	vst v0;
	v0 =	vld [tilespmem:$0xBD60];
	_ =	sdelay $0x4  }
0x799: {  	[tilespmem:$0x1E7C0] =	vst v0;
	v0 =	vld [tilespmem:$0xBD50];
	_ =	sdelay $0x4  }
0x79a: {  	[tilespmem:$0x1E7E0] =	vst v0;
	v0 =	vld [tilespmem:$0xBD40];
	_ =	sdelay $0x4  }
0x79b: {  	[tilespmem:$0x1E800] =	vst v0;
	v0 =	vld [tilespmem:$0xBD30];
	_ =	sdelay $0x4  }
0x79c: {  	[tilespmem:$0x1E820] =	vst v0;
	v0 =	vld [tilespmem:$0xBD20];
	_ =	sdelay $0x4  }
0x79d: {  	[tilespmem:$0x1E840] =	vst v0;
	v0 =	vld [tilespmem:$0xBD10];
	_ =	sdelay $0x4  }
0x79e: {  	[tilespmem:$0x1E860] =	vst v0;
	v0 =	vld [tilespmem:$0xBD00];
	_ =	sdelay $0x4  }
0x79f: {  	[tilespmem:$0x1E880] =	vst v0;
	v0 =	vld [tilespmem:$0xBCF0];
	_ =	sdelay $0x4  }
0x7a0: {  	[tilespmem:$0x1E8A0] =	vst v0;
	v0 =	vld [tilespmem:$0xBCE0];
	_ =	sdelay $0x4  }
0x7a1: {  	[tilespmem:$0x1E8C0] =	vst v0;
	v0 =	vld [tilespmem:$0xBCD0];
	_ =	sdelay $0x4  }
0x7a2: {  	[tilespmem:$0x1E8E0] =	vst v0;
	v0 =	vld [tilespmem:$0xBCC0];
	_ =	sdelay $0x4  }
0x7a3: {  	[tilespmem:$0x1E900] =	vst v0;
	v0 =	vld [tilespmem:$0xBCB0];
	_ =	sdelay $0x4  }
0x7a4: {  	[tilespmem:$0x1E920] =	vst v0;
	v0 =	vld [tilespmem:$0xBCA0];
	_ =	sdelay $0x4  }
0x7a5: {  	[tilespmem:$0x1E940] =	vst v0;
	v0 =	vld [tilespmem:$0xBC90];
	_ =	sdelay $0x4  }
0x7a6: {  	[tilespmem:$0x1E960] =	vst v0;
	v0 =	vld [tilespmem:$0xBC80];
	_ =	sdelay $0x4  }
0x7a7: {  	[tilespmem:$0x1E980] =	vst v0;
	v0 =	vld [tilespmem:$0xBC70];
	_ =	sdelay $0x4  }
0x7a8: {  	[tilespmem:$0x1E9A0] =	vst v0;
	v0 =	vld [tilespmem:$0xBC60];
	_ =	sdelay $0x4  }
0x7a9: {  	[tilespmem:$0x1E9C0] =	vst v0;
	v0 =	vld [tilespmem:$0xBC50];
	_ =	sdelay $0x4  }
0x7aa: {  	[tilespmem:$0x1E9E0] =	vst v0;
	v0 =	vld [tilespmem:$0xBC40];
	_ =	sdelay $0x4  }
0x7ab: {  	[tilespmem:$0x1EA00] =	vst v0;
	v0 =	vld [tilespmem:$0xBC30];
	_ =	sdelay $0x4  }
0x7ac: {  	[tilespmem:$0x1EA20] =	vst v0;
	v0 =	vld [tilespmem:$0xBC20];
	_ =	sdelay $0x4  }
0x7ad: {  	[tilespmem:$0x1EA40] =	vst v0;
	v0 =	vld [tilespmem:$0xBC10];
	_ =	sdelay $0x4  }
0x7ae: {  	[tilespmem:$0x1EA60] =	vst v0;
	v0 =	vld [tilespmem:$0xBC00];
	_ =	sdelay $0x4  }
0x7af: {  	[tilespmem:$0x1EA80] =	vst v0;
	v0 =	vld [tilespmem:$0xBBF0];
	_ =	sdelay $0x4  }
0x7b0: {  	[tilespmem:$0x1EAA0] =	vst v0;
	v0 =	vld [tilespmem:$0xBBE0];
	_ =	sdelay $0x4  }
0x7b1: {  	[tilespmem:$0x1EAC0] =	vst v0;
	v0 =	vld [tilespmem:$0xBBD0];
	_ =	sdelay $0x4  }
0x7b2: {  	[tilespmem:$0x1EAE0] =	vst v0;
	v0 =	vld [tilespmem:$0xBBC0];
	_ =	sdelay $0x4  }
0x7b3: {  	[tilespmem:$0x1EB00] =	vst v0;
	v0 =	vld [tilespmem:$0xBBB0];
	_ =	sdelay $0x4  }
0x7b4: {  	[tilespmem:$0x1EB20] =	vst v0;
	v0 =	vld [tilespmem:$0xBBA0];
	_ =	sdelay $0x4  }
0x7b5: {  	[tilespmem:$0x1EB40] =	vst v0;
	v0 =	vld [tilespmem:$0xBB90];
	_ =	sdelay $0x4  }
0x7b6: {  	[tilespmem:$0x1EB60] =	vst v0;
	v0 =	vld [tilespmem:$0xBB80];
	_ =	sdelay $0x4  }
0x7b7: {  	[tilespmem:$0x1EB80] =	vst v0;
	v0 =	vld [tilespmem:$0xBB70];
	_ =	sdelay $0x4  }
0x7b8: {  	[tilespmem:$0x1EBA0] =	vst v0;
	v0 =	vld [tilespmem:$0xBB60];
	_ =	sdelay $0x4  }
0x7b9: {  	[tilespmem:$0x1EBC0] =	vst v0;
	v0 =	vld [tilespmem:$0xBB50];
	_ =	sdelay $0x4  }
0x7ba: {  	[tilespmem:$0x1EBE0] =	vst v0;
	v0 =	vld [tilespmem:$0xBB40];
	_ =	sdelay $0x4  }
0x7bb: {  	[tilespmem:$0x1EC00] =	vst v0;
	v0 =	vld [tilespmem:$0xBB30];
	_ =	sdelay $0x4  }
0x7bc: {  	[tilespmem:$0x1EC20] =	vst v0;
	v0 =	vld [tilespmem:$0xBB20];
	_ =	sdelay $0x4  }
0x7bd: {  	[tilespmem:$0x1EC40] =	vst v0;
	v0 =	vld [tilespmem:$0xBB10];
	_ =	sdelay $0x4  }
0x7be: {  	[tilespmem:$0x1EC60] =	vst v0;
	v0 =	vld [tilespmem:$0xBB00];
	_ =	sdelay $0x4  }
0x7bf: {  	[tilespmem:$0x1EC80] =	vst v0;
	v0 =	vld [tilespmem:$0xBAF0];
	_ =	sdelay $0x4  }
0x7c0: {  	[tilespmem:$0x1ECA0] =	vst v0;
	v0 =	vld [tilespmem:$0xBAE0];
	_ =	sdelay $0x4  }
0x7c1: {  	[tilespmem:$0x1ECC0] =	vst v0;
	v0 =	vld [tilespmem:$0xBAD0];
	_ =	sdelay $0x4  }
0x7c2: {  	[tilespmem:$0x1ECE0] =	vst v0;
	v0 =	vld [tilespmem:$0xBAC0];
	_ =	sdelay $0x4  }
0x7c3: {  	[tilespmem:$0x1ED00] =	vst v0;
	v0 =	vld [tilespmem:$0xBAB0];
	_ =	sdelay $0x4  }
0x7c4: {  	[tilespmem:$0x1ED20] =	vst v0;
	v0 =	vld [tilespmem:$0xBAA0];
	_ =	sdelay $0x4  }
0x7c5: {  	[tilespmem:$0x1ED40] =	vst v0;
	v0 =	vld [tilespmem:$0xBA90];
	_ =	sdelay $0x4  }
0x7c6: {  	[tilespmem:$0x1ED60] =	vst v0;
	v0 =	vld [tilespmem:$0xBA80];
	_ =	sdelay $0x4  }
0x7c7: {  	[tilespmem:$0x1ED80] =	vst v0;
	v0 =	vld [tilespmem:$0xBA70];
	_ =	sdelay $0x4  }
0x7c8: {  	[tilespmem:$0x1EDA0] =	vst v0;
	v0 =	vld [tilespmem:$0xBA60];
	_ =	sdelay $0x4  }
0x7c9: {  	[tilespmem:$0x1EDC0] =	vst v0;
	v0 =	vld [tilespmem:$0xBA50];
	_ =	sdelay $0x4  }
0x7ca: {  	[tilespmem:$0x1EDE0] =	vst v0;
	v0 =	vld [tilespmem:$0xBA40];
	_ =	sdelay $0x4  }
0x7cb: {  	[tilespmem:$0x1EE00] =	vst v0;
	v0 =	vld [tilespmem:$0xBA30];
	_ =	sdelay $0x4  }
0x7cc: {  	[tilespmem:$0x1EE20] =	vst v0;
	v0 =	vld [tilespmem:$0xBA20];
	_ =	sdelay $0x4  }
0x7cd: {  	[tilespmem:$0x1EE40] =	vst v0;
	v0 =	vld [tilespmem:$0xBA10];
	_ =	sdelay $0x4  }
0x7ce: {  	[tilespmem:$0x1EE60] =	vst v0;
	v0 =	vld [tilespmem:$0xBA00];
	_ =	sdelay $0x4  }
0x7cf: {  	[tilespmem:$0x1EE80] =	vst v0;
	v0 =	vld [tilespmem:$0xB9F0];
	_ =	sdelay $0x4  }
0x7d0: {  	[tilespmem:$0x1EEA0] =	vst v0;
	v0 =	vld [tilespmem:$0xB9E0];
	_ =	sdelay $0x4  }
0x7d1: {  	[tilespmem:$0x1EEC0] =	vst v0;
	v0 =	vld [tilespmem:$0xB9D0];
	_ =	sdelay $0x4  }
0x7d2: {  	[tilespmem:$0x1EEE0] =	vst v0;
	v0 =	vld [tilespmem:$0xB9C0];
	_ =	sdelay $0x4  }
0x7d3: {  	[tilespmem:$0x1EF00] =	vst v0;
	v0 =	vld [tilespmem:$0xB9B0];
	_ =	sdelay $0x4  }
0x7d4: {  	[tilespmem:$0x1EF20] =	vst v0;
	v0 =	vld [tilespmem:$0xB9A0];
	_ =	sdelay $0x4  }
0x7d5: {  	[tilespmem:$0x1EF40] =	vst v0;
	v0 =	vld [tilespmem:$0xB990];
	_ =	sdelay $0x4  }
0x7d6: {  	[tilespmem:$0x1EF60] =	vst v0;
	v0 =	vld [tilespmem:$0xB980];
	_ =	sdelay $0x4  }
0x7d7: {  	[tilespmem:$0x1EF80] =	vst v0;
	v0 =	vld [tilespmem:$0xB970];
	_ =	sdelay $0x4  }
0x7d8: {  	[tilespmem:$0x1EFA0] =	vst v0;
	v0 =	vld [tilespmem:$0xB960];
	_ =	sdelay $0x4  }
0x7d9: {  	[tilespmem:$0x1EFC0] =	vst v0;
	v0 =	vld [tilespmem:$0xB950];
	_ =	sdelay $0x4  }
0x7da: {  	[tilespmem:$0x1EFE0] =	vst v0;
	v0 =	vld [tilespmem:$0xB940];
	_ =	sdelay $0x4  }
0x7db: {  	[tilespmem:$0x1F000] =	vst v0;
	v0 =	vld [tilespmem:$0xB930];
	_ =	sdelay $0x4  }
0x7dc: {  	[tilespmem:$0x1F020] =	vst v0;
	v0 =	vld [tilespmem:$0xB920];
	_ =	sdelay $0x4  }
0x7dd: {  	[tilespmem:$0x1F040] =	vst v0;
	v0 =	vld [tilespmem:$0xB910];
	_ =	sdelay $0x4  }
0x7de: {  	[tilespmem:$0x1F060] =	vst v0;
	v0 =	vld [tilespmem:$0xB900];
	_ =	sdelay $0x4  }
0x7df: {  	[tilespmem:$0x1F080] =	vst v0;
	v0 =	vld [tilespmem:$0xB8F0];
	_ =	sdelay $0x4  }
0x7e0: {  	[tilespmem:$0x1F0A0] =	vst v0;
	v0 =	vld [tilespmem:$0xB8E0];
	_ =	sdelay $0x4  }
0x7e1: {  	[tilespmem:$0x1F0C0] =	vst v0;
	v0 =	vld [tilespmem:$0xB8D0];
	_ =	sdelay $0x4  }
0x7e2: {  	[tilespmem:$0x1F0E0] =	vst v0;
	v0 =	vld [tilespmem:$0xB8C0];
	_ =	sdelay $0x4  }
0x7e3: {  	[tilespmem:$0x1F100] =	vst v0;
	v0 =	vld [tilespmem:$0xB8B0];
	_ =	sdelay $0x4  }
0x7e4: {  	[tilespmem:$0x1F120] =	vst v0;
	v0 =	vld [tilespmem:$0xB8A0];
	_ =	sdelay $0x4  }
0x7e5: {  	[tilespmem:$0x1F140] =	vst v0;
	v0 =	vld [tilespmem:$0xB890];
	_ =	sdelay $0x4  }
0x7e6: {  	[tilespmem:$0x1F160] =	vst v0;
	v0 =	vld [tilespmem:$0xB880];
	_ =	sdelay $0x4  }
0x7e7: {  	[tilespmem:$0x1F180] =	vst v0;
	v0 =	vld [tilespmem:$0xB870];
	_ =	sdelay $0x4  }
0x7e8: {  	[tilespmem:$0x1F1A0] =	vst v0;
	v0 =	vld [tilespmem:$0xB860];
	_ =	sdelay $0x4  }
0x7e9: {  	[tilespmem:$0x1F1C0] =	vst v0;
	v0 =	vld [tilespmem:$0xB850];
	_ =	sdelay $0x4  }
0x7ea: {  	[tilespmem:$0x1F1E0] =	vst v0;
	v0 =	vld [tilespmem:$0xB840];
	_ =	sdelay $0x4  }
0x7eb: {  	[tilespmem:$0x1F200] =	vst v0;
	v0 =	vld [tilespmem:$0xB830];
	_ =	sdelay $0x4  }
0x7ec: {  	[tilespmem:$0x1F220] =	vst v0;
	v0 =	vld [tilespmem:$0xB820];
	_ =	sdelay $0x4  }
0x7ed: {  	[tilespmem:$0x1F240] =	vst v0;
	v0 =	vld [tilespmem:$0xB810];
	_ =	sdelay $0x4  }
0x7ee: {  	[tilespmem:$0x1F260] =	vst v0;
	v0 =	vld [tilespmem:$0xB800];
	_ =	sdelay $0x4  }
0x7ef: {  	[tilespmem:$0x1F280] =	vst v0;
	v0 =	vld [tilespmem:$0xB7F0];
	_ =	sdelay $0x4  }
0x7f0: {  	[tilespmem:$0x1F2A0] =	vst v0;
	v0 =	vld [tilespmem:$0xB7E0];
	_ =	sdelay $0x4  }
0x7f1: {  	[tilespmem:$0x1F2C0] =	vst v0;
	v0 =	vld [tilespmem:$0xB7D0];
	_ =	sdelay $0x4  }
0x7f2: {  	[tilespmem:$0x1F2E0] =	vst v0;
	v0 =	vld [tilespmem:$0xB7C0];
	_ =	sdelay $0x4  }
0x7f3: {  	[tilespmem:$0x1F300] =	vst v0;
	v0 =	vld [tilespmem:$0xB7B0];
	_ =	sdelay $0x4  }
0x7f4: {  	[tilespmem:$0x1F320] =	vst v0;
	v0 =	vld [tilespmem:$0xB7A0];
	_ =	sdelay $0x4  }
0x7f5: {  	[tilespmem:$0x1F340] =	vst v0;
	v0 =	vld [tilespmem:$0xB790];
	_ =	sdelay $0x4  }
0x7f6: {  	[tilespmem:$0x1F360] =	vst v0;
	v0 =	vld [tilespmem:$0xB780];
	_ =	sdelay $0x4  }
0x7f7: {  	[tilespmem:$0x1F380] =	vst v0;
	v0 =	vld [tilespmem:$0xB770];
	_ =	sdelay $0x4  }
0x7f8: {  	[tilespmem:$0x1F3A0] =	vst v0;
	v0 =	vld [tilespmem:$0xB760];
	_ =	sdelay $0x4  }
0x7f9: {  	[tilespmem:$0x1F3C0] =	vst v0;
	v0 =	vld [tilespmem:$0xB750];
	_ =	sdelay $0x4  }
0x7fa: {  	[tilespmem:$0x1F3E0] =	vst v0;
	v0 =	vld [tilespmem:$0xB740];
	_ =	sdelay $0x4  }
0x7fb: {  	[tilespmem:$0x1F400] =	vst v0;
	v0 =	vld [tilespmem:$0xB730];
	_ =	sdelay $0x4  }
0x7fc: {  	[tilespmem:$0x1F420] =	vst v0;
	v0 =	vld [tilespmem:$0xB720];
	_ =	sdelay $0x4  }
0x7fd: {  	[tilespmem:$0x1F440] =	vst v0;
	v0 =	vld [tilespmem:$0xB710];
	_ =	sdelay $0x4  }
0x7fe: {  	[tilespmem:$0x1F460] =	vst v0;
	v0 =	vld [tilespmem:$0xB700];
	_ =	sdelay $0x4  }
0x7ff: {  	[tilespmem:$0x1F480] =	vst v0;
	v0 =	vld [tilespmem:$0xB6F0];
	_ =	sdelay $0x4  }
0x800: {  	[tilespmem:$0x1F4A0] =	vst v0;
	v0 =	vld [tilespmem:$0xB6E0];
	_ =	sdelay $0x4  }
0x801: {  	[tilespmem:$0x1F4C0] =	vst v0;
	v0 =	vld [tilespmem:$0xB6D0];
	_ =	sdelay $0x4  }
0x802: {  	[tilespmem:$0x1F4E0] =	vst v0;
	v0 =	vld [tilespmem:$0xB6C0];
	_ =	sdelay $0x4  }
0x803: {  	[tilespmem:$0x1F500] =	vst v0;
	v0 =	vld [tilespmem:$0xB6B0];
	_ =	sdelay $0x4  }
0x804: {  	[tilespmem:$0x1F520] =	vst v0;
	v0 =	vld [tilespmem:$0xB6A0];
	_ =	sdelay $0x4  }
0x805: {  	[tilespmem:$0x1F540] =	vst v0;
	v0 =	vld [tilespmem:$0xB690];
	_ =	sdelay $0x4  }
0x806: {  	[tilespmem:$0x1F560] =	vst v0;
	v0 =	vld [tilespmem:$0xB680];
	_ =	sdelay $0x4  }
0x807: {  	[tilespmem:$0x1F580] =	vst v0;
	v0 =	vld [tilespmem:$0xB670];
	_ =	sdelay $0x4  }
0x808: {  	[tilespmem:$0x1F5A0] =	vst v0;
	v0 =	vld [tilespmem:$0xB660];
	_ =	sdelay $0x4  }
0x809: {  	[tilespmem:$0x1F5C0] =	vst v0;
	v0 =	vld [tilespmem:$0xB650];
	_ =	sdelay $0x4  }
0x80a: {  	[tilespmem:$0x1F5E0] =	vst v0;
	v0 =	vld [tilespmem:$0xB640];
	_ =	sdelay $0x4  }
0x80b: {  	[tilespmem:$0x1F600] =	vst v0;
	v0 =	vld [tilespmem:$0xB630];
	_ =	sdelay $0x4  }
0x80c: {  	[tilespmem:$0x1F620] =	vst v0;
	v0 =	vld [tilespmem:$0xB620];
	_ =	sdelay $0x4  }
0x80d: {  	[tilespmem:$0x1F640] =	vst v0;
	v0 =	vld [tilespmem:$0xB610];
	_ =	sdelay $0x4  }
0x80e: {  	[tilespmem:$0x1F660] =	vst v0;
	v0 =	vld [tilespmem:$0xB600];
	_ =	sdelay $0x4  }
0x80f: {  	[tilespmem:$0x1F680] =	vst v0;
	v0 =	vld [tilespmem:$0xB5F0];
	_ =	sdelay $0x4  }
0x810: {  	[tilespmem:$0x1F6A0] =	vst v0;
	v0 =	vld [tilespmem:$0xB5E0];
	_ =	sdelay $0x4  }
0x811: {  	[tilespmem:$0x1F6C0] =	vst v0;
	v0 =	vld [tilespmem:$0xB5D0];
	_ =	sdelay $0x4  }
0x812: {  	[tilespmem:$0x1F6E0] =	vst v0;
	v0 =	vld [tilespmem:$0xB5C0];
	_ =	sdelay $0x4  }
0x813: {  	[tilespmem:$0x1F700] =	vst v0;
	v0 =	vld [tilespmem:$0xB5B0];
	_ =	sdelay $0x4  }
0x814: {  	[tilespmem:$0x1F720] =	vst v0;
	v0 =	vld [tilespmem:$0xB5A0];
	_ =	sdelay $0x4  }
0x815: {  	[tilespmem:$0x1F740] =	vst v0;
	v0 =	vld [tilespmem:$0xB590];
	_ =	sdelay $0x4  }
0x816: {  	[tilespmem:$0x1F760] =	vst v0;
	v0 =	vld [tilespmem:$0xB580];
	_ =	sdelay $0x4  }
0x817: {  	[tilespmem:$0x1F780] =	vst v0;
	v0 =	vld [tilespmem:$0xB570];
	_ =	sdelay $0x4  }
0x818: {  	[tilespmem:$0x1F7A0] =	vst v0;
	v0 =	vld [tilespmem:$0xB560];
	_ =	sdelay $0x4  }
0x819: {  	[tilespmem:$0x1F7C0] =	vst v0;
	v0 =	vld [tilespmem:$0xB550];
	_ =	sdelay $0x4  }
0x81a: {  	[tilespmem:$0x1F7E0] =	vst v0;
	v0 =	vld [tilespmem:$0xB540];
	_ =	sdelay $0x4  }
0x81b: {  	[tilespmem:$0x1F800] =	vst v0;
	v0 =	vld [tilespmem:$0xB530];
	_ =	sdelay $0x4  }
0x81c: {  	[tilespmem:$0x1F820] =	vst v0;
	v0 =	vld [tilespmem:$0xB520];
	_ =	sdelay $0x4  }
0x81d: {  	[tilespmem:$0x1F840] =	vst v0;
	v0 =	vld [tilespmem:$0xB510];
	_ =	sdelay $0x4  }
0x81e: {  	[tilespmem:$0x1F860] =	vst v0;
	v0 =	vld [tilespmem:$0xB500];
	_ =	sdelay $0x4  }
0x81f: {  	[tilespmem:$0x1F880] =	vst v0;
	v0 =	vld [tilespmem:$0x18400];
	_ =	sdelay $0x4  }
0x820: {  	v0 =	vmul.f32 v2, v0;
	v2 =	vld [tilespmem:$0xB490];
	_ =	sdelay $0x4  }
0x821: {  	[tilespmem:$0x1F960] =	vst v2;
	v2 =	vld [tilespmem:$0x18410];
	_ =	sdelay $0x4  }
0x822: {  	v1 =	vmul.f32 v2, v1;
	v2 =	vld [tilespmem:$0xB4B0];
	_ =	sdelay $0x4  }
0x823: {  	[tilespmem:$0x1F920] =	vst v2;
	v2 =	vld [tilespmem:$0x18420];
	_ =	sdelay $0x4  }
0x824: {  	v2 =	vmul.f32 v63, v2;
	v63 =	vld [tilespmem:$0xB450];
	_ =	sdelay $0x3  }
0x825: {  	[tilespmem:$0x4080] =	vst v0;
	v0 =	vld [tilespmem:$0x18430]  }
0x826: {  	[tilespmem:$0x1F9E0] =	vst v63;
	v63 =	vld [tilespmem:$0x18440];
	_ =	sdelay $0x4  }
0x827: {  	v0 =	vmul.f32 v63, v0;
	v63 =	vld [tilespmem:$0xB470];
	_ =	sdelay $0x3  }
0x828: {  	[tilespmem:$0x4090] =	vst v1;
	v1 =	vld [tilespmem:$0x18450]  }
0x829: {  	[tilespmem:$0x1F9A0] =	vst v63;
	v63 =	vld [tilespmem:$0x18460];
	_ =	sdelay $0x4  }
0x82a: {  	v1 =	vmul.f32 v63, v1;
	v63 =	vld [tilespmem:$0xB410];
	_ =	sdelay $0x3  }
0x82b: {  	[tilespmem:$0x40A0] =	vst v2;
	v2 =	vld [tilespmem:$0x18470]  }
0x82c: {  	[tilespmem:$0x1FA60] =	vst v63;
	v63 =	vld [tilespmem:$0x18480];
	_ =	sdelay $0x4  }
0x82d: {  	v2 =	vmul.f32 v63, v2;
	v63 =	vld [tilespmem:$0xB430];
	_ =	sdelay $0x3  }
0x82e: {  	[tilespmem:$0x40B0] =	vst v0;
	v0 =	vld [tilespmem:$0x18490]  }
0x82f: {  	[tilespmem:$0x1FA20] =	vst v63;
	v63 =	vld [tilespmem:$0x184A0];
	_ =	sdelay $0x4  }
0x830: {  	v0 =	vmul.f32 v63, v0;
	v63 =	vld [tilespmem:$0xB3D0];
	_ =	sdelay $0x3  }
0x831: {  	[tilespmem:$0x40C0] =	vst v1;
	v1 =	vld [tilespmem:$0x184B0]  }
0x832: {  	[tilespmem:$0x1FAE0] =	vst v63;
	v63 =	vld [tilespmem:$0x184C0];
	_ =	sdelay $0x4  }
0x833: {  	v1 =	vmul.f32 v63, v1;
	v63 =	vld [tilespmem:$0xB3F0];
	_ =	sdelay $0x3  }
0x834: {  	[tilespmem:$0x40D0] =	vst v2;
	v2 =	vld [tilespmem:$0x184D0]  }
0x835: {  	[tilespmem:$0x1FAA0] =	vst v63;
	v63 =	vld [tilespmem:$0x184E0];
	_ =	sdelay $0x4  }
0x836: {  	v2 =	vmul.f32 v63, v2;
	v63 =	vld [tilespmem:$0xB390];
	_ =	sdelay $0x3  }
0x837: {  	[tilespmem:$0x40E0] =	vst v0;
	v0 =	vld [tilespmem:$0x184F0]  }
0x838: {  	[tilespmem:$0x1FB60] =	vst v63;
	v63 =	vld [tilespmem:$0x18500];
	_ =	sdelay $0x4  }
0x839: {  	v0 =	vmul.f32 v63, v0;
	v63 =	vld [tilespmem:$0xB3B0];
	_ =	sdelay $0x3  }
0x83a: {  	[tilespmem:$0x40F0] =	vst v1;
	v1 =	vld [tilespmem:$0x18510]  }
0x83b: {  	[tilespmem:$0x1FB20] =	vst v63;
	v63 =	vld [tilespmem:$0x18520];
	_ =	sdelay $0x4  }
0x83c: {  	v1 =	vmul.f32 v63, v1;
	v63 =	vld [tilespmem:$0xB350];
	_ =	sdelay $0x3  }
0x83d: {  	[tilespmem:$0x4100] =	vst v2;
	v2 =	vld [tilespmem:$0x18530]  }
0x83e: {  	[tilespmem:$0x1FBE0] =	vst v63;
	v63 =	vld [tilespmem:$0x18540];
	_ =	sdelay $0x4  }
0x83f: {  	v2 =	vmul.f32 v63, v2;
	v63 =	vld [tilespmem:$0xB370];
	_ =	sdelay $0x3  }
0x840: {  	[tilespmem:$0x4110] =	vst v0;
	v0 =	vld [tilespmem:$0x18550]  }
0x841: {  	[tilespmem:$0x1FBA0] =	vst v63;
	v63 =	vld [tilespmem:$0x18560];
	_ =	sdelay $0x4  }
0x842: {  	v0 =	vmul.f32 v63, v0;
	v63 =	vld [tilespmem:$0xB310];
	_ =	sdelay $0x3  }
0x843: {  	[tilespmem:$0x4120] =	vst v1;
	v1 =	vld [tilespmem:$0x18570]  }
0x844: {  	[tilespmem:$0x1FC60] =	vst v63;
	v63 =	vld [tilespmem:$0x18580];
	_ =	sdelay $0x4  }
0x845: {  	v1 =	vmul.f32 v63, v1;
	v63 =	vld [tilespmem:$0xB330];
	_ =	sdelay $0x2  }
0x846: {  	[tilespmem:$0x4130] =	vst v2  }
0x847: {  	v2 =	vld [tilespmem:$0x18590];
	[tilespmem:$0x4140] =	vst v0  }
0x848: {  	[tilespmem:$0x1FC20] =	vst v63;
	v63 =	vld [tilespmem:$0x185A0]  }
0x849: {  	v0 =	vld [tilespmem:$0xB2D0];
	_ =	sdelay $0x3  }
0x84a: {  	v2 =	vmul.f32 v63, v2;
	v63 =	vld [tilespmem:$0x185C0]  }
0x84b: {  	[tilespmem:$0x1FCE0] =	vst v0;
	v0 =	vld [tilespmem:$0x185B0];
	_ =	sdelay $0x4  }
0x84c: {  	v0 =	vmul.f32 v63, v0;
	v63 =	vld [tilespmem:$0xB2F0];
	_ =	sdelay $0x3  }
0x84d: {  	[tilespmem:$0x4150] =	vst v1;
	v1 =	vld [tilespmem:$0x185D0]  }
0x84e: {  	[tilespmem:$0x1FCA0] =	vst v63;
	v63 =	vld [tilespmem:$0x185E0];
	_ =	sdelay $0x4  }
0x84f: {  	v1 =	vmul.f32 v63, v1;
	v63 =	vld [tilespmem:$0xB290];
	_ =	sdelay $0x3  }
0x850: {  	[tilespmem:$0x4160] =	vst v2;
	v2 =	vld [tilespmem:$0x185F0]  }
0x851: {  	[tilespmem:$0x1FD60] =	vst v63;
	v63 =	vld [tilespmem:$0x18600];
	_ =	sdelay $0x4  }
0x852: {  	v2 =	vmul.f32 v63, v2;
	v63 =	vld [tilespmem:$0xB2B0];
	_ =	sdelay $0x3  }
0x853: {  	[tilespmem:$0x4170] =	vst v0;
	v0 =	vld [tilespmem:$0x18610]  }
0x854: {  	[tilespmem:$0x1FD20] =	vst v63;
	v63 =	vld [tilespmem:$0x18620];
	_ =	sdelay $0x4  }
0x855: {  	v0 =	vmul.f32 v63, v0;
	v63 =	vld [tilespmem:$0xB250];
	_ =	sdelay $0x3  }
0x856: {  	[tilespmem:$0x4180] =	vst v1;
	v1 =	vld [tilespmem:$0x18630]  }
0x857: {  	[tilespmem:$0x1FDE0] =	vst v63;
	v63 =	vld [tilespmem:$0x18640];
	_ =	sdelay $0x4  }
0x858: {  	v1 =	vmul.f32 v63, v1;
	v63 =	vld [tilespmem:$0xB270];
	_ =	sdelay $0x3  }
0x859: {  	[tilespmem:$0x4190] =	vst v2;
	v2 =	vld [tilespmem:$0x18650]  }
0x85a: {  	[tilespmem:$0x1FDA0] =	vst v63;
	v63 =	vld [tilespmem:$0x18660];
	_ =	sdelay $0x4  }
0x85b: {  	v2 =	vmul.f32 v63, v2;
	v63 =	vld [tilespmem:$0xB210];
	_ =	sdelay $0x3  }
0x85c: {  	[tilespmem:$0x41A0] =	vst v0;
	v0 =	vld [tilespmem:$0x18670]  }
0x85d: {  	[tilespmem:$0x1FE60] =	vst v63;
	v63 =	vld [tilespmem:$0x18680];
	_ =	sdelay $0x4  }
0x85e: {  	v0 =	vmul.f32 v63, v0;
	v63 =	vld [tilespmem:$0xB230];
	_ =	sdelay $0x3  }
0x85f: {  	[tilespmem:$0x41B0] =	vst v1;
	v1 =	vld [tilespmem:$0x18690]  }
0x860: {  	[tilespmem:$0x1FE20] =	vst v63;
	v63 =	vld [tilespmem:$0x186A0];
	_ =	sdelay $0x4  }
0x861: {  	v1 =	vmul.f32 v63, v1;
	v63 =	vld [tilespmem:$0xB1D0];
	_ =	sdelay $0x3  }
0x862: {  	[tilespmem:$0x41C0] =	vst v2;
	v2 =	vld [tilespmem:$0x186B0]  }
0x863: {  	[tilespmem:$0x1FEE0] =	vst v63;
	v63 =	vld [tilespmem:$0x186C0];
	_ =	sdelay $0x4  }
0x864: {  	v2 =	vmul.f32 v63, v2;
	v63 =	vld [tilespmem:$0xB1F0];
	_ =	sdelay $0x3  }
0x865: {  	[tilespmem:$0x41D0] =	vst v0;
	v0 =	vld [tilespmem:$0x186D0]  }
0x866: {  	[tilespmem:$0x1FEA0] =	vst v63;
	v63 =	vld [tilespmem:$0x186E0];
	_ =	sdelay $0x4  }
0x867: {  	v0 =	vmul.f32 v63, v0;
	v63 =	vld [tilespmem:$0xB190];
	_ =	sdelay $0x3  }
0x868: {  	[tilespmem:$0x41E0] =	vst v1;
	v1 =	vld [tilespmem:$0x186F0]  }
0x869: {  	[tilespmem:$0x1FF60] =	vst v63;
	v63 =	vld [tilespmem:$0x18700];
	_ =	sdelay $0x4  }
0x86a: {  	v1 =	vmul.f32 v63, v1;
	v63 =	vld [tilespmem:$0xB1B0];
	_ =	sdelay $0x4  }
0x86b: {  	[tilespmem:$0x1FF20] =	vst v63;
	v63 =	vld [tilespmem:$0x18710];
	_ =	sdelay $0x4  }
0x86c: {  	[tilespmem:$0x41F0] =	vst v2;
	v2 =	vmul.f32 v3, v63;
	v63 =	vld [tilespmem:$0xB170];
	_ =	sdelay $0x4  }
0x86d: {  	[tilespmem:$0x1FFD0] =	vst v63;
	v63 =	vld [tilespmem:$0x18720];
	_ =	sdelay $0x4  }
0x86e: {  	[tilespmem:$0x4200] =	vst v0;
	v0 =	vmul.f32 v4, v63;
	v4 =	vld [tilespmem:$0x18730];
	_ =	sdelay $0x4  }
0x86f: {  	[tilespmem:$0x4210] =	vst v1;
	v1 =	vmul.f32 v5, v4;
	v5 =	vld [tilespmem:$0x18740];
	_ =	sdelay $0x4  }
0x870: {  	[tilespmem:$0x4220] =	vst v2;
	v2 =	vmul.f32 v6, v5;
	v6 =	vld [tilespmem:$0x18750];
	_ =	sdelay $0x4  }
0x871: {  	[tilespmem:$0x4230] =	vst v0;
	v0 =	vmul.f32 v7, v6;
	v7 =	vld [tilespmem:$0x18760];
	_ =	sdelay $0x4  }
0x872: {  	[tilespmem:$0x4240] =	vst v1;
	v1 =	vmul.f32 v8, v7;
	v8 =	vld [tilespmem:$0x18770];
	_ =	sdelay $0x4  }
0x873: {  	[tilespmem:$0x4250] =	vst v2;
	v2 =	vmul.f32 v9, v8;
	v9 =	vld [tilespmem:$0x18780];
	_ =	sdelay $0x4  }
0x874: {  	[tilespmem:$0x4260] =	vst v0;
	v0 =	vmul.f32 v10, v9;
	v10 =	vld [tilespmem:$0x18790];
	_ =	sdelay $0x4  }
0x875: {  	[tilespmem:$0x4270] =	vst v1;
	v1 =	vmul.f32 v11, v10;
	v11 =	vld [tilespmem:$0x187A0];
	_ =	sdelay $0x2  }
0x876: {  	v63 =	vld [tilespmem:$0xB180];
	_ =	sdelay $0x1  }
0x877: {  	[tilespmem:$0x4280] =	vst v2;
	v2 =	vmul.f32 v12, v11;
	v12 =	vld [tilespmem:$0x187B0];
	_ =	sdelay $0x2  }
0x878: {  	[tilespmem:$0x1FF80] =	vst v63;
	v63 =	vld [tilespmem:$0x18800]  }
0x879: {  	v5 =	vld [tilespmem:$0x18810]  }
0x87a: {  	[tilespmem:$0x4290] =	vst v0;
	v0 =	vmul.f32 v13, v12;
	v13 =	vld [tilespmem:$0x187C0]  }
0x87b: {  	v6 =	vld [tilespmem:$0x18820]  }
0x87c: {  	v7 =	vld [tilespmem:$0x18830]  }
0x87d: {  	v8 =	vld [tilespmem:$0x18840]  }
0x87e: {  	v9 =	vld [tilespmem:$0x18850]  }
0x87f: {  	[tilespmem:$0x42A0] =	vst v1;
	v1 =	vmul.f32 v14, v13;
	v14 =	vld [tilespmem:$0x187D0]  }
0x880: {  	v10 =	vld [tilespmem:$0x18860]  }
0x881: {  	v11 =	vld [tilespmem:$0x18870]  }
0x882: {  	v12 =	vld [tilespmem:$0x18880]  }
0x883: {  	v13 =	vld [tilespmem:$0x18890]  }
0x884: {  	[tilespmem:$0x42B0] =	vst v2;
	v2 =	vmul.f32 v15, v14;
	v15 =	vld [tilespmem:$0x187E0]  }
0x885: {  	v14 =	vld [tilespmem:$0x188A0]  }
0x886: {  	[tilespmem:$0x42E0] =	vst v2;
	v2 =	vmul.f32 v18, v63;
	v18 =	vld [tilespmem:$0x188E0]  }
0x887: {  	v63 =	vld [tilespmem:$0x18BB0]  }
0x888: {  	[tilespmem:$0x4310] =	vst v2;
	v2 =	vmul.f32 v21, v7;
	v21 =	vld [tilespmem:$0x18910]  }
0x889: {  	v7 =	vld [tilespmem:$0x18BD0]  }
0x88a: {  	[tilespmem:$0x42C0] =	vst v0;
	v0 =	vmul.f32 v16, v15;
	v16 =	vld [tilespmem:$0x187F0]  }
0x88b: {  	v15 =	vld [tilespmem:$0x188B0]  }
0x88c: {  	[tilespmem:$0x4340] =	vst v2;
	v2 =	vmul.f32 v24, v10;
	v24 =	vld [tilespmem:$0x18940]  }
0x88d: {  	v10 =	vld [tilespmem:$0x18C00]  }
0x88e: {  	[tilespmem:$0x42F0] =	vst v0;
	v0 =	vmul.f32 v19, v5;
	v19 =	vld [tilespmem:$0x188F0]  }
0x88f: {  	[tilespmem:$0x4370] =	vst v2;
	v2 =	vmul.f32 v27, v13;
	v27 =	vld [tilespmem:$0x18970]  }
0x890: {  	v13 =	vld [tilespmem:$0x18C30]  }
0x891: {  	[tilespmem:$0x4320] =	vst v0;
	v0 =	vmul.f32 v22, v8;
	v22 =	vld [tilespmem:$0x18920]  }
0x892: {  	v8 =	vld [tilespmem:$0x18BE0]  }
0x893: {  	[tilespmem:$0x42D0] =	vst v1;
	v1 =	vmul.f32 v17, v16;
	v16 =	vld [tilespmem:$0x188C0]  }
0x894: {  	v17 =	vld [tilespmem:$0x188D0]  }
0x895: {  	[tilespmem:$0x4350] =	vst v0;
	v0 =	vmul.f32 v25, v11;
	v25 =	vld [tilespmem:$0x18950]  }
0x896: {  	v11 =	vld [tilespmem:$0x18C10]  }
0x897: {  	[tilespmem:$0x4300] =	vst v1;
	v1 =	vmul.f32 v20, v6;
	v20 =	vld [tilespmem:$0x18900]  }
0x898: {  	v6 =	vld [tilespmem:$0x18BC0]  }
0x899: {  	[tilespmem:$0x4380] =	vst v0;
	v0 =	vmul.f32 v28, v14;
	v28 =	vld [tilespmem:$0x18980]  }
0x89a: {  	v14 =	vld [tilespmem:$0x18C40]  }
0x89b: {  	[tilespmem:$0x4330] =	vst v1;
	v1 =	vmul.f32 v23, v9;
	v23 =	vld [tilespmem:$0x18930]  }
0x89c: {  	v9 =	vld [tilespmem:$0x18BF0]  }
0x89d: {  	[tilespmem:$0x43A0] =	vst v2;
	v2 =	vmul.f32 v30, v16;
	v30 =	vld [tilespmem:$0x189A0]  }
0x89e: {  	[tilespmem:$0x43B0] =	vst v0;
	v0 =	vmul.f32 v31, v17;
	v31 =	vld [tilespmem:$0x189B0]  }
0x89f: {  	v16 =	vld [tilespmem:$0x18C60]  }
0x8a0: {  	v17 =	vld [tilespmem:$0x18C70]  }
0x8a1: {  	[tilespmem:$0x4360] =	vst v1;
	v1 =	vmul.f32 v26, v12;
	v26 =	vld [tilespmem:$0x18960]  }
0x8a2: {  	v12 =	vld [tilespmem:$0x18C20]  }
0x8a3: {  	[tilespmem:$0x43D0] =	vst v2;
	v2 =	vmul.f32 v33, v19;
	v33 =	vld [tilespmem:$0x189D0]  }
0x8a4: {  	[tilespmem:$0x43E0] =	vst v0;
	v0 =	vmul.f32 v34, v20;
	v34 =	vld [tilespmem:$0x189E0]  }
0x8a5: {  	v19 =	vld [tilespmem:$0x18C90]  }
0x8a6: {  	v20 =	vld [tilespmem:$0x18CA0]  }
0x8a7: {  	[tilespmem:$0x4390] =	vst v1;
	v1 =	vmul.f32 v29, v15;
	v29 =	vld [tilespmem:$0x18990]  }
0x8a8: {  	v15 =	vld [tilespmem:$0x18C50]  }
0x8a9: {  	[tilespmem:$0x4400] =	vst v2;
	v2 =	vmul.f32 v36, v22;
	v36 =	vld [tilespmem:$0x18A00]  }
0x8aa: {  	[tilespmem:$0x4410] =	vst v0;
	v0 =	vmul.f32 v37, v23;
	v37 =	vld [tilespmem:$0x18A10]  }
0x8ab: {  	v22 =	vld [tilespmem:$0x18CC0]  }
0x8ac: {  	v23 =	vld [tilespmem:$0x18CD0]  }
0x8ad: {  	[tilespmem:$0x43C0] =	vst v1;
	v1 =	vmul.f32 v32, v18;
	v32 =	vld [tilespmem:$0x189C0]  }
0x8ae: {  	v18 =	vld [tilespmem:$0x18C80]  }
0x8af: {  	[tilespmem:$0x4430] =	vst v2;
	v2 =	vmul.f32 v39, v25;
	v39 =	vld [tilespmem:$0x18A30]  }
0x8b0: {  	[tilespmem:$0x4440] =	vst v0;
	v0 =	vmul.f32 v40, v26;
	v40 =	vld [tilespmem:$0x18A40]  }
0x8b1: {  	v25 =	vld [tilespmem:$0x18CF0]  }
0x8b2: {  	v26 =	vld [tilespmem:$0x18D00]  }
0x8b3: {  	[tilespmem:$0x43F0] =	vst v1;
	v1 =	vmul.f32 v35, v21;
	v35 =	vld [tilespmem:$0x189F0]  }
0x8b4: {  	v21 =	vld [tilespmem:$0x18CB0]  }
0x8b5: {  	[tilespmem:$0x4460] =	vst v2;
	v2 =	vmul.f32 v42, v28;
	v42 =	vld [tilespmem:$0x18A60]  }
0x8b6: {  	[tilespmem:$0x4470] =	vst v0;
	v0 =	vmul.f32 v43, v29;
	v43 =	vld [tilespmem:$0x18A70]  }
0x8b7: {  	v28 =	vld [tilespmem:$0x18D20]  }
0x8b8: {  	v29 =	vld [tilespmem:$0x18D30]  }
0x8b9: {  	[tilespmem:$0x4420] =	vst v1;
	v1 =	vmul.f32 v38, v24;
	v38 =	vld [tilespmem:$0x18A20]  }
0x8ba: {  	v24 =	vld [tilespmem:$0x18CE0]  }
0x8bb: {  	[tilespmem:$0x4490] =	vst v2;
	v2 =	vmul.f32 v45, v31;
	v45 =	vld [tilespmem:$0x18A90]  }
0x8bc: {  	[tilespmem:$0x44A0] =	vst v0;
	v0 =	vmul.f32 v46, v32;
	v46 =	vld [tilespmem:$0x18AA0]  }
0x8bd: {  	v31 =	vld [tilespmem:$0x18D50]  }
0x8be: {  	v32 =	vld [tilespmem:$0x18D60]  }
0x8bf: {  	[tilespmem:$0x4450] =	vst v1;
	v1 =	vmul.f32 v41, v27;
	v41 =	vld [tilespmem:$0x18A50]  }
0x8c0: {  	v27 =	vld [tilespmem:$0x18D10]  }
0x8c1: {  	[tilespmem:$0x44C0] =	vst v2;
	v2 =	vmul.f32 v48, v34;
	v48 =	vld [tilespmem:$0x18AC0]  }
0x8c2: {  	[tilespmem:$0x44D0] =	vst v0;
	v0 =	vmul.f32 v49, v35;
	v49 =	vld [tilespmem:$0x18AD0]  }
0x8c3: {  	v34 =	vld [tilespmem:$0x18D80]  }
0x8c4: {  	v35 =	vld [tilespmem:$0x18D90]  }
0x8c5: {  	[tilespmem:$0x4480] =	vst v1;
	v1 =	vmul.f32 v44, v30;
	v44 =	vld [tilespmem:$0x18A80]  }
0x8c6: {  	v30 =	vld [tilespmem:$0x18D40]  }
0x8c7: {  	[tilespmem:$0x44F0] =	vst v2;
	v2 =	vmul.f32 v51, v37;
	v51 =	vld [tilespmem:$0x18AF0]  }
0x8c8: {  	[tilespmem:$0x4500] =	vst v0;
	v0 =	vmul.f32 v52, v38;
	v52 =	vld [tilespmem:$0x18B00]  }
0x8c9: {  	v37 =	vld [tilespmem:$0x18DB0]  }
0x8ca: {  	v38 =	vld [tilespmem:$0x18DC0]  }
0x8cb: {  	[tilespmem:$0x44B0] =	vst v1;
	v1 =	vmul.f32 v47, v33;
	v47 =	vld [tilespmem:$0x18AB0]  }
0x8cc: {  	v33 =	vld [tilespmem:$0x18D70]  }
0x8cd: {  	[tilespmem:$0x4520] =	vst v2;
	v2 =	vmul.f32 v54, v40;
	v54 =	vld [tilespmem:$0x18B20]  }
0x8ce: {  	[tilespmem:$0x4530] =	vst v0;
	v0 =	vmul.f32 v55, v41;
	v55 =	vld [tilespmem:$0x18B30]  }
0x8cf: {  	v40 =	vld [tilespmem:$0x18DE0]  }
0x8d0: {  	v41 =	vld [tilespmem:$0x18DF0]  }
0x8d1: {  	[tilespmem:$0x44E0] =	vst v1;
	v1 =	vmul.f32 v50, v36;
	v50 =	vld [tilespmem:$0x18AE0]  }
0x8d2: {  	v36 =	vld [tilespmem:$0x18DA0]  }
0x8d3: {  	[tilespmem:$0x4550] =	vst v2;
	v2 =	vmul.f32 v57, v43;
	v57 =	vld [tilespmem:$0x18B50]  }
0x8d4: {  	[tilespmem:$0x4560] =	vst v0;
	v0 =	vmul.f32 v58, v44;
	v58 =	vld [tilespmem:$0x18B60]  }
0x8d5: {  	v43 =	vld [tilespmem:$0x18E10]  }
0x8d6: {  	v44 =	vld [tilespmem:$0x18E20]  }
0x8d7: {  	[tilespmem:$0x4510] =	vst v1;
	v1 =	vmul.f32 v53, v39;
	v53 =	vld [tilespmem:$0x18B10]  }
0x8d8: {  	v39 =	vld [tilespmem:$0x18DD0]  }
0x8d9: {  	[tilespmem:$0x4580] =	vst v2;
	v2 =	vmul.f32 v60, v46;
	v60 =	vld [tilespmem:$0x18B80]  }
0x8da: {  	[tilespmem:$0x4590] =	vst v0;
	v0 =	vmul.f32 v61, v47;
	v61 =	vld [tilespmem:$0x18B90]  }
0x8db: {  	v46 =	vld [tilespmem:$0x18E40]  }
0x8dc: {  	v47 =	vld [tilespmem:$0x18E50]  }
0x8dd: {  	[tilespmem:$0x4540] =	vst v1;
	v1 =	vmul.f32 v56, v42;
	v56 =	vld [tilespmem:$0x18B40]  }
0x8de: {  	v42 =	vld [tilespmem:$0x18E00]  }
0x8df: {  	[tilespmem:$0x45B0] =	vst v2;
	v2 =	vmul.f32 v50, v49;
	v49 =	vld [tilespmem:$0x18E70]  }
0x8e0: {  	v50 =	vld [tilespmem:$0x18E80]  }
0x8e1: {  	[tilespmem:$0x45C0] =	vst v0;
	v0 =	vmul.f32 v52, v51;
	v51 =	vld [tilespmem:$0x18E90]  }
0x8e2: {  	v52 =	vld [tilespmem:$0x18EA0]  }
0x8e3: {  	[tilespmem:$0x4570] =	vst v1;
	v1 =	vmul.f32 v59, v45;
	v59 =	vld [tilespmem:$0x18B70]  }
0x8e4: {  	v45 =	vld [tilespmem:$0x18E30]  }
0x8e5: {  	[tilespmem:$0x45F0] =	vst v0;
	v0 =	vmul.f32 v58, v57;
	v57 =	vld [tilespmem:$0x18EF0]  }
0x8e6: {  	v58 =	vld [tilespmem:$0x18F00]  }
0x8e7: {  	[tilespmem:$0x45A0] =	vst v1;
	v1 =	vmul.f32 v62, v48;
	v62 =	vld [tilespmem:$0x18BA0]  }
0x8e8: {  	v48 =	vld [tilespmem:$0x18E60]  }
0x8e9: {  	[tilespmem:$0x45E0] =	vst v2;
	v2 =	vmul.f32 v56, v55;
	v55 =	vld [tilespmem:$0x18ED0]  }
0x8ea: {  	v56 =	vld [tilespmem:$0x18EE0]  }
0x8eb: {  	[tilespmem:$0x4620] =	vst v0;
	v0 =	vmul.f32 v6, v63;
	v63 =	vld [tilespmem:$0x18F50]  }
0x8ec: {  	v6 =	vld [tilespmem:$0x18F60]  }
0x8ed: {  	[tilespmem:$0x45D0] =	vst v1;
	v1 =	vmul.f32 v54, v53;
	v53 =	vld [tilespmem:$0x18EB0]  }
0x8ee: {  	v54 =	vld [tilespmem:$0x18EC0]  }
0x8ef: {  	[tilespmem:$0x4650] =	vst v0;
	v0 =	vmul.f32 v12, v11;
	v11 =	vld [tilespmem:$0x18FB0]  }
0x8f0: {  	v12 =	vld [tilespmem:$0x18FC0]  }
0x8f1: {  	[tilespmem:$0x4600] =	vst v1;
	v1 =	vmul.f32 v60, v59;
	v59 =	vld [tilespmem:$0x18F10]  }
0x8f2: {  	v60 =	vld [tilespmem:$0x18F20]  }
0x8f3: {  	[tilespmem:$0x4610] =	vst v2;
	v2 =	vmul.f32 v62, v61;
	v61 =	vld [tilespmem:$0x18F30]  }
0x8f4: {  	v62 =	vld [tilespmem:$0x18F40]  }
0x8f5: {  	[tilespmem:$0x4680] =	vst v0;
	v0 =	vmul.f32 v18, v17;
	v17 =	vld [tilespmem:$0x19010]  }
0x8f6: {  	v18 =	vld [tilespmem:$0x19020]  }
0x8f7: {  	[tilespmem:$0x4630] =	vst v1;
	v1 =	vmul.f32 v8, v7;
	v7 =	vld [tilespmem:$0x18F70]  }
0x8f8: {  	v8 =	vld [tilespmem:$0x18F80]  }
0x8f9: {  	[tilespmem:$0x4640] =	vst v2;
	v2 =	vmul.f32 v10, v9;
	v9 =	vld [tilespmem:$0x18F90]  }
0x8fa: {  	v10 =	vld [tilespmem:$0x18FA0]  }
0x8fb: {  	[tilespmem:$0x46B0] =	vst v0;
	v0 =	vmul.f32 v24, v23;
	v23 =	vld [tilespmem:$0x19070]  }
0x8fc: {  	v24 =	vld [tilespmem:$0x19080]  }
0x8fd: {  	[tilespmem:$0x4660] =	vst v1;
	v1 =	vmul.f32 v14, v13;
	v13 =	vld [tilespmem:$0x18FD0]  }
0x8fe: {  	v14 =	vld [tilespmem:$0x18FE0]  }
0x8ff: {  	[tilespmem:$0x4670] =	vst v2;
	v2 =	vmul.f32 v16, v15;
	v15 =	vld [tilespmem:$0x18FF0]  }
0x900: {  	v16 =	vld [tilespmem:$0x19000]  }
0x901: {  	[tilespmem:$0x46E0] =	vst v0;
	v0 =	vmul.f32 v30, v29;
	v29 =	vld [tilespmem:$0x190D0]  }
0x902: {  	v30 =	vld [tilespmem:$0x190E0]  }
0x903: {  	[tilespmem:$0x4690] =	vst v1;
	v1 =	vmul.f32 v20, v19;
	v19 =	vld [tilespmem:$0x19030]  }
0x904: {  	v20 =	vld [tilespmem:$0x19040]  }
0x905: {  	[tilespmem:$0x46A0] =	vst v2;
	v2 =	vmul.f32 v22, v21;
	v21 =	vld [tilespmem:$0x19050]  }
0x906: {  	v22 =	vld [tilespmem:$0x19060]  }
0x907: {  	[tilespmem:$0x4710] =	vst v0;
	v0 =	vmul.f32 v36, v35;
	v35 =	vld [tilespmem:$0x19130]  }
0x908: {  	v36 =	vld [tilespmem:$0x19140]  }
0x909: {  	[tilespmem:$0x46C0] =	vst v1;
	v1 =	vmul.f32 v26, v25;
	v25 =	vld [tilespmem:$0x19090]  }
0x90a: {  	v26 =	vld [tilespmem:$0x190A0]  }
0x90b: {  	[tilespmem:$0x46D0] =	vst v2;
	v2 =	vmul.f32 v28, v27;
	v27 =	vld [tilespmem:$0x190B0]  }
0x90c: {  	v28 =	vld [tilespmem:$0x190C0]  }
0x90d: {  	[tilespmem:$0x4740] =	vst v0;
	v0 =	vmul.f32 v42, v41;
	v41 =	vld [tilespmem:$0x19190]  }
0x90e: {  	v42 =	vld [tilespmem:$0x191A0]  }
0x90f: {  	[tilespmem:$0x46F0] =	vst v1;
	v1 =	vmul.f32 v32, v31;
	v31 =	vld [tilespmem:$0x190F0]  }
0x910: {  	v32 =	vld [tilespmem:$0x19100]  }
0x911: {  	[tilespmem:$0x4700] =	vst v2;
	v2 =	vmul.f32 v34, v33;
	v33 =	vld [tilespmem:$0x19110]  }
0x912: {  	v34 =	vld [tilespmem:$0x19120]  }
0x913: {  	[tilespmem:$0x4770] =	vst v0;
	v0 =	vmul.f32 v48, v47;
	v47 =	vld [tilespmem:$0x191F0]  }
0x914: {  	v48 =	vld [tilespmem:$0x19200]  }
0x915: {  	[tilespmem:$0x4720] =	vst v1;
	v1 =	vmul.f32 v38, v37;
	v37 =	vld [tilespmem:$0x19150]  }
0x916: {  	v38 =	vld [tilespmem:$0x19160]  }
0x917: {  	[tilespmem:$0x4730] =	vst v2;
	v2 =	vmul.f32 v40, v39;
	v39 =	vld [tilespmem:$0x19170]  }
0x918: {  	v40 =	vld [tilespmem:$0x19180]  }
0x919: {  	[tilespmem:$0x47A0] =	vst v0;
	v0 =	vmul.f32 v54, v53;
	v53 =	vld [tilespmem:$0x19250]  }
0x91a: {  	v54 =	vld [tilespmem:$0x19260]  }
0x91b: {  	[tilespmem:$0x4750] =	vst v1;
	v1 =	vmul.f32 v44, v43;
	v43 =	vld [tilespmem:$0x191B0]  }
0x91c: {  	v44 =	vld [tilespmem:$0x191C0]  }
0x91d: {  	[tilespmem:$0x4760] =	vst v2;
	v2 =	vmul.f32 v46, v45;
	v45 =	vld [tilespmem:$0x191D0]  }
0x91e: {  	v46 =	vld [tilespmem:$0x191E0]  }
0x91f: {  	[tilespmem:$0x47D0] =	vst v0;
	v0 =	vmul.f32 v60, v59;
	v59 =	vld [tilespmem:$0x192B0]  }
0x920: {  	v60 =	vld [tilespmem:$0x192C0]  }
0x921: {  	[tilespmem:$0x4780] =	vst v1;
	v1 =	vmul.f32 v50, v49;
	v49 =	vld [tilespmem:$0x19210]  }
0x922: {  	v50 =	vld [tilespmem:$0x19220]  }
0x923: {  	[tilespmem:$0x4790] =	vst v2;
	v2 =	vmul.f32 v52, v51;
	v51 =	vld [tilespmem:$0x19230]  }
0x924: {  	v52 =	vld [tilespmem:$0x19240]  }
0x925: {  	[tilespmem:$0x4800] =	vst v0;
	v0 =	vmul.f32 v8, v7;
	v7 =	vld [tilespmem:$0x19310]  }
0x926: {  	v8 =	vld [tilespmem:$0x19320]  }
0x927: {  	[tilespmem:$0x47B0] =	vst v1;
	v1 =	vmul.f32 v56, v55;
	v55 =	vld [tilespmem:$0x19270]  }
0x928: {  	v56 =	vld [tilespmem:$0x19280]  }
0x929: {  	[tilespmem:$0x47C0] =	vst v2;
	v2 =	vmul.f32 v58, v57;
	v57 =	vld [tilespmem:$0x19290]  }
0x92a: {  	v58 =	vld [tilespmem:$0x192A0]  }
0x92b: {  	[tilespmem:$0x4830] =	vst v0;
	v0 =	vmul.f32 v14, v13;
	v13 =	vld [tilespmem:$0x19370]  }
0x92c: {  	v14 =	vld [tilespmem:$0x19380]  }
0x92d: {  	[tilespmem:$0x47E0] =	vst v1;
	v1 =	vmul.f32 v62, v61;
	v61 =	vld [tilespmem:$0x192D0]  }
0x92e: {  	v62 =	vld [tilespmem:$0x192E0]  }
0x92f: {  	[tilespmem:$0x47F0] =	vst v2;
	v2 =	vmul.f32 v6, v63;
	v63 =	vld [tilespmem:$0x192F0]  }
0x930: {  	v6 =	vld [tilespmem:$0x19300]  }
0x931: {  	[tilespmem:$0x4860] =	vst v0;
	v0 =	vmul.f32 v20, v19;
	v19 =	vld [tilespmem:$0x193D0]  }
0x932: {  	v20 =	vld [tilespmem:$0x193E0]  }
0x933: {  	[tilespmem:$0x4810] =	vst v1;
	v1 =	vmul.f32 v10, v9;
	v9 =	vld [tilespmem:$0x19330]  }
0x934: {  	v10 =	vld [tilespmem:$0x19340]  }
0x935: {  	[tilespmem:$0x4820] =	vst v2;
	v2 =	vmul.f32 v12, v11;
	v11 =	vld [tilespmem:$0x19350]  }
0x936: {  	v12 =	vld [tilespmem:$0x19360]  }
0x937: {  	[tilespmem:$0x4890] =	vst v0;
	v0 =	vmul.f32 v26, v25;
	v25 =	vld [tilespmem:$0x19430]  }
0x938: {  	v26 =	vld [tilespmem:$0x19440]  }
0x939: {  	[tilespmem:$0x4840] =	vst v1;
	v1 =	vmul.f32 v16, v15;
	v15 =	vld [tilespmem:$0x19390]  }
0x93a: {  	v16 =	vld [tilespmem:$0x193A0]  }
0x93b: {  	[tilespmem:$0x4850] =	vst v2;
	v2 =	vmul.f32 v18, v17;
	v17 =	vld [tilespmem:$0x193B0]  }
0x93c: {  	v18 =	vld [tilespmem:$0x193C0]  }
0x93d: {  	[tilespmem:$0x48C0] =	vst v0;
	v0 =	vmul.f32 v32, v31;
	v31 =	vld [tilespmem:$0x19490]  }
0x93e: {  	v32 =	vld [tilespmem:$0x194A0]  }
0x93f: {  	[tilespmem:$0x4870] =	vst v1;
	v1 =	vmul.f32 v22, v21;
	v21 =	vld [tilespmem:$0x193F0]  }
0x940: {  	v22 =	vld [tilespmem:$0x19400]  }
0x941: {  	[tilespmem:$0x4880] =	vst v2;
	v2 =	vmul.f32 v24, v23;
	v23 =	vld [tilespmem:$0x19410]  }
0x942: {  	v24 =	vld [tilespmem:$0x19420]  }
0x943: {  	[tilespmem:$0x48F0] =	vst v0;
	v0 =	vmul.f32 v38, v37;
	v37 =	vld [tilespmem:$0x194F0]  }
0x944: {  	v38 =	vld [tilespmem:$0x19500]  }
0x945: {  	[tilespmem:$0x48A0] =	vst v1;
	v1 =	vmul.f32 v28, v27;
	v27 =	vld [tilespmem:$0x19450]  }
0x946: {  	v28 =	vld [tilespmem:$0x19460]  }
0x947: {  	[tilespmem:$0x48B0] =	vst v2;
	v2 =	vmul.f32 v30, v29;
	v29 =	vld [tilespmem:$0x19470]  }
0x948: {  	[tilespmem:$0x4920] =	vst v0;
	v30 =	vld [tilespmem:$0x19480]  }
0x949: {  	v0 =	vmul.f32 v44, v43;
	v43 =	vld [tilespmem:$0x19550];
	[tilespmem:$0x48D0] =	vst v1  }
0x94a: {  	v44 =	vld [tilespmem:$0x19560];
	v1 =	vmul.f32 v34, v33;
	[tilespmem:$0x48E0] =	vst v2  }
0x94b: {  	v33 =	vld [tilespmem:$0x194B0];
	v2 =	vmul.f32 v36, v35;
	[tilespmem:$0x4950] =	vst v0  }
0x94c: {  	v34 =	vld [tilespmem:$0x194C0];
	v0 =	vmul.f32 v50, v49;
	[tilespmem:$0x4900] =	vst v1  }
0x94d: {  	v35 =	vld [tilespmem:$0x194D0];
	v1 =	vmul.f32 v40, v39;
	[tilespmem:$0x4910] =	vst v2  }
0x94e: {  	v36 =	vld [tilespmem:$0x194E0];
	v2 =	vmul.f32 v42, v41;
	[tilespmem:$0x4980] =	vst v0  }
0x94f: {  	v49 =	vld [tilespmem:$0x195B0];
	v0 =	vmul.f32 v56, v55;
	[tilespmem:$0x4930] =	vst v1  }
0x950: {  	v50 =	vld [tilespmem:$0x195C0];
	v1 =	vmul.f32 v46, v45;
	[tilespmem:$0x4940] =	vst v2  }
0x951: {  	v39 =	vld [tilespmem:$0x19510];
	v2 =	vmul.f32 v48, v47;
	[tilespmem:$0x49B0] =	vst v0  }
0x952: {  	v40 =	vld [tilespmem:$0x19520];
	v0 =	vmul.f32 v62, v61;
	[tilespmem:$0x4960] =	vst v1  }
0x953: {  	v41 =	vld [tilespmem:$0x19530];
	v1 =	vmul.f32 v52, v51;
	[tilespmem:$0x4970] =	vst v2  }
0x954: {  	v42 =	vld [tilespmem:$0x19540];
	v2 =	vmul.f32 v54, v53;
	[tilespmem:$0x49E0] =	vst v0  }
0x955: {  	v55 =	vld [tilespmem:$0x19610];
	v0 =	vmul.f32 v10, v9;
	[tilespmem:$0x4990] =	vst v1  }
0x956: {  	v56 =	vld [tilespmem:$0x19620];
	v1 =	vmul.f32 v58, v57;
	[tilespmem:$0x49A0] =	vst v2  }
0x957: {  	v45 =	vld [tilespmem:$0x19570];
	v2 =	vmul.f32 v60, v59;
	[tilespmem:$0x4A10] =	vst v0  }
0x958: {  	v46 =	vld [tilespmem:$0x19580];
	v0 =	vmul.f32 v16, v15;
	[tilespmem:$0x49C0] =	vst v1  }
0x959: {  	v47 =	vld [tilespmem:$0x19590];
	v1 =	vmul.f32 v6, v63;
	[tilespmem:$0x49D0] =	vst v2  }
0x95a: {  	v48 =	vld [tilespmem:$0x195A0];
	v2 =	vmul.f32 v8, v7;
	[tilespmem:$0x4A40] =	vst v0  }
0x95b: {  	v61 =	vld [tilespmem:$0x19670];
	v0 =	vmul.f32 v22, v21;
	[tilespmem:$0x49F0] =	vst v1  }
0x95c: {  	v62 =	vld [tilespmem:$0x19680];
	v1 =	vmul.f32 v12, v11;
	[tilespmem:$0x4A00] =	vst v2  }
0x95d: {  	v51 =	vld [tilespmem:$0x195D0];
	v2 =	vmul.f32 v14, v13;
	[tilespmem:$0x4A70] =	vst v0  }
0x95e: {  	v52 =	vld [tilespmem:$0x195E0];
	v0 =	vmul.f32 v28, v27;
	[tilespmem:$0x4A20] =	vst v1  }
0x95f: {  	v53 =	vld [tilespmem:$0x195F0];
	v1 =	vmul.f32 v18, v17;
	[tilespmem:$0x4A30] =	vst v2  }
0x960: {  	v54 =	vld [tilespmem:$0x19600];
	v2 =	vmul.f32 v20, v19;
	[tilespmem:$0x4AA0] =	vst v0  }
0x961: {  	v9 =	vld [tilespmem:$0x196D0];
	v0 =	vmul.f32 v34, v33;
	[tilespmem:$0x4A50] =	vst v1  }
0x962: {  	v10 =	vld [tilespmem:$0x196E0];
	v1 =	vmul.f32 v24, v23;
	[tilespmem:$0x4A60] =	vst v2  }
0x963: {  	v57 =	vld [tilespmem:$0x19630];
	v2 =	vmul.f32 v26, v25;
	[tilespmem:$0x4AD0] =	vst v0  }
0x964: {  	v58 =	vld [tilespmem:$0x19640];
	v0 =	vmul.f32 v40, v39;
	[tilespmem:$0x4A80] =	vst v1  }
0x965: {  	v59 =	vld [tilespmem:$0x19650];
	v1 =	vmul.f32 v30, v29;
	[tilespmem:$0x4A90] =	vst v2  }
0x966: {  	v60 =	vld [tilespmem:$0x19660];
	v2 =	vmul.f32 v32, v31;
	[tilespmem:$0x4B00] =	vst v0  }
0x967: {  	v15 =	vld [tilespmem:$0x19730];
	v0 =	vmul.f32 v46, v45;
	[tilespmem:$0x4AB0] =	vst v1  }
0x968: {  	v16 =	vld [tilespmem:$0x19740];
	v1 =	vmul.f32 v36, v35;
	[tilespmem:$0x4AC0] =	vst v2  }
0x969: {  	v63 =	vld [tilespmem:$0x19690];
	v2 =	vmul.f32 v38, v37;
	[tilespmem:$0x4B30] =	vst v0  }
0x96a: {  	v6 =	vld [tilespmem:$0x196A0];
	v0 =	vmul.f32 v52, v51;
	[tilespmem:$0x4AE0] =	vst v1  }
0x96b: {  	v7 =	vld [tilespmem:$0x196B0];
	v1 =	vmul.f32 v42, v41;
	[tilespmem:$0x4AF0] =	vst v2  }
0x96c: {  	v8 =	vld [tilespmem:$0x196C0];
	v2 =	vmul.f32 v44, v43;
	[tilespmem:$0x4B60] =	vst v0  }
0x96d: {  	v11 =	vld [tilespmem:$0x196F0];
	v0 =	vmul.f32 v58, v57;
	[tilespmem:$0x4B10] =	vst v1  }
0x96e: {  	v12 =	vld [tilespmem:$0x19700];
	v1 =	vmul.f32 v48, v47;
	[tilespmem:$0x4B20] =	vst v2  }
0x96f: {  	v21 =	vld [tilespmem:$0x19790];
	v2 =	vmul.f32 v50, v49;
	[tilespmem:$0x4B90] =	vst v0  }
0x970: {  	v17 =	vld [tilespmem:$0x19750];
	v0 =	vmul.f32 v6, v63;
	[tilespmem:$0x4B40] =	vst v1  }
0x971: {  	v18 =	vld [tilespmem:$0x19760];
	v1 =	vmul.f32 v54, v53;
	[tilespmem:$0x4B50] =	vst v2  }
0x972: {  	v13 =	vld [tilespmem:$0x19710];
	v2 =	vmul.f32 v56, v55;
	[tilespmem:$0x4BC0] =	vst v0  }
0x973: {  	v23 =	vld [tilespmem:$0x197B0];
	v0 =	vmul.f32 v12, v11;
	[tilespmem:$0x4B70] =	vst v1  }
0x974: {  	v24 =	vld [tilespmem:$0x197C0];
	v1 =	vmul.f32 v60, v59;
	[tilespmem:$0x4B80] =	vst v2  }
0x975: {  	v14 =	vld [tilespmem:$0x19720];
	v2 =	vmul.f32 v62, v61;
	[tilespmem:$0x4BF0] =	vst v0  }
0x976: {  	v19 =	vld [tilespmem:$0x19770];
	v0 =	vmul.f32 v18, v17;
	[tilespmem:$0x4BA0] =	vst v1  }
0x977: {  	v20 =	vld [tilespmem:$0x19780];
	v1 =	vmul.f32 v8, v7;
	[tilespmem:$0x4BB0] =	vst v2  }
0x978: {  	v22 =	vld [tilespmem:$0x197A0];
	v2 =	vmul.f32 v10, v9;
	[tilespmem:$0x4C20] =	vst v0  }
0x979: {  	v0 =	vmul.f32 v24, v23;
	[tilespmem:$0x4BD0] =	vst v1  }
0x97a: {  	v1 =	vmul.f32 v14, v13;
	[tilespmem:$0x4BE0] =	vst v2  }
0x97b: {  	v4 =	vld [tilespmem:$0xB160];
	v2 =	vmul.f32 v16, v15;
	[tilespmem:$0x4C50] =	vst v0  }
0x97c: {  	v27 =	vld [tilespmem:$0x197F0];
	[tilespmem:$0x4C00] =	vst v1;
	v1 =	vmul.f32 v20, v19  }
0x97d: {  	v28 =	vld [tilespmem:$0x19800];
	[tilespmem:$0x4C10] =	vst v2;
	v2 =	vmul.f32 v22, v21  }
0x97e: {  	v25 =	vld [tilespmem:$0x197D0];
	[tilespmem:$0x4C30] =	vst v1  }
0x97f: {  	v26 =	vld [tilespmem:$0x197E0];
	[tilespmem:$0x4C40] =	vst v2  }
0x980: {  	v0 =	vld [tilespmem:$0x19810]  }
0x981: {  	v29 =	vld [tilespmem:$0x19820]  }
0x982: {  	v30 =	vld [tilespmem:$0x19830]  }
0x983: {  	v31 =	vld [tilespmem:$0x19840]  }
0x984: {  	v32 =	vld [tilespmem:$0x19850]  }
0x985: {  	v33 =	vld [tilespmem:$0x19860]  }
0x986: {  	v34 =	vld [tilespmem:$0x19870]  }
0x987: {  	v35 =	vld [tilespmem:$0x19880]  }
0x988: {  	v36 =	vld [tilespmem:$0x19890]  }
0x989: {  	v37 =	vld [tilespmem:$0x198A0]  }
0x98a: {  	v38 =	vld [tilespmem:$0x198B0]  }
0x98b: {  	v39 =	vld [tilespmem:$0x198C0]  }
0x98c: {  	v40 =	vld [tilespmem:$0x198D0]  }
0x98d: {  	v41 =	vld [tilespmem:$0x198E0]  }
0x98e: {  	v42 =	vld [tilespmem:$0x198F0]  }
0x98f: {  	v43 =	vld [tilespmem:$0x19900]  }
0x990: {  	v44 =	vld [tilespmem:$0x19910]  }
0x991: {  	v45 =	vld [tilespmem:$0x19920]  }
0x992: {  	v46 =	vld [tilespmem:$0x19930]  }
0x993: {  	v47 =	vld [tilespmem:$0x19940]  }
0x994: {  	v48 =	vld [tilespmem:$0x19950]  }
0x995: {  	v49 =	vld [tilespmem:$0x19960]  }
0x996: {  	v50 =	vld [tilespmem:$0x19970]  }
0x997: {  	v51 =	vld [tilespmem:$0x19980]  }
0x998: {  	v52 =	vld [tilespmem:$0x19990]  }
0x999: {  	v53 =	vld [tilespmem:$0x199A0]  }
0x99a: {  	v54 =	vld [tilespmem:$0x199B0]  }
0x99b: {  	v55 =	vld [tilespmem:$0x199C0]  }
0x99c: {  	v56 =	vld [tilespmem:$0x199D0]  }
0x99d: {  	v57 =	vld [tilespmem:$0x199E0]  }
0x99e: {  	v58 =	vld [tilespmem:$0x199F0]  }
0x99f: {  	v59 =	vld [tilespmem:$0x19A00]  }
0x9a0: {  	v60 =	vld [tilespmem:$0x19A10]  }
0x9a1: {  	v61 =	vld [tilespmem:$0x19A20]  }
0x9a2: {  	v62 =	vld [tilespmem:$0x19A30]  }
0x9a3: {  	v63 =	vld [tilespmem:$0x19A40]  }
0x9a4: {  	v6 =	vld [tilespmem:$0x19A50]  }
0x9a5: {  	v7 =	vld [tilespmem:$0x19A60]  }
0x9a6: {  	v8 =	vld [tilespmem:$0x19A70]  }
0x9a7: {  	v9 =	vld [tilespmem:$0x19A80]  }
0x9a8: {  	v10 =	vld [tilespmem:$0x19A90]  }
0x9a9: {  	v11 =	vld [tilespmem:$0x19AA0]  }
0x9aa: {  	v12 =	vld [tilespmem:$0x19AB0]  }
0x9ab: {  	v13 =	vld [tilespmem:$0x19AC0]  }
0x9ac: {  	v14 =	vld [tilespmem:$0x19AD0]  }
0x9ad: {  	v15 =	vld [tilespmem:$0x19AE0]  }
0x9ae: {  	v16 =	vld [tilespmem:$0x19AF0]  }
0x9af: {  	v17 =	vld [tilespmem:$0x19B00]  }
0x9b0: {  	v18 =	vld [tilespmem:$0x19B10]  }
0x9b1: {  	v19 =	vld [tilespmem:$0x19B20]  }
0x9b2: {  	v20 =	vld [tilespmem:$0x19B30]  }
0x9b3: {  	v21 =	vld [tilespmem:$0x19B40]  }
0x9b4: {  	v22 =	vld [tilespmem:$0x19B50]  }
0x9b5: {  	v23 =	vld [tilespmem:$0x19B60]  }
0x9b6: {  	v24 =	vld [tilespmem:$0x19B70]  }
0x9b7: {  	v1 =	vmul.f32 v26, v25;
	v25 =	vld [tilespmem:$0x19B80]  }
0x9b8: {  	v26 =	vld [tilespmem:$0x19B90]  }
0x9b9: {  	v2 =	vmul.f32 v28, v27;
	v27 =	vld [tilespmem:$0x19BA0]  }
0x9ba: {  	v28 =	vld [tilespmem:$0x19BB0]  }
0x9bb: {  	v0 =	vmul.f32 v29, v0;
	v29 =	vld [tilespmem:$0x19BC0]  }
0x9bc: {  	[tilespmem:$0x4C60] =	vst v1;
	v1 =	vmul.f32 v31, v30;
	v30 =	vld [tilespmem:$0x19BD0]  }
0x9bd: {  	v31 =	vld [tilespmem:$0x19BE0]  }
0x9be: {  	[tilespmem:$0x4C70] =	vst v2;
	v2 =	vmul.f32 v33, v32;
	v32 =	vld [tilespmem:$0x19BF0]  }
0x9bf: {  	v33 =	vld [tilespmem:$0x19C00]  }
0x9c0: {  	[tilespmem:$0x4C80] =	vst v0;
	v0 =	vmul.f32 v35, v34;
	v34 =	vld [tilespmem:$0x19C10]  }
0x9c1: {  	v35 =	vld [tilespmem:$0x19C20]  }
0x9c2: {  	[tilespmem:$0x4C90] =	vst v1;
	v1 =	vmul.f32 v37, v36;
	v36 =	vld [tilespmem:$0x19C30]  }
0x9c3: {  	v37 =	vld [tilespmem:$0x19C40]  }
0x9c4: {  	[tilespmem:$0x4CA0] =	vst v2;
	v2 =	vmul.f32 v39, v38;
	v38 =	vld [tilespmem:$0x19C50]  }
0x9c5: {  	v39 =	vld [tilespmem:$0x19C60]  }
0x9c6: {  	[tilespmem:$0x4CB0] =	vst v0;
	v0 =	vmul.f32 v41, v40;
	v40 =	vld [tilespmem:$0x19C70]  }
0x9c7: {  	v41 =	vld [tilespmem:$0x19C80]  }
0x9c8: {  	[tilespmem:$0x4CC0] =	vst v1;
	v1 =	vmul.f32 v43, v42;
	v42 =	vld [tilespmem:$0x19C90]  }
0x9c9: {  	v43 =	vld [tilespmem:$0x19CA0]  }
0x9ca: {  	[tilespmem:$0x4CD0] =	vst v2;
	v2 =	vmul.f32 v45, v44;
	v44 =	vld [tilespmem:$0x19CB0]  }
0x9cb: {  	v45 =	vld [tilespmem:$0x19CC0]  }
0x9cc: {  	[tilespmem:$0x4CE0] =	vst v0;
	v0 =	vmul.f32 v47, v46;
	v46 =	vld [tilespmem:$0x19CD0]  }
0x9cd: {  	v47 =	vld [tilespmem:$0x19CE0]  }
0x9ce: {  	[tilespmem:$0x4CF0] =	vst v1;
	v1 =	vmul.f32 v49, v48;
	v48 =	vld [tilespmem:$0x19CF0]  }
0x9cf: {  	v49 =	vld [tilespmem:$0x19D00]  }
0x9d0: {  	[tilespmem:$0x4D00] =	vst v2;
	v2 =	vmul.f32 v51, v50;
	v50 =	vld [tilespmem:$0x19D10]  }
0x9d1: {  	v51 =	vld [tilespmem:$0x19D20]  }
0x9d2: {  	[tilespmem:$0x4D10] =	vst v0;
	v0 =	vmul.f32 v53, v52;
	v52 =	vld [tilespmem:$0x19D30]  }
0x9d3: {  	v53 =	vld [tilespmem:$0x19D40]  }
0x9d4: {  	[tilespmem:$0x4D20] =	vst v1;
	v1 =	vmul.f32 v55, v54;
	v54 =	vld [tilespmem:$0x19D50]  }
0x9d5: {  	v55 =	vld [tilespmem:$0x19D60]  }
0x9d6: {  	[tilespmem:$0x4D30] =	vst v2;
	v2 =	vmul.f32 v57, v56;
	v56 =	vld [tilespmem:$0x19D70]  }
0x9d7: {  	v57 =	vld [tilespmem:$0x19D80]  }
0x9d8: {  	[tilespmem:$0x4D40] =	vst v0;
	v0 =	vmul.f32 v59, v58;
	v58 =	vld [tilespmem:$0x19D90]  }
0x9d9: {  	v59 =	vld [tilespmem:$0x19DA0]  }
0x9da: {  	[tilespmem:$0x4D50] =	vst v1;
	v1 =	vmul.f32 v61, v60;
	v60 =	vld [tilespmem:$0x19DB0]  }
0x9db: {  	v61 =	vld [tilespmem:$0x19DC0]  }
0x9dc: {  	[tilespmem:$0x4D60] =	vst v2;
	v2 =	vmul.f32 v63, v62;
	v62 =	vld [tilespmem:$0x19DD0]  }
0x9dd: {  	v63 =	vld [tilespmem:$0x19DE0]  }
0x9de: {  	[tilespmem:$0x4D70] =	vst v0;
	v0 =	vmul.f32 v7, v6;
	v6 =	vld [tilespmem:$0x19DF0]  }
0x9df: {  	v7 =	vld [tilespmem:$0x19E00]  }
0x9e0: {  	[tilespmem:$0x4D80] =	vst v1;
	v1 =	vmul.f32 v9, v8;
	v8 =	vld [tilespmem:$0x19E10]  }
0x9e1: {  	v9 =	vld [tilespmem:$0x19E20]  }
0x9e2: {  	[tilespmem:$0x4D90] =	vst v2;
	v2 =	vmul.f32 v11, v10;
	v10 =	vld [tilespmem:$0x19E30]  }
0x9e3: {  	v11 =	vld [tilespmem:$0x19E40]  }
0x9e4: {  	[tilespmem:$0x4DA0] =	vst v0;
	v0 =	vmul.f32 v13, v12;
	v12 =	vld [tilespmem:$0x19E50]  }
0x9e5: {  	v13 =	vld [tilespmem:$0x19E60]  }
0x9e6: {  	[tilespmem:$0x4DB0] =	vst v1;
	v1 =	vmul.f32 v15, v14;
	v14 =	vld [tilespmem:$0x19E70]  }
0x9e7: {  	v15 =	vld [tilespmem:$0x19E80]  }
0x9e8: {  	[tilespmem:$0x4DC0] =	vst v2;
	v2 =	vmul.f32 v17, v16;
	v16 =	vld [tilespmem:$0x19E90]  }
0x9e9: {  	v17 =	vld [tilespmem:$0x19EA0]  }
0x9ea: {  	[tilespmem:$0x4DD0] =	vst v0;
	v0 =	vmul.f32 v19, v18;
	v18 =	vld [tilespmem:$0x19EB0]  }
0x9eb: {  	v19 =	vld [tilespmem:$0x19EC0]  }
0x9ec: {  	[tilespmem:$0x4DE0] =	vst v1;
	v1 =	vmul.f32 v21, v20;
	v20 =	vld [tilespmem:$0x19ED0]  }
0x9ed: {  	v21 =	vld [tilespmem:$0x19EE0]  }
0x9ee: {  	[tilespmem:$0x4DF0] =	vst v2;
	v2 =	vmul.f32 v23, v22;
	v22 =	vld [tilespmem:$0x19EF0]  }
0x9ef: {  	v23 =	vld [tilespmem:$0x19F00]  }
0x9f0: {  	[tilespmem:$0x4E00] =	vst v0;
	v0 =	vmul.f32 v25, v24;
	v24 =	vld [tilespmem:$0x19F10]  }
0x9f1: {  	v25 =	vld [tilespmem:$0x19F20]  }
0x9f2: {  	[tilespmem:$0x4E10] =	vst v1;
	v1 =	vmul.f32 v27, v26;
	v26 =	vld [tilespmem:$0x19F30]  }
0x9f3: {  	v27 =	vld [tilespmem:$0x19F40]  }
0x9f4: {  	[tilespmem:$0x4E20] =	vst v2;
	v2 =	vmul.f32 v29, v28;
	v28 =	vld [tilespmem:$0x19F50]  }
0x9f5: {  	v29 =	vld [tilespmem:$0x19F60]  }
0x9f6: {  	[tilespmem:$0x4E30] =	vst v0;
	v0 =	vmul.f32 v31, v30;
	v30 =	vld [tilespmem:$0x19F70]  }
0x9f7: {  	v31 =	vld [tilespmem:$0x19F80]  }
0x9f8: {  	[tilespmem:$0x4E40] =	vst v1;
	v1 =	vmul.f32 v33, v32;
	v32 =	vld [tilespmem:$0x19F90]  }
0x9f9: {  	v33 =	vld [tilespmem:$0x19FA0]  }
0x9fa: {  	[tilespmem:$0x4E50] =	vst v2;
	v2 =	vmul.f32 v35, v34;
	v34 =	vld [tilespmem:$0x19FB0]  }
0x9fb: {  	v35 =	vld [tilespmem:$0x19FC0]  }
0x9fc: {  	[tilespmem:$0x4E60] =	vst v0;
	v0 =	vmul.f32 v37, v36;
	v36 =	vld [tilespmem:$0x19FD0]  }
0x9fd: {  	v37 =	vld [tilespmem:$0x19FE0]  }
0x9fe: {  	[tilespmem:$0x4E70] =	vst v1;
	v1 =	vmul.f32 v39, v38;
	v38 =	vld [tilespmem:$0x19FF0]  }
0x9ff: {  	v39 =	vld [tilespmem:$0x1A000]  }
0xa00: {  	[tilespmem:$0x4E80] =	vst v2;
	v2 =	vmul.f32 v41, v40;
	v40 =	vld [tilespmem:$0x1A010]  }
0xa01: {  	v41 =	vld [tilespmem:$0x1A020]  }
0xa02: {  	[tilespmem:$0x4E90] =	vst v0;
	v0 =	vmul.f32 v43, v42;
	v42 =	vld [tilespmem:$0x1A030]  }
0xa03: {  	v43 =	vld [tilespmem:$0x1A040]  }
0xa04: {  	[tilespmem:$0x4EA0] =	vst v1;
	v1 =	vmul.f32 v45, v44;
	v44 =	vld [tilespmem:$0x1A050]  }
0xa05: {  	v45 =	vld [tilespmem:$0x1A060]  }
0xa06: {  	[tilespmem:$0x4EB0] =	vst v2;
	v2 =	vmul.f32 v47, v46;
	v46 =	vld [tilespmem:$0x1A070]  }
0xa07: {  	v47 =	vld [tilespmem:$0x1A080]  }
0xa08: {  	[tilespmem:$0x4EC0] =	vst v0;
	v0 =	vmul.f32 v49, v48;
	v48 =	vld [tilespmem:$0x1A090]  }
0xa09: {  	v49 =	vld [tilespmem:$0x1A0A0]  }
0xa0a: {  	[tilespmem:$0x4ED0] =	vst v1;
	v1 =	vmul.f32 v51, v50;
	v50 =	vld [tilespmem:$0x1A0B0]  }
0xa0b: {  	v51 =	vld [tilespmem:$0x1A0C0]  }
0xa0c: {  	[tilespmem:$0x4EE0] =	vst v2;
	v2 =	vmul.f32 v53, v52;
	v52 =	vld [tilespmem:$0x1A0D0]  }
0xa0d: {  	v53 =	vld [tilespmem:$0x1A0E0]  }
0xa0e: {  	[tilespmem:$0x4EF0] =	vst v0;
	v0 =	vmul.f32 v55, v54;
	v54 =	vld [tilespmem:$0x1A0F0]  }
0xa0f: {  	v55 =	vld [tilespmem:$0x1A100]  }
0xa10: {  	[tilespmem:$0x4F00] =	vst v1;
	v1 =	vmul.f32 v57, v56;
	v56 =	vld [tilespmem:$0x1A110]  }
0xa11: {  	v57 =	vld [tilespmem:$0x1A120]  }
0xa12: {  	[tilespmem:$0x4F10] =	vst v2;
	v2 =	vmul.f32 v59, v58;
	v58 =	vld [tilespmem:$0x1A130]  }
0xa13: {  	v59 =	vld [tilespmem:$0x1A140]  }
0xa14: {  	[tilespmem:$0x4F20] =	vst v0;
	v0 =	vmul.f32 v61, v60;
	v60 =	vld [tilespmem:$0x1A150]  }
0xa15: {  	v61 =	vld [tilespmem:$0x1A160]  }
0xa16: {  	[tilespmem:$0x4F30] =	vst v1;
	v1 =	vmul.f32 v63, v62;
	v62 =	vld [tilespmem:$0x1A170]  }
0xa17: {  	v63 =	vld [tilespmem:$0x1A180]  }
0xa18: {  	[tilespmem:$0x4F40] =	vst v2;
	v2 =	vmul.f32 v7, v6;
	v6 =	vld [tilespmem:$0x1A190]  }
0xa19: {  	v7 =	vld [tilespmem:$0x1A1A0]  }
0xa1a: {  	[tilespmem:$0x4F50] =	vst v0;
	v0 =	vmul.f32 v9, v8;
	v8 =	vld [tilespmem:$0x1A1B0]  }
0xa1b: {  	v9 =	vld [tilespmem:$0x1A1C0]  }
0xa1c: {  	[tilespmem:$0x4F60] =	vst v1;
	v1 =	vmul.f32 v11, v10;
	v10 =	vld [tilespmem:$0x1A1D0]  }
0xa1d: {  	v11 =	vld [tilespmem:$0x1A1E0]  }
0xa1e: {  	[tilespmem:$0x4F70] =	vst v2;
	v2 =	vmul.f32 v13, v12;
	v12 =	vld [tilespmem:$0x1A1F0]  }
0xa1f: {  	v13 =	vld [tilespmem:$0x1A200]  }
0xa20: {  	[tilespmem:$0x4F80] =	vst v0;
	v0 =	vmul.f32 v15, v14;
	v14 =	vld [tilespmem:$0x1A210]  }
0xa21: {  	v15 =	vld [tilespmem:$0x1A220]  }
0xa22: {  	[tilespmem:$0x4F90] =	vst v1;
	v1 =	vmul.f32 v17, v16;
	v16 =	vld [tilespmem:$0x1A230]  }
0xa23: {  	v17 =	vld [tilespmem:$0x1A240]  }
0xa24: {  	[tilespmem:$0x4FA0] =	vst v2;
	v2 =	vmul.f32 v19, v18;
	v18 =	vld [tilespmem:$0x1A250]  }
0xa25: {  	v19 =	vld [tilespmem:$0x1A260]  }
0xa26: {  	[tilespmem:$0x4FB0] =	vst v0;
	v0 =	vmul.f32 v21, v20;
	v20 =	vld [tilespmem:$0x1A270]  }
0xa27: {  	v21 =	vld [tilespmem:$0x1A280]  }
0xa28: {  	[tilespmem:$0x4FC0] =	vst v1;
	v1 =	vmul.f32 v23, v22;
	v22 =	vld [tilespmem:$0x1A290]  }
0xa29: {  	v23 =	vld [tilespmem:$0x1A2A0]  }
0xa2a: {  	[tilespmem:$0x4FD0] =	vst v2;
	v2 =	vmul.f32 v25, v24;
	v24 =	vld [tilespmem:$0x1A2B0]  }
0xa2b: {  	v25 =	vld [tilespmem:$0x1A2C0]  }
0xa2c: {  	[tilespmem:$0x4FE0] =	vst v0;
	v0 =	vmul.f32 v27, v26;
	v26 =	vld [tilespmem:$0x1A2D0]  }
0xa2d: {  	v27 =	vld [tilespmem:$0x1A2E0]  }
0xa2e: {  	[tilespmem:$0x4FF0] =	vst v1;
	v1 =	vmul.f32 v29, v28;
	v28 =	vld [tilespmem:$0x1A2F0]  }
0xa2f: {  	v29 =	vld [tilespmem:$0x1A300]  }
0xa30: {  	[tilespmem:$0x5000] =	vst v2;
	v2 =	vmul.f32 v31, v30;
	v30 =	vld [tilespmem:$0x1A310]  }
0xa31: {  	v31 =	vld [tilespmem:$0x1A320]  }
0xa32: {  	[tilespmem:$0x5010] =	vst v0;
	v0 =	vmul.f32 v33, v32;
	v32 =	vld [tilespmem:$0x1A330]  }
0xa33: {  	v33 =	vld [tilespmem:$0x1A340]  }
0xa34: {  	[tilespmem:$0x5020] =	vst v1;
	v1 =	vmul.f32 v35, v34;
	v34 =	vld [tilespmem:$0x1A350]  }
0xa35: {  	v35 =	vld [tilespmem:$0x1A360]  }
0xa36: {  	[tilespmem:$0x5030] =	vst v2;
	v2 =	vmul.f32 v37, v36;
	v36 =	vld [tilespmem:$0x1A370]  }
0xa37: {  	v37 =	vld [tilespmem:$0x1A380]  }
0xa38: {  	[tilespmem:$0x5040] =	vst v0;
	v0 =	vmul.f32 v39, v38;
	v38 =	vld [tilespmem:$0x1A390]  }
0xa39: {  	v39 =	vld [tilespmem:$0x1A3A0]  }
0xa3a: {  	[tilespmem:$0x5050] =	vst v1;
	v1 =	vmul.f32 v41, v40;
	v40 =	vld [tilespmem:$0x1A3B0]  }
0xa3b: {  	v41 =	vld [tilespmem:$0x1A3C0]  }
0xa3c: {  	[tilespmem:$0x5060] =	vst v2;
	v2 =	vmul.f32 v43, v42;
	v42 =	vld [tilespmem:$0x1A3D0]  }
0xa3d: {  	v43 =	vld [tilespmem:$0x1A3E0]  }
0xa3e: {  	[tilespmem:$0x5070] =	vst v0;
	v0 =	vmul.f32 v45, v44;
	v44 =	vld [tilespmem:$0x1A3F0]  }
0xa3f: {  	v45 =	vld [tilespmem:$0x1A400]  }
0xa40: {  	[tilespmem:$0x5080] =	vst v1;
	v1 =	vmul.f32 v47, v46;
	v46 =	vld [tilespmem:$0x1A410]  }
0xa41: {  	v47 =	vld [tilespmem:$0x1A420]  }
0xa42: {  	[tilespmem:$0x5090] =	vst v2;
	v2 =	vmul.f32 v49, v48;
	v48 =	vld [tilespmem:$0x1A430]  }
0xa43: {  	v49 =	vld [tilespmem:$0x1A440]  }
0xa44: {  	[tilespmem:$0x50A0] =	vst v0;
	v0 =	vmul.f32 v51, v50;
	v50 =	vld [tilespmem:$0x1A450]  }
0xa45: {  	v51 =	vld [tilespmem:$0x1A460]  }
0xa46: {  	[tilespmem:$0x50B0] =	vst v1;
	v1 =	vmul.f32 v53, v52;
	v52 =	vld [tilespmem:$0x1A470]  }
0xa47: {  	v53 =	vld [tilespmem:$0x1A480]  }
0xa48: {  	[tilespmem:$0x50C0] =	vst v2;
	v2 =	vmul.f32 v55, v54;
	v54 =	vld [tilespmem:$0x1A490]  }
0xa49: {  	v55 =	vld [tilespmem:$0x1A4A0]  }
0xa4a: {  	[tilespmem:$0x50D0] =	vst v0;
	v0 =	vmul.f32 v57, v56;
	v56 =	vld [tilespmem:$0x1A4B0]  }
0xa4b: {  	v57 =	vld [tilespmem:$0x1A4C0]  }
0xa4c: {  	[tilespmem:$0x50E0] =	vst v1;
	v1 =	vmul.f32 v59, v58;
	v58 =	vld [tilespmem:$0x1A4D0]  }
0xa4d: {  	v59 =	vld [tilespmem:$0x1A4E0]  }
0xa4e: {  	[tilespmem:$0x50F0] =	vst v2;
	v2 =	vmul.f32 v61, v60;
	v60 =	vld [tilespmem:$0x1A4F0]  }
0xa4f: {  	v61 =	vld [tilespmem:$0x1A500]  }
0xa50: {  	[tilespmem:$0x5100] =	vst v0;
	v0 =	vmul.f32 v63, v62;
	v62 =	vld [tilespmem:$0x1A510]  }
0xa51: {  	v63 =	vld [tilespmem:$0x1A520]  }
0xa52: {  	[tilespmem:$0x5110] =	vst v1;
	v1 =	vmul.f32 v7, v6;
	v6 =	vld [tilespmem:$0x1A530]  }
0xa53: {  	v7 =	vld [tilespmem:$0x1A540]  }
0xa54: {  	[tilespmem:$0x5120] =	vst v2;
	v2 =	vmul.f32 v9, v8;
	v8 =	vld [tilespmem:$0x1A550]  }
0xa55: {  	v9 =	vld [tilespmem:$0x1A560]  }
0xa56: {  	[tilespmem:$0x5130] =	vst v0;
	v0 =	vmul.f32 v11, v10;
	v10 =	vld [tilespmem:$0x1A570]  }
0xa57: {  	v11 =	vld [tilespmem:$0x1A580]  }
0xa58: {  	[tilespmem:$0x5140] =	vst v1;
	v1 =	vmul.f32 v13, v12;
	v12 =	vld [tilespmem:$0x1A590]  }
0xa59: {  	v13 =	vld [tilespmem:$0x1A5A0]  }
0xa5a: {  	[tilespmem:$0x5150] =	vst v2;
	v2 =	vmul.f32 v15, v14;
	v14 =	vld [tilespmem:$0x1A5B0]  }
0xa5b: {  	v15 =	vld [tilespmem:$0x1A5C0]  }
0xa5c: {  	[tilespmem:$0x5160] =	vst v0;
	v0 =	vmul.f32 v17, v16;
	v16 =	vld [tilespmem:$0x1A5D0]  }
0xa5d: {  	v17 =	vld [tilespmem:$0x1A5E0]  }
0xa5e: {  	[tilespmem:$0x5170] =	vst v1;
	v1 =	vmul.f32 v19, v18;
	v18 =	vld [tilespmem:$0x1A5F0]  }
0xa5f: {  	v19 =	vld [tilespmem:$0x1A600]  }
0xa60: {  	[tilespmem:$0x5180] =	vst v2;
	v2 =	vmul.f32 v21, v20;
	v20 =	vld [tilespmem:$0x1A610]  }
0xa61: {  	v21 =	vld [tilespmem:$0x1A620]  }
0xa62: {  	[tilespmem:$0x5190] =	vst v0;
	v0 =	vmul.f32 v23, v22;
	v22 =	vld [tilespmem:$0x1A630]  }
0xa63: {  	v23 =	vld [tilespmem:$0x1A640]  }
0xa64: {  	[tilespmem:$0x51A0] =	vst v1;
	v1 =	vmul.f32 v25, v24;
	v24 =	vld [tilespmem:$0x1A650]  }
0xa65: {  	v25 =	vld [tilespmem:$0x1A660]  }
0xa66: {  	[tilespmem:$0x51B0] =	vst v2;
	v2 =	vmul.f32 v27, v26;
	v26 =	vld [tilespmem:$0x1A670]  }
0xa67: {  	v27 =	vld [tilespmem:$0x1A680]  }
0xa68: {  	[tilespmem:$0x51C0] =	vst v0;
	v0 =	vmul.f32 v29, v28;
	v28 =	vld [tilespmem:$0x1A690]  }
0xa69: {  	v29 =	vld [tilespmem:$0x1A6A0]  }
0xa6a: {  	[tilespmem:$0x51D0] =	vst v1;
	v1 =	vmul.f32 v31, v30;
	v30 =	vld [tilespmem:$0x1A6B0]  }
0xa6b: {  	v31 =	vld [tilespmem:$0x1A6C0]  }
0xa6c: {  	[tilespmem:$0x51E0] =	vst v2;
	v2 =	vmul.f32 v33, v32;
	v32 =	vld [tilespmem:$0x1A6D0]  }
0xa6d: {  	v33 =	vld [tilespmem:$0x1A6E0]  }
0xa6e: {  	[tilespmem:$0x51F0] =	vst v0;
	v0 =	vmul.f32 v35, v34;
	v34 =	vld [tilespmem:$0x1A6F0]  }
0xa6f: {  	v35 =	vld [tilespmem:$0x1A700]  }
0xa70: {  	[tilespmem:$0x5200] =	vst v1;
	v1 =	vmul.f32 v37, v36;
	v36 =	vld [tilespmem:$0x1A710]  }
0xa71: {  	v37 =	vld [tilespmem:$0x1A720]  }
0xa72: {  	[tilespmem:$0x5210] =	vst v2;
	v2 =	vmul.f32 v39, v38;
	v38 =	vld [tilespmem:$0x1A730]  }
0xa73: {  	v39 =	vld [tilespmem:$0x1A740]  }
0xa74: {  	[tilespmem:$0x6150] =	vst v0;
	v0 =	vmul.f32 v41, v40;
	v40 =	vld [tilespmem:$0x1A750]  }
0xa75: {  	v41 =	vld [tilespmem:$0x1A760]  }
0xa76: {  	[tilespmem:$0x6140] =	vst v1;
	v1 =	vmul.f32 v43, v42;
	v42 =	vld [tilespmem:$0x1A770]  }
0xa77: {  	v43 =	vld [tilespmem:$0x1A780]  }
0xa78: {  	[tilespmem:$0x6130] =	vst v2;
	v2 =	vmul.f32 v45, v44;
	v44 =	vld [tilespmem:$0x1A790]  }
0xa79: {  	v45 =	vld [tilespmem:$0x1A7A0]  }
0xa7a: {  	[tilespmem:$0x6120] =	vst v0;
	v0 =	vmul.f32 v47, v46;
	v46 =	vld [tilespmem:$0x1A7B0]  }
0xa7b: {  	v47 =	vld [tilespmem:$0x1A7C0]  }
0xa7c: {  	[tilespmem:$0x6110] =	vst v1;
	v1 =	vmul.f32 v49, v48;
	v48 =	vld [tilespmem:$0x1A7D0]  }
0xa7d: {  	v49 =	vld [tilespmem:$0x1A7E0]  }
0xa7e: {  	[tilespmem:$0x6100] =	vst v2;
	v2 =	vmul.f32 v51, v50;
	v50 =	vld [tilespmem:$0x1A7F0]  }
0xa7f: {  	v51 =	vld [tilespmem:$0x1A800]  }
0xa80: {  	[tilespmem:$0x60F0] =	vst v0;
	v0 =	vmul.f32 v53, v52;
	v52 =	vld [tilespmem:$0x1A810]  }
0xa81: {  	v53 =	vld [tilespmem:$0x1A820]  }
0xa82: {  	[tilespmem:$0x60E0] =	vst v1;
	v1 =	vmul.f32 v55, v54;
	v54 =	vld [tilespmem:$0x1A830]  }
0xa83: {  	v55 =	vld [tilespmem:$0x1A840]  }
0xa84: {  	[tilespmem:$0x60D0] =	vst v2;
	v2 =	vmul.f32 v57, v56;
	v56 =	vld [tilespmem:$0x1A850]  }
0xa85: {  	v57 =	vld [tilespmem:$0x1A860]  }
0xa86: {  	[tilespmem:$0x60C0] =	vst v0;
	v0 =	vmul.f32 v59, v58;
	v58 =	vld [tilespmem:$0x1A870]  }
0xa87: {  	v59 =	vld [tilespmem:$0x1A880]  }
0xa88: {  	[tilespmem:$0x60B0] =	vst v1;
	v1 =	vmul.f32 v61, v60;
	v60 =	vld [tilespmem:$0x1A890]  }
0xa89: {  	v61 =	vld [tilespmem:$0x1A8A0]  }
0xa8a: {  	[tilespmem:$0x60A0] =	vst v2;
	v2 =	vmul.f32 v63, v62;
	v62 =	vld [tilespmem:$0x1A8B0]  }
0xa8b: {  	v63 =	vld [tilespmem:$0x1A8C0]  }
0xa8c: {  	[tilespmem:$0x6090] =	vst v0;
	v0 =	vmul.f32 v7, v6;
	v6 =	vld [tilespmem:$0x1A8D0]  }
0xa8d: {  	v7 =	vld [tilespmem:$0x1A8E0]  }
0xa8e: {  	[tilespmem:$0x6080] =	vst v1;
	v1 =	vmul.f32 v9, v8;
	v8 =	vld [tilespmem:$0x1A8F0]  }
0xa8f: {  	v9 =	vld [tilespmem:$0x1A900]  }
0xa90: {  	[tilespmem:$0x6070] =	vst v2;
	v2 =	vmul.f32 v11, v10;
	v10 =	vld [tilespmem:$0x1A910]  }
0xa91: {  	v11 =	vld [tilespmem:$0x1A920]  }
0xa92: {  	[tilespmem:$0x6060] =	vst v0;
	v0 =	vmul.f32 v13, v12;
	v12 =	vld [tilespmem:$0x1A930]  }
0xa93: {  	v13 =	vld [tilespmem:$0x1A940]  }
0xa94: {  	[tilespmem:$0x6050] =	vst v1;
	v1 =	vmul.f32 v15, v14;
	v14 =	vld [tilespmem:$0x1A950]  }
0xa95: {  	v15 =	vld [tilespmem:$0x1A960]  }
0xa96: {  	[tilespmem:$0x6040] =	vst v2;
	v2 =	vmul.f32 v17, v16;
	v16 =	vld [tilespmem:$0x1A970]  }
0xa97: {  	v17 =	vld [tilespmem:$0x1A980]  }
0xa98: {  	[tilespmem:$0x6030] =	vst v0;
	v0 =	vmul.f32 v19, v18;
	v18 =	vld [tilespmem:$0x1A990]  }
0xa99: {  	[tilespmem:$0x6020] =	vst v1;
	v19 =	vld [tilespmem:$0x1A9A0]  }
0xa9a: {  	v1 =	vmul.f32 v21, v20;
	[tilespmem:$0x6010] =	vst v2;
	v20 =	vld [tilespmem:$0x1A9B0]  }
0xa9b: {  	v2 =	vmul.f32 v23, v22;
	v21 =	vld [tilespmem:$0x1A9C0];
	[tilespmem:$0x6000] =	vst v0  }
0xa9c: {  	v22 =	vld [tilespmem:$0x1A9D0];
	v0 =	vmul.f32 v25, v24;
	[tilespmem:$0x5FF0] =	vst v1  }
0xa9d: {  	v23 =	vld [tilespmem:$0x1A9E0];
	v1 =	vmul.f32 v27, v26;
	[tilespmem:$0x5FE0] =	vst v2  }
0xa9e: {  	v2 =	vmul.f32 v29, v28;
	v24 =	vld [tilespmem:$0x1A9F0];
	[tilespmem:$0x5FD0] =	vst v0  }
0xa9f: {  	v25 =	vld [tilespmem:$0x1AA00];
	v0 =	vmul.f32 v31, v30;
	[tilespmem:$0x5FC0] =	vst v1  }
0xaa0: {  	v26 =	vld [tilespmem:$0x1AA10];
	v1 =	vmul.f32 v33, v32;
	[tilespmem:$0x5FB0] =	vst v2  }
0xaa1: {  	v27 =	vld [tilespmem:$0x1AA20];
	v2 =	vmul.f32 v35, v34;
	[tilespmem:$0x5FA0] =	vst v0  }
0xaa2: {  	v28 =	vld [tilespmem:$0x1AA30];
	v0 =	vmul.f32 v37, v36;
	[tilespmem:$0x5F90] =	vst v1  }
0xaa3: {  	v29 =	vld [tilespmem:$0x1AA40];
	v1 =	vmul.f32 v39, v38;
	[tilespmem:$0x5F80] =	vst v2  }
0xaa4: {  	v30 =	vld [tilespmem:$0x1AA50];
	v2 =	vmul.f32 v41, v40;
	[tilespmem:$0x5F70] =	vst v0  }
0xaa5: {  	v31 =	vld [tilespmem:$0x1AA60];
	v0 =	vmul.f32 v43, v42;
	[tilespmem:$0x5F60] =	vst v1  }
0xaa6: {  	v32 =	vld [tilespmem:$0x1AA70];
	v1 =	vmul.f32 v45, v44;
	[tilespmem:$0x5F50] =	vst v2  }
0xaa7: {  	v33 =	vld [tilespmem:$0x1AA80];
	v2 =	vmul.f32 v47, v46;
	[tilespmem:$0x5F40] =	vst v0  }
0xaa8: {  	v34 =	vld [tilespmem:$0x1AA90];
	v0 =	vmul.f32 v49, v48;
	[tilespmem:$0x5F30] =	vst v1  }
0xaa9: {  	v35 =	vld [tilespmem:$0x1AAA0];
	v1 =	vmul.f32 v51, v50;
	[tilespmem:$0x5F20] =	vst v2  }
0xaaa: {  	v36 =	vld [tilespmem:$0x1AAB0];
	v2 =	vmul.f32 v53, v52;
	[tilespmem:$0x5F10] =	vst v0  }
0xaab: {  	v37 =	vld [tilespmem:$0x1AAC0];
	v0 =	vmul.f32 v55, v54;
	[tilespmem:$0x5F00] =	vst v1  }
0xaac: {  	v38 =	vld [tilespmem:$0x1AAD0];
	v1 =	vmul.f32 v57, v56;
	[tilespmem:$0x5EF0] =	vst v2  }
0xaad: {  	v39 =	vld [tilespmem:$0x1AAE0];
	v2 =	vmul.f32 v59, v58;
	[tilespmem:$0x5EE0] =	vst v0  }
0xaae: {  	v40 =	vld [tilespmem:$0x1AAF0];
	v0 =	vmul.f32 v61, v60;
	[tilespmem:$0x5ED0] =	vst v1  }
0xaaf: {  	v41 =	vld [tilespmem:$0x1AB00];
	v1 =	vmul.f32 v63, v62;
	[tilespmem:$0x5EC0] =	vst v2  }
0xab0: {  	v42 =	vld [tilespmem:$0x1AB10];
	v2 =	vmul.f32 v7, v6;
	[tilespmem:$0x5EB0] =	vst v0  }
0xab1: {  	v43 =	vld [tilespmem:$0x1AB20];
	v0 =	vmul.f32 v9, v8;
	[tilespmem:$0x5EA0] =	vst v1  }
0xab2: {  	v44 =	vld [tilespmem:$0x1AB30];
	v1 =	vmul.f32 v11, v10;
	[tilespmem:$0x5E90] =	vst v2  }
0xab3: {  	v45 =	vld [tilespmem:$0x1AB40];
	v2 =	vmul.f32 v13, v12;
	[tilespmem:$0x5E80] =	vst v0  }
0xab4: {  	v46 =	vld [tilespmem:$0x1AB50];
	v0 =	vmul.f32 v15, v14;
	[tilespmem:$0x5E70] =	vst v1  }
0xab5: {  	v47 =	vld [tilespmem:$0x1AB60];
	v1 =	vmul.f32 v17, v16;
	[tilespmem:$0x5E60] =	vst v2  }
0xab6: {  	v48 =	vld [tilespmem:$0x1AB70];
	v2 =	vmul.f32 v19, v18;
	[tilespmem:$0x5E50] =	vst v0  }
0xab7: {  	v49 =	vld [tilespmem:$0x1AB80];
	v0 =	vmul.f32 v21, v20;
	[tilespmem:$0x5E40] =	vst v1  }
0xab8: {  	v50 =	vld [tilespmem:$0x1AB90];
	v1 =	vmul.f32 v23, v22;
	[tilespmem:$0x5E30] =	vst v2  }
0xab9: {  	v51 =	vld [tilespmem:$0x1ABA0];
	v2 =	vmul.f32 v25, v24;
	[tilespmem:$0x5E20] =	vst v0  }
0xaba: {  	v52 =	vld [tilespmem:$0x1ABB0];
	v0 =	vmul.f32 v27, v26;
	[tilespmem:$0x5E10] =	vst v1  }
0xabb: {  	v53 =	vld [tilespmem:$0x1ABC0];
	v1 =	vmul.f32 v29, v28;
	[tilespmem:$0x5E00] =	vst v2  }
0xabc: {  	v54 =	vld [tilespmem:$0x1ABD0];
	v2 =	vmul.f32 v31, v30;
	[tilespmem:$0x5DF0] =	vst v0  }
0xabd: {  	v55 =	vld [tilespmem:$0x1ABE0];
	v0 =	vmul.f32 v33, v32;
	[tilespmem:$0x5DE0] =	vst v1  }
0xabe: {  	v56 =	vld [tilespmem:$0x1ABF0];
	v1 =	vmul.f32 v35, v34;
	[tilespmem:$0x5DD0] =	vst v2  }
0xabf: {  	v57 =	vld [tilespmem:$0x1AC00];
	v2 =	vmul.f32 v37, v36;
	[tilespmem:$0x5DC0] =	vst v0  }
0xac0: {  	v58 =	vld [tilespmem:$0x1AC10];
	v0 =	vmul.f32 v39, v38;
	[tilespmem:$0x5DB0] =	vst v1  }
0xac1: {  	v59 =	vld [tilespmem:$0x1AC20];
	v1 =	vmul.f32 v41, v40;
	[tilespmem:$0x5DA0] =	vst v2  }
0xac2: {  	v60 =	vld [tilespmem:$0x1AC30];
	v2 =	vmul.f32 v43, v42;
	[tilespmem:$0x5D90] =	vst v0  }
0xac3: {  	v61 =	vld [tilespmem:$0x1AC40];
	v0 =	vmul.f32 v45, v44;
	[tilespmem:$0x5D80] =	vst v1  }
0xac4: {  	v62 =	vld [tilespmem:$0x1AC50];
	v1 =	vmul.f32 v47, v46;
	[tilespmem:$0x5D70] =	vst v2  }
0xac5: {  	v63 =	vld [tilespmem:$0x1AC60];
	v2 =	vmul.f32 v49, v48;
	[tilespmem:$0x5D60] =	vst v0  }
0xac6: {  	v6 =	vld [tilespmem:$0x1AC70];
	v0 =	vmul.f32 v51, v50;
	[tilespmem:$0x5D50] =	vst v1  }
0xac7: {  	v7 =	vld [tilespmem:$0x1AC80];
	v1 =	vmul.f32 v53, v52;
	[tilespmem:$0x5D40] =	vst v2  }
0xac8: {  	v8 =	vld [tilespmem:$0x1AC90];
	v2 =	vmul.f32 v55, v54;
	[tilespmem:$0x5D30] =	vst v0  }
0xac9: {  	v9 =	vld [tilespmem:$0x1ACA0];
	v0 =	vmul.f32 v57, v56;
	[tilespmem:$0x5D20] =	vst v1  }
0xaca: {  	v1 =	vmul.f32 v59, v58;
	[tilespmem:$0x5D10] =	vst v2  }
0xacb: {  	v2 =	vmul.f32 v61, v60;
	[tilespmem:$0x5D00] =	vst v0  }
0xacc: {  	v0 =	vmul.f32 v63, v62;
	[tilespmem:$0x5CF0] =	vst v1  }
0xacd: {  	v10 =	vld [tilespmem:$0x1ACB0];
	v1 =	vmul.f32 v7, v6;
	[tilespmem:$0x5CE0] =	vst v2  }
0xace: {  	v11 =	vld [tilespmem:$0x1ACC0];
	v2 =	vmul.f32 v9, v8;
	[tilespmem:$0x5CD0] =	vst v0  }
0xacf: {  	v12 =	vld [tilespmem:$0x1ACD0];
	[tilespmem:$0x5CC0] =	vst v1  }
0xad0: {  	v13 =	vld [tilespmem:$0x1ACE0];
	[tilespmem:$0x5CB0] =	vst v2  }
0xad1: {  	v2 =	vld [tilespmem:$0x1ACF0]  }
0xad2: {  	v14 =	vld [tilespmem:$0x1AD00]  }
0xad3: {  	v15 =	vld [tilespmem:$0x1AD10]  }
0xad4: {  	v16 =	vld [tilespmem:$0x1AD20]  }
0xad5: {  	v17 =	vld [tilespmem:$0x1AD30]  }
0xad6: {  	v18 =	vld [tilespmem:$0x1AD40]  }
0xad7: {  	v19 =	vld [tilespmem:$0x1AD50]  }
0xad8: {  	v20 =	vld [tilespmem:$0x1AD60]  }
0xad9: {  	v21 =	vld [tilespmem:$0x1AD70]  }
0xada: {  	v22 =	vld [tilespmem:$0x1AD80]  }
0xadb: {  	v23 =	vld [tilespmem:$0x1AD90]  }
0xadc: {  	v24 =	vld [tilespmem:$0x1ADA0]  }
0xadd: {  	v25 =	vld [tilespmem:$0x1ADB0]  }
0xade: {  	v26 =	vld [tilespmem:$0x1ADC0]  }
0xadf: {  	v27 =	vld [tilespmem:$0x1ADD0]  }
0xae0: {  	v28 =	vld [tilespmem:$0x1ADE0]  }
0xae1: {  	v29 =	vld [tilespmem:$0x1ADF0]  }
0xae2: {  	v30 =	vld [tilespmem:$0x1AE00]  }
0xae3: {  	v31 =	vld [tilespmem:$0x1AE10]  }
0xae4: {  	v32 =	vld [tilespmem:$0x1AE20]  }
0xae5: {  	v33 =	vld [tilespmem:$0x1AE30]  }
0xae6: {  	v34 =	vld [tilespmem:$0x1AE40]  }
0xae7: {  	v35 =	vld [tilespmem:$0x1AE50]  }
0xae8: {  	v36 =	vld [tilespmem:$0x1AE60]  }
0xae9: {  	v37 =	vld [tilespmem:$0x1AE70]  }
0xaea: {  	v38 =	vld [tilespmem:$0x1AE80]  }
0xaeb: {  	v39 =	vld [tilespmem:$0x1AE90]  }
0xaec: {  	v40 =	vld [tilespmem:$0x1AEA0]  }
0xaed: {  	v41 =	vld [tilespmem:$0x1AEB0]  }
0xaee: {  	v42 =	vld [tilespmem:$0x1AEC0]  }
0xaef: {  	v43 =	vld [tilespmem:$0x1AED0]  }
0xaf0: {  	v44 =	vld [tilespmem:$0x1AEE0]  }
0xaf1: {  	v45 =	vld [tilespmem:$0x1AEF0]  }
0xaf2: {  	v46 =	vld [tilespmem:$0x1AF00]  }
0xaf3: {  	v47 =	vld [tilespmem:$0x1AF10]  }
0xaf4: {  	v48 =	vld [tilespmem:$0x1AF20]  }
0xaf5: {  	v49 =	vld [tilespmem:$0x1AF30]  }
0xaf6: {  	v50 =	vld [tilespmem:$0x1AF40]  }
0xaf7: {  	v51 =	vld [tilespmem:$0x1AF50]  }
0xaf8: {  	v52 =	vld [tilespmem:$0x1AF60]  }
0xaf9: {  	v53 =	vld [tilespmem:$0x1AF70]  }
0xafa: {  	v54 =	vld [tilespmem:$0x1AF80]  }
0xafb: {  	v55 =	vld [tilespmem:$0x1AF90]  }
0xafc: {  	v56 =	vld [tilespmem:$0x1AFA0]  }
0xafd: {  	v57 =	vld [tilespmem:$0x1AFB0]  }
0xafe: {  	v58 =	vld [tilespmem:$0x1AFC0]  }
0xaff: {  	v59 =	vld [tilespmem:$0x1AFD0]  }
0xb00: {  	v60 =	vld [tilespmem:$0x1AFE0]  }
0xb01: {  	v61 =	vld [tilespmem:$0x1AFF0]  }
0xb02: {  	v62 =	vld [tilespmem:$0x1B000]  }
0xb03: {  	v63 =	vld [tilespmem:$0x1B010]  }
0xb04: {  	v6 =	vld [tilespmem:$0x1B020]  }
0xb05: {  	v7 =	vld [tilespmem:$0x1B030]  }
0xb06: {  	v8 =	vld [tilespmem:$0x1B040]  }
0xb07: {  	v9 =	vld [tilespmem:$0x1B050]  }
0xb08: {  	v0 =	vmul.f32 v11, v10;
	v10 =	vld [tilespmem:$0x1B060]  }
0xb09: {  	v11 =	vld [tilespmem:$0x1B070]  }
0xb0a: {  	v1 =	vmul.f32 v13, v12;
	v12 =	vld [tilespmem:$0x1B080]  }
0xb0b: {  	v13 =	vld [tilespmem:$0x1B090]  }
0xb0c: {  	v2 =	vmul.f32 v14, v2;
	v14 =	vld [tilespmem:$0x1B0A0]  }
0xb0d: {  	[tilespmem:$0x5CA0] =	vst v0;
	v0 =	vmul.f32 v16, v15;
	v15 =	vld [tilespmem:$0x1B0B0]  }
0xb0e: {  	v16 =	vld [tilespmem:$0x1B0C0]  }
0xb0f: {  	[tilespmem:$0x5C90] =	vst v1;
	v1 =	vmul.f32 v18, v17;
	v17 =	vld [tilespmem:$0x1B0D0]  }
0xb10: {  	v18 =	vld [tilespmem:$0x1B0E0]  }
0xb11: {  	[tilespmem:$0x5C80] =	vst v2;
	v2 =	vmul.f32 v20, v19;
	v19 =	vld [tilespmem:$0x1B0F0]  }
0xb12: {  	v20 =	vld [tilespmem:$0x1B100]  }
0xb13: {  	[tilespmem:$0x5C70] =	vst v0;
	v0 =	vmul.f32 v22, v21;
	v21 =	vld [tilespmem:$0x1B110]  }
0xb14: {  	v22 =	vld [tilespmem:$0x1B120]  }
0xb15: {  	[tilespmem:$0x5C60] =	vst v1;
	v1 =	vmul.f32 v24, v23;
	v23 =	vld [tilespmem:$0x1B130]  }
0xb16: {  	v24 =	vld [tilespmem:$0x1B140]  }
0xb17: {  	[tilespmem:$0x5C50] =	vst v2;
	v2 =	vmul.f32 v26, v25;
	v25 =	vld [tilespmem:$0x1B150]  }
0xb18: {  	v26 =	vld [tilespmem:$0x1B160]  }
0xb19: {  	[tilespmem:$0x5C40] =	vst v0;
	v0 =	vmul.f32 v28, v27;
	v27 =	vld [tilespmem:$0x1B170]  }
0xb1a: {  	v28 =	vld [tilespmem:$0x1B180]  }
0xb1b: {  	[tilespmem:$0x5C30] =	vst v1;
	v1 =	vmul.f32 v30, v29;
	v29 =	vld [tilespmem:$0x1B190]  }
0xb1c: {  	v30 =	vld [tilespmem:$0x1B1A0]  }
0xb1d: {  	[tilespmem:$0x5C20] =	vst v2;
	v2 =	vmul.f32 v32, v31;
	v31 =	vld [tilespmem:$0x1B1B0]  }
0xb1e: {  	v32 =	vld [tilespmem:$0x1B1C0]  }
0xb1f: {  	[tilespmem:$0x5C10] =	vst v0;
	v0 =	vmul.f32 v34, v33;
	v33 =	vld [tilespmem:$0x1B1D0]  }
0xb20: {  	v34 =	vld [tilespmem:$0x1B1E0]  }
0xb21: {  	[tilespmem:$0x5C00] =	vst v1;
	v1 =	vmul.f32 v36, v35;
	v35 =	vld [tilespmem:$0x1B1F0]  }
0xb22: {  	v36 =	vld [tilespmem:$0x1B200]  }
0xb23: {  	[tilespmem:$0x5BF0] =	vst v2;
	v2 =	vmul.f32 v38, v37;
	v37 =	vld [tilespmem:$0x1B210]  }
0xb24: {  	v38 =	vld [tilespmem:$0x1B220]  }
0xb25: {  	[tilespmem:$0x5BE0] =	vst v0;
	v0 =	vmul.f32 v40, v39;
	v39 =	vld [tilespmem:$0x1B230]  }
0xb26: {  	v40 =	vld [tilespmem:$0x1B240]  }
0xb27: {  	[tilespmem:$0x5BD0] =	vst v1;
	v1 =	vmul.f32 v42, v41;
	v41 =	vld [tilespmem:$0x1B250]  }
0xb28: {  	v42 =	vld [tilespmem:$0x1B260]  }
0xb29: {  	[tilespmem:$0x5BC0] =	vst v2;
	v2 =	vmul.f32 v44, v43;
	v43 =	vld [tilespmem:$0x1B270]  }
0xb2a: {  	v44 =	vld [tilespmem:$0x1B280]  }
0xb2b: {  	[tilespmem:$0x5BB0] =	vst v0;
	v0 =	vmul.f32 v46, v45;
	v45 =	vld [tilespmem:$0x1B290]  }
0xb2c: {  	v46 =	vld [tilespmem:$0x1B2A0]  }
0xb2d: {  	[tilespmem:$0x5BA0] =	vst v1;
	v1 =	vmul.f32 v48, v47;
	v47 =	vld [tilespmem:$0x1B2B0]  }
0xb2e: {  	v48 =	vld [tilespmem:$0x1B2C0]  }
0xb2f: {  	[tilespmem:$0x5B90] =	vst v2;
	v2 =	vmul.f32 v50, v49;
	v49 =	vld [tilespmem:$0x1B2D0]  }
0xb30: {  	v50 =	vld [tilespmem:$0x1B2E0]  }
0xb31: {  	[tilespmem:$0x5B80] =	vst v0;
	v0 =	vmul.f32 v52, v51;
	v51 =	vld [tilespmem:$0x1B2F0]  }
0xb32: {  	v52 =	vld [tilespmem:$0x1B300]  }
0xb33: {  	[tilespmem:$0x5B70] =	vst v1;
	v1 =	vmul.f32 v54, v53;
	v53 =	vld [tilespmem:$0x1B310]  }
0xb34: {  	v54 =	vld [tilespmem:$0x1B320]  }
0xb35: {  	[tilespmem:$0x5B60] =	vst v2;
	v2 =	vmul.f32 v56, v55;
	v55 =	vld [tilespmem:$0x1B330]  }
0xb36: {  	v56 =	vld [tilespmem:$0x1B340]  }
0xb37: {  	[tilespmem:$0x5B50] =	vst v0;
	v0 =	vmul.f32 v58, v57;
	v57 =	vld [tilespmem:$0x1B350]  }
0xb38: {  	v58 =	vld [tilespmem:$0x1B360]  }
0xb39: {  	[tilespmem:$0x5B40] =	vst v1;
	v1 =	vmul.f32 v60, v59;
	v59 =	vld [tilespmem:$0x1B370]  }
0xb3a: {  	v60 =	vld [tilespmem:$0x1B380]  }
0xb3b: {  	[tilespmem:$0x5B30] =	vst v2;
	v2 =	vmul.f32 v62, v61;
	v61 =	vld [tilespmem:$0x1B390]  }
0xb3c: {  	v62 =	vld [tilespmem:$0x1B3A0]  }
0xb3d: {  	[tilespmem:$0x5B20] =	vst v0;
	v0 =	vmul.f32 v6, v63;
	v63 =	vld [tilespmem:$0x1B3B0]  }
0xb3e: {  	v6 =	vld [tilespmem:$0x1B3C0]  }
0xb3f: {  	[tilespmem:$0x5B10] =	vst v1;
	v1 =	vmul.f32 v8, v7;
	v7 =	vld [tilespmem:$0x1B3D0]  }
0xb40: {  	v8 =	vld [tilespmem:$0x1B3E0]  }
0xb41: {  	[tilespmem:$0x5B00] =	vst v2;
	v2 =	vmul.f32 v10, v9;
	v9 =	vld [tilespmem:$0x1B3F0]  }
0xb42: {  	v10 =	vld [tilespmem:$0x1B400]  }
0xb43: {  	[tilespmem:$0x5AF0] =	vst v0;
	v0 =	vmul.f32 v12, v11;
	v11 =	vld [tilespmem:$0x1B410]  }
0xb44: {  	v12 =	vld [tilespmem:$0x1B420]  }
0xb45: {  	[tilespmem:$0x5AE0] =	vst v1;
	v1 =	vmul.f32 v14, v13;
	v13 =	vld [tilespmem:$0x1B430]  }
0xb46: {  	v14 =	vld [tilespmem:$0x1B440]  }
0xb47: {  	[tilespmem:$0x5AD0] =	vst v2;
	v2 =	vmul.f32 v16, v15;
	v15 =	vld [tilespmem:$0x1B450]  }
0xb48: {  	v16 =	vld [tilespmem:$0x1B460]  }
0xb49: {  	[tilespmem:$0x5AC0] =	vst v0;
	v0 =	vmul.f32 v18, v17;
	v17 =	vld [tilespmem:$0x1B470]  }
0xb4a: {  	v18 =	vld [tilespmem:$0x1B480]  }
0xb4b: {  	[tilespmem:$0x5AB0] =	vst v1;
	v1 =	vmul.f32 v20, v19;
	v19 =	vld [tilespmem:$0x1B490]  }
0xb4c: {  	v20 =	vld [tilespmem:$0x1B4A0]  }
0xb4d: {  	[tilespmem:$0x5AA0] =	vst v2;
	v2 =	vmul.f32 v22, v21;
	v21 =	vld [tilespmem:$0x1B4B0]  }
0xb4e: {  	v22 =	vld [tilespmem:$0x1B4C0]  }
0xb4f: {  	[tilespmem:$0x5A90] =	vst v0;
	v0 =	vmul.f32 v24, v23;
	v23 =	vld [tilespmem:$0x1B4D0]  }
0xb50: {  	v24 =	vld [tilespmem:$0x1B4E0]  }
0xb51: {  	[tilespmem:$0x5A80] =	vst v1;
	v1 =	vmul.f32 v26, v25;
	v25 =	vld [tilespmem:$0x1B4F0]  }
0xb52: {  	v26 =	vld [tilespmem:$0x1B500]  }
0xb53: {  	[tilespmem:$0x5A70] =	vst v2;
	v2 =	vmul.f32 v28, v27;
	v27 =	vld [tilespmem:$0x1B510]  }
0xb54: {  	v28 =	vld [tilespmem:$0x1B520]  }
0xb55: {  	[tilespmem:$0x5A60] =	vst v0;
	v0 =	vmul.f32 v30, v29;
	v29 =	vld [tilespmem:$0x1B530]  }
0xb56: {  	v30 =	vld [tilespmem:$0x1B540]  }
0xb57: {  	[tilespmem:$0x5A50] =	vst v1;
	v1 =	vmul.f32 v32, v31;
	v31 =	vld [tilespmem:$0x1B550]  }
0xb58: {  	v32 =	vld [tilespmem:$0x1B560]  }
0xb59: {  	[tilespmem:$0x5A40] =	vst v2;
	v2 =	vmul.f32 v34, v33;
	v33 =	vld [tilespmem:$0x1B570]  }
0xb5a: {  	v34 =	vld [tilespmem:$0x1B580]  }
0xb5b: {  	[tilespmem:$0x5A30] =	vst v0;
	v0 =	vmul.f32 v36, v35;
	v35 =	vld [tilespmem:$0x1B590]  }
0xb5c: {  	v36 =	vld [tilespmem:$0x1B5A0]  }
0xb5d: {  	[tilespmem:$0x5A20] =	vst v1;
	v1 =	vmul.f32 v38, v37;
	v37 =	vld [tilespmem:$0x1B5B0]  }
0xb5e: {  	v38 =	vld [tilespmem:$0x1B5C0]  }
0xb5f: {  	[tilespmem:$0x5A10] =	vst v2;
	v2 =	vmul.f32 v40, v39;
	v39 =	vld [tilespmem:$0x1B5D0]  }
0xb60: {  	v40 =	vld [tilespmem:$0x1B5E0]  }
0xb61: {  	[tilespmem:$0x5A00] =	vst v0;
	v0 =	vmul.f32 v42, v41;
	v41 =	vld [tilespmem:$0x1B5F0]  }
0xb62: {  	v42 =	vld [tilespmem:$0x1B600]  }
0xb63: {  	[tilespmem:$0x59F0] =	vst v1;
	v1 =	vmul.f32 v44, v43;
	v43 =	vld [tilespmem:$0x1B610]  }
0xb64: {  	v44 =	vld [tilespmem:$0x1B620]  }
0xb65: {  	[tilespmem:$0x59E0] =	vst v2;
	v2 =	vmul.f32 v46, v45;
	v45 =	vld [tilespmem:$0x1B630]  }
0xb66: {  	v46 =	vld [tilespmem:$0x1B640]  }
0xb67: {  	[tilespmem:$0x59D0] =	vst v0;
	v0 =	vmul.f32 v48, v47;
	v47 =	vld [tilespmem:$0x1B650]  }
0xb68: {  	v48 =	vld [tilespmem:$0x1B660]  }
0xb69: {  	[tilespmem:$0x59C0] =	vst v1;
	v1 =	vmul.f32 v50, v49;
	v49 =	vld [tilespmem:$0x1B670]  }
0xb6a: {  	v50 =	vld [tilespmem:$0x1B680]  }
0xb6b: {  	[tilespmem:$0x59B0] =	vst v2;
	v2 =	vmul.f32 v52, v51;
	v51 =	vld [tilespmem:$0x1B690]  }
0xb6c: {  	v52 =	vld [tilespmem:$0x1B6A0]  }
0xb6d: {  	[tilespmem:$0x59A0] =	vst v0;
	v0 =	vmul.f32 v54, v53;
	v53 =	vld [tilespmem:$0x1B6B0]  }
0xb6e: {  	v54 =	vld [tilespmem:$0x1B6C0]  }
0xb6f: {  	[tilespmem:$0x5990] =	vst v1;
	v1 =	vmul.f32 v56, v55;
	v55 =	vld [tilespmem:$0x1B6D0]  }
0xb70: {  	v56 =	vld [tilespmem:$0x1B6E0]  }
0xb71: {  	[tilespmem:$0x5980] =	vst v2;
	v2 =	vmul.f32 v58, v57;
	v57 =	vld [tilespmem:$0x1B6F0]  }
0xb72: {  	v58 =	vld [tilespmem:$0x1B700]  }
0xb73: {  	[tilespmem:$0x5970] =	vst v0;
	v0 =	vmul.f32 v60, v59;
	v59 =	vld [tilespmem:$0x1B710]  }
0xb74: {  	v60 =	vld [tilespmem:$0x1B720]  }
0xb75: {  	[tilespmem:$0x5960] =	vst v1;
	v1 =	vmul.f32 v62, v61;
	v61 =	vld [tilespmem:$0x1B730]  }
0xb76: {  	v62 =	vld [tilespmem:$0x1B740]  }
0xb77: {  	[tilespmem:$0x5950] =	vst v2;
	v2 =	vmul.f32 v6, v63;
	v63 =	vld [tilespmem:$0x1B750]  }
0xb78: {  	v6 =	vld [tilespmem:$0x1B760]  }
0xb79: {  	[tilespmem:$0x5940] =	vst v0;
	v0 =	vmul.f32 v8, v7;
	v7 =	vld [tilespmem:$0x1B770]  }
0xb7a: {  	v8 =	vld [tilespmem:$0x1B780]  }
0xb7b: {  	[tilespmem:$0x5930] =	vst v1;
	v1 =	vmul.f32 v10, v9;
	v9 =	vld [tilespmem:$0x1B790]  }
0xb7c: {  	v10 =	vld [tilespmem:$0x1B7A0]  }
0xb7d: {  	[tilespmem:$0x5920] =	vst v2;
	v2 =	vmul.f32 v12, v11;
	v11 =	vld [tilespmem:$0x1B7B0]  }
0xb7e: {  	v12 =	vld [tilespmem:$0x1B7C0]  }
0xb7f: {  	[tilespmem:$0x5910] =	vst v0;
	v0 =	vmul.f32 v14, v13;
	v13 =	vld [tilespmem:$0x1B7D0]  }
0xb80: {  	v14 =	vld [tilespmem:$0x1B7E0]  }
0xb81: {  	[tilespmem:$0x5900] =	vst v1;
	v1 =	vmul.f32 v16, v15;
	v15 =	vld [tilespmem:$0x1B7F0]  }
0xb82: {  	v16 =	vld [tilespmem:$0x1B800]  }
0xb83: {  	[tilespmem:$0x58F0] =	vst v2;
	v2 =	vmul.f32 v18, v17;
	v17 =	vld [tilespmem:$0x1B810]  }
0xb84: {  	v18 =	vld [tilespmem:$0x1B820]  }
0xb85: {  	[tilespmem:$0x58E0] =	vst v0;
	v0 =	vmul.f32 v20, v19;
	v19 =	vld [tilespmem:$0x1B830]  }
0xb86: {  	v20 =	vld [tilespmem:$0x1B840]  }
0xb87: {  	[tilespmem:$0x58D0] =	vst v1;
	v1 =	vmul.f32 v22, v21;
	v21 =	vld [tilespmem:$0x1B850]  }
0xb88: {  	v22 =	vld [tilespmem:$0x1B860]  }
0xb89: {  	[tilespmem:$0x58C0] =	vst v2;
	v2 =	vmul.f32 v24, v23;
	v23 =	vld [tilespmem:$0x1B870]  }
0xb8a: {  	v24 =	vld [tilespmem:$0x1B880]  }
0xb8b: {  	[tilespmem:$0x58B0] =	vst v0;
	v0 =	vmul.f32 v26, v25;
	v25 =	vld [tilespmem:$0x1B890]  }
0xb8c: {  	v26 =	vld [tilespmem:$0x1B8A0]  }
0xb8d: {  	[tilespmem:$0x58A0] =	vst v1;
	v1 =	vmul.f32 v28, v27;
	v27 =	vld [tilespmem:$0x1B8B0]  }
0xb8e: {  	v28 =	vld [tilespmem:$0x1B8C0]  }
0xb8f: {  	[tilespmem:$0x5890] =	vst v2;
	v2 =	vmul.f32 v30, v29;
	v29 =	vld [tilespmem:$0x1B8D0]  }
0xb90: {  	v30 =	vld [tilespmem:$0x1B8E0]  }
0xb91: {  	[tilespmem:$0x5880] =	vst v0;
	v0 =	vmul.f32 v32, v31;
	v31 =	vld [tilespmem:$0x1B8F0]  }
0xb92: {  	v32 =	vld [tilespmem:$0x1B900]  }
0xb93: {  	[tilespmem:$0x5870] =	vst v1;
	v1 =	vmul.f32 v34, v33;
	v33 =	vld [tilespmem:$0x1B910]  }
0xb94: {  	v34 =	vld [tilespmem:$0x1B920]  }
0xb95: {  	[tilespmem:$0x5860] =	vst v2;
	v2 =	vmul.f32 v36, v35;
	v35 =	vld [tilespmem:$0x1B930]  }
0xb96: {  	v36 =	vld [tilespmem:$0x1B940]  }
0xb97: {  	[tilespmem:$0x5850] =	vst v0;
	v0 =	vmul.f32 v38, v37;
	v37 =	vld [tilespmem:$0x1B950]  }
0xb98: {  	v38 =	vld [tilespmem:$0x1B960]  }
0xb99: {  	[tilespmem:$0x5840] =	vst v1;
	v1 =	vmul.f32 v40, v39;
	v39 =	vld [tilespmem:$0x1B970]  }
0xb9a: {  	v40 =	vld [tilespmem:$0x1B980]  }
0xb9b: {  	[tilespmem:$0x5830] =	vst v2;
	v2 =	vmul.f32 v42, v41;
	v41 =	vld [tilespmem:$0x1B990]  }
0xb9c: {  	v42 =	vld [tilespmem:$0x1B9A0]  }
0xb9d: {  	[tilespmem:$0x5820] =	vst v0;
	v0 =	vmul.f32 v44, v43;
	v43 =	vld [tilespmem:$0x1B9B0]  }
0xb9e: {  	v44 =	vld [tilespmem:$0x1B9C0]  }
0xb9f: {  	[tilespmem:$0x5810] =	vst v1;
	v1 =	vmul.f32 v46, v45;
	v45 =	vld [tilespmem:$0x1B9D0]  }
0xba0: {  	v46 =	vld [tilespmem:$0x1B9E0]  }
0xba1: {  	[tilespmem:$0x5800] =	vst v2;
	v2 =	vmul.f32 v48, v47;
	v47 =	vld [tilespmem:$0x1B9F0]  }
0xba2: {  	v48 =	vld [tilespmem:$0x1BA00]  }
0xba3: {  	[tilespmem:$0x57F0] =	vst v0;
	v0 =	vmul.f32 v50, v49;
	v49 =	vld [tilespmem:$0x1BA10]  }
0xba4: {  	v50 =	vld [tilespmem:$0x1BA20]  }
0xba5: {  	[tilespmem:$0x57E0] =	vst v1;
	v1 =	vmul.f32 v52, v51;
	v51 =	vld [tilespmem:$0x1BA30]  }
0xba6: {  	v52 =	vld [tilespmem:$0x1BA40]  }
0xba7: {  	[tilespmem:$0x57D0] =	vst v2;
	v2 =	vmul.f32 v54, v53;
	v53 =	vld [tilespmem:$0x1BA50]  }
0xba8: {  	v54 =	vld [tilespmem:$0x1BA60]  }
0xba9: {  	[tilespmem:$0x57C0] =	vst v0;
	v0 =	vmul.f32 v56, v55;
	v55 =	vld [tilespmem:$0x1BA70]  }
0xbaa: {  	v56 =	vld [tilespmem:$0x1BA80]  }
0xbab: {  	[tilespmem:$0x57B0] =	vst v1;
	v1 =	vmul.f32 v58, v57;
	v57 =	vld [tilespmem:$0x1BA90]  }
0xbac: {  	v58 =	vld [tilespmem:$0x1BAA0]  }
0xbad: {  	[tilespmem:$0x57A0] =	vst v2;
	v2 =	vmul.f32 v60, v59;
	v59 =	vld [tilespmem:$0x1BAB0]  }
0xbae: {  	v60 =	vld [tilespmem:$0x1BAC0]  }
0xbaf: {  	[tilespmem:$0x5790] =	vst v0;
	v0 =	vmul.f32 v62, v61;
	v61 =	vld [tilespmem:$0x1BAD0]  }
0xbb0: {  	v62 =	vld [tilespmem:$0x1BAE0]  }
0xbb1: {  	[tilespmem:$0x5780] =	vst v1;
	v1 =	vmul.f32 v6, v63;
	v63 =	vld [tilespmem:$0x1BAF0]  }
0xbb2: {  	v6 =	vld [tilespmem:$0x1BB00]  }
0xbb3: {  	[tilespmem:$0x5770] =	vst v2;
	v2 =	vmul.f32 v8, v7;
	v7 =	vld [tilespmem:$0x1BB10]  }
0xbb4: {  	v8 =	vld [tilespmem:$0x1BB20]  }
0xbb5: {  	[tilespmem:$0x5760] =	vst v0;
	v0 =	vmul.f32 v10, v9;
	v9 =	vld [tilespmem:$0x1BB30]  }
0xbb6: {  	v10 =	vld [tilespmem:$0x1BB40]  }
0xbb7: {  	[tilespmem:$0x5750] =	vst v1;
	v1 =	vmul.f32 v12, v11;
	v11 =	vld [tilespmem:$0x1BB50]  }
0xbb8: {  	v12 =	vld [tilespmem:$0x1BB60]  }
0xbb9: {  	[tilespmem:$0x5740] =	vst v2;
	v2 =	vmul.f32 v14, v13;
	v13 =	vld [tilespmem:$0x1BB70]  }
0xbba: {  	v14 =	vld [tilespmem:$0x1BB80]  }
0xbbb: {  	[tilespmem:$0x5730] =	vst v0;
	v0 =	vmul.f32 v16, v15;
	v15 =	vld [tilespmem:$0x1BB90]  }
0xbbc: {  	v16 =	vld [tilespmem:$0x1BBA0]  }
0xbbd: {  	[tilespmem:$0x5720] =	vst v1;
	v1 =	vmul.f32 v18, v17;
	v17 =	vld [tilespmem:$0x1BBB0]  }
0xbbe: {  	v18 =	vld [tilespmem:$0x1BBC0]  }
0xbbf: {  	[tilespmem:$0x5710] =	vst v2;
	v2 =	vmul.f32 v20, v19;
	v19 =	vld [tilespmem:$0x1BBD0]  }
0xbc0: {  	v20 =	vld [tilespmem:$0x1BBE0]  }
0xbc1: {  	[tilespmem:$0x5700] =	vst v0;
	v0 =	vmul.f32 v22, v21;
	v21 =	vld [tilespmem:$0x1BBF0]  }
0xbc2: {  	v22 =	vld [tilespmem:$0x1BC00]  }
0xbc3: {  	[tilespmem:$0x56F0] =	vst v1;
	v1 =	vmul.f32 v24, v23;
	v23 =	vld [tilespmem:$0x1BC10]  }
0xbc4: {  	v24 =	vld [tilespmem:$0x1BC20]  }
0xbc5: {  	[tilespmem:$0x56E0] =	vst v2;
	v2 =	vmul.f32 v26, v25;
	v25 =	vld [tilespmem:$0x1BC30]  }
0xbc6: {  	v26 =	vld [tilespmem:$0x1BC40]  }
0xbc7: {  	[tilespmem:$0x56D0] =	vst v0;
	v0 =	vmul.f32 v28, v27;
	v27 =	vld [tilespmem:$0x1BC50]  }
0xbc8: {  	v28 =	vld [tilespmem:$0x1BC60]  }
0xbc9: {  	[tilespmem:$0x56C0] =	vst v1;
	v1 =	vmul.f32 v30, v29;
	v29 =	vld [tilespmem:$0x1BC70]  }
0xbca: {  	v30 =	vld [tilespmem:$0x1BC80]  }
0xbcb: {  	[tilespmem:$0x56B0] =	vst v2;
	v2 =	vmul.f32 v32, v31;
	v31 =	vld [tilespmem:$0x1BC90]  }
0xbcc: {  	v32 =	vld [tilespmem:$0x1BCA0]  }
0xbcd: {  	[tilespmem:$0x56A0] =	vst v0;
	v0 =	vmul.f32 v34, v33;
	v33 =	vld [tilespmem:$0x1BCB0]  }
0xbce: {  	v34 =	vld [tilespmem:$0x1BCC0]  }
0xbcf: {  	[tilespmem:$0x5690] =	vst v1;
	v1 =	vmul.f32 v36, v35;
	v35 =	vld [tilespmem:$0x1BCD0]  }
0xbd0: {  	v36 =	vld [tilespmem:$0x1BCE0]  }
0xbd1: {  	[tilespmem:$0x5680] =	vst v2;
	v2 =	vmul.f32 v38, v37;
	v37 =	vld [tilespmem:$0x1BCF0]  }
0xbd2: {  	v38 =	vld [tilespmem:$0x1BD00]  }
0xbd3: {  	[tilespmem:$0x5670] =	vst v0;
	v0 =	vmul.f32 v40, v39;
	v39 =	vld [tilespmem:$0x1BD10]  }
0xbd4: {  	v40 =	vld [tilespmem:$0x1BD20]  }
0xbd5: {  	[tilespmem:$0x5660] =	vst v1;
	v1 =	vmul.f32 v42, v41;
	v41 =	vld [tilespmem:$0x1BD30]  }
0xbd6: {  	v42 =	vld [tilespmem:$0x1BD40]  }
0xbd7: {  	[tilespmem:$0x5650] =	vst v2;
	v2 =	vmul.f32 v44, v43;
	v43 =	vld [tilespmem:$0x1BD50]  }
0xbd8: {  	v44 =	vld [tilespmem:$0x1BD60]  }
0xbd9: {  	[tilespmem:$0x5640] =	vst v0;
	v0 =	vmul.f32 v46, v45;
	v45 =	vld [tilespmem:$0x1BD70]  }
0xbda: {  	v46 =	vld [tilespmem:$0x1BD80]  }
0xbdb: {  	[tilespmem:$0x5630] =	vst v1;
	v1 =	vmul.f32 v48, v47;
	v47 =	vld [tilespmem:$0x1BD90]  }
0xbdc: {  	v48 =	vld [tilespmem:$0x1BDA0]  }
0xbdd: {  	[tilespmem:$0x5620] =	vst v2;
	v2 =	vmul.f32 v50, v49;
	v49 =	vld [tilespmem:$0x1BDB0]  }
0xbde: {  	v50 =	vld [tilespmem:$0x1BDC0]  }
0xbdf: {  	[tilespmem:$0x5610] =	vst v0;
	v0 =	vmul.f32 v52, v51;
	v51 =	vld [tilespmem:$0x1BDD0]  }
0xbe0: {  	v52 =	vld [tilespmem:$0x1BDE0]  }
0xbe1: {  	[tilespmem:$0x5600] =	vst v1;
	v1 =	vmul.f32 v54, v53;
	v53 =	vld [tilespmem:$0x1BDF0]  }
0xbe2: {  	v54 =	vld [tilespmem:$0x1BE00]  }
0xbe3: {  	[tilespmem:$0x55F0] =	vst v2;
	v2 =	vmul.f32 v56, v55;
	v55 =	vld [tilespmem:$0x1BE10]  }
0xbe4: {  	v56 =	vld [tilespmem:$0x1BE20]  }
0xbe5: {  	[tilespmem:$0x55E0] =	vst v0;
	v0 =	vmul.f32 v58, v57;
	v57 =	vld [tilespmem:$0x1BE30]  }
0xbe6: {  	v58 =	vld [tilespmem:$0x1BE40]  }
0xbe7: {  	[tilespmem:$0x55D0] =	vst v1;
	v1 =	vmul.f32 v60, v59;
	v59 =	vld [tilespmem:$0x1BE50]  }
0xbe8: {  	v60 =	vld [tilespmem:$0x1BE60];
	[tilespmem:$0x55C0] =	vst v2  }
0xbe9: {  	v2 =	vmul.f32 v62, v61;
	[tilespmem:$0x55B0] =	vst v0;
	v61 =	vld [tilespmem:$0x1BE70]  }
0xbea: {  	v0 =	vmul.f32 v6, v63;
	[tilespmem:$0x55A0] =	vst v1;
	v62 =	vld [tilespmem:$0x1BE80]  }
0xbeb: {  	v1 =	vmul.f32 v8, v7;
	v63 =	vld [tilespmem:$0x1BE90];
	[tilespmem:$0x5590] =	vst v2  }
0xbec: {  	v6 =	vld [tilespmem:$0x1BEA0];
	v2 =	vmul.f32 v10, v9;
	[tilespmem:$0x5580] =	vst v0  }
0xbed: {  	v7 =	vld [tilespmem:$0x1BEB0];
	v0 =	vmul.f32 v12, v11;
	[tilespmem:$0x5570] =	vst v1  }
0xbee: {  	v8 =	vld [tilespmem:$0x1BEC0];
	v1 =	vmul.f32 v14, v13;
	[tilespmem:$0x5560] =	vst v2  }
0xbef: {  	v9 =	vld [tilespmem:$0x1BED0];
	v2 =	vmul.f32 v16, v15;
	[tilespmem:$0x5550] =	vst v0  }
0xbf0: {  	v10 =	vld [tilespmem:$0x1BEE0];
	v0 =	vmul.f32 v18, v17;
	[tilespmem:$0x5540] =	vst v1  }
0xbf1: {  	v11 =	vld [tilespmem:$0x1BEF0];
	v1 =	vmul.f32 v20, v19;
	[tilespmem:$0x5530] =	vst v2  }
0xbf2: {  	v12 =	vld [tilespmem:$0x1BF00];
	v2 =	vmul.f32 v22, v21;
	[tilespmem:$0x5520] =	vst v0  }
0xbf3: {  	v13 =	vld [tilespmem:$0x1BF10];
	v0 =	vmul.f32 v24, v23;
	[tilespmem:$0x5510] =	vst v1  }
0xbf4: {  	v14 =	vld [tilespmem:$0x1BF20];
	v1 =	vmul.f32 v26, v25;
	[tilespmem:$0x5500] =	vst v2  }
0xbf5: {  	v15 =	vld [tilespmem:$0x1BF30];
	v2 =	vmul.f32 v28, v27;
	[tilespmem:$0x54F0] =	vst v0  }
0xbf6: {  	v16 =	vld [tilespmem:$0x1BF40];
	v0 =	vmul.f32 v30, v29;
	[tilespmem:$0x54E0] =	vst v1  }
0xbf7: {  	v17 =	vld [tilespmem:$0x1BF50];
	v1 =	vmul.f32 v32, v31;
	[tilespmem:$0x54D0] =	vst v2  }
0xbf8: {  	v18 =	vld [tilespmem:$0x1BF60];
	v2 =	vmul.f32 v34, v33;
	[tilespmem:$0x54C0] =	vst v0  }
0xbf9: {  	v19 =	vld [tilespmem:$0x1BF70];
	v0 =	vmul.f32 v36, v35;
	[tilespmem:$0x54B0] =	vst v1  }
0xbfa: {  	v20 =	vld [tilespmem:$0x1BF80];
	v1 =	vmul.f32 v38, v37;
	[tilespmem:$0x54A0] =	vst v2  }
0xbfb: {  	v21 =	vld [tilespmem:$0x1BF90];
	v2 =	vmul.f32 v40, v39;
	[tilespmem:$0x5490] =	vst v0  }
0xbfc: {  	v22 =	vld [tilespmem:$0x1BFA0];
	v0 =	vmul.f32 v42, v41;
	[tilespmem:$0x5480] =	vst v1  }
0xbfd: {  	v23 =	vld [tilespmem:$0x1BFB0];
	v1 =	vmul.f32 v44, v43;
	[tilespmem:$0x5470] =	vst v2  }
0xbfe: {  	v24 =	vld [tilespmem:$0x1BFC0];
	v2 =	vmul.f32 v46, v45;
	[tilespmem:$0x5460] =	vst v0  }
0xbff: {  	v25 =	vld [tilespmem:$0x1BFD0];
	v0 =	vmul.f32 v48, v47;
	[tilespmem:$0x5450] =	vst v1  }
0xc00: {  	v26 =	vld [tilespmem:$0x1BFE0];
	v1 =	vmul.f32 v50, v49;
	[tilespmem:$0x5440] =	vst v2  }
0xc01: {  	v27 =	vld [tilespmem:$0x1BFF0];
	v2 =	vmul.f32 v52, v51;
	[tilespmem:$0x5430] =	vst v0  }
0xc02: {  	v28 =	vld [tilespmem:$0x1C000];
	v0 =	vmul.f32 v54, v53;
	[tilespmem:$0x5420] =	vst v1  }
0xc03: {  	v29 =	vld [tilespmem:$0x1C010];
	v1 =	vmul.f32 v56, v55;
	[tilespmem:$0x5410] =	vst v2  }
0xc04: {  	v30 =	vld [tilespmem:$0x1C020];
	v2 =	vmul.f32 v58, v57;
	[tilespmem:$0x5400] =	vst v0  }
0xc05: {  	v31 =	vld [tilespmem:$0x1C030];
	v0 =	vmul.f32 v60, v59;
	[tilespmem:$0x53F0] =	vst v1  }
0xc06: {  	v32 =	vld [tilespmem:$0x1C040];
	v1 =	vmul.f32 v62, v61;
	[tilespmem:$0x53E0] =	vst v2  }
0xc07: {  	v33 =	vld [tilespmem:$0x1C050];
	v2 =	vmul.f32 v6, v63;
	[tilespmem:$0x53D0] =	vst v0  }
0xc08: {  	v34 =	vld [tilespmem:$0x1C060];
	v0 =	vmul.f32 v8, v7;
	[tilespmem:$0x53C0] =	vst v1  }
0xc09: {  	v35 =	vld [tilespmem:$0x1C070];
	v1 =	vmul.f32 v10, v9;
	[tilespmem:$0x53B0] =	vst v2  }
0xc0a: {  	v36 =	vld [tilespmem:$0x1C080];
	v2 =	vmul.f32 v12, v11;
	[tilespmem:$0x53A0] =	vst v0  }
0xc0b: {  	v37 =	vld [tilespmem:$0x1C090];
	v0 =	vmul.f32 v14, v13;
	[tilespmem:$0x5390] =	vst v1  }
0xc0c: {  	v38 =	vld [tilespmem:$0x1C0A0];
	v1 =	vmul.f32 v16, v15;
	[tilespmem:$0x5380] =	vst v2  }
0xc0d: {  	v39 =	vld [tilespmem:$0x1C0B0];
	v2 =	vmul.f32 v18, v17;
	[tilespmem:$0x5370] =	vst v0  }
0xc0e: {  	v40 =	vld [tilespmem:$0x1C0C0];
	v0 =	vmul.f32 v20, v19;
	[tilespmem:$0x5360] =	vst v1  }
0xc0f: {  	v41 =	vld [tilespmem:$0x1C0D0];
	v1 =	vmul.f32 v22, v21;
	[tilespmem:$0x5350] =	vst v2  }
0xc10: {  	v42 =	vld [tilespmem:$0x1C0E0];
	v2 =	vmul.f32 v24, v23;
	[tilespmem:$0x5340] =	vst v0  }
0xc11: {  	v43 =	vld [tilespmem:$0x1C0F0];
	v0 =	vmul.f32 v26, v25;
	[tilespmem:$0x5330] =	vst v1  }
0xc12: {  	v44 =	vld [tilespmem:$0x1C100];
	v1 =	vmul.f32 v28, v27;
	[tilespmem:$0x5320] =	vst v2  }
0xc13: {  	v45 =	vld [tilespmem:$0x1C110];
	v2 =	vmul.f32 v30, v29;
	[tilespmem:$0x5310] =	vst v0  }
0xc14: {  	v46 =	vld [tilespmem:$0x1C120];
	v0 =	vmul.f32 v32, v31;
	[tilespmem:$0x5300] =	vst v1  }
0xc15: {  	v47 =	vld [tilespmem:$0x1C130];
	v1 =	vmul.f32 v34, v33;
	[tilespmem:$0x52F0] =	vst v2  }
0xc16: {  	v48 =	vld [tilespmem:$0x1C140];
	v2 =	vmul.f32 v36, v35;
	[tilespmem:$0x52E0] =	vst v0  }
0xc17: {  	v49 =	vld [tilespmem:$0x1C150];
	v0 =	vmul.f32 v38, v37;
	[tilespmem:$0x52D0] =	vst v1  }
0xc18: {  	v50 =	vld [tilespmem:$0x1C160];
	v1 =	vmul.f32 v40, v39;
	[tilespmem:$0x52C0] =	vst v2  }
0xc19: {  	v2 =	vmul.f32 v42, v41;
	[tilespmem:$0x52B0] =	vst v0  }
0xc1a: {  	v0 =	vmul.f32 v44, v43;
	[tilespmem:$0x52A0] =	vst v1  }
0xc1b: {  	v51 =	vld [tilespmem:$0x1C170];
	v1 =	vmul.f32 v46, v45;
	[tilespmem:$0x5290] =	vst v2  }
0xc1c: {  	v52 =	vld [tilespmem:$0x1C180];
	v2 =	vmul.f32 v48, v47;
	[tilespmem:$0x5280] =	vst v0  }
0xc1d: {  	v53 =	vld [tilespmem:$0x1C190];
	v0 =	vmul.f32 v50, v49;
	[tilespmem:$0x5270] =	vst v1  }
0xc1e: {  	v54 =	vld [tilespmem:$0x1C1A0];
	[tilespmem:$0x5260] =	vst v2  }
0xc1f: {  	v55 =	vld [tilespmem:$0x1C1B0];
	[tilespmem:$0x5250] =	vst v0  }
0xc20: {  	v56 =	vld [tilespmem:$0x1C1C0]  }
0xc21: {  	v57 =	vld [tilespmem:$0x1C1D0]  }
0xc22: {  	v58 =	vld [tilespmem:$0x1C1E0]  }
0xc23: {  	v59 =	vld [tilespmem:$0x1C1F0]  }
0xc24: {  	v60 =	vld [tilespmem:$0x1C200]  }
0xc25: {  	v61 =	vld [tilespmem:$0x1C210]  }
0xc26: {  	v62 =	vld [tilespmem:$0x1C220]  }
0xc27: {  	v63 =	vld [tilespmem:$0x1C230]  }
0xc28: {  	v6 =	vld [tilespmem:$0x1C240]  }
0xc29: {  	v7 =	vld [tilespmem:$0x1C250]  }
0xc2a: {  	v8 =	vld [tilespmem:$0x1C260]  }
0xc2b: {  	v9 =	vld [tilespmem:$0x1C270]  }
0xc2c: {  	v10 =	vld [tilespmem:$0x1C280]  }
0xc2d: {  	v11 =	vld [tilespmem:$0x1C290]  }
0xc2e: {  	v12 =	vld [tilespmem:$0x1C2A0]  }
0xc2f: {  	v13 =	vld [tilespmem:$0x1C2B0]  }
0xc30: {  	v14 =	vld [tilespmem:$0x1C2C0]  }
0xc31: {  	v15 =	vld [tilespmem:$0x1C2D0]  }
0xc32: {  	v16 =	vld [tilespmem:$0x1C2E0]  }
0xc33: {  	v17 =	vld [tilespmem:$0x1C2F0]  }
0xc34: {  	v18 =	vld [tilespmem:$0x1C300]  }
0xc35: {  	v19 =	vld [tilespmem:$0x1C310]  }
0xc36: {  	v20 =	vld [tilespmem:$0x1C320]  }
0xc37: {  	v21 =	vld [tilespmem:$0x1C330]  }
0xc38: {  	v22 =	vld [tilespmem:$0x1C340]  }
0xc39: {  	v23 =	vld [tilespmem:$0x1C350]  }
0xc3a: {  	v24 =	vld [tilespmem:$0x1C360]  }
0xc3b: {  	v25 =	vld [tilespmem:$0x1C370]  }
0xc3c: {  	v26 =	vld [tilespmem:$0x1C380]  }
0xc3d: {  	v27 =	vld [tilespmem:$0x1C390]  }
0xc3e: {  	v28 =	vld [tilespmem:$0x1C3A0]  }
0xc3f: {  	v29 =	vld [tilespmem:$0x1C3B0]  }
0xc40: {  	v30 =	vld [tilespmem:$0x1C3C0]  }
0xc41: {  	v31 =	vld [tilespmem:$0x1C3D0]  }
0xc42: {  	v32 =	vld [tilespmem:$0x1C3E0]  }
0xc43: {  	v33 =	vld [tilespmem:$0x1C3F0]  }
0xc44: {  	v34 =	vld [tilespmem:$0x1C400]  }
0xc45: {  	v35 =	vld [tilespmem:$0x1C410]  }
0xc46: {  	v36 =	vld [tilespmem:$0x1C420]  }
0xc47: {  	v37 =	vld [tilespmem:$0x1C430]  }
0xc48: {  	v38 =	vld [tilespmem:$0x1C440]  }
0xc49: {  	v39 =	vld [tilespmem:$0x1C450]  }
0xc4a: {  	v40 =	vld [tilespmem:$0x1C460]  }
0xc4b: {  	v41 =	vld [tilespmem:$0x1C470]  }
0xc4c: {  	v42 =	vld [tilespmem:$0x1C480]  }
0xc4d: {  	v43 =	vld [tilespmem:$0x1C490]  }
0xc4e: {  	v44 =	vld [tilespmem:$0x1C4A0]  }
0xc4f: {  	v45 =	vld [tilespmem:$0x1C4B0]  }
0xc50: {  	v46 =	vld [tilespmem:$0x1C4C0]  }
0xc51: {  	v47 =	vld [tilespmem:$0x1C4D0]  }
0xc52: {  	v48 =	vld [tilespmem:$0x1C4E0]  }
0xc53: {  	v49 =	vld [tilespmem:$0x1C4F0]  }
0xc54: {  	v50 =	vld [tilespmem:$0x1C500]  }
0xc55: {  	v1 =	vmul.f32 v52, v51;
	v51 =	vld [tilespmem:$0x1C510]  }
0xc56: {  	v52 =	vld [tilespmem:$0x1C520]  }
0xc57: {  	v2 =	vmul.f32 v54, v53;
	v53 =	vld [tilespmem:$0x1C530]  }
0xc58: {  	v54 =	vld [tilespmem:$0x1C540]  }
0xc59: {  	v0 =	vmul.f32 v56, v55;
	v55 =	vld [tilespmem:$0x1C550]  }
0xc5a: {  	v56 =	vld [tilespmem:$0x1C560]  }
0xc5b: {  	[tilespmem:$0x5240] =	vst v1;
	v1 =	vmul.f32 v58, v57;
	v57 =	vld [tilespmem:$0x1C570]  }
0xc5c: {  	v58 =	vld [tilespmem:$0x1C580]  }
0xc5d: {  	[tilespmem:$0x5230] =	vst v2;
	v2 =	vmul.f32 v60, v59;
	v59 =	vld [tilespmem:$0x1C590]  }
0xc5e: {  	v60 =	vld [tilespmem:$0x1C5A0]  }
0xc5f: {  	[tilespmem:$0x5220] =	vst v0;
	v0 =	vmul.f32 v62, v61;
	v61 =	vld [tilespmem:$0x1C5B0]  }
0xc60: {  	v62 =	vld [tilespmem:$0x1C5C0]  }
0xc61: {  	[tilespmem:$0x6160] =	vst v1;
	v1 =	vmul.f32 v6, v63;
	v63 =	vld [tilespmem:$0x1C5D0]  }
0xc62: {  	v6 =	vld [tilespmem:$0x1C5E0]  }
0xc63: {  	[tilespmem:$0x6170] =	vst v2;
	v2 =	vmul.f32 v8, v7;
	v7 =	vld [tilespmem:$0x1C5F0]  }
0xc64: {  	v8 =	vld [tilespmem:$0x1C600]  }
0xc65: {  	[tilespmem:$0x6180] =	vst v0;
	v0 =	vmul.f32 v10, v9;
	v9 =	vld [tilespmem:$0x1C610]  }
0xc66: {  	v10 =	vld [tilespmem:$0x1C620]  }
0xc67: {  	[tilespmem:$0x6190] =	vst v1;
	v1 =	vmul.f32 v12, v11;
	v11 =	vld [tilespmem:$0x1C630]  }
0xc68: {  	v12 =	vld [tilespmem:$0x1C640]  }
0xc69: {  	[tilespmem:$0x61A0] =	vst v2;
	v2 =	vmul.f32 v14, v13;
	v13 =	vld [tilespmem:$0x1C650]  }
0xc6a: {  	v14 =	vld [tilespmem:$0x1C660]  }
0xc6b: {  	[tilespmem:$0x61B0] =	vst v0;
	v0 =	vmul.f32 v16, v15;
	v15 =	vld [tilespmem:$0x1C670]  }
0xc6c: {  	v16 =	vld [tilespmem:$0x1C680]  }
0xc6d: {  	[tilespmem:$0x61C0] =	vst v1;
	v1 =	vmul.f32 v18, v17;
	v17 =	vld [tilespmem:$0x1C690]  }
0xc6e: {  	v18 =	vld [tilespmem:$0x1C6A0]  }
0xc6f: {  	[tilespmem:$0x61D0] =	vst v2;
	v2 =	vmul.f32 v20, v19;
	v19 =	vld [tilespmem:$0x1C6B0]  }
0xc70: {  	v20 =	vld [tilespmem:$0x1C6C0]  }
0xc71: {  	[tilespmem:$0x61E0] =	vst v0;
	v0 =	vmul.f32 v22, v21;
	v21 =	vld [tilespmem:$0x1C6D0]  }
0xc72: {  	v22 =	vld [tilespmem:$0x1C6E0]  }
0xc73: {  	[tilespmem:$0x61F0] =	vst v1;
	v1 =	vmul.f32 v24, v23;
	v23 =	vld [tilespmem:$0x1C6F0]  }
0xc74: {  	v24 =	vld [tilespmem:$0x1C700]  }
0xc75: {  	[tilespmem:$0x6200] =	vst v2;
	v2 =	vmul.f32 v26, v25;
	v25 =	vld [tilespmem:$0x1C710]  }
0xc76: {  	v26 =	vld [tilespmem:$0x1C720]  }
0xc77: {  	[tilespmem:$0x6210] =	vst v0;
	v0 =	vmul.f32 v28, v27;
	v27 =	vld [tilespmem:$0x1C730]  }
0xc78: {  	v28 =	vld [tilespmem:$0x1C740]  }
0xc79: {  	[tilespmem:$0x6220] =	vst v1;
	v1 =	vmul.f32 v30, v29;
	v29 =	vld [tilespmem:$0x1C750]  }
0xc7a: {  	v30 =	vld [tilespmem:$0x1C760]  }
0xc7b: {  	[tilespmem:$0x6230] =	vst v2;
	v2 =	vmul.f32 v32, v31;
	v31 =	vld [tilespmem:$0x1C770]  }
0xc7c: {  	v32 =	vld [tilespmem:$0x1C780]  }
0xc7d: {  	[tilespmem:$0x6240] =	vst v0;
	v0 =	vmul.f32 v34, v33;
	v33 =	vld [tilespmem:$0x1C790]  }
0xc7e: {  	v34 =	vld [tilespmem:$0x1C7A0]  }
0xc7f: {  	[tilespmem:$0x6250] =	vst v1;
	v1 =	vmul.f32 v36, v35;
	v35 =	vld [tilespmem:$0x1C7B0]  }
0xc80: {  	v36 =	vld [tilespmem:$0x1C7C0]  }
0xc81: {  	[tilespmem:$0x6260] =	vst v2;
	v2 =	vmul.f32 v38, v37;
	v37 =	vld [tilespmem:$0x1C7D0]  }
0xc82: {  	v38 =	vld [tilespmem:$0x1C7E0]  }
0xc83: {  	[tilespmem:$0x6270] =	vst v0;
	v0 =	vmul.f32 v40, v39;
	v39 =	vld [tilespmem:$0x1C7F0]  }
0xc84: {  	v40 =	vld [tilespmem:$0x1C800]  }
0xc85: {  	[tilespmem:$0x6280] =	vst v1;
	v1 =	vmul.f32 v42, v41;
	v41 =	vld [tilespmem:$0x1C810]  }
0xc86: {  	v42 =	vld [tilespmem:$0x1C820]  }
0xc87: {  	[tilespmem:$0x6290] =	vst v2;
	v2 =	vmul.f32 v44, v43;
	v43 =	vld [tilespmem:$0x1C830]  }
0xc88: {  	v44 =	vld [tilespmem:$0x1C840]  }
0xc89: {  	[tilespmem:$0x62A0] =	vst v0;
	v0 =	vmul.f32 v46, v45;
	v45 =	vld [tilespmem:$0x1C850]  }
0xc8a: {  	v46 =	vld [tilespmem:$0x1C860]  }
0xc8b: {  	[tilespmem:$0x62B0] =	vst v1;
	v1 =	vmul.f32 v48, v47;
	v47 =	vld [tilespmem:$0x1C870]  }
0xc8c: {  	v48 =	vld [tilespmem:$0x1C880]  }
0xc8d: {  	[tilespmem:$0x62C0] =	vst v2;
	v2 =	vmul.f32 v50, v49;
	v49 =	vld [tilespmem:$0x1C890]  }
0xc8e: {  	v50 =	vld [tilespmem:$0x1C8A0]  }
0xc8f: {  	[tilespmem:$0x62D0] =	vst v0;
	v0 =	vmul.f32 v52, v51;
	v51 =	vld [tilespmem:$0x1C8B0]  }
0xc90: {  	v52 =	vld [tilespmem:$0x1C8C0]  }
0xc91: {  	[tilespmem:$0x62E0] =	vst v1;
	v1 =	vmul.f32 v54, v53;
	v53 =	vld [tilespmem:$0x1C8D0]  }
0xc92: {  	v54 =	vld [tilespmem:$0x1C8E0]  }
0xc93: {  	[tilespmem:$0x62F0] =	vst v2;
	v2 =	vmul.f32 v56, v55;
	v55 =	vld [tilespmem:$0x1C8F0]  }
0xc94: {  	v56 =	vld [tilespmem:$0x1C900]  }
0xc95: {  	[tilespmem:$0x6300] =	vst v0;
	v0 =	vmul.f32 v58, v57;
	v57 =	vld [tilespmem:$0x1C910]  }
0xc96: {  	v58 =	vld [tilespmem:$0x1C920]  }
0xc97: {  	[tilespmem:$0x6310] =	vst v1;
	v1 =	vmul.f32 v60, v59;
	v59 =	vld [tilespmem:$0x1C930]  }
0xc98: {  	v60 =	vld [tilespmem:$0x1C940]  }
0xc99: {  	[tilespmem:$0x6320] =	vst v2;
	v2 =	vmul.f32 v62, v61;
	v61 =	vld [tilespmem:$0x1C950]  }
0xc9a: {  	v62 =	vld [tilespmem:$0x1C960]  }
0xc9b: {  	[tilespmem:$0x6330] =	vst v0;
	v0 =	vmul.f32 v6, v63;
	v63 =	vld [tilespmem:$0x1C970]  }
0xc9c: {  	v6 =	vld [tilespmem:$0x1C980]  }
0xc9d: {  	[tilespmem:$0x6340] =	vst v1;
	v1 =	vmul.f32 v8, v7;
	v7 =	vld [tilespmem:$0x1C990]  }
0xc9e: {  	v8 =	vld [tilespmem:$0x1C9A0]  }
0xc9f: {  	[tilespmem:$0x6350] =	vst v2;
	v2 =	vmul.f32 v10, v9;
	v9 =	vld [tilespmem:$0x1C9B0]  }
0xca0: {  	v10 =	vld [tilespmem:$0x1C9C0]  }
0xca1: {  	[tilespmem:$0x6360] =	vst v0;
	v0 =	vmul.f32 v12, v11;
	v11 =	vld [tilespmem:$0x1C9D0]  }
0xca2: {  	v12 =	vld [tilespmem:$0x1C9E0]  }
0xca3: {  	[tilespmem:$0x6370] =	vst v1;
	v1 =	vmul.f32 v14, v13;
	v13 =	vld [tilespmem:$0x1C9F0]  }
0xca4: {  	v14 =	vld [tilespmem:$0x1CA00]  }
0xca5: {  	[tilespmem:$0x6380] =	vst v2;
	v2 =	vmul.f32 v16, v15;
	v15 =	vld [tilespmem:$0x1CA10]  }
0xca6: {  	v16 =	vld [tilespmem:$0x1CA20]  }
0xca7: {  	[tilespmem:$0x6390] =	vst v0;
	v0 =	vmul.f32 v18, v17;
	v17 =	vld [tilespmem:$0x1CA30]  }
0xca8: {  	v18 =	vld [tilespmem:$0x1CA40]  }
0xca9: {  	[tilespmem:$0x63A0] =	vst v1;
	v1 =	vmul.f32 v20, v19;
	v19 =	vld [tilespmem:$0x1CA50]  }
0xcaa: {  	v20 =	vld [tilespmem:$0x1CA60]  }
0xcab: {  	[tilespmem:$0x63B0] =	vst v2;
	v2 =	vmul.f32 v22, v21;
	v21 =	vld [tilespmem:$0x1CA70]  }
0xcac: {  	v22 =	vld [tilespmem:$0x1CA80]  }
0xcad: {  	[tilespmem:$0x63C0] =	vst v0;
	v0 =	vmul.f32 v24, v23;
	v23 =	vld [tilespmem:$0x1CA90]  }
0xcae: {  	v24 =	vld [tilespmem:$0x1CAA0]  }
0xcaf: {  	[tilespmem:$0x63D0] =	vst v1;
	v1 =	vmul.f32 v26, v25;
	v25 =	vld [tilespmem:$0x1CAB0]  }
0xcb0: {  	v26 =	vld [tilespmem:$0x1CAC0]  }
0xcb1: {  	[tilespmem:$0x63E0] =	vst v2;
	v2 =	vmul.f32 v28, v27;
	v27 =	vld [tilespmem:$0x1CAD0]  }
0xcb2: {  	v28 =	vld [tilespmem:$0x1CAE0]  }
0xcb3: {  	[tilespmem:$0x63F0] =	vst v0;
	v0 =	vmul.f32 v30, v29;
	v29 =	vld [tilespmem:$0x1CAF0]  }
0xcb4: {  	v30 =	vld [tilespmem:$0x1CB00]  }
0xcb5: {  	[tilespmem:$0x6400] =	vst v1;
	v1 =	vmul.f32 v32, v31;
	v31 =	vld [tilespmem:$0x1CB10]  }
0xcb6: {  	v32 =	vld [tilespmem:$0x1CB20]  }
0xcb7: {  	[tilespmem:$0x6410] =	vst v2;
	v2 =	vmul.f32 v34, v33;
	v33 =	vld [tilespmem:$0x1CB30]  }
0xcb8: {  	v34 =	vld [tilespmem:$0x1CB40]  }
0xcb9: {  	[tilespmem:$0x6420] =	vst v0;
	v0 =	vmul.f32 v36, v35;
	v35 =	vld [tilespmem:$0x1CB50]  }
0xcba: {  	v36 =	vld [tilespmem:$0x1CB60]  }
0xcbb: {  	[tilespmem:$0x6430] =	vst v1;
	v1 =	vmul.f32 v38, v37;
	v37 =	vld [tilespmem:$0x1CB70]  }
0xcbc: {  	v38 =	vld [tilespmem:$0x1CB80]  }
0xcbd: {  	[tilespmem:$0x6440] =	vst v2;
	v2 =	vmul.f32 v40, v39;
	v39 =	vld [tilespmem:$0x1CB90]  }
0xcbe: {  	v40 =	vld [tilespmem:$0x1CBA0]  }
0xcbf: {  	[tilespmem:$0x6450] =	vst v0;
	v0 =	vmul.f32 v42, v41;
	v41 =	vld [tilespmem:$0x1CBB0]  }
0xcc0: {  	v42 =	vld [tilespmem:$0x1CBC0]  }
0xcc1: {  	[tilespmem:$0x6460] =	vst v1;
	v1 =	vmul.f32 v44, v43;
	v43 =	vld [tilespmem:$0x1CBD0]  }
0xcc2: {  	v44 =	vld [tilespmem:$0x1CBE0]  }
0xcc3: {  	[tilespmem:$0x6470] =	vst v2;
	v2 =	vmul.f32 v46, v45;
	v45 =	vld [tilespmem:$0x1CBF0]  }
0xcc4: {  	v46 =	vld [tilespmem:$0x1CC00]  }
0xcc5: {  	[tilespmem:$0x6480] =	vst v0;
	v0 =	vmul.f32 v48, v47;
	v47 =	vld [tilespmem:$0x1CC10]  }
0xcc6: {  	v48 =	vld [tilespmem:$0x1CC20]  }
0xcc7: {  	[tilespmem:$0x6490] =	vst v1;
	v1 =	vmul.f32 v50, v49;
	v49 =	vld [tilespmem:$0x1CC30]  }
0xcc8: {  	v50 =	vld [tilespmem:$0x1CC40]  }
0xcc9: {  	[tilespmem:$0x64A0] =	vst v2;
	v2 =	vmul.f32 v52, v51;
	v51 =	vld [tilespmem:$0x1CC50]  }
0xcca: {  	v52 =	vld [tilespmem:$0x1CC60]  }
0xccb: {  	[tilespmem:$0x64B0] =	vst v0;
	v0 =	vmul.f32 v54, v53;
	v53 =	vld [tilespmem:$0x1CC70]  }
0xccc: {  	v54 =	vld [tilespmem:$0x1CC80]  }
0xccd: {  	[tilespmem:$0x64C0] =	vst v1;
	v1 =	vmul.f32 v56, v55;
	v55 =	vld [tilespmem:$0x1CC90]  }
0xcce: {  	v56 =	vld [tilespmem:$0x1CCA0]  }
0xccf: {  	[tilespmem:$0x64D0] =	vst v2;
	v2 =	vmul.f32 v58, v57;
	v57 =	vld [tilespmem:$0x1CCB0]  }
0xcd0: {  	v58 =	vld [tilespmem:$0x1CCC0]  }
0xcd1: {  	[tilespmem:$0x64E0] =	vst v0;
	v0 =	vmul.f32 v60, v59;
	v59 =	vld [tilespmem:$0x1CCD0]  }
0xcd2: {  	v60 =	vld [tilespmem:$0x1CCE0]  }
0xcd3: {  	[tilespmem:$0x64F0] =	vst v1;
	v1 =	vmul.f32 v62, v61;
	v61 =	vld [tilespmem:$0x1CCF0]  }
0xcd4: {  	v62 =	vld [tilespmem:$0x1CD00]  }
0xcd5: {  	[tilespmem:$0x6500] =	vst v2;
	v2 =	vmul.f32 v6, v63;
	v63 =	vld [tilespmem:$0x1CD10]  }
0xcd6: {  	v6 =	vld [tilespmem:$0x1CD20]  }
0xcd7: {  	[tilespmem:$0x6510] =	vst v0;
	v0 =	vmul.f32 v8, v7;
	v7 =	vld [tilespmem:$0x1CD30]  }
0xcd8: {  	v8 =	vld [tilespmem:$0x1CD40]  }
0xcd9: {  	[tilespmem:$0x6520] =	vst v1;
	v1 =	vmul.f32 v10, v9;
	v9 =	vld [tilespmem:$0x1CD50]  }
0xcda: {  	v10 =	vld [tilespmem:$0x1CD60]  }
0xcdb: {  	[tilespmem:$0x6530] =	vst v2;
	v2 =	vmul.f32 v12, v11;
	v11 =	vld [tilespmem:$0x1CD70]  }
0xcdc: {  	v12 =	vld [tilespmem:$0x1CD80]  }
0xcdd: {  	[tilespmem:$0x6540] =	vst v0;
	v0 =	vmul.f32 v14, v13;
	v13 =	vld [tilespmem:$0x1CD90]  }
0xcde: {  	v14 =	vld [tilespmem:$0x1CDA0]  }
0xcdf: {  	[tilespmem:$0x6550] =	vst v1;
	v1 =	vmul.f32 v16, v15;
	v15 =	vld [tilespmem:$0x1CDB0]  }
0xce0: {  	v16 =	vld [tilespmem:$0x1CDC0]  }
0xce1: {  	[tilespmem:$0x6560] =	vst v2;
	v2 =	vmul.f32 v18, v17;
	v17 =	vld [tilespmem:$0x1CDD0]  }
0xce2: {  	v18 =	vld [tilespmem:$0x1CDE0]  }
0xce3: {  	[tilespmem:$0x6570] =	vst v0;
	v0 =	vmul.f32 v20, v19;
	v19 =	vld [tilespmem:$0x1CDF0]  }
0xce4: {  	v20 =	vld [tilespmem:$0x1CE00]  }
0xce5: {  	[tilespmem:$0x6580] =	vst v1;
	v1 =	vmul.f32 v22, v21;
	v21 =	vld [tilespmem:$0x1CE10]  }
0xce6: {  	v22 =	vld [tilespmem:$0x1CE20]  }
0xce7: {  	[tilespmem:$0x6590] =	vst v2;
	v2 =	vmul.f32 v24, v23;
	v23 =	vld [tilespmem:$0x1CE30]  }
0xce8: {  	v24 =	vld [tilespmem:$0x1CE40]  }
0xce9: {  	[tilespmem:$0x65A0] =	vst v0;
	v0 =	vmul.f32 v26, v25;
	v25 =	vld [tilespmem:$0x1CE50]  }
0xcea: {  	v26 =	vld [tilespmem:$0x1CE60]  }
0xceb: {  	[tilespmem:$0x65B0] =	vst v1;
	v1 =	vmul.f32 v28, v27;
	v27 =	vld [tilespmem:$0x1CE70]  }
0xcec: {  	v28 =	vld [tilespmem:$0x1CE80]  }
0xced: {  	[tilespmem:$0x65C0] =	vst v2;
	v2 =	vmul.f32 v30, v29;
	v29 =	vld [tilespmem:$0x1CE90]  }
0xcee: {  	v30 =	vld [tilespmem:$0x1CEA0]  }
0xcef: {  	[tilespmem:$0x65D0] =	vst v0;
	v0 =	vmul.f32 v32, v31;
	v31 =	vld [tilespmem:$0x1CEB0]  }
0xcf0: {  	v32 =	vld [tilespmem:$0x1CEC0]  }
0xcf1: {  	[tilespmem:$0x65E0] =	vst v1;
	v1 =	vmul.f32 v34, v33;
	v33 =	vld [tilespmem:$0x1CED0]  }
0xcf2: {  	v34 =	vld [tilespmem:$0x1CEE0]  }
0xcf3: {  	[tilespmem:$0x65F0] =	vst v2;
	v2 =	vmul.f32 v36, v35;
	v35 =	vld [tilespmem:$0x1CEF0]  }
0xcf4: {  	v36 =	vld [tilespmem:$0x1CF00]  }
0xcf5: {  	[tilespmem:$0x6600] =	vst v0;
	v0 =	vmul.f32 v38, v37;
	v37 =	vld [tilespmem:$0x1CF10]  }
0xcf6: {  	v38 =	vld [tilespmem:$0x1CF20]  }
0xcf7: {  	[tilespmem:$0x6610] =	vst v1;
	v1 =	vmul.f32 v40, v39;
	v39 =	vld [tilespmem:$0x1CF30]  }
0xcf8: {  	v40 =	vld [tilespmem:$0x1CF40]  }
0xcf9: {  	[tilespmem:$0x6620] =	vst v2;
	v2 =	vmul.f32 v42, v41;
	v41 =	vld [tilespmem:$0x1CF50]  }
0xcfa: {  	v42 =	vld [tilespmem:$0x1CF60]  }
0xcfb: {  	[tilespmem:$0x6630] =	vst v0;
	v0 =	vmul.f32 v44, v43;
	v43 =	vld [tilespmem:$0x1CF70]  }
0xcfc: {  	v44 =	vld [tilespmem:$0x1CF80]  }
0xcfd: {  	[tilespmem:$0x6640] =	vst v1;
	v1 =	vmul.f32 v46, v45;
	v45 =	vld [tilespmem:$0x1CF90]  }
0xcfe: {  	v46 =	vld [tilespmem:$0x1CFA0]  }
0xcff: {  	[tilespmem:$0x6650] =	vst v2;
	v2 =	vmul.f32 v48, v47;
	v47 =	vld [tilespmem:$0x1CFB0]  }
0xd00: {  	v48 =	vld [tilespmem:$0x1CFC0]  }
0xd01: {  	[tilespmem:$0x6660] =	vst v0;
	v0 =	vmul.f32 v50, v49;
	v49 =	vld [tilespmem:$0x1CFD0]  }
0xd02: {  	v50 =	vld [tilespmem:$0x1CFE0]  }
0xd03: {  	[tilespmem:$0x6670] =	vst v1;
	v1 =	vmul.f32 v52, v51;
	v51 =	vld [tilespmem:$0x1CFF0]  }
0xd04: {  	v52 =	vld [tilespmem:$0x1D000]  }
0xd05: {  	[tilespmem:$0x6680] =	vst v2;
	v2 =	vmul.f32 v54, v53;
	v53 =	vld [tilespmem:$0x1D010]  }
0xd06: {  	v54 =	vld [tilespmem:$0x1D020]  }
0xd07: {  	[tilespmem:$0x6690] =	vst v0;
	v0 =	vmul.f32 v56, v55;
	v55 =	vld [tilespmem:$0x1D030]  }
0xd08: {  	v56 =	vld [tilespmem:$0x1D040]  }
0xd09: {  	[tilespmem:$0x66A0] =	vst v1;
	v1 =	vmul.f32 v58, v57;
	v57 =	vld [tilespmem:$0x1D050]  }
0xd0a: {  	v58 =	vld [tilespmem:$0x1D060]  }
0xd0b: {  	[tilespmem:$0x66B0] =	vst v2;
	v2 =	vmul.f32 v60, v59;
	v59 =	vld [tilespmem:$0x1D070]  }
0xd0c: {  	v60 =	vld [tilespmem:$0x1D080]  }
0xd0d: {  	[tilespmem:$0x66C0] =	vst v0;
	v0 =	vmul.f32 v62, v61;
	v61 =	vld [tilespmem:$0x1D090]  }
0xd0e: {  	v62 =	vld [tilespmem:$0x1D0A0]  }
0xd0f: {  	[tilespmem:$0x66D0] =	vst v1;
	v1 =	vmul.f32 v6, v63;
	v63 =	vld [tilespmem:$0x1D0B0]  }
0xd10: {  	v6 =	vld [tilespmem:$0x1D0C0]  }
0xd11: {  	[tilespmem:$0x66E0] =	vst v2;
	v2 =	vmul.f32 v8, v7;
	v7 =	vld [tilespmem:$0x1D0D0]  }
0xd12: {  	v8 =	vld [tilespmem:$0x1D0E0]  }
0xd13: {  	[tilespmem:$0x66F0] =	vst v0;
	v0 =	vmul.f32 v10, v9;
	v9 =	vld [tilespmem:$0x1D0F0]  }
0xd14: {  	v10 =	vld [tilespmem:$0x1D100]  }
0xd15: {  	[tilespmem:$0x6700] =	vst v1;
	v1 =	vmul.f32 v12, v11;
	v11 =	vld [tilespmem:$0x1D110]  }
0xd16: {  	v12 =	vld [tilespmem:$0x1D120]  }
0xd17: {  	[tilespmem:$0x6710] =	vst v2;
	v2 =	vmul.f32 v14, v13;
	v13 =	vld [tilespmem:$0x1D130]  }
0xd18: {  	v14 =	vld [tilespmem:$0x1D140]  }
0xd19: {  	[tilespmem:$0x6720] =	vst v0;
	v0 =	vmul.f32 v16, v15;
	v15 =	vld [tilespmem:$0x1D150]  }
0xd1a: {  	v16 =	vld [tilespmem:$0x1D160]  }
0xd1b: {  	[tilespmem:$0x6730] =	vst v1;
	v1 =	vmul.f32 v18, v17;
	v17 =	vld [tilespmem:$0x1D170]  }
0xd1c: {  	v18 =	vld [tilespmem:$0x1D180]  }
0xd1d: {  	[tilespmem:$0x6740] =	vst v2;
	v2 =	vmul.f32 v20, v19;
	v19 =	vld [tilespmem:$0x1D190]  }
0xd1e: {  	v20 =	vld [tilespmem:$0x1D1A0]  }
0xd1f: {  	[tilespmem:$0x6750] =	vst v0;
	v0 =	vmul.f32 v22, v21;
	v21 =	vld [tilespmem:$0x1D1B0]  }
0xd20: {  	v22 =	vld [tilespmem:$0x1D1C0]  }
0xd21: {  	[tilespmem:$0x6760] =	vst v1;
	v1 =	vmul.f32 v24, v23;
	v23 =	vld [tilespmem:$0x1D1D0]  }
0xd22: {  	v24 =	vld [tilespmem:$0x1D1E0]  }
0xd23: {  	[tilespmem:$0x6770] =	vst v2;
	v2 =	vmul.f32 v26, v25;
	v25 =	vld [tilespmem:$0x1D1F0]  }
0xd24: {  	v26 =	vld [tilespmem:$0x1D200]  }
0xd25: {  	[tilespmem:$0x6780] =	vst v0;
	v0 =	vmul.f32 v28, v27;
	v27 =	vld [tilespmem:$0x1D210]  }
0xd26: {  	v28 =	vld [tilespmem:$0x1D220]  }
0xd27: {  	[tilespmem:$0x6790] =	vst v1;
	v1 =	vmul.f32 v30, v29;
	v29 =	vld [tilespmem:$0x1D230]  }
0xd28: {  	v30 =	vld [tilespmem:$0x1D240]  }
0xd29: {  	[tilespmem:$0x67A0] =	vst v2;
	v2 =	vmul.f32 v32, v31;
	v31 =	vld [tilespmem:$0x1D250]  }
0xd2a: {  	v32 =	vld [tilespmem:$0x1D260]  }
0xd2b: {  	[tilespmem:$0x67B0] =	vst v0;
	v0 =	vmul.f32 v34, v33;
	v33 =	vld [tilespmem:$0x1D270]  }
0xd2c: {  	v34 =	vld [tilespmem:$0x1D280]  }
0xd2d: {  	[tilespmem:$0x67C0] =	vst v1;
	v1 =	vmul.f32 v36, v35;
	v35 =	vld [tilespmem:$0x1D290]  }
0xd2e: {  	v36 =	vld [tilespmem:$0x1D2A0]  }
0xd2f: {  	[tilespmem:$0x67D0] =	vst v2;
	v2 =	vmul.f32 v38, v37;
	v37 =	vld [tilespmem:$0x1D2B0]  }
0xd30: {  	v38 =	vld [tilespmem:$0x1D2C0]  }
0xd31: {  	[tilespmem:$0x67E0] =	vst v0;
	v0 =	vmul.f32 v40, v39;
	v39 =	vld [tilespmem:$0x1D2D0]  }
0xd32: {  	v40 =	vld [tilespmem:$0x1D2E0]  }
0xd33: {  	[tilespmem:$0x67F0] =	vst v1;
	v1 =	vmul.f32 v42, v41;
	v41 =	vld [tilespmem:$0x1D2F0]  }
0xd34: {  	v42 =	vld [tilespmem:$0x1D300]  }
0xd35: {  	[tilespmem:$0x6800] =	vst v2;
	v2 =	vmul.f32 v44, v43;
	v43 =	vld [tilespmem:$0x1D310]  }
0xd36: {  	v44 =	vld [tilespmem:$0x1D320]  }
0xd37: {  	[tilespmem:$0x6810] =	vst v0;
	v0 =	vmul.f32 v46, v45;
	v45 =	vld [tilespmem:$0x1D330]  }
0xd38: {  	[tilespmem:$0x6820] =	vst v1;
	v46 =	vld [tilespmem:$0x1D340]  }
0xd39: {  	v1 =	vmul.f32 v48, v47;
	[tilespmem:$0x6830] =	vst v2;
	v47 =	vld [tilespmem:$0x1D350]  }
0xd3a: {  	v2 =	vmul.f32 v50, v49;
	v48 =	vld [tilespmem:$0x1D360];
	[tilespmem:$0x6840] =	vst v0  }
0xd3b: {  	v49 =	vld [tilespmem:$0x1D370];
	v0 =	vmul.f32 v52, v51;
	[tilespmem:$0x6850] =	vst v1  }
0xd3c: {  	v50 =	vld [tilespmem:$0x1D380];
	v1 =	vmul.f32 v54, v53;
	[tilespmem:$0x6860] =	vst v2  }
0xd3d: {  	v2 =	vmul.f32 v56, v55;
	v51 =	vld [tilespmem:$0x1D390];
	[tilespmem:$0x6870] =	vst v0  }
0xd3e: {  	v52 =	vld [tilespmem:$0x1D3A0];
	v0 =	vmul.f32 v58, v57;
	[tilespmem:$0x6880] =	vst v1  }
0xd3f: {  	v53 =	vld [tilespmem:$0x1D3B0];
	v1 =	vmul.f32 v60, v59;
	[tilespmem:$0x6890] =	vst v2  }
0xd40: {  	v54 =	vld [tilespmem:$0x1D3C0];
	v2 =	vmul.f32 v62, v61;
	[tilespmem:$0x68A0] =	vst v0  }
0xd41: {  	v55 =	vld [tilespmem:$0x1D3D0];
	v0 =	vmul.f32 v6, v63;
	[tilespmem:$0x68B0] =	vst v1  }
0xd42: {  	v56 =	vld [tilespmem:$0x1D3E0];
	v1 =	vmul.f32 v8, v7;
	[tilespmem:$0x68C0] =	vst v2  }
0xd43: {  	v57 =	vld [tilespmem:$0x1D3F0];
	v2 =	vmul.f32 v10, v9;
	[tilespmem:$0x68D0] =	vst v0  }
0xd44: {  	v58 =	vld [tilespmem:$0x1D400];
	v0 =	vmul.f32 v12, v11;
	[tilespmem:$0x68E0] =	vst v1  }
0xd45: {  	v59 =	vld [tilespmem:$0x1D410];
	v1 =	vmul.f32 v14, v13;
	[tilespmem:$0x68F0] =	vst v2  }
0xd46: {  	v60 =	vld [tilespmem:$0x1D420];
	v2 =	vmul.f32 v16, v15;
	[tilespmem:$0x6900] =	vst v0  }
0xd47: {  	v61 =	vld [tilespmem:$0x1D430];
	v0 =	vmul.f32 v18, v17;
	[tilespmem:$0x6910] =	vst v1  }
0xd48: {  	v62 =	vld [tilespmem:$0x1D440];
	v1 =	vmul.f32 v20, v19;
	[tilespmem:$0x6920] =	vst v2  }
0xd49: {  	v63 =	vld [tilespmem:$0x1D450];
	v2 =	vmul.f32 v22, v21;
	[tilespmem:$0x6930] =	vst v0  }
0xd4a: {  	v6 =	vld [tilespmem:$0x1D460];
	v0 =	vmul.f32 v24, v23;
	[tilespmem:$0x6940] =	vst v1  }
0xd4b: {  	v7 =	vld [tilespmem:$0x1D470];
	v1 =	vmul.f32 v26, v25;
	[tilespmem:$0x6950] =	vst v2  }
0xd4c: {  	v8 =	vld [tilespmem:$0x1D480];
	v2 =	vmul.f32 v28, v27;
	[tilespmem:$0x6960] =	vst v0  }
0xd4d: {  	v9 =	vld [tilespmem:$0x1D490];
	v0 =	vmul.f32 v30, v29;
	[tilespmem:$0x6970] =	vst v1  }
0xd4e: {  	v10 =	vld [tilespmem:$0x1D4A0];
	v1 =	vmul.f32 v32, v31;
	[tilespmem:$0x6980] =	vst v2  }
0xd4f: {  	v11 =	vld [tilespmem:$0x1D4B0];
	v2 =	vmul.f32 v34, v33;
	[tilespmem:$0x6990] =	vst v0  }
0xd50: {  	v12 =	vld [tilespmem:$0x1D4C0];
	v0 =	vmul.f32 v36, v35;
	[tilespmem:$0x69A0] =	vst v1  }
0xd51: {  	v13 =	vld [tilespmem:$0x1D4D0];
	v1 =	vmul.f32 v38, v37;
	[tilespmem:$0x69B0] =	vst v2  }
0xd52: {  	v14 =	vld [tilespmem:$0x1D4E0];
	v2 =	vmul.f32 v40, v39;
	[tilespmem:$0x69C0] =	vst v0  }
0xd53: {  	v15 =	vld [tilespmem:$0x1D4F0];
	v0 =	vmul.f32 v42, v41;
	[tilespmem:$0x69D0] =	vst v1  }
0xd54: {  	v16 =	vld [tilespmem:$0x1D500];
	v1 =	vmul.f32 v44, v43;
	[tilespmem:$0x69E0] =	vst v2  }
0xd55: {  	v17 =	vld [tilespmem:$0x1D510];
	v2 =	vmul.f32 v46, v45;
	[tilespmem:$0x69F0] =	vst v0  }
0xd56: {  	v18 =	vld [tilespmem:$0x1D520];
	v0 =	vmul.f32 v48, v47;
	[tilespmem:$0x6A00] =	vst v1  }
0xd57: {  	v19 =	vld [tilespmem:$0x1D530];
	v1 =	vmul.f32 v50, v49;
	[tilespmem:$0x6A10] =	vst v2  }
0xd58: {  	v20 =	vld [tilespmem:$0x1D540];
	v2 =	vmul.f32 v52, v51;
	[tilespmem:$0x6A20] =	vst v0  }
0xd59: {  	v21 =	vld [tilespmem:$0x1D550];
	v0 =	vmul.f32 v54, v53;
	[tilespmem:$0x6A30] =	vst v1  }
0xd5a: {  	v22 =	vld [tilespmem:$0x1D560];
	v1 =	vmul.f32 v56, v55;
	[tilespmem:$0x6A40] =	vst v2  }
0xd5b: {  	v23 =	vld [tilespmem:$0x1D570];
	v2 =	vmul.f32 v58, v57;
	[tilespmem:$0x6A50] =	vst v0  }
0xd5c: {  	v24 =	vld [tilespmem:$0x1D580];
	v0 =	vmul.f32 v60, v59;
	[tilespmem:$0x6A60] =	vst v1  }
0xd5d: {  	v25 =	vld [tilespmem:$0x1D590];
	v1 =	vmul.f32 v62, v61;
	[tilespmem:$0x6A70] =	vst v2  }
0xd5e: {  	v26 =	vld [tilespmem:$0x1D5A0];
	v2 =	vmul.f32 v6, v63;
	[tilespmem:$0x6A80] =	vst v0  }
0xd5f: {  	v27 =	vld [tilespmem:$0x1D5B0];
	v0 =	vmul.f32 v8, v7;
	[tilespmem:$0x6A90] =	vst v1  }
0xd60: {  	v28 =	vld [tilespmem:$0x1D5C0];
	v1 =	vmul.f32 v10, v9;
	[tilespmem:$0x6AA0] =	vst v2  }
0xd61: {  	v29 =	vld [tilespmem:$0x1D5D0];
	v2 =	vmul.f32 v12, v11;
	[tilespmem:$0x6AB0] =	vst v0  }
0xd62: {  	v30 =	vld [tilespmem:$0x1D5E0];
	v0 =	vmul.f32 v14, v13;
	[tilespmem:$0x6AC0] =	vst v1  }
0xd63: {  	v31 =	vld [tilespmem:$0x1D5F0];
	v1 =	vmul.f32 v16, v15;
	[tilespmem:$0x6AD0] =	vst v2  }
0xd64: {  	v32 =	vld [tilespmem:$0x1D600];
	v2 =	vmul.f32 v18, v17;
	[tilespmem:$0x6AE0] =	vst v0  }
0xd65: {  	v33 =	vld [tilespmem:$0x1D610];
	v0 =	vmul.f32 v20, v19;
	[tilespmem:$0x6AF0] =	vst v1  }
0xd66: {  	v34 =	vld [tilespmem:$0x1D620];
	v1 =	vmul.f32 v22, v21;
	[tilespmem:$0x6B00] =	vst v2  }
0xd67: {  	v35 =	vld [tilespmem:$0x1D630];
	v2 =	vmul.f32 v24, v23;
	[tilespmem:$0x6B10] =	vst v0  }
0xd68: {  	v36 =	vld [tilespmem:$0x1D640];
	v0 =	vmul.f32 v26, v25;
	[tilespmem:$0x6B20] =	vst v1  }
0xd69: {  	v1 =	vmul.f32 v28, v27;
	[tilespmem:$0x6B30] =	vst v2  }
0xd6a: {  	v2 =	vmul.f32 v30, v29;
	[tilespmem:$0x6B40] =	vst v0  }
0xd6b: {  	v0 =	vmul.f32 v32, v31;
	[tilespmem:$0x6B50] =	vst v1  }
0xd6c: {  	v37 =	vld [tilespmem:$0x1D650];
	v1 =	vmul.f32 v34, v33;
	[tilespmem:$0x6B60] =	vst v2  }
0xd6d: {  	v38 =	vld [tilespmem:$0x1D660];
	v2 =	vmul.f32 v36, v35;
	[tilespmem:$0x6B70] =	vst v0  }
0xd6e: {  	v39 =	vld [tilespmem:$0x1D670];
	[tilespmem:$0x6B80] =	vst v1  }
0xd6f: {  	v40 =	vld [tilespmem:$0x1D680];
	[tilespmem:$0x6B90] =	vst v2  }
0xd70: {  	v2 =	vld [tilespmem:$0x1D690]  }
0xd71: {  	v41 =	vld [tilespmem:$0x1D6A0]  }
0xd72: {  	v42 =	vld [tilespmem:$0x1D6B0]  }
0xd73: {  	v43 =	vld [tilespmem:$0x1D6C0]  }
0xd74: {  	v44 =	vld [tilespmem:$0x1D6D0]  }
0xd75: {  	v45 =	vld [tilespmem:$0x1D6E0]  }
0xd76: {  	v46 =	vld [tilespmem:$0x1D6F0]  }
0xd77: {  	v47 =	vld [tilespmem:$0x1D700]  }
0xd78: {  	v48 =	vld [tilespmem:$0x1D710]  }
0xd79: {  	v49 =	vld [tilespmem:$0x1D720]  }
0xd7a: {  	v50 =	vld [tilespmem:$0x1D730]  }
0xd7b: {  	v51 =	vld [tilespmem:$0x1D740]  }
0xd7c: {  	v52 =	vld [tilespmem:$0x1D750]  }
0xd7d: {  	v53 =	vld [tilespmem:$0x1D760]  }
0xd7e: {  	v54 =	vld [tilespmem:$0x1D770]  }
0xd7f: {  	v55 =	vld [tilespmem:$0x1D780]  }
0xd80: {  	v56 =	vld [tilespmem:$0x1D790]  }
0xd81: {  	v57 =	vld [tilespmem:$0x1D7A0]  }
0xd82: {  	v58 =	vld [tilespmem:$0x1D7B0]  }
0xd83: {  	v59 =	vld [tilespmem:$0x1D7C0]  }
0xd84: {  	v60 =	vld [tilespmem:$0x1D7D0]  }
0xd85: {  	v61 =	vld [tilespmem:$0x1D7E0]  }
0xd86: {  	v62 =	vld [tilespmem:$0x1D7F0]  }
0xd87: {  	v63 =	vld [tilespmem:$0x1D800]  }
0xd88: {  	v6 =	vld [tilespmem:$0x1D810]  }
0xd89: {  	v7 =	vld [tilespmem:$0x1D820]  }
0xd8a: {  	v8 =	vld [tilespmem:$0x1D830]  }
0xd8b: {  	v9 =	vld [tilespmem:$0x1D840]  }
0xd8c: {  	v10 =	vld [tilespmem:$0x1D850]  }
0xd8d: {  	v11 =	vld [tilespmem:$0x1D860]  }
0xd8e: {  	v12 =	vld [tilespmem:$0x1D870]  }
0xd8f: {  	v13 =	vld [tilespmem:$0x1D880]  }
0xd90: {  	v14 =	vld [tilespmem:$0x1D890]  }
0xd91: {  	v15 =	vld [tilespmem:$0x1D8A0]  }
0xd92: {  	v16 =	vld [tilespmem:$0x1D8B0]  }
0xd93: {  	v17 =	vld [tilespmem:$0x1D8C0]  }
0xd94: {  	v18 =	vld [tilespmem:$0x1D8D0]  }
0xd95: {  	v19 =	vld [tilespmem:$0x1D8E0]  }
0xd96: {  	v20 =	vld [tilespmem:$0x1D8F0]  }
0xd97: {  	v21 =	vld [tilespmem:$0x1D900]  }
0xd98: {  	v22 =	vld [tilespmem:$0x1D910]  }
0xd99: {  	v23 =	vld [tilespmem:$0x1D920]  }
0xd9a: {  	v24 =	vld [tilespmem:$0x1D930]  }
0xd9b: {  	v25 =	vld [tilespmem:$0x1D940]  }
0xd9c: {  	v26 =	vld [tilespmem:$0x1D950]  }
0xd9d: {  	v27 =	vld [tilespmem:$0x1D960]  }
0xd9e: {  	v28 =	vld [tilespmem:$0x1D970]  }
0xd9f: {  	v29 =	vld [tilespmem:$0x1D980]  }
0xda0: {  	v30 =	vld [tilespmem:$0x1D990]  }
0xda1: {  	v31 =	vld [tilespmem:$0x1D9A0]  }
0xda2: {  	v32 =	vld [tilespmem:$0x1D9B0]  }
0xda3: {  	v33 =	vld [tilespmem:$0x1D9C0]  }
0xda4: {  	v34 =	vld [tilespmem:$0x1D9D0]  }
0xda5: {  	v35 =	vld [tilespmem:$0x1D9E0]  }
0xda6: {  	v36 =	vld [tilespmem:$0x1D9F0]  }
0xda7: {  	v0 =	vmul.f32 v38, v37;
	v37 =	vld [tilespmem:$0x1DA00]  }
0xda8: {  	v38 =	vld [tilespmem:$0x1DA10]  }
0xda9: {  	v1 =	vmul.f32 v40, v39;
	v39 =	vld [tilespmem:$0x1DA20]  }
0xdaa: {  	v40 =	vld [tilespmem:$0x1DA30]  }
0xdab: {  	v2 =	vmul.f32 v41, v2;
	v41 =	vld [tilespmem:$0x1DA40]  }
0xdac: {  	[tilespmem:$0x6BA0] =	vst v0;
	v0 =	vmul.f32 v43, v42;
	v42 =	vld [tilespmem:$0x1DA50]  }
0xdad: {  	v43 =	vld [tilespmem:$0x1DA60]  }
0xdae: {  	[tilespmem:$0x6BB0] =	vst v1;
	v1 =	vmul.f32 v45, v44;
	v44 =	vld [tilespmem:$0x1DA70]  }
0xdaf: {  	v45 =	vld [tilespmem:$0x1DA80]  }
0xdb0: {  	[tilespmem:$0x6BC0] =	vst v2;
	v2 =	vmul.f32 v47, v46;
	v46 =	vld [tilespmem:$0x1DA90]  }
0xdb1: {  	v47 =	vld [tilespmem:$0x1DAA0]  }
0xdb2: {  	[tilespmem:$0x6BD0] =	vst v0;
	v0 =	vmul.f32 v49, v48;
	v48 =	vld [tilespmem:$0x1DAB0]  }
0xdb3: {  	v49 =	vld [tilespmem:$0x1DAC0]  }
0xdb4: {  	[tilespmem:$0x6BE0] =	vst v1;
	v1 =	vmul.f32 v51, v50;
	v50 =	vld [tilespmem:$0x1DAD0]  }
0xdb5: {  	v51 =	vld [tilespmem:$0x1DAE0]  }
0xdb6: {  	[tilespmem:$0x6BF0] =	vst v2;
	v2 =	vmul.f32 v53, v52;
	v52 =	vld [tilespmem:$0x1DAF0]  }
0xdb7: {  	v53 =	vld [tilespmem:$0x1DB00]  }
0xdb8: {  	[tilespmem:$0x6C00] =	vst v0;
	v0 =	vmul.f32 v55, v54;
	v54 =	vld [tilespmem:$0x1DB10]  }
0xdb9: {  	v55 =	vld [tilespmem:$0x1DB20]  }
0xdba: {  	[tilespmem:$0x6C10] =	vst v1;
	v1 =	vmul.f32 v57, v56;
	v56 =	vld [tilespmem:$0x1DB30]  }
0xdbb: {  	v57 =	vld [tilespmem:$0x1DB40]  }
0xdbc: {  	[tilespmem:$0x6C20] =	vst v2;
	v2 =	vmul.f32 v59, v58;
	v58 =	vld [tilespmem:$0x1DB50]  }
0xdbd: {  	v59 =	vld [tilespmem:$0x1DB60]  }
0xdbe: {  	[tilespmem:$0x6C30] =	vst v0;
	v0 =	vmul.f32 v61, v60;
	v60 =	vld [tilespmem:$0x1DB70]  }
0xdbf: {  	v61 =	vld [tilespmem:$0x1DB80]  }
0xdc0: {  	[tilespmem:$0x6C40] =	vst v1;
	v1 =	vmul.f32 v63, v62;
	v62 =	vld [tilespmem:$0x1DB90]  }
0xdc1: {  	v63 =	vld [tilespmem:$0x1DBA0]  }
0xdc2: {  	[tilespmem:$0x6C50] =	vst v2;
	v2 =	vmul.f32 v7, v6;
	v6 =	vld [tilespmem:$0x1DBB0]  }
0xdc3: {  	v7 =	vld [tilespmem:$0x1DBC0]  }
0xdc4: {  	[tilespmem:$0x6C60] =	vst v0;
	v0 =	vmul.f32 v9, v8;
	v8 =	vld [tilespmem:$0x1DBD0]  }
0xdc5: {  	v9 =	vld [tilespmem:$0x1DBE0]  }
0xdc6: {  	[tilespmem:$0x6C70] =	vst v1;
	v1 =	vmul.f32 v11, v10;
	v10 =	vld [tilespmem:$0x1DBF0]  }
0xdc7: {  	v11 =	vld [tilespmem:$0x1DC00]  }
0xdc8: {  	[tilespmem:$0x6C80] =	vst v2;
	v2 =	vmul.f32 v13, v12;
	v12 =	vld [tilespmem:$0x1DC10]  }
0xdc9: {  	v13 =	vld [tilespmem:$0x1DC20]  }
0xdca: {  	[tilespmem:$0x6C90] =	vst v0;
	v0 =	vmul.f32 v15, v14;
	v14 =	vld [tilespmem:$0x1DC30]  }
0xdcb: {  	v15 =	vld [tilespmem:$0x1DC40]  }
0xdcc: {  	[tilespmem:$0x6CA0] =	vst v1;
	v1 =	vmul.f32 v17, v16;
	v16 =	vld [tilespmem:$0x1DC50]  }
0xdcd: {  	v17 =	vld [tilespmem:$0x1DC60]  }
0xdce: {  	[tilespmem:$0x6CB0] =	vst v2;
	v2 =	vmul.f32 v19, v18;
	v18 =	vld [tilespmem:$0x1DC70]  }
0xdcf: {  	v19 =	vld [tilespmem:$0x1DC80]  }
0xdd0: {  	[tilespmem:$0x6CC0] =	vst v0;
	v0 =	vmul.f32 v21, v20;
	v20 =	vld [tilespmem:$0x1DC90]  }
0xdd1: {  	v21 =	vld [tilespmem:$0x1DCA0]  }
0xdd2: {  	[tilespmem:$0x6CD0] =	vst v1;
	v1 =	vmul.f32 v23, v22;
	v22 =	vld [tilespmem:$0x1DCB0]  }
0xdd3: {  	v23 =	vld [tilespmem:$0x1DCC0]  }
0xdd4: {  	[tilespmem:$0x6CE0] =	vst v2;
	v2 =	vmul.f32 v25, v24;
	v24 =	vld [tilespmem:$0x1DCD0]  }
0xdd5: {  	v25 =	vld [tilespmem:$0x1DCE0]  }
0xdd6: {  	[tilespmem:$0x6CF0] =	vst v0;
	v0 =	vmul.f32 v27, v26;
	v26 =	vld [tilespmem:$0x1DCF0]  }
0xdd7: {  	v27 =	vld [tilespmem:$0x1DD00]  }
0xdd8: {  	[tilespmem:$0x6D00] =	vst v1;
	v1 =	vmul.f32 v29, v28;
	v28 =	vld [tilespmem:$0x1DD10]  }
0xdd9: {  	v29 =	vld [tilespmem:$0x1DD20]  }
0xdda: {  	[tilespmem:$0x6D10] =	vst v2;
	v2 =	vmul.f32 v31, v30;
	v30 =	vld [tilespmem:$0x1DD30]  }
0xddb: {  	v31 =	vld [tilespmem:$0x1DD40]  }
0xddc: {  	[tilespmem:$0x6D20] =	vst v0;
	v0 =	vmul.f32 v33, v32;
	v32 =	vld [tilespmem:$0x1DD50]  }
0xddd: {  	v33 =	vld [tilespmem:$0x1DD60]  }
0xdde: {  	[tilespmem:$0x6D30] =	vst v1;
	v1 =	vmul.f32 v35, v34;
	v34 =	vld [tilespmem:$0x1DD70]  }
0xddf: {  	v35 =	vld [tilespmem:$0x1DD80]  }
0xde0: {  	[tilespmem:$0x6D40] =	vst v2;
	v2 =	vmul.f32 v37, v36;
	v36 =	vld [tilespmem:$0x1DD90]  }
0xde1: {  	v37 =	vld [tilespmem:$0x1DDA0]  }
0xde2: {  	[tilespmem:$0x6D50] =	vst v0;
	v0 =	vmul.f32 v39, v38;
	v38 =	vld [tilespmem:$0x1DDB0]  }
0xde3: {  	v39 =	vld [tilespmem:$0x1DDC0]  }
0xde4: {  	[tilespmem:$0x6D60] =	vst v1;
	v1 =	vmul.f32 v41, v40;
	v40 =	vld [tilespmem:$0x1DDD0]  }
0xde5: {  	v41 =	vld [tilespmem:$0x1DDE0]  }
0xde6: {  	[tilespmem:$0x6D70] =	vst v2;
	v2 =	vmul.f32 v43, v42;
	v42 =	vld [tilespmem:$0x1DDF0]  }
0xde7: {  	v43 =	vld [tilespmem:$0x1DE00]  }
0xde8: {  	[tilespmem:$0x6D80] =	vst v0;
	v0 =	vmul.f32 v45, v44;
	v44 =	vld [tilespmem:$0x1DE10]  }
0xde9: {  	v45 =	vld [tilespmem:$0x1DE20]  }
0xdea: {  	[tilespmem:$0x6D90] =	vst v1;
	v1 =	vmul.f32 v47, v46;
	v46 =	vld [tilespmem:$0x1DE30]  }
0xdeb: {  	v47 =	vld [tilespmem:$0x1DE40]  }
0xdec: {  	[tilespmem:$0x6DA0] =	vst v2;
	v2 =	vmul.f32 v49, v48;
	v48 =	vld [tilespmem:$0x1DE50]  }
0xded: {  	v49 =	vld [tilespmem:$0x1DE60]  }
0xdee: {  	[tilespmem:$0x6DB0] =	vst v0;
	v0 =	vmul.f32 v51, v50;
	v50 =	vld [tilespmem:$0x1DE70]  }
0xdef: {  	v51 =	vld [tilespmem:$0x1DE80]  }
0xdf0: {  	[tilespmem:$0x6DC0] =	vst v1;
	v1 =	vmul.f32 v53, v52;
	v52 =	vld [tilespmem:$0x1DE90]  }
0xdf1: {  	v53 =	vld [tilespmem:$0x1DEA0]  }
0xdf2: {  	[tilespmem:$0x6DD0] =	vst v2;
	v2 =	vmul.f32 v55, v54;
	v54 =	vld [tilespmem:$0x1DEB0]  }
0xdf3: {  	v55 =	vld [tilespmem:$0x1DEC0]  }
0xdf4: {  	[tilespmem:$0x6DE0] =	vst v0;
	v0 =	vmul.f32 v57, v56;
	v56 =	vld [tilespmem:$0x1DED0]  }
0xdf5: {  	v57 =	vld [tilespmem:$0x1DEE0]  }
0xdf6: {  	[tilespmem:$0x6DF0] =	vst v1;
	v1 =	vmul.f32 v59, v58;
	v58 =	vld [tilespmem:$0x1DEF0]  }
0xdf7: {  	v59 =	vld [tilespmem:$0x1DF00]  }
0xdf8: {  	[tilespmem:$0x6E00] =	vst v2;
	v2 =	vmul.f32 v61, v60;
	v60 =	vld [tilespmem:$0x1DF10]  }
0xdf9: {  	v61 =	vld [tilespmem:$0x1DF20]  }
0xdfa: {  	[tilespmem:$0x6E10] =	vst v0;
	v0 =	vmul.f32 v63, v62;
	v62 =	vld [tilespmem:$0x1DF30]  }
0xdfb: {  	v63 =	vld [tilespmem:$0x1DF40]  }
0xdfc: {  	[tilespmem:$0x6E20] =	vst v1;
	v1 =	vmul.f32 v7, v6;
	v6 =	vld [tilespmem:$0x1DF50]  }
0xdfd: {  	v7 =	vld [tilespmem:$0x1DF60]  }
0xdfe: {  	[tilespmem:$0x6E30] =	vst v2;
	v2 =	vmul.f32 v9, v8;
	v8 =	vld [tilespmem:$0x1DF70]  }
0xdff: {  	v9 =	vld [tilespmem:$0x1DF80]  }
0xe00: {  	[tilespmem:$0x6E40] =	vst v0;
	v0 =	vmul.f32 v11, v10;
	v10 =	vld [tilespmem:$0x1DF90]  }
0xe01: {  	v11 =	vld [tilespmem:$0x1DFA0]  }
0xe02: {  	[tilespmem:$0x6E50] =	vst v1;
	v1 =	vmul.f32 v13, v12;
	v12 =	vld [tilespmem:$0x1DFB0]  }
0xe03: {  	v13 =	vld [tilespmem:$0x1DFC0]  }
0xe04: {  	[tilespmem:$0x6E60] =	vst v2;
	v2 =	vmul.f32 v15, v14;
	v14 =	vld [tilespmem:$0x1DFD0]  }
0xe05: {  	v15 =	vld [tilespmem:$0x1DFE0]  }
0xe06: {  	[tilespmem:$0x6E70] =	vst v0;
	v0 =	vmul.f32 v17, v16;
	v16 =	vld [tilespmem:$0x1DFF0]  }
0xe07: {  	v17 =	vld [tilespmem:$0x1E000]  }
0xe08: {  	[tilespmem:$0x6E80] =	vst v1;
	v1 =	vmul.f32 v19, v18;
	v18 =	vld [tilespmem:$0x1E010]  }
0xe09: {  	v19 =	vld [tilespmem:$0x1E020]  }
0xe0a: {  	[tilespmem:$0x6E90] =	vst v2;
	v2 =	vmul.f32 v21, v20;
	v20 =	vld [tilespmem:$0x1E030]  }
0xe0b: {  	v21 =	vld [tilespmem:$0x1E040]  }
0xe0c: {  	[tilespmem:$0x6EA0] =	vst v0;
	v0 =	vmul.f32 v23, v22;
	v22 =	vld [tilespmem:$0x1E050]  }
0xe0d: {  	v23 =	vld [tilespmem:$0x1E060]  }
0xe0e: {  	[tilespmem:$0x6EB0] =	vst v1;
	v1 =	vmul.f32 v25, v24;
	v24 =	vld [tilespmem:$0x1E070]  }
0xe0f: {  	v25 =	vld [tilespmem:$0x1E080]  }
0xe10: {  	[tilespmem:$0x6EC0] =	vst v2;
	v2 =	vmul.f32 v27, v26;
	v26 =	vld [tilespmem:$0x1E090]  }
0xe11: {  	v27 =	vld [tilespmem:$0x1E0A0]  }
0xe12: {  	[tilespmem:$0x6ED0] =	vst v0;
	v0 =	vmul.f32 v29, v28;
	v28 =	vld [tilespmem:$0x1E0B0]  }
0xe13: {  	v29 =	vld [tilespmem:$0x1E0C0]  }
0xe14: {  	[tilespmem:$0x6EE0] =	vst v1;
	v1 =	vmul.f32 v31, v30;
	v30 =	vld [tilespmem:$0x1E0D0]  }
0xe15: {  	v31 =	vld [tilespmem:$0x1E0E0]  }
0xe16: {  	[tilespmem:$0x6EF0] =	vst v2;
	v2 =	vmul.f32 v33, v32;
	v32 =	vld [tilespmem:$0x1E0F0]  }
0xe17: {  	v33 =	vld [tilespmem:$0x1E100]  }
0xe18: {  	[tilespmem:$0x6F00] =	vst v0;
	v0 =	vmul.f32 v35, v34;
	v34 =	vld [tilespmem:$0x1E110]  }
0xe19: {  	v35 =	vld [tilespmem:$0x1E120]  }
0xe1a: {  	[tilespmem:$0x6F10] =	vst v1;
	v1 =	vmul.f32 v37, v36;
	v36 =	vld [tilespmem:$0x1E130]  }
0xe1b: {  	v37 =	vld [tilespmem:$0x1E140]  }
0xe1c: {  	[tilespmem:$0x6F20] =	vst v2;
	v2 =	vmul.f32 v39, v38;
	v38 =	vld [tilespmem:$0x1E150]  }
0xe1d: {  	v39 =	vld [tilespmem:$0x1E160]  }
0xe1e: {  	[tilespmem:$0x6F30] =	vst v0;
	v0 =	vmul.f32 v41, v40;
	v40 =	vld [tilespmem:$0x1E170]  }
0xe1f: {  	v41 =	vld [tilespmem:$0x1E180]  }
0xe20: {  	[tilespmem:$0x6F40] =	vst v1;
	v1 =	vmul.f32 v43, v42;
	v42 =	vld [tilespmem:$0x1E190]  }
0xe21: {  	v43 =	vld [tilespmem:$0x1E1A0]  }
0xe22: {  	[tilespmem:$0x6F50] =	vst v2;
	v2 =	vmul.f32 v45, v44;
	v44 =	vld [tilespmem:$0x1E1B0]  }
0xe23: {  	v45 =	vld [tilespmem:$0x1E1C0]  }
0xe24: {  	[tilespmem:$0x6F60] =	vst v0;
	v0 =	vmul.f32 v47, v46;
	v46 =	vld [tilespmem:$0x1E1D0]  }
0xe25: {  	v47 =	vld [tilespmem:$0x1E1E0]  }
0xe26: {  	[tilespmem:$0x6F70] =	vst v1;
	v1 =	vmul.f32 v49, v48;
	v48 =	vld [tilespmem:$0x1E1F0]  }
0xe27: {  	v49 =	vld [tilespmem:$0x1E200]  }
0xe28: {  	[tilespmem:$0x6F80] =	vst v2;
	v2 =	vmul.f32 v51, v50;
	v50 =	vld [tilespmem:$0x1E210]  }
0xe29: {  	v51 =	vld [tilespmem:$0x1E220]  }
0xe2a: {  	[tilespmem:$0x6F90] =	vst v0;
	v0 =	vmul.f32 v53, v52;
	v52 =	vld [tilespmem:$0x1E230]  }
0xe2b: {  	v53 =	vld [tilespmem:$0x1E240]  }
0xe2c: {  	[tilespmem:$0x6FA0] =	vst v1;
	v1 =	vmul.f32 v55, v54;
	v54 =	vld [tilespmem:$0x1E250]  }
0xe2d: {  	v55 =	vld [tilespmem:$0x1E260]  }
0xe2e: {  	[tilespmem:$0x6FB0] =	vst v2;
	v2 =	vmul.f32 v57, v56;
	v56 =	vld [tilespmem:$0x1E270]  }
0xe2f: {  	v57 =	vld [tilespmem:$0x1E280]  }
0xe30: {  	[tilespmem:$0x6FC0] =	vst v0;
	v0 =	vmul.f32 v59, v58;
	v58 =	vld [tilespmem:$0x1E290]  }
0xe31: {  	v59 =	vld [tilespmem:$0x1E2A0]  }
0xe32: {  	[tilespmem:$0x6FD0] =	vst v1;
	v1 =	vmul.f32 v61, v60;
	v60 =	vld [tilespmem:$0x1E2B0]  }
0xe33: {  	v61 =	vld [tilespmem:$0x1E2C0]  }
0xe34: {  	[tilespmem:$0x6FE0] =	vst v2;
	v2 =	vmul.f32 v63, v62;
	v62 =	vld [tilespmem:$0x1E2D0]  }
0xe35: {  	v63 =	vld [tilespmem:$0x1E2E0]  }
0xe36: {  	[tilespmem:$0x6FF0] =	vst v0;
	v0 =	vmul.f32 v7, v6;
	v6 =	vld [tilespmem:$0x1E2F0]  }
0xe37: {  	v7 =	vld [tilespmem:$0x1E300]  }
0xe38: {  	[tilespmem:$0x7000] =	vst v1;
	v1 =	vmul.f32 v9, v8;
	v8 =	vld [tilespmem:$0x1E310]  }
0xe39: {  	v9 =	vld [tilespmem:$0x1E320]  }
0xe3a: {  	[tilespmem:$0x7010] =	vst v2;
	v2 =	vmul.f32 v11, v10;
	v10 =	vld [tilespmem:$0x1E330]  }
0xe3b: {  	v11 =	vld [tilespmem:$0x1E340]  }
0xe3c: {  	[tilespmem:$0x7020] =	vst v0;
	v0 =	vmul.f32 v13, v12;
	v12 =	vld [tilespmem:$0x1E350]  }
0xe3d: {  	v13 =	vld [tilespmem:$0x1E360]  }
0xe3e: {  	[tilespmem:$0x7030] =	vst v1;
	v1 =	vmul.f32 v15, v14;
	v14 =	vld [tilespmem:$0x1E370]  }
0xe3f: {  	v15 =	vld [tilespmem:$0x1E380]  }
0xe40: {  	[tilespmem:$0x7040] =	vst v2;
	v2 =	vmul.f32 v17, v16;
	v16 =	vld [tilespmem:$0x1E390]  }
0xe41: {  	v17 =	vld [tilespmem:$0x1E3A0]  }
0xe42: {  	[tilespmem:$0x7050] =	vst v0;
	v0 =	vmul.f32 v19, v18;
	v18 =	vld [tilespmem:$0x1E3B0]  }
0xe43: {  	v19 =	vld [tilespmem:$0x1E3C0]  }
0xe44: {  	[tilespmem:$0x7060] =	vst v1;
	v1 =	vmul.f32 v21, v20;
	v20 =	vld [tilespmem:$0x1E3D0]  }
0xe45: {  	v21 =	vld [tilespmem:$0x1E3E0]  }
0xe46: {  	[tilespmem:$0x7070] =	vst v2;
	v2 =	vmul.f32 v23, v22;
	v22 =	vld [tilespmem:$0x1E3F0]  }
0xe47: {  	v23 =	vld [tilespmem:$0x1E400]  }
0xe48: {  	[tilespmem:$0x7080] =	vst v0;
	v0 =	vmul.f32 v25, v24;
	v24 =	vld [tilespmem:$0x1E410]  }
0xe49: {  	v25 =	vld [tilespmem:$0x1E420]  }
0xe4a: {  	[tilespmem:$0x7090] =	vst v1;
	v1 =	vmul.f32 v27, v26;
	v26 =	vld [tilespmem:$0x1E430]  }
0xe4b: {  	v27 =	vld [tilespmem:$0x1E440]  }
0xe4c: {  	[tilespmem:$0x70A0] =	vst v2;
	v2 =	vmul.f32 v29, v28;
	v28 =	vld [tilespmem:$0x1E450]  }
0xe4d: {  	v29 =	vld [tilespmem:$0x1E460]  }
0xe4e: {  	[tilespmem:$0x70B0] =	vst v0;
	v0 =	vmul.f32 v31, v30;
	v30 =	vld [tilespmem:$0x1E470]  }
0xe4f: {  	v31 =	vld [tilespmem:$0x1E480]  }
0xe50: {  	[tilespmem:$0x70C0] =	vst v1;
	v1 =	vmul.f32 v33, v32;
	v32 =	vld [tilespmem:$0x1E490]  }
0xe51: {  	v33 =	vld [tilespmem:$0x1E4A0]  }
0xe52: {  	[tilespmem:$0x70D0] =	vst v2;
	v2 =	vmul.f32 v35, v34;
	v34 =	vld [tilespmem:$0x1E4B0]  }
0xe53: {  	v35 =	vld [tilespmem:$0x1E4C0]  }
0xe54: {  	[tilespmem:$0x70E0] =	vst v0;
	v0 =	vmul.f32 v37, v36;
	v36 =	vld [tilespmem:$0x1E4D0]  }
0xe55: {  	v37 =	vld [tilespmem:$0x1E4E0]  }
0xe56: {  	[tilespmem:$0x70F0] =	vst v1;
	v1 =	vmul.f32 v39, v38;
	v38 =	vld [tilespmem:$0x1E4F0]  }
0xe57: {  	v39 =	vld [tilespmem:$0x1E500]  }
0xe58: {  	[tilespmem:$0x7100] =	vst v2;
	v2 =	vmul.f32 v41, v40;
	v40 =	vld [tilespmem:$0x1E510]  }
0xe59: {  	v41 =	vld [tilespmem:$0x1E520]  }
0xe5a: {  	[tilespmem:$0x7110] =	vst v0;
	v0 =	vmul.f32 v43, v42;
	v42 =	vld [tilespmem:$0x1E530]  }
0xe5b: {  	v43 =	vld [tilespmem:$0x1E540]  }
0xe5c: {  	[tilespmem:$0x7120] =	vst v1;
	v1 =	vmul.f32 v45, v44;
	v44 =	vld [tilespmem:$0x1E550]  }
0xe5d: {  	v45 =	vld [tilespmem:$0x1E560]  }
0xe5e: {  	[tilespmem:$0x7130] =	vst v2;
	v2 =	vmul.f32 v46, v47;
	v46 =	vld [tilespmem:$0x1E570]  }
0xe5f: {  	v47 =	vld [tilespmem:$0x1E580]  }
0xe60: {  	[tilespmem:$0x7140] =	vst v0;
	v0 =	vmul.f32 v48, v49;
	v48 =	vld [tilespmem:$0x1E590]  }
0xe61: {  	v49 =	vld [tilespmem:$0x1E5A0]  }
0xe62: {  	[tilespmem:$0x7150] =	vst v1;
	v1 =	vmul.f32 v50, v51;
	v50 =	vld [tilespmem:$0x1E5B0]  }
0xe63: {  	v51 =	vld [tilespmem:$0x1E5C0]  }
0xe64: {  	[tilespmem:$0x8050] =	vst v2;
	v2 =	vmul.f32 v52, v53;
	v52 =	vld [tilespmem:$0x1E5D0]  }
0xe65: {  	v53 =	vld [tilespmem:$0x1E5E0]  }
0xe66: {  	[tilespmem:$0x8040] =	vst v0;
	v0 =	vmul.f32 v54, v55;
	v54 =	vld [tilespmem:$0x1E5F0]  }
0xe67: {  	v55 =	vld [tilespmem:$0x1E600]  }
0xe68: {  	[tilespmem:$0x8030] =	vst v1;
	v1 =	vmul.f32 v56, v57;
	v56 =	vld [tilespmem:$0x1E610]  }
0xe69: {  	v57 =	vld [tilespmem:$0x1E620]  }
0xe6a: {  	[tilespmem:$0x8020] =	vst v2;
	v2 =	vmul.f32 v58, v59;
	v58 =	vld [tilespmem:$0x1E630]  }
0xe6b: {  	v59 =	vld [tilespmem:$0x1E640]  }
0xe6c: {  	[tilespmem:$0x8010] =	vst v0;
	v0 =	vmul.f32 v60, v61;
	v60 =	vld [tilespmem:$0x1E650]  }
0xe6d: {  	v61 =	vld [tilespmem:$0x1E660]  }
0xe6e: {  	[tilespmem:$0x8000] =	vst v1;
	v1 =	vmul.f32 v62, v63;
	v62 =	vld [tilespmem:$0x1E670]  }
0xe6f: {  	v63 =	vld [tilespmem:$0x1E680]  }
0xe70: {  	[tilespmem:$0x7FF0] =	vst v2;
	v2 =	vmul.f32 v6, v7;
	v6 =	vld [tilespmem:$0x1E690]  }
0xe71: {  	v7 =	vld [tilespmem:$0x1E6A0]  }
0xe72: {  	[tilespmem:$0x7FE0] =	vst v0;
	v0 =	vmul.f32 v8, v9;
	v8 =	vld [tilespmem:$0x1E6B0]  }
0xe73: {  	v9 =	vld [tilespmem:$0x1E6C0]  }
0xe74: {  	[tilespmem:$0x7FD0] =	vst v1;
	v1 =	vmul.f32 v10, v11;
	v10 =	vld [tilespmem:$0x1E6D0]  }
0xe75: {  	v11 =	vld [tilespmem:$0x1E6E0]  }
0xe76: {  	[tilespmem:$0x7FC0] =	vst v2;
	v2 =	vmul.f32 v12, v13;
	v12 =	vld [tilespmem:$0x1E6F0]  }
0xe77: {  	v13 =	vld [tilespmem:$0x1E700]  }
0xe78: {  	[tilespmem:$0x7FB0] =	vst v0;
	v0 =	vmul.f32 v14, v15;
	v14 =	vld [tilespmem:$0x1E710]  }
0xe79: {  	v15 =	vld [tilespmem:$0x1E720]  }
0xe7a: {  	[tilespmem:$0x7FA0] =	vst v1;
	v1 =	vmul.f32 v16, v17;
	v16 =	vld [tilespmem:$0x1E730]  }
0xe7b: {  	v17 =	vld [tilespmem:$0x1E740]  }
0xe7c: {  	[tilespmem:$0x7F90] =	vst v2;
	v2 =	vmul.f32 v18, v19;
	v18 =	vld [tilespmem:$0x1E750]  }
0xe7d: {  	v19 =	vld [tilespmem:$0x1E760]  }
0xe7e: {  	[tilespmem:$0x7F80] =	vst v0;
	v0 =	vmul.f32 v20, v21;
	v20 =	vld [tilespmem:$0x1E770]  }
0xe7f: {  	v21 =	vld [tilespmem:$0x1E780]  }
0xe80: {  	[tilespmem:$0x7F70] =	vst v1;
	v1 =	vmul.f32 v22, v23;
	v22 =	vld [tilespmem:$0x1E790]  }
0xe81: {  	v23 =	vld [tilespmem:$0x1E7A0]  }
0xe82: {  	[tilespmem:$0x7F60] =	vst v2;
	v2 =	vmul.f32 v24, v25;
	v24 =	vld [tilespmem:$0x1E7B0]  }
0xe83: {  	v25 =	vld [tilespmem:$0x1E7C0]  }
0xe84: {  	[tilespmem:$0x7F50] =	vst v0;
	v0 =	vmul.f32 v26, v27;
	v26 =	vld [tilespmem:$0x1E7D0]  }
0xe85: {  	v27 =	vld [tilespmem:$0x1E7E0]  }
0xe86: {  	[tilespmem:$0x7F40] =	vst v1;
	v1 =	vmul.f32 v28, v29;
	v28 =	vld [tilespmem:$0x1E7F0]  }
0xe87: {  	v29 =	vld [tilespmem:$0x1E800]  }
0xe88: {  	[tilespmem:$0x7F30] =	vst v2;
	v2 =	vmul.f32 v30, v31;
	v30 =	vld [tilespmem:$0x1E810]  }
0xe89: {  	[tilespmem:$0x7F20] =	vst v0;
	v31 =	vld [tilespmem:$0x1E820]  }
0xe8a: {  	v0 =	vmul.f32 v33, v32;
	[tilespmem:$0x7F10] =	vst v1;
	v32 =	vld [tilespmem:$0x1E830]  }
0xe8b: {  	v1 =	vmul.f32 v35, v34;
	v33 =	vld [tilespmem:$0x1E840];
	[tilespmem:$0x7F00] =	vst v2  }
0xe8c: {  	v34 =	vld [tilespmem:$0x1E850];
	v2 =	vmul.f32 v37, v36;
	[tilespmem:$0x7EF0] =	vst v0  }
0xe8d: {  	v35 =	vld [tilespmem:$0x1E860];
	v0 =	vmul.f32 v39, v38;
	[tilespmem:$0x7EE0] =	vst v1  }
0xe8e: {  	v1 =	vmul.f32 v41, v40;
	v36 =	vld [tilespmem:$0x1E870];
	[tilespmem:$0x7ED0] =	vst v2  }
0xe8f: {  	v37 =	vld [tilespmem:$0x1E880];
	v2 =	vmul.f32 v43, v42;
	[tilespmem:$0x7EC0] =	vst v0  }
0xe90: {  	v38 =	vld [tilespmem:$0x1E890];
	v0 =	vmul.f32 v45, v44;
	[tilespmem:$0x7EB0] =	vst v1  }
0xe91: {  	v39 =	vld [tilespmem:$0x1E8A0];
	v1 =	vmul.f32 v47, v46;
	[tilespmem:$0x7EA0] =	vst v2  }
0xe92: {  	v40 =	vld [tilespmem:$0x1E8B0];
	v2 =	vmul.f32 v49, v48;
	[tilespmem:$0x7E90] =	vst v0  }
0xe93: {  	v41 =	vld [tilespmem:$0x1E8C0];
	v0 =	vmul.f32 v51, v50;
	[tilespmem:$0x7E80] =	vst v1  }
0xe94: {  	v42 =	vld [tilespmem:$0x1E8D0];
	v1 =	vmul.f32 v53, v52;
	[tilespmem:$0x7E70] =	vst v2  }
0xe95: {  	v43 =	vld [tilespmem:$0x1E8E0];
	v2 =	vmul.f32 v55, v54;
	[tilespmem:$0x7E60] =	vst v0  }
0xe96: {  	v44 =	vld [tilespmem:$0x1E8F0];
	v0 =	vmul.f32 v57, v56;
	[tilespmem:$0x7E50] =	vst v1  }
0xe97: {  	v45 =	vld [tilespmem:$0x1E900];
	v1 =	vmul.f32 v59, v58;
	[tilespmem:$0x7E40] =	vst v2  }
0xe98: {  	v46 =	vld [tilespmem:$0x1E910];
	v2 =	vmul.f32 v61, v60;
	[tilespmem:$0x7E30] =	vst v0  }
0xe99: {  	v47 =	vld [tilespmem:$0x1E920];
	v0 =	vmul.f32 v63, v62;
	[tilespmem:$0x7E20] =	vst v1  }
0xe9a: {  	v48 =	vld [tilespmem:$0x1E930];
	v1 =	vmul.f32 v7, v6;
	[tilespmem:$0x7E10] =	vst v2  }
0xe9b: {  	v49 =	vld [tilespmem:$0x1E940];
	v2 =	vmul.f32 v9, v8;
	[tilespmem:$0x7E00] =	vst v0  }
0xe9c: {  	v50 =	vld [tilespmem:$0x1E950];
	v0 =	vmul.f32 v11, v10;
	[tilespmem:$0x7DF0] =	vst v1  }
0xe9d: {  	v51 =	vld [tilespmem:$0x1E960];
	v1 =	vmul.f32 v13, v12;
	[tilespmem:$0x7DE0] =	vst v2  }
0xe9e: {  	v52 =	vld [tilespmem:$0x1E970];
	v2 =	vmul.f32 v15, v14;
	[tilespmem:$0x7DD0] =	vst v0  }
0xe9f: {  	v53 =	vld [tilespmem:$0x1E980];
	v0 =	vmul.f32 v17, v16;
	[tilespmem:$0x7DC0] =	vst v1  }
0xea0: {  	v54 =	vld [tilespmem:$0x1E990];
	v1 =	vmul.f32 v19, v18;
	[tilespmem:$0x7DB0] =	vst v2  }
0xea1: {  	v55 =	vld [tilespmem:$0x1E9A0];
	v2 =	vmul.f32 v21, v20;
	[tilespmem:$0x7DA0] =	vst v0  }
0xea2: {  	v56 =	vld [tilespmem:$0x1E9B0];
	v0 =	vmul.f32 v23, v22;
	[tilespmem:$0x7D90] =	vst v1  }
0xea3: {  	v57 =	vld [tilespmem:$0x1E9C0];
	v1 =	vmul.f32 v25, v24;
	[tilespmem:$0x7D80] =	vst v2  }
0xea4: {  	v58 =	vld [tilespmem:$0x1E9D0];
	v2 =	vmul.f32 v27, v26;
	[tilespmem:$0x7D70] =	vst v0  }
0xea5: {  	v59 =	vld [tilespmem:$0x1E9E0];
	v0 =	vmul.f32 v29, v28;
	[tilespmem:$0x7D60] =	vst v1  }
0xea6: {  	v60 =	vld [tilespmem:$0x1E9F0];
	v1 =	vmul.f32 v31, v30;
	[tilespmem:$0x7D50] =	vst v2  }
0xea7: {  	v61 =	vld [tilespmem:$0x1EA00];
	v2 =	vmul.f32 v33, v32;
	[tilespmem:$0x7D40] =	vst v0  }
0xea8: {  	v62 =	vld [tilespmem:$0x1EA10];
	v0 =	vmul.f32 v35, v34;
	[tilespmem:$0x7D30] =	vst v1  }
0xea9: {  	v63 =	vld [tilespmem:$0x1EA20];
	v1 =	vmul.f32 v37, v36;
	[tilespmem:$0x7D20] =	vst v2  }
0xeaa: {  	v6 =	vld [tilespmem:$0x1EA30];
	v2 =	vmul.f32 v39, v38;
	[tilespmem:$0x7D10] =	vst v0  }
0xeab: {  	v7 =	vld [tilespmem:$0x1EA40];
	v0 =	vmul.f32 v41, v40;
	[tilespmem:$0x7D00] =	vst v1  }
0xeac: {  	v8 =	vld [tilespmem:$0x1EA50];
	v1 =	vmul.f32 v43, v42;
	[tilespmem:$0x7CF0] =	vst v2  }
0xead: {  	v9 =	vld [tilespmem:$0x1EA60];
	v2 =	vmul.f32 v45, v44;
	[tilespmem:$0x7CE0] =	vst v0  }
0xeae: {  	v10 =	vld [tilespmem:$0x1EA70];
	v0 =	vmul.f32 v47, v46;
	[tilespmem:$0x7CD0] =	vst v1  }
0xeaf: {  	v11 =	vld [tilespmem:$0x1EA80];
	v1 =	vmul.f32 v49, v48;
	[tilespmem:$0x7CC0] =	vst v2  }
0xeb0: {  	v12 =	vld [tilespmem:$0x1EA90];
	v2 =	vmul.f32 v51, v50;
	[tilespmem:$0x7CB0] =	vst v0  }
0xeb1: {  	v13 =	vld [tilespmem:$0x1EAA0];
	v0 =	vmul.f32 v53, v52;
	[tilespmem:$0x7CA0] =	vst v1  }
0xeb2: {  	v14 =	vld [tilespmem:$0x1EAB0];
	v1 =	vmul.f32 v55, v54;
	[tilespmem:$0x7C90] =	vst v2  }
0xeb3: {  	v15 =	vld [tilespmem:$0x1EAC0];
	v2 =	vmul.f32 v57, v56;
	[tilespmem:$0x7C80] =	vst v0  }
0xeb4: {  	v16 =	vld [tilespmem:$0x1EAD0];
	v0 =	vmul.f32 v59, v58;
	[tilespmem:$0x7C70] =	vst v1  }
0xeb5: {  	v17 =	vld [tilespmem:$0x1EAE0];
	v1 =	vmul.f32 v61, v60;
	[tilespmem:$0x7C60] =	vst v2  }
0xeb6: {  	v18 =	vld [tilespmem:$0x1EAF0];
	v2 =	vmul.f32 v63, v62;
	[tilespmem:$0x7C50] =	vst v0  }
0xeb7: {  	v19 =	vld [tilespmem:$0x1EB00];
	v0 =	vmul.f32 v7, v6;
	[tilespmem:$0x7C40] =	vst v1  }
0xeb8: {  	v20 =	vld [tilespmem:$0x1EB10];
	v1 =	vmul.f32 v9, v8;
	[tilespmem:$0x7C30] =	vst v2  }
0xeb9: {  	v21 =	vld [tilespmem:$0x1EB20];
	v2 =	vmul.f32 v11, v10;
	[tilespmem:$0x7C20] =	vst v0  }
0xeba: {  	v0 =	vmul.f32 v13, v12;
	[tilespmem:$0x7C10] =	vst v1  }
0xebb: {  	v1 =	vmul.f32 v15, v14;
	[tilespmem:$0x7C00] =	vst v2  }
0xebc: {  	v2 =	vmul.f32 v17, v16;
	[tilespmem:$0x7BF0] =	vst v0  }
0xebd: {  	v22 =	vld [tilespmem:$0x1EB30];
	v0 =	vmul.f32 v19, v18;
	[tilespmem:$0x7BE0] =	vst v1  }
0xebe: {  	v23 =	vld [tilespmem:$0x1EB40];
	v1 =	vmul.f32 v21, v20;
	[tilespmem:$0x7BD0] =	vst v2  }
0xebf: {  	v24 =	vld [tilespmem:$0x1EB50];
	[tilespmem:$0x7BC0] =	vst v0  }
0xec0: {  	v25 =	vld [tilespmem:$0x1EB60];
	[tilespmem:$0x7BB0] =	vst v1  }
0xec1: {  	v1 =	vld [tilespmem:$0x1EB70]  }
0xec2: {  	v26 =	vld [tilespmem:$0x1EB80]  }
0xec3: {  	v27 =	vld [tilespmem:$0x1EB90]  }
0xec4: {  	v28 =	vld [tilespmem:$0x1EBA0]  }
0xec5: {  	v29 =	vld [tilespmem:$0x1EBB0]  }
0xec6: {  	v30 =	vld [tilespmem:$0x1EBC0]  }
0xec7: {  	v31 =	vld [tilespmem:$0x1EBD0]  }
0xec8: {  	v32 =	vld [tilespmem:$0x1EBE0]  }
0xec9: {  	v33 =	vld [tilespmem:$0x1EBF0]  }
0xeca: {  	v34 =	vld [tilespmem:$0x1EC00]  }
0xecb: {  	v35 =	vld [tilespmem:$0x1EC10]  }
0xecc: {  	v36 =	vld [tilespmem:$0x1EC20]  }
0xecd: {  	v37 =	vld [tilespmem:$0x1EC30]  }
0xece: {  	v38 =	vld [tilespmem:$0x1EC40]  }
0xecf: {  	v39 =	vld [tilespmem:$0x1EC50]  }
0xed0: {  	v40 =	vld [tilespmem:$0x1EC60]  }
0xed1: {  	v41 =	vld [tilespmem:$0x1EC70]  }
0xed2: {  	v42 =	vld [tilespmem:$0x1EC80]  }
0xed3: {  	v43 =	vld [tilespmem:$0x1EC90]  }
0xed4: {  	v44 =	vld [tilespmem:$0x1ECA0]  }
0xed5: {  	v45 =	vld [tilespmem:$0x1ECB0]  }
0xed6: {  	v46 =	vld [tilespmem:$0x1ECC0]  }
0xed7: {  	v47 =	vld [tilespmem:$0x1ECD0]  }
0xed8: {  	v48 =	vld [tilespmem:$0x1ECE0]  }
0xed9: {  	v49 =	vld [tilespmem:$0x1ECF0]  }
0xeda: {  	v50 =	vld [tilespmem:$0x1ED00]  }
0xedb: {  	v51 =	vld [tilespmem:$0x1ED10]  }
0xedc: {  	v52 =	vld [tilespmem:$0x1ED20]  }
0xedd: {  	v53 =	vld [tilespmem:$0x1ED30]  }
0xede: {  	v54 =	vld [tilespmem:$0x1ED40]  }
0xedf: {  	v55 =	vld [tilespmem:$0x1ED50]  }
0xee0: {  	v56 =	vld [tilespmem:$0x1ED60]  }
0xee1: {  	v57 =	vld [tilespmem:$0x1ED70]  }
0xee2: {  	v58 =	vld [tilespmem:$0x1ED80]  }
0xee3: {  	v59 =	vld [tilespmem:$0x1ED90]  }
0xee4: {  	v60 =	vld [tilespmem:$0x1EDA0]  }
0xee5: {  	v61 =	vld [tilespmem:$0x1EDB0]  }
0xee6: {  	v62 =	vld [tilespmem:$0x1EDC0]  }
0xee7: {  	v63 =	vld [tilespmem:$0x1EDD0]  }
0xee8: {  	v6 =	vld [tilespmem:$0x1EDE0]  }
0xee9: {  	v7 =	vld [tilespmem:$0x1EDF0]  }
0xeea: {  	v8 =	vld [tilespmem:$0x1EE00]  }
0xeeb: {  	v9 =	vld [tilespmem:$0x1EE10]  }
0xeec: {  	v10 =	vld [tilespmem:$0x1EE20]  }
0xeed: {  	v11 =	vld [tilespmem:$0x1EE30]  }
0xeee: {  	v12 =	vld [tilespmem:$0x1EE40]  }
0xeef: {  	v13 =	vld [tilespmem:$0x1EE50]  }
0xef0: {  	v14 =	vld [tilespmem:$0x1EE60]  }
0xef1: {  	v15 =	vld [tilespmem:$0x1EE70]  }
0xef2: {  	v16 =	vld [tilespmem:$0x1EE80]  }
0xef3: {  	v17 =	vld [tilespmem:$0x1EE90]  }
0xef4: {  	v18 =	vld [tilespmem:$0x1EEA0]  }
0xef5: {  	v19 =	vld [tilespmem:$0x1EEB0]  }
0xef6: {  	v20 =	vld [tilespmem:$0x1EEC0]  }
0xef7: {  	v21 =	vld [tilespmem:$0x1EED0]  }
0xef8: {  	v2 =	vmul.f32 v23, v22;
	v22 =	vld [tilespmem:$0x1EEE0]  }
0xef9: {  	v23 =	vld [tilespmem:$0x1EEF0]  }
0xefa: {  	v0 =	vmul.f32 v25, v24;
	v24 =	vld [tilespmem:$0x1EF00]  }
0xefb: {  	v25 =	vld [tilespmem:$0x1EF10]  }
0xefc: {  	v1 =	vmul.f32 v26, v1;
	v26 =	vld [tilespmem:$0x1EF20]  }
0xefd: {  	[tilespmem:$0x7BA0] =	vst v2;
	v2 =	vmul.f32 v28, v27;
	v27 =	vld [tilespmem:$0x1EF30]  }
0xefe: {  	v28 =	vld [tilespmem:$0x1EF40]  }
0xeff: {  	[tilespmem:$0x7B90] =	vst v0;
	v0 =	vmul.f32 v30, v29;
	v29 =	vld [tilespmem:$0x1EF50]  }
0xf00: {  	v30 =	vld [tilespmem:$0x1EF60]  }
0xf01: {  	[tilespmem:$0x7B80] =	vst v1;
	v1 =	vmul.f32 v32, v31;
	v31 =	vld [tilespmem:$0x1EF70]  }
0xf02: {  	v32 =	vld [tilespmem:$0x1EF80]  }
0xf03: {  	[tilespmem:$0x7B70] =	vst v2;
	v2 =	vmul.f32 v34, v33;
	v33 =	vld [tilespmem:$0x1EF90]  }
0xf04: {  	v34 =	vld [tilespmem:$0x1EFA0]  }
0xf05: {  	[tilespmem:$0x7B60] =	vst v0;
	v0 =	vmul.f32 v36, v35;
	v35 =	vld [tilespmem:$0x1EFB0]  }
0xf06: {  	v36 =	vld [tilespmem:$0x1EFC0]  }
0xf07: {  	[tilespmem:$0x7B50] =	vst v1;
	v1 =	vmul.f32 v38, v37;
	v37 =	vld [tilespmem:$0x1EFD0]  }
0xf08: {  	v38 =	vld [tilespmem:$0x1EFE0]  }
0xf09: {  	[tilespmem:$0x7B40] =	vst v2;
	v2 =	vmul.f32 v40, v39;
	v39 =	vld [tilespmem:$0x1EFF0]  }
0xf0a: {  	v40 =	vld [tilespmem:$0x1F000]  }
0xf0b: {  	[tilespmem:$0x7B30] =	vst v0;
	v0 =	vmul.f32 v42, v41;
	v41 =	vld [tilespmem:$0x1F010]  }
0xf0c: {  	v42 =	vld [tilespmem:$0x1F020]  }
0xf0d: {  	[tilespmem:$0x7B20] =	vst v1;
	v1 =	vmul.f32 v44, v43;
	v43 =	vld [tilespmem:$0x1F030]  }
0xf0e: {  	v44 =	vld [tilespmem:$0x1F040]  }
0xf0f: {  	[tilespmem:$0x7B10] =	vst v2;
	v2 =	vmul.f32 v46, v45;
	v45 =	vld [tilespmem:$0x1F050]  }
0xf10: {  	v46 =	vld [tilespmem:$0x1F060]  }
0xf11: {  	[tilespmem:$0x7B00] =	vst v0;
	v0 =	vmul.f32 v48, v47;
	v47 =	vld [tilespmem:$0x1F070]  }
0xf12: {  	v48 =	vld [tilespmem:$0x1F080]  }
0xf13: {  	[tilespmem:$0x7AF0] =	vst v1;
	v1 =	vmul.f32 v50, v49;
	v49 =	vld [tilespmem:$0x1F090]  }
0xf14: {  	v50 =	vld [tilespmem:$0x1F0A0]  }
0xf15: {  	[tilespmem:$0x7AE0] =	vst v2;
	v2 =	vmul.f32 v52, v51;
	v51 =	vld [tilespmem:$0x1F0B0]  }
0xf16: {  	v52 =	vld [tilespmem:$0x1F0C0]  }
0xf17: {  	[tilespmem:$0x7AD0] =	vst v0;
	v0 =	vmul.f32 v54, v53;
	v53 =	vld [tilespmem:$0x1F0D0]  }
0xf18: {  	v54 =	vld [tilespmem:$0x1F0E0]  }
0xf19: {  	[tilespmem:$0x7AC0] =	vst v1;
	v1 =	vmul.f32 v56, v55;
	v55 =	vld [tilespmem:$0x1F0F0]  }
0xf1a: {  	v56 =	vld [tilespmem:$0x1F100]  }
0xf1b: {  	[tilespmem:$0x7AB0] =	vst v2;
	v2 =	vmul.f32 v58, v57;
	v57 =	vld [tilespmem:$0x1F110]  }
0xf1c: {  	v58 =	vld [tilespmem:$0x1F120]  }
0xf1d: {  	[tilespmem:$0x7AA0] =	vst v0;
	v0 =	vmul.f32 v60, v59;
	v59 =	vld [tilespmem:$0x1F130]  }
0xf1e: {  	v60 =	vld [tilespmem:$0x1F140]  }
0xf1f: {  	[tilespmem:$0x7A90] =	vst v1;
	v1 =	vmul.f32 v62, v61;
	v61 =	vld [tilespmem:$0x1F150]  }
0xf20: {  	v62 =	vld [tilespmem:$0x1F160]  }
0xf21: {  	[tilespmem:$0x7A80] =	vst v2;
	v2 =	vmul.f32 v6, v63;
	v63 =	vld [tilespmem:$0x1F170]  }
0xf22: {  	v6 =	vld [tilespmem:$0x1F180]  }
0xf23: {  	[tilespmem:$0x7A70] =	vst v0;
	v0 =	vmul.f32 v8, v7;
	v7 =	vld [tilespmem:$0x1F190]  }
0xf24: {  	v8 =	vld [tilespmem:$0x1F1A0]  }
0xf25: {  	[tilespmem:$0x7A60] =	vst v1;
	v1 =	vmul.f32 v10, v9;
	v9 =	vld [tilespmem:$0x1F1B0]  }
0xf26: {  	v10 =	vld [tilespmem:$0x1F1C0]  }
0xf27: {  	[tilespmem:$0x7A50] =	vst v2;
	v2 =	vmul.f32 v12, v11;
	v11 =	vld [tilespmem:$0x1F1D0]  }
0xf28: {  	v12 =	vld [tilespmem:$0x1F1E0]  }
0xf29: {  	[tilespmem:$0x7A40] =	vst v0;
	v0 =	vmul.f32 v14, v13;
	v13 =	vld [tilespmem:$0x1F1F0]  }
0xf2a: {  	v14 =	vld [tilespmem:$0x1F200]  }
0xf2b: {  	[tilespmem:$0x7A30] =	vst v1;
	v1 =	vmul.f32 v16, v15;
	v15 =	vld [tilespmem:$0x1F210]  }
0xf2c: {  	v16 =	vld [tilespmem:$0x1F220]  }
0xf2d: {  	[tilespmem:$0x7A20] =	vst v2;
	v2 =	vmul.f32 v18, v17;
	v17 =	vld [tilespmem:$0x1F230]  }
0xf2e: {  	v18 =	vld [tilespmem:$0x1F240]  }
0xf2f: {  	[tilespmem:$0x7A10] =	vst v0;
	v0 =	vmul.f32 v20, v19;
	v19 =	vld [tilespmem:$0x1F250]  }
0xf30: {  	v20 =	vld [tilespmem:$0x1F260]  }
0xf31: {  	[tilespmem:$0x7A00] =	vst v1;
	v1 =	vmul.f32 v22, v21;
	v21 =	vld [tilespmem:$0x1F270]  }
0xf32: {  	v22 =	vld [tilespmem:$0x1F280]  }
0xf33: {  	[tilespmem:$0x79F0] =	vst v2;
	v2 =	vmul.f32 v24, v23;
	v23 =	vld [tilespmem:$0x1F290]  }
0xf34: {  	v24 =	vld [tilespmem:$0x1F2A0]  }
0xf35: {  	[tilespmem:$0x79E0] =	vst v0;
	v0 =	vmul.f32 v26, v25;
	v25 =	vld [tilespmem:$0x1F2B0]  }
0xf36: {  	v26 =	vld [tilespmem:$0x1F2C0]  }
0xf37: {  	[tilespmem:$0x79D0] =	vst v1;
	v1 =	vmul.f32 v28, v27;
	v27 =	vld [tilespmem:$0x1F2D0]  }
0xf38: {  	v28 =	vld [tilespmem:$0x1F2E0]  }
0xf39: {  	[tilespmem:$0x79C0] =	vst v2;
	v2 =	vmul.f32 v30, v29;
	v29 =	vld [tilespmem:$0x1F2F0]  }
0xf3a: {  	v30 =	vld [tilespmem:$0x1F300]  }
0xf3b: {  	[tilespmem:$0x79B0] =	vst v0;
	v0 =	vmul.f32 v32, v31;
	v31 =	vld [tilespmem:$0x1F310]  }
0xf3c: {  	v32 =	vld [tilespmem:$0x1F320]  }
0xf3d: {  	[tilespmem:$0x79A0] =	vst v1;
	v1 =	vmul.f32 v34, v33;
	v33 =	vld [tilespmem:$0x1F330]  }
0xf3e: {  	v34 =	vld [tilespmem:$0x1F340]  }
0xf3f: {  	[tilespmem:$0x7990] =	vst v2;
	v2 =	vmul.f32 v36, v35;
	v35 =	vld [tilespmem:$0x1F350]  }
0xf40: {  	v36 =	vld [tilespmem:$0x1F360]  }
0xf41: {  	[tilespmem:$0x7980] =	vst v0;
	v0 =	vmul.f32 v38, v37;
	v37 =	vld [tilespmem:$0x1F370]  }
0xf42: {  	v38 =	vld [tilespmem:$0x1F380]  }
0xf43: {  	[tilespmem:$0x7970] =	vst v1;
	v1 =	vmul.f32 v40, v39;
	v39 =	vld [tilespmem:$0x1F390]  }
0xf44: {  	v40 =	vld [tilespmem:$0x1F3A0]  }
0xf45: {  	[tilespmem:$0x7960] =	vst v2;
	v2 =	vmul.f32 v42, v41;
	v41 =	vld [tilespmem:$0x1F3B0]  }
0xf46: {  	v42 =	vld [tilespmem:$0x1F3C0]  }
0xf47: {  	[tilespmem:$0x7950] =	vst v0;
	v0 =	vmul.f32 v44, v43;
	v43 =	vld [tilespmem:$0x1F3D0]  }
0xf48: {  	v44 =	vld [tilespmem:$0x1F3E0]  }
0xf49: {  	[tilespmem:$0x7940] =	vst v1;
	v1 =	vmul.f32 v46, v45;
	v45 =	vld [tilespmem:$0x1F3F0]  }
0xf4a: {  	v46 =	vld [tilespmem:$0x1F400]  }
0xf4b: {  	[tilespmem:$0x7930] =	vst v2;
	v2 =	vmul.f32 v48, v47;
	v47 =	vld [tilespmem:$0x1F410]  }
0xf4c: {  	v48 =	vld [tilespmem:$0x1F420]  }
0xf4d: {  	[tilespmem:$0x7920] =	vst v0;
	v0 =	vmul.f32 v50, v49;
	v49 =	vld [tilespmem:$0x1F430]  }
0xf4e: {  	v50 =	vld [tilespmem:$0x1F440]  }
0xf4f: {  	[tilespmem:$0x7910] =	vst v1;
	v1 =	vmul.f32 v52, v51;
	v51 =	vld [tilespmem:$0x1F450]  }
0xf50: {  	v52 =	vld [tilespmem:$0x1F460]  }
0xf51: {  	[tilespmem:$0x7900] =	vst v2;
	v2 =	vmul.f32 v54, v53;
	v53 =	vld [tilespmem:$0x1F470]  }
0xf52: {  	v54 =	vld [tilespmem:$0x1F480]  }
0xf53: {  	[tilespmem:$0x78F0] =	vst v0;
	v0 =	vmul.f32 v56, v55;
	v55 =	vld [tilespmem:$0x1F490]  }
0xf54: {  	v56 =	vld [tilespmem:$0x1F4A0]  }
0xf55: {  	[tilespmem:$0x78E0] =	vst v1;
	v1 =	vmul.f32 v58, v57;
	v57 =	vld [tilespmem:$0x1F4B0]  }
0xf56: {  	v58 =	vld [tilespmem:$0x1F4C0]  }
0xf57: {  	[tilespmem:$0x78D0] =	vst v2;
	v2 =	vmul.f32 v60, v59;
	v59 =	vld [tilespmem:$0x1F4D0]  }
0xf58: {  	v60 =	vld [tilespmem:$0x1F4E0]  }
0xf59: {  	[tilespmem:$0x78C0] =	vst v0;
	v0 =	vmul.f32 v62, v61;
	v61 =	vld [tilespmem:$0x1F4F0]  }
0xf5a: {  	v62 =	vld [tilespmem:$0x1F500]  }
0xf5b: {  	[tilespmem:$0x78B0] =	vst v1;
	v1 =	vmul.f32 v6, v63;
	v63 =	vld [tilespmem:$0x1F510]  }
0xf5c: {  	v6 =	vld [tilespmem:$0x1F520]  }
0xf5d: {  	[tilespmem:$0x78A0] =	vst v2;
	v2 =	vmul.f32 v8, v7;
	v7 =	vld [tilespmem:$0x1F530]  }
0xf5e: {  	v8 =	vld [tilespmem:$0x1F540]  }
0xf5f: {  	[tilespmem:$0x7890] =	vst v0;
	v0 =	vmul.f32 v10, v9;
	v9 =	vld [tilespmem:$0x1F550]  }
0xf60: {  	v10 =	vld [tilespmem:$0x1F560]  }
0xf61: {  	[tilespmem:$0x7880] =	vst v1;
	v1 =	vmul.f32 v12, v11;
	v11 =	vld [tilespmem:$0x1F570]  }
0xf62: {  	v12 =	vld [tilespmem:$0x1F580]  }
0xf63: {  	[tilespmem:$0x7870] =	vst v2;
	v2 =	vmul.f32 v14, v13;
	v13 =	vld [tilespmem:$0x1F590]  }
0xf64: {  	v14 =	vld [tilespmem:$0x1F5A0]  }
0xf65: {  	[tilespmem:$0x7860] =	vst v0;
	v0 =	vmul.f32 v16, v15;
	v15 =	vld [tilespmem:$0x1F5B0]  }
0xf66: {  	v16 =	vld [tilespmem:$0x1F5C0]  }
0xf67: {  	[tilespmem:$0x7850] =	vst v1;
	v1 =	vmul.f32 v18, v17;
	v17 =	vld [tilespmem:$0x1F5D0]  }
0xf68: {  	v18 =	vld [tilespmem:$0x1F5E0]  }
0xf69: {  	[tilespmem:$0x7840] =	vst v2;
	v2 =	vmul.f32 v20, v19;
	v19 =	vld [tilespmem:$0x1F5F0]  }
0xf6a: {  	v20 =	vld [tilespmem:$0x1F600]  }
0xf6b: {  	[tilespmem:$0x7830] =	vst v0;
	v0 =	vmul.f32 v22, v21;
	v21 =	vld [tilespmem:$0x1F610]  }
0xf6c: {  	v22 =	vld [tilespmem:$0x1F620]  }
0xf6d: {  	[tilespmem:$0x7820] =	vst v1;
	v1 =	vmul.f32 v24, v23;
	v23 =	vld [tilespmem:$0x1F630]  }
0xf6e: {  	v24 =	vld [tilespmem:$0x1F640]  }
0xf6f: {  	[tilespmem:$0x7810] =	vst v2;
	v2 =	vmul.f32 v26, v25;
	v25 =	vld [tilespmem:$0x1F650]  }
0xf70: {  	v26 =	vld [tilespmem:$0x1F660]  }
0xf71: {  	[tilespmem:$0x7800] =	vst v0;
	v0 =	vmul.f32 v28, v27;
	v27 =	vld [tilespmem:$0x1F670]  }
0xf72: {  	v28 =	vld [tilespmem:$0x1F680]  }
0xf73: {  	[tilespmem:$0x77F0] =	vst v1;
	v1 =	vmul.f32 v30, v29;
	v29 =	vld [tilespmem:$0x1F690]  }
0xf74: {  	v30 =	vld [tilespmem:$0x1F6A0]  }
0xf75: {  	[tilespmem:$0x77E0] =	vst v2;
	v2 =	vmul.f32 v32, v31;
	v31 =	vld [tilespmem:$0x1F6B0]  }
0xf76: {  	v32 =	vld [tilespmem:$0x1F6C0]  }
0xf77: {  	[tilespmem:$0x77D0] =	vst v0;
	v0 =	vmul.f32 v34, v33;
	v33 =	vld [tilespmem:$0x1F6D0]  }
0xf78: {  	v34 =	vld [tilespmem:$0x1F6E0]  }
0xf79: {  	[tilespmem:$0x77C0] =	vst v1;
	v1 =	vmul.f32 v36, v35;
	v35 =	vld [tilespmem:$0x1F6F0]  }
0xf7a: {  	v36 =	vld [tilespmem:$0x1F700]  }
0xf7b: {  	[tilespmem:$0x77B0] =	vst v2;
	v2 =	vmul.f32 v38, v37;
	v37 =	vld [tilespmem:$0x1F710]  }
0xf7c: {  	v38 =	vld [tilespmem:$0x1F720]  }
0xf7d: {  	[tilespmem:$0x77A0] =	vst v0;
	v0 =	vmul.f32 v40, v39;
	v39 =	vld [tilespmem:$0x1F730]  }
0xf7e: {  	v40 =	vld [tilespmem:$0x1F740]  }
0xf7f: {  	[tilespmem:$0x7790] =	vst v1;
	v1 =	vmul.f32 v42, v41;
	v41 =	vld [tilespmem:$0x1F750]  }
0xf80: {  	v42 =	vld [tilespmem:$0x1F760]  }
0xf81: {  	[tilespmem:$0x7780] =	vst v2;
	v2 =	vmul.f32 v44, v43;
	v43 =	vld [tilespmem:$0x1F770]  }
0xf82: {  	v44 =	vld [tilespmem:$0x1F780]  }
0xf83: {  	[tilespmem:$0x7770] =	vst v0;
	v0 =	vmul.f32 v46, v45;
	v45 =	vld [tilespmem:$0x1F790]  }
0xf84: {  	v46 =	vld [tilespmem:$0x1F7A0]  }
0xf85: {  	[tilespmem:$0x7760] =	vst v1;
	v1 =	vmul.f32 v48, v47;
	v47 =	vld [tilespmem:$0x1F7B0]  }
0xf86: {  	v48 =	vld [tilespmem:$0x1F7C0]  }
0xf87: {  	[tilespmem:$0x7750] =	vst v2;
	v2 =	vmul.f32 v50, v49;
	v49 =	vld [tilespmem:$0x1F7D0]  }
0xf88: {  	v50 =	vld [tilespmem:$0x1F7E0]  }
0xf89: {  	[tilespmem:$0x7740] =	vst v0;
	v0 =	vmul.f32 v52, v51;
	v51 =	vld [tilespmem:$0x1F7F0]  }
0xf8a: {  	v52 =	vld [tilespmem:$0x1F800]  }
0xf8b: {  	[tilespmem:$0x7730] =	vst v1;
	v1 =	vmul.f32 v54, v53;
	v53 =	vld [tilespmem:$0x1F810]  }
0xf8c: {  	v54 =	vld [tilespmem:$0x1F820]  }
0xf8d: {  	[tilespmem:$0x7720] =	vst v2;
	v2 =	vmul.f32 v56, v55;
	v55 =	vld [tilespmem:$0x1F830]  }
0xf8e: {  	v56 =	vld [tilespmem:$0x1F840]  }
0xf8f: {  	[tilespmem:$0x7710] =	vst v0;
	v0 =	vmul.f32 v58, v57;
	v57 =	vld [tilespmem:$0x1F850]  }
0xf90: {  	v58 =	vld [tilespmem:$0x1F860]  }
0xf91: {  	[tilespmem:$0x7700] =	vst v1;
	v1 =	vmul.f32 v60, v59;
	v59 =	vld [tilespmem:$0x1F870]  }
0xf92: {  	v60 =	vld [tilespmem:$0x1F880]  }
0xf93: {  	[tilespmem:$0x76F0] =	vst v2;
	v2 =	vmul.f32 v62, v61;
	v61 =	vld [tilespmem:$0x1F890]  }
0xf94: {  	v62 =	vld [tilespmem:$0x1F8A0]  }
0xf95: {  	[tilespmem:$0x76E0] =	vst v0;
	v0 =	vmul.f32 v6, v63;
	v63 =	vld [tilespmem:$0x1F8B0]  }
0xf96: {  	v6 =	vld [tilespmem:$0x1F8C0]  }
0xf97: {  	[tilespmem:$0x76D0] =	vst v1;
	v1 =	vmul.f32 v8, v7;
	v7 =	vld [tilespmem:$0x1F8D0]  }
0xf98: {  	v8 =	vld [tilespmem:$0x1F8E0]  }
0xf99: {  	[tilespmem:$0x76C0] =	vst v2;
	v2 =	vmul.f32 v10, v9;
	v9 =	vld [tilespmem:$0x1F8F0]  }
0xf9a: {  	v10 =	vld [tilespmem:$0x1F900]  }
0xf9b: {  	[tilespmem:$0x76B0] =	vst v0;
	v0 =	vmul.f32 v12, v11;
	v11 =	vld [tilespmem:$0x1F910]  }
0xf9c: {  	v12 =	vld [tilespmem:$0x1F920]  }
0xf9d: {  	[tilespmem:$0x76A0] =	vst v1;
	v1 =	vmul.f32 v14, v13;
	v13 =	vld [tilespmem:$0x1F930]  }
0xf9e: {  	v14 =	vld [tilespmem:$0x1F940]  }
0xf9f: {  	[tilespmem:$0x7690] =	vst v2;
	v2 =	vmul.f32 v16, v15;
	v15 =	vld [tilespmem:$0x1F950]  }
0xfa0: {  	v16 =	vld [tilespmem:$0x1F960]  }
0xfa1: {  	[tilespmem:$0x7680] =	vst v0;
	v0 =	vmul.f32 v18, v17;
	v17 =	vld [tilespmem:$0x1F970]  }
0xfa2: {  	v18 =	vld [tilespmem:$0x1F980]  }
0xfa3: {  	[tilespmem:$0x7670] =	vst v1;
	v1 =	vmul.f32 v20, v19;
	v19 =	vld [tilespmem:$0x1F990]  }
0xfa4: {  	v20 =	vld [tilespmem:$0x1F9A0]  }
0xfa5: {  	[tilespmem:$0x7660] =	vst v2;
	v2 =	vmul.f32 v22, v21;
	v21 =	vld [tilespmem:$0x1F9B0]  }
0xfa6: {  	v22 =	vld [tilespmem:$0x1F9C0]  }
0xfa7: {  	[tilespmem:$0x7650] =	vst v0;
	v0 =	vmul.f32 v24, v23;
	v23 =	vld [tilespmem:$0x1F9D0]  }
0xfa8: {  	v24 =	vld [tilespmem:$0x1F9E0]  }
0xfa9: {  	[tilespmem:$0x7640] =	vst v1;
	v1 =	vmul.f32 v26, v25;
	v25 =	vld [tilespmem:$0x1F9F0]  }
0xfaa: {  	v26 =	vld [tilespmem:$0x1FA00]  }
0xfab: {  	[tilespmem:$0x7630] =	vst v2;
	v2 =	vmul.f32 v28, v27;
	v27 =	vld [tilespmem:$0x1FA10]  }
0xfac: {  	v28 =	vld [tilespmem:$0x1FA20]  }
0xfad: {  	[tilespmem:$0x7620] =	vst v0;
	v0 =	vmul.f32 v30, v29;
	v29 =	vld [tilespmem:$0x1FA30]  }
0xfae: {  	v30 =	vld [tilespmem:$0x1FA40]  }
0xfaf: {  	[tilespmem:$0x7610] =	vst v1;
	v1 =	vmul.f32 v32, v31;
	v31 =	vld [tilespmem:$0x1FA50]  }
0xfb0: {  	v32 =	vld [tilespmem:$0x1FA60]  }
0xfb1: {  	[tilespmem:$0x7600] =	vst v2;
	v2 =	vmul.f32 v34, v33;
	v33 =	vld [tilespmem:$0x1FA70]  }
0xfb2: {  	v34 =	vld [tilespmem:$0x1FA80]  }
0xfb3: {  	[tilespmem:$0x75F0] =	vst v0;
	v0 =	vmul.f32 v36, v35;
	v35 =	vld [tilespmem:$0x1FA90]  }
0xfb4: {  	v36 =	vld [tilespmem:$0x1FAA0]  }
0xfb5: {  	[tilespmem:$0x75E0] =	vst v1;
	v1 =	vmul.f32 v38, v37;
	v37 =	vld [tilespmem:$0x1FAB0]  }
0xfb6: {  	v38 =	vld [tilespmem:$0x1FAC0]  }
0xfb7: {  	[tilespmem:$0x75D0] =	vst v2;
	v2 =	vmul.f32 v40, v39;
	v39 =	vld [tilespmem:$0x1FAD0]  }
0xfb8: {  	v40 =	vld [tilespmem:$0x1FAE0]  }
0xfb9: {  	[tilespmem:$0x75C0] =	vst v0;
	v0 =	vmul.f32 v42, v41;
	v41 =	vld [tilespmem:$0x1FAF0]  }
0xfba: {  	v42 =	vld [tilespmem:$0x1FB00]  }
0xfbb: {  	[tilespmem:$0x75B0] =	vst v1;
	v1 =	vmul.f32 v44, v43;
	v43 =	vld [tilespmem:$0x1FB10]  }
0xfbc: {  	v44 =	vld [tilespmem:$0x1FB20]  }
0xfbd: {  	[tilespmem:$0x75A0] =	vst v2;
	v2 =	vmul.f32 v46, v45;
	v45 =	vld [tilespmem:$0x1FB30]  }
0xfbe: {  	v46 =	vld [tilespmem:$0x1FB40]  }
0xfbf: {  	[tilespmem:$0x7590] =	vst v0;
	v0 =	vmul.f32 v48, v47;
	v47 =	vld [tilespmem:$0x1FB50]  }
0xfc0: {  	v48 =	vld [tilespmem:$0x1FB60]  }
0xfc1: {  	[tilespmem:$0x7580] =	vst v1;
	v1 =	vmul.f32 v50, v49;
	v49 =	vld [tilespmem:$0x1FB70]  }
0xfc2: {  	v50 =	vld [tilespmem:$0x1FB80]  }
0xfc3: {  	[tilespmem:$0x7570] =	vst v2;
	v2 =	vmul.f32 v52, v51;
	v51 =	vld [tilespmem:$0x1FB90]  }
0xfc4: {  	v52 =	vld [tilespmem:$0x1FBA0]  }
0xfc5: {  	[tilespmem:$0x7560] =	vst v0;
	v0 =	vmul.f32 v54, v53;
	v53 =	vld [tilespmem:$0x1FBB0]  }
0xfc6: {  	v54 =	vld [tilespmem:$0x1FBC0]  }
0xfc7: {  	[tilespmem:$0x7550] =	vst v1;
	v1 =	vmul.f32 v56, v55;
	v55 =	vld [tilespmem:$0x1FBD0]  }
0xfc8: {  	v56 =	vld [tilespmem:$0x1FBE0]  }
0xfc9: {  	[tilespmem:$0x7540] =	vst v2;
	v2 =	vmul.f32 v58, v57;
	v57 =	vld [tilespmem:$0x1FBF0]  }
0xfca: {  	v58 =	vld [tilespmem:$0x1FC00]  }
0xfcb: {  	[tilespmem:$0x7530] =	vst v0;
	v0 =	vmul.f32 v60, v59;
	v59 =	vld [tilespmem:$0x1FC10]  }
0xfcc: {  	v60 =	vld [tilespmem:$0x1FC20]  }
0xfcd: {  	[tilespmem:$0x7520] =	vst v1;
	v1 =	vmul.f32 v62, v61;
	v61 =	vld [tilespmem:$0x1FC30]  }
0xfce: {  	v62 =	vld [tilespmem:$0x1FC40]  }
0xfcf: {  	[tilespmem:$0x7510] =	vst v2;
	v2 =	vmul.f32 v6, v63;
	v63 =	vld [tilespmem:$0x1FC50]  }
0xfd0: {  	v6 =	vld [tilespmem:$0x1FC60]  }
0xfd1: {  	[tilespmem:$0x7500] =	vst v0;
	v0 =	vmul.f32 v8, v7;
	v7 =	vld [tilespmem:$0x1FC70]  }
0xfd2: {  	v8 =	vld [tilespmem:$0x1FC80]  }
0xfd3: {  	[tilespmem:$0x74F0] =	vst v1;
	v1 =	vmul.f32 v10, v9;
	v9 =	vld [tilespmem:$0x1FC90]  }
0xfd4: {  	v10 =	vld [tilespmem:$0x1FCA0]  }
0xfd5: {  	[tilespmem:$0x74E0] =	vst v2;
	v2 =	vmul.f32 v12, v11;
	v11 =	vld [tilespmem:$0x1FCB0]  }
0xfd6: {  	v12 =	vld [tilespmem:$0x1FCC0]  }
0xfd7: {  	[tilespmem:$0x74D0] =	vst v0;
	v0 =	vmul.f32 v14, v13;
	v13 =	vld [tilespmem:$0x1FCD0]  }
0xfd8: {  	v14 =	vld [tilespmem:$0x1FCE0];
	[tilespmem:$0x74C0] =	vst v1  }
0xfd9: {  	v1 =	vmul.f32 v16, v15;
	[tilespmem:$0x74B0] =	vst v2;
	v15 =	vld [tilespmem:$0x1FCF0]  }
0xfda: {  	v2 =	vmul.f32 v18, v17;
	[tilespmem:$0x74A0] =	vst v0;
	v16 =	vld [tilespmem:$0x1FD00]  }
0xfdb: {  	v0 =	vmul.f32 v20, v19;
	v17 =	vld [tilespmem:$0x1FD10];
	[tilespmem:$0x7490] =	vst v1  }
0xfdc: {  	v18 =	vld [tilespmem:$0x1FD20];
	v1 =	vmul.f32 v22, v21;
	[tilespmem:$0x7480] =	vst v2  }
0xfdd: {  	v19 =	vld [tilespmem:$0x1FD30];
	v2 =	vmul.f32 v24, v23;
	[tilespmem:$0x7470] =	vst v0  }
0xfde: {  	v20 =	vld [tilespmem:$0x1FD40];
	v0 =	vmul.f32 v26, v25;
	[tilespmem:$0x7460] =	vst v1  }
0xfdf: {  	v21 =	vld [tilespmem:$0x1FD50];
	v1 =	vmul.f32 v28, v27;
	[tilespmem:$0x7450] =	vst v2  }
0xfe0: {  	v22 =	vld [tilespmem:$0x1FD60];
	v2 =	vmul.f32 v30, v29;
	[tilespmem:$0x7440] =	vst v0  }
0xfe1: {  	v23 =	vld [tilespmem:$0x1FD70];
	v0 =	vmul.f32 v32, v31;
	[tilespmem:$0x7430] =	vst v1  }
0xfe2: {  	v24 =	vld [tilespmem:$0x1FD80];
	v1 =	vmul.f32 v34, v33;
	[tilespmem:$0x7420] =	vst v2  }
0xfe3: {  	v25 =	vld [tilespmem:$0x1FD90];
	v2 =	vmul.f32 v36, v35;
	[tilespmem:$0x7410] =	vst v0  }
0xfe4: {  	v26 =	vld [tilespmem:$0x1FDA0];
	v0 =	vmul.f32 v38, v37;
	[tilespmem:$0x7400] =	vst v1  }
0xfe5: {  	v27 =	vld [tilespmem:$0x1FDB0];
	v1 =	vmul.f32 v40, v39;
	[tilespmem:$0x73F0] =	vst v2  }
0xfe6: {  	v28 =	vld [tilespmem:$0x1FDC0];
	v2 =	vmul.f32 v42, v41;
	[tilespmem:$0x73E0] =	vst v0  }
0xfe7: {  	v29 =	vld [tilespmem:$0x1FDD0];
	v0 =	vmul.f32 v44, v43;
	[tilespmem:$0x73D0] =	vst v1  }
0xfe8: {  	v30 =	vld [tilespmem:$0x1FDE0];
	v1 =	vmul.f32 v46, v45;
	[tilespmem:$0x73C0] =	vst v2  }
0xfe9: {  	v31 =	vld [tilespmem:$0x1FDF0];
	v2 =	vmul.f32 v48, v47;
	[tilespmem:$0x73B0] =	vst v0  }
0xfea: {  	v32 =	vld [tilespmem:$0x1FE00];
	v0 =	vmul.f32 v50, v49;
	[tilespmem:$0x73A0] =	vst v1  }
0xfeb: {  	v33 =	vld [tilespmem:$0x1FE10];
	v1 =	vmul.f32 v52, v51;
	[tilespmem:$0x7390] =	vst v2  }
0xfec: {  	v34 =	vld [tilespmem:$0x1FE20];
	v2 =	vmul.f32 v54, v53;
	[tilespmem:$0x7380] =	vst v0  }
0xfed: {  	v35 =	vld [tilespmem:$0x1FE30];
	v0 =	vmul.f32 v56, v55;
	[tilespmem:$0x7370] =	vst v1  }
0xfee: {  	v36 =	vld [tilespmem:$0x1FE40];
	v1 =	vmul.f32 v58, v57;
	[tilespmem:$0x7360] =	vst v2  }
0xfef: {  	v37 =	vld [tilespmem:$0x1FE50];
	v2 =	vmul.f32 v60, v59;
	[tilespmem:$0x7350] =	vst v0  }
0xff0: {  	v38 =	vld [tilespmem:$0x1FE60];
	v0 =	vmul.f32 v62, v61;
	[tilespmem:$0x7340] =	vst v1  }
0xff1: {  	v39 =	vld [tilespmem:$0x1FE70];
	v1 =	vmul.f32 v6, v63;
	[tilespmem:$0x7330] =	vst v2  }
0xff2: {  	v40 =	vld [tilespmem:$0x1FE80];
	v2 =	vmul.f32 v8, v7;
	[tilespmem:$0x7320] =	vst v0  }
0xff3: {  	v41 =	vld [tilespmem:$0x1FE90];
	v0 =	vmul.f32 v10, v9;
	[tilespmem:$0x7310] =	vst v1  }
0xff4: {  	v42 =	vld [tilespmem:$0x1FEA0];
	v1 =	vmul.f32 v12, v11;
	[tilespmem:$0x7300] =	vst v2  }
0xff5: {  	v43 =	vld [tilespmem:$0x1FEB0];
	v2 =	vmul.f32 v14, v13;
	[tilespmem:$0x72F0] =	vst v0  }
0xff6: {  	v44 =	vld [tilespmem:$0x1FEC0];
	v0 =	vmul.f32 v16, v15;
	[tilespmem:$0x72E0] =	vst v1  }
0xff7: {  	v45 =	vld [tilespmem:$0x1FED0];
	v1 =	vmul.f32 v18, v17;
	[tilespmem:$0x72D0] =	vst v2  }
0xff8: {  	v46 =	vld [tilespmem:$0x1FEE0];
	v2 =	vmul.f32 v20, v19;
	[tilespmem:$0x72C0] =	vst v0  }
0xff9: {  	v47 =	vld [tilespmem:$0x1FEF0];
	v0 =	vmul.f32 v22, v21;
	[tilespmem:$0x72B0] =	vst v1  }
0xffa: {  	v48 =	vld [tilespmem:$0x1FF00];
	v1 =	vmul.f32 v24, v23;
	[tilespmem:$0x72A0] =	vst v2  }
0xffb: {  	v49 =	vld [tilespmem:$0x1FF10];
	v2 =	vmul.f32 v26, v25;
	[tilespmem:$0x7290] =	vst v0  }
0xffc: {  	v50 =	vld [tilespmem:$0x1FF20];
	v0 =	vmul.f32 v28, v27;
	[tilespmem:$0x7280] =	vst v1  }
0xffd: {  	v51 =	vld [tilespmem:$0x1FF30];
	v1 =	vmul.f32 v30, v29;
	[tilespmem:$0x7270] =	vst v2  }
0xffe: {  	v52 =	vld [tilespmem:$0x1FF40];
	v2 =	vmul.f32 v32, v31;
	[tilespmem:$0x7260] =	vst v0  }
0xfff: {  	v53 =	vld [tilespmem:$0x1FF50];
	v0 =	vmul.f32 v34, v33;
	[tilespmem:$0x7250] =	vst v1  }
0x1000: {  	v54 =	vld [tilespmem:$0x1FF60];
	v1 =	vmul.f32 v36, v35;
	[tilespmem:$0x7240] =	vst v2  }
0x1001: {  	v55 =	vld [tilespmem:$0x1FF70];
	v2 =	vmul.f32 v38, v37;
	[tilespmem:$0x7230] =	vst v0  }
0x1002: {  	v56 =	vld [tilespmem:$0x1FF80];
	v0 =	vmul.f32 v40, v39;
	[tilespmem:$0x7220] =	vst v1  }
0x1003: {  	v57 =	vld [tilespmem:$0x1FF90];
	v1 =	vmul.f32 v42, v41;
	[tilespmem:$0x7210] =	vst v2  }
0x1004: {  	v58 =	vld [tilespmem:$0x1FFA0];
	v2 =	vmul.f32 v44, v43;
	[tilespmem:$0x7200] =	vst v0  }
0x1005: {  	v59 =	vld [tilespmem:$0x1FFB0];
	v0 =	vmul.f32 v46, v45;
	[tilespmem:$0x71F0] =	vst v1  }
0x1006: {  	v60 =	vld [tilespmem:$0x1FFC0];
	v1 =	vmul.f32 v48, v47;
	[tilespmem:$0x71E0] =	vst v2  }
0x1007: {  	v61 =	vld [tilespmem:$0x1FFD0];
	v2 =	vmul.f32 v50, v49;
	[tilespmem:$0x71D0] =	vst v0  }
0x1008: {  	v62 =	vld [tilespmem:$0x1FFE0];
	v0 =	vmul.f32 v52, v51;
	[tilespmem:$0x71C0] =	vst v1  }
0x1009: {  	v63 =	vld [tilespmem:$0x1FFF0];
	v1 =	vmul.f32 v54, v53;
	[tilespmem:$0x71B0] =	vst v2  }
0x100a: {  	v2 =	vmul.f32 v56, v55;
	[tilespmem:$0x71A0] =	vst v0  }
0x100b: {  	v0 =	vmul.f32 v57, v58;
	[tilespmem:$0x7190] =	vst v1  }
0x100c: {  	v1 =	vmul.f32 v4, v59;
	[tilespmem:$0x7180] =	vst v2  }
0x100d: {  	v2 =	vmul.f32 v61, v60;
	[tilespmem:$0x8060] =	vst v0  }
0x100e: {  	v0 =	vmul.f32 v63, v62;
	[tilespmem:$0x7160] =	vst v1  }
0x100f: {  	p0 =	sne.s32 s8, $0x1;
	[tilespmem:$0x7170] =	vst v2  }
.Ltmp0:
0x1010: {  	[tilespmem:$0x8070] =	vst v0;
	(pc) =	sbr.rel @p0 .LBB2_1-.Ltmp0, $4  }
0x1011: {  	[hbm4b:s3+s9] =	stream.indirect.scatter [tilespmem:s11], [sflag:$0x1], $0x80, s2, s9, $0xb8;
	[tilespmem:$0xC080] =	vst v63  }
0x1012: {  	_ =	swait.ge [sflag:s10], $0x4000  }
0x1013: {  	[sflag:s10] =	ssyncset.done $0x0  }
0x1014: {  	s8 =	sadd.s32 $0xFFFFFFFF, s8;
	[sflag:s10] =	ssyncadd.s32 $0xFFFFC000  }
0x1015: {  	_ =	sfence.sel $0x180000  }
0x1016: {  	[bflag:$0x0] =	sbarrier.arrive $0xFFFF  }
0x1017: {  	p0 =	sne.s32 s1, $0x0;
	_ =	strace $0x90000047  }
0x1018: {  	s0 =	sadd.s32 @!p0 $0x100000, s0;
	[bflag:$0x2] =	sbarrier.arrive $0xFFFF  }
0x1019: {  	[sflag:s0] =	ssyncadd.tile.s32 @!p0 $0x1;
	_ =	shalt  }
.Lfunc_end2:
_tile_overlayer_lowered:
.L_overlay_start_2:
0x101a: {  	(tag) =	ssettag $0x2  }
0x101b: {  	s0 =	rddreg [dreg:$0x0];
	s2 =	stileid.u32  }
0x101c: {  	s1 =	rddreg [dreg:$0x1];
	p0 =	sne.s32 s2, $0x0  }
0x101d: {  	s3 =	rddreg [dreg:$0x2];
	[bflag:$0x3] =	sbarrier.arrive $0xFFFF;
	s2 =	simm.s32 @!p0 $0x1C01  }
0x101e: {  	[timem:s3], [sflag:s2] =	dma.local @!p0 [hbm:s0], s1  }
0x101f: {  	s0 =	simm.s32 @!p0 $0x1  }
0x1020: {  	_ =	swait.ge @!p0 [sflag:s0], s1  }
0x1021: {  	s1 =	ssub.s32 @!p0 $0x0, s1;
	[sflag:s0] =	ssyncset.done @!p0 $0x0  }
0x1022: {  	[sflag:s0] =	ssyncadd.s32 @!p0 s1  }
0x1023: {  	[bflag:$0x3] =	sbarrier.arrive $0xFFFF  }
0x1024: {  	_ =	shalt  }

</sc_bundles>
